<compile_context>
chip_gen: v7x
topology: tpu7x:2x2x1
jax: 0.10.2.dev20260603
libtpu: 0.0.44.dev20260713+nightly
codegen_flags: <defaults>
</compile_context>

<pallas_src>
import functools

import jax
import jax.numpy as jnp
from jax import lax
from jax.experimental import pallas as pl
from jax.experimental.pallas import tpu as pltpu
from jax.experimental.pallas import tpu_sc as plsc



def _pass1_body(adj_ref, x_ref, w1_ref, b1_ref, w0_ref, u_ref, vh_ref,
                hf_ref, s_ref):
    @pl.when(pl.program_id(0) == 0)
    def _():
        s_ref[...] = jnp.dot(x_ref[...], w1_ref[...],
                             preferred_element_type=jnp.float32) + b1_ref[...]

    h = jnp.dot(adj_ref[...], s_ref[...], preferred_element_type=jnp.float32)
    h = jnp.maximum(h, 0.0)
    hdim = s_ref.shape[1]
    w0a = w0_ref[:hdim, :]
    w0b = w0_ref[hdim:, :]
    u = jnp.dot(h, w0a, preferred_element_type=jnp.float32)
    v = jnp.dot(h, w0b, preferred_element_type=jnp.float32)
    u_ref[...] = jnp.exp(jnp.minimum(-u, 34.0))
    ev = jnp.exp(jnp.minimum(-v, 34.0))
    eb = lax.shift_right_logical(
        lax.bitcast_convert_type(ev, jnp.int32) + 0x8000, 16)
    hb = (lax.bitcast_convert_type(h, jnp.int32) + 0x8000) & ~0xFFFF
    vh_ref[...] = lax.bitcast_convert_type(hb | eb, jnp.float32)
    hf_ref[...] = h


def _pass2_body(adj_ref, hf_ref, agg_ref, w2_ref, b2_ref, o_ref, s2_ref):
    @pl.when(pl.program_id(0) == 0)
    def _():
        h_new = hf_ref[...] + agg_ref[...]
        s2_ref[...] = jnp.dot(h_new, w2_ref[...],
                              preferred_element_type=jnp.float32) + b2_ref[...]

    o = jnp.dot(adj_ref[...], s2_ref[...], preferred_element_type=jnp.float32)
    m = jnp.max(o, axis=1, keepdims=True)
    e = jnp.exp(o - m)
    lse = jnp.log(jnp.sum(e, axis=1, keepdims=True))
    o_ref[...] = o - m - lse



_LANES = 16
_BATCH = 4
_NBUF = 2


def _make_sc_mask(n_pad, k_deg, hdim, n_workers):
    per_w = n_pad // n_workers
    n_rounds = per_w // _BATCH
    assert n_rounds % _NBUF == 0
    mesh = plsc.VectorSubcoreMesh(core_axis_name="c", subcore_axis_name="s")
    n_chunks = hdim // _LANES
    bk = _BATCH * k_deg

    @functools.partial(
        pl.kernel, mesh=mesh,
        out_type=jax.ShapeDtypeStruct((n_pad, hdim), jnp.float32),
        scratch_types=[
            pltpu.VMEM((per_w * k_deg,), jnp.int32),
            pltpu.VMEM_SHARED((n_pad, hdim), jnp.float32),
            pltpu.VMEM((per_w, hdim), jnp.float32),
        ] + [pltpu.VMEM((bk, hdim), jnp.float32) for _ in range(_NBUF)]
          + [pltpu.VMEM((_BATCH, hdim), jnp.float32) for _ in range(_NBUF)]
          + [pltpu.SemaphoreType.DMA for _ in range(2 * _NBUF)],
    )
    def sc_mask(nbr_hbm, u_hbm, vh_hbm, out_hbm, idx_v, table_sp, u_all,
                *rest):
        gbufs = rest[:_NBUF]
        abufs = rest[_NBUF:2 * _NBUF]
        gsems = rest[2 * _NBUF:3 * _NBUF]
        asems = rest[3 * _NBUF:4 * _NBUF]
        nc = lax.axis_size("c")
        ns = lax.axis_size("s")
        sid = lax.axis_index("s")
        wid = sid * nc + lax.axis_index("c")
        wbase = wid * per_w

        rows_per_tile = n_pad // ns
        pltpu.sync_copy(vh_hbm.at[pl.ds(sid * rows_per_tile, rows_per_tile)],
                        table_sp.at[pl.ds(sid * rows_per_tile, rows_per_tile)])
        pltpu.sync_copy(nbr_hbm.at[pl.ds(wbase * k_deg, per_w * k_deg)],
                        idx_v)
        pltpu.sync_copy(u_hbm.at[pl.ds(wbase, per_w)], u_all)
        plsc.subcore_barrier()

        def start(g, b):
            pltpu.make_async_copy(
                table_sp.at[idx_v.at[pl.ds(g * bk, bk)]], gbufs[b],
                gsems[b]).start()

        start(0, 0)

        def outer(gg, _):
            for b in range(_NBUF):
                g = gg * _NBUF + b

                @pl.when(g + 1 < n_rounds)
                def _(g=g, b=b):
                    start(g + 1, 1 - b)

                pltpu.make_async_copy(
                    table_sp.at[idx_v.at[pl.ds(0, bk)]], gbufs[b],
                    gsems[b]).wait()

                @pl.when(g >= _NBUF)
                def _(b=b):
                    pltpu.make_async_copy(
                        abufs[b], out_hbm.at[pl.ds(0, _BATCH)],
                        asems[b]).wait()

                rows_v = gbufs[b]
                acc_v = abufs[b]

                def node_body(n, _, rows_v=rows_v, acc_v=acc_v, g=g):
                    magic = jnp.full((_LANES,), 0x7EF127EA, jnp.int32)
                    sh16 = jnp.full((_LANES,), 16, jnp.int32)
                    mhi = jnp.full((_LANES,), ~0xFFFF, jnp.int32)
                    row = g * _BATCH + n
                    for c in range(n_chunks):
                        euc = u_all[row, pl.ds(c * _LANES, _LANES)]
                        acc = jnp.zeros((_LANES,), jnp.float32)
                        for k in range(k_deg):
                            w = lax.bitcast_convert_type(
                                rows_v[n * k_deg + k,
                                       pl.ds(c * _LANES, _LANES)], jnp.int32)
                            evk = lax.bitcast_convert_type(
                                lax.shift_left(w, sh16), jnp.float32)
                            hh = lax.bitcast_convert_type(
                                w & mhi, jnp.float32)
                            d = 1.0 + euc * evk
                            r = lax.bitcast_convert_type(
                                magic - lax.bitcast_convert_type(d, jnp.int32),
                                jnp.float32)
                            r = r * (2.0 - d * r)
                            acc = acc + hh * r
                        acc_v[n, pl.ds(c * _LANES, _LANES)] = acc
                    return 0

                lax.fori_loop(0, _BATCH, node_body, 0)
                pltpu.make_async_copy(
                    abufs[b],
                    out_hbm.at[pl.ds(wbase + g * _BATCH, _BATCH)],
                    asems[b]).start()
            return 0

        lax.fori_loop(0, n_rounds // _NBUF, outer, 0)
        for b in range(_NBUF):
            pltpu.make_async_copy(
                abufs[b], out_hbm.at[pl.ds(0, _BATCH)], asems[b]).wait()

    return sc_mask



def kernel(x, adj, neighbors, W1, b1, W0, W2, b2):
    n, nfeat = x.shape
    hdim = W1.shape[1]
    ncls = W2.shape[1]
    k_deg = neighbors.shape[1]

    row_blk = 400
    n_blocks = n // row_blk
    tc_params = pltpu.CompilerParams(vmem_limit_bytes=63 * 1024 * 1024)
    n_workers = 32
    gran = n_workers * _BATCH * _NBUF * 2
    n_pad = ((n + gran - 1) // gran) * gran

    eu, vh, hf = pl.pallas_call(
        _pass1_body,
        grid=(n_blocks,),
        in_specs=[
            pl.BlockSpec((row_blk, n), lambda i: (i, 0)),
            pl.BlockSpec((n, nfeat), lambda i: (0, 0)),
            pl.BlockSpec((nfeat, hdim), lambda i: (0, 0)),
            pl.BlockSpec((1, hdim), lambda i: (0, 0)),
            pl.BlockSpec((2 * hdim, hdim), lambda i: (0, 0)),
        ],
        out_specs=[
            pl.BlockSpec((row_blk, hdim), lambda i: (i, 0)),
            pl.BlockSpec((row_blk, hdim), lambda i: (i, 0)),
            pl.BlockSpec((row_blk, hdim), lambda i: (i, 0)),
        ],
        out_shape=[
            jax.ShapeDtypeStruct((n_pad, hdim), jnp.float32),
            jax.ShapeDtypeStruct((n_pad, hdim), jnp.float32),
            jax.ShapeDtypeStruct((n, hdim), jnp.float32),
        ],
        scratch_shapes=[pltpu.VMEM((n, hdim), jnp.float32)],
        compiler_params=tc_params,
    )(adj, x, W1, b1.reshape(1, hdim), W0)

    nbr_flat = jnp.concatenate(
        [neighbors.astype(jnp.int32).reshape(-1),
         jnp.zeros(((n_pad - n) * k_deg,), jnp.int32)])
    agg = _make_sc_mask(n_pad, k_deg, hdim, n_workers)(nbr_flat, eu, vh)

    out = pl.pallas_call(
        _pass2_body,
        grid=(n_blocks,),
        in_specs=[
            pl.BlockSpec((row_blk, n), lambda i: (i, 0)),
            pl.BlockSpec((n, hdim), lambda i: (0, 0)),
            pl.BlockSpec((n, hdim), lambda i: (0, 0)),
            pl.BlockSpec((hdim, ncls), lambda i: (0, 0)),
            pl.BlockSpec((1, ncls), lambda i: (0, 0)),
        ],
        out_specs=pl.BlockSpec((row_blk, ncls), lambda i: (i, 0)),
        out_shape=jax.ShapeDtypeStruct((n, ncls), jnp.float32),
        scratch_shapes=[pltpu.VMEM((n, ncls), jnp.float32)],
        compiler_params=tc_params,
    )(adj, hf, agg, W2, b2.reshape(1, ncls))

    return out

# --- scband reference (transcript-rebuilt; emitter-appended) ---
"""Pipeline reference for scband-gcn-mask-42657615183875 (READ-ONLY COPY).

The authoritative reference and input builder live on the scoring server;
editing this copy changes nothing except your own understanding.
"""

import jax, jax.numpy as jnp
import numpy as np

N = 10000
K = 16
NFEAT = 128
NHID = 64
NCLASS = 16

def setup_inputs(seed: int = 0):
    key = jax.random.key(seed)
    ks = jax.random.split(key, 8)
    x = jax.random.normal(ks[0], (N, NFEAT), dtype=jnp.float32)
    # normalized dense adjacency (row-stochastic-ish scaling to keep activations bounded)
    adj = jax.random.uniform(ks[1], (N, N), dtype=jnp.float32) / float(N)
    neighbors = jax.random.randint(ks[2], (N, K), 0, N)  # add_all materialized as fixed-degree neighbor lists
    W1 = jax.random.normal(ks[3], (NFEAT, NHID), dtype=jnp.float32) * (1.0 / np.sqrt(NFEAT))
    b1 = jnp.zeros((NHID,), dtype=jnp.float32)
    W0 = jax.random.normal(ks[4], (2 * NHID, NHID), dtype=jnp.float32) * (1.0 / np.sqrt(2 * NHID))  # gcnmask mask weight
    W2 = jax.random.normal(ks[5], (NHID, NCLASS), dtype=jnp.float32) * (1.0 / np.sqrt(NHID))
    b2 = jnp.zeros((NCLASS,), dtype=jnp.float32)
    return {"x": x, "adj": adj, "neighbors": neighbors, "W1": W1, "b1": b1, "W0": W0, "W2": W2, "b2": b2}

def reference(x, adj, neighbors, W1, b1, W0, W2, b2):
    # gc1: GraphConvolution -> relu -> dropout(eval mode = identity)
    support = x @ W1 + b1
    h = adj @ support
    h = jax.nn.relu(h)
    # gc2: gcnmask (vectorized over the python per-node loop of the torch module)
    bb = jnp.take(h, neighbors, axis=0)              # [N, K, H] gather neighbor features (input[self.add_all[i]])
    aa = jnp.broadcast_to(h[:, None, :], bb.shape)   # [N, K, H] center repeated (input[i].repeat)
    cen_nei = jnp.concatenate([aa, bb], axis=-1)     # [N, K, 2H]
    mask = jax.nn.sigmoid(cen_nei @ W0)              # [N, K, H] learned edge mask
    h_new = h + jnp.sum(mask * bb, axis=1)           # [N, H] masked neighbor aggregation
    support2 = h_new @ W2 + b2
    out = adj @ support2                             # spmm(adj, support)
    return jax.nn.log_softmax(out, axis=1)

if __name__ == "__main__":
    import jax
    _d = setup_inputs()
    print(jax.jit(kernel)(*tuple(_d.values())))

</pallas_src>

<mosaic_0001>
#map = affine_map<(d0, d1) -> (0)>
#map1 = affine_map<(d0, d1) -> (0, 0)>
module attributes {stable_mosaic.version = 14 : i64} {
  func.func @sc_mask(%arg0: i32, %arg1: i32, %arg2: memref<163840xi32, #tpu.memory_space<hbm>>, %arg3: memref<10240x64xf32, #tpu.memory_space<hbm>>, %arg4: memref<10240x64xf32, #tpu.memory_space<hbm>>, %arg5: memref<10240x64xf32, #tpu.memory_space<hbm>>, %arg6: memref<5120xi32, #tpu.memory_space<vmem>>, %arg7: memref<10240x64xf32, #tpu.memory_space<vmem_shared>>, %arg8: memref<320x64xf32, #tpu.memory_space<vmem>>, %arg9: memref<64x64xf32, #tpu.memory_space<vmem>>, %arg10: memref<64x64xf32, #tpu.memory_space<vmem>>, %arg11: memref<4x64xf32, #tpu.memory_space<vmem>>, %arg12: memref<4x64xf32, #tpu.memory_space<vmem>>, %arg13: memref<!tpu.dma_semaphore, #tpu.memory_space<semaphore_mem>>, %arg14: memref<!tpu.dma_semaphore, #tpu.memory_space<semaphore_mem>>, %arg15: memref<!tpu.dma_semaphore, #tpu.memory_space<semaphore_mem>>, %arg16: memref<!tpu.dma_semaphore, #tpu.memory_space<semaphore_mem>>) attributes {dimension_semantics = [#tpu.dimension_semantics<core_parallel>, #tpu.dimension_semantics<subcore_parallel>], iteration_bounds = array<i64: 2, 16>, scalar_prefetch = 0 : i64, scratch_operands = 11 : i64, tpu.core_type = #tpu.core_type<sc_vector_subcore>, window_params = [{transform_indices = #map}, {transform_indices = #map1}, {transform_indices = #map1}, {transform_indices = #map1}]} {
    %mul3A = arith.constant 2 : i32
    %mul3A_0 = arith.muli %arg1, %mul3A : i32
    %add3A = arith.addi %mul3A_0, %arg0 : i32
    %mul3A_1 = arith.constant 320 : i32
    %mul3A_2 = arith.muli %add3A, %mul3A_1 : i32
    %mul3A_3 = arith.constant 640 : i32
    %mul3A_4 = arith.muli %arg1, %mul3A_3 : i32
    %mul3A_5 = arith.constant 640 : i32
    %mul3A_6 = arith.muli %arg1, %mul3A_5 : i32
    "tpu.region"() ({
      %run_scoped3A = tpu.sem_alloc : memref<!tpu.dma_semaphore, #tpu.memory_space<semaphore_mem>>
      %dma_start3A_30 = arith.constant 0 : i32
      %dma_start3A_31 = tpu.memref_slice %arg7[%mul3A_6, %dma_start3A_30] : memref<10240x64xf32, #tpu.memory_space<vmem_shared>> -> memref<640x64xf32, #tpu.memory_space<vmem_shared>>
      %dma_start3A_32 = arith.constant 0 : i32
      %dma_start3A_33 = tpu.memref_slice %arg4[%mul3A_4, %dma_start3A_32] : memref<10240x64xf32, #tpu.memory_space<hbm>> -> memref<640x64xf32, #tpu.memory_space<hbm>>
      tpu.enqueue_dma source(%dma_start3A_33 : memref<640x64xf32, #tpu.memory_space<hbm>>) target(%dma_start3A_31 : memref<640x64xf32, #tpu.memory_space<vmem_shared>>) target_semaphore(%run_scoped3A : memref<!tpu.dma_semaphore, #tpu.memory_space<semaphore_mem>>)
      %dma_wait3A_34 = arith.constant 0 : i32
      %dma_wait3A_35 = tpu.memref_slice %arg7[%mul3A_6, %dma_wait3A_34] : memref<10240x64xf32, #tpu.memory_space<vmem_shared>> -> memref<640x64xf32, #tpu.memory_space<vmem_shared>>
      %dma_wait3A_36 = arith.constant 0 : i32
      %dma_wait3A_37 = tpu.memref_slice %arg4[%mul3A_4, %dma_wait3A_36] : memref<10240x64xf32, #tpu.memory_space<hbm>> -> memref<640x64xf32, #tpu.memory_space<hbm>>
      tpu.wait_dma2 semaphore(%run_scoped3A : memref<!tpu.dma_semaphore, #tpu.memory_space<semaphore_mem>>) src(%dma_wait3A_37 : memref<640x64xf32, #tpu.memory_space<hbm>>) dst(%dma_wait3A_35 : memref<640x64xf32, #tpu.memory_space<vmem_shared>>)
      tpu.yield
    }) : () -> ()
    %mul3A_7 = arith.constant 16 : i32
    %mul3A_8 = arith.muli %mul3A_2, %mul3A_7 : i32
    "tpu.region"() ({
      %run_scoped3A = tpu.sem_alloc : memref<!tpu.dma_semaphore, #tpu.memory_space<semaphore_mem>>
      %dma_start3A_30 = tpu.memref_slice %arg2[%mul3A_8] : memref<163840xi32, #tpu.memory_space<hbm>> -> memref<5120xi32, #tpu.memory_space<hbm>>
      %dma_start3A_31 = tpu.memref_slice %arg2[%mul3A_8] : memref<163840xi32, #tpu.memory_space<hbm>> -> memref<5120xi32, #tpu.memory_space<hbm>>
      tpu.enqueue_dma source(%dma_start3A_31 : memref<5120xi32, #tpu.memory_space<hbm>>) target(%arg6 : memref<5120xi32, #tpu.memory_space<vmem>>) target_semaphore(%run_scoped3A : memref<!tpu.dma_semaphore, #tpu.memory_space<semaphore_mem>>)
      %dma_wait3A_32 = tpu.memref_slice %arg2[%mul3A_8] : memref<163840xi32, #tpu.memory_space<hbm>> -> memref<5120xi32, #tpu.memory_space<hbm>>
      %dma_wait3A_33 = tpu.memref_slice %arg2[%mul3A_8] : memref<163840xi32, #tpu.memory_space<hbm>> -> memref<5120xi32, #tpu.memory_space<hbm>>
      tpu.wait_dma2 semaphore(%run_scoped3A : memref<!tpu.dma_semaphore, #tpu.memory_space<semaphore_mem>>) src(%dma_wait3A_33 : memref<5120xi32, #tpu.memory_space<hbm>>) dst(%arg6 : memref<5120xi32, #tpu.memory_space<vmem>>)
      tpu.yield
    }) : () -> ()
    "tpu.region"() ({
      %run_scoped3A = tpu.sem_alloc : memref<!tpu.dma_semaphore, #tpu.memory_space<semaphore_mem>>
      %dma_start3A_30 = arith.constant 0 : i32
      %dma_start3A_31 = tpu.memref_slice %arg3[%mul3A_2, %dma_start3A_30] : memref<10240x64xf32, #tpu.memory_space<hbm>> -> memref<320x64xf32, #tpu.memory_space<hbm>>
      %dma_start3A_32 = arith.constant 0 : i32
      %dma_start3A_33 = tpu.memref_slice %arg3[%mul3A_2, %dma_start3A_32] : memref<10240x64xf32, #tpu.memory_space<hbm>> -> memref<320x64xf32, #tpu.memory_space<hbm>>
      tpu.enqueue_dma source(%dma_start3A_33 : memref<320x64xf32, #tpu.memory_space<hbm>>) target(%arg8 : memref<320x64xf32, #tpu.memory_space<vmem>>) target_semaphore(%run_scoped3A : memref<!tpu.dma_semaphore, #tpu.memory_space<semaphore_mem>>)
      %dma_wait3A_34 = arith.constant 0 : i32
      %dma_wait3A_35 = tpu.memref_slice %arg3[%mul3A_2, %dma_wait3A_34] : memref<10240x64xf32, #tpu.memory_space<hbm>> -> memref<320x64xf32, #tpu.memory_space<hbm>>
      %dma_wait3A_36 = arith.constant 0 : i32
      %dma_wait3A_37 = tpu.memref_slice %arg3[%mul3A_2, %dma_wait3A_36] : memref<10240x64xf32, #tpu.memory_space<hbm>> -> memref<320x64xf32, #tpu.memory_space<hbm>>
      tpu.wait_dma2 semaphore(%run_scoped3A : memref<!tpu.dma_semaphore, #tpu.memory_space<semaphore_mem>>) src(%dma_wait3A_37 : memref<320x64xf32, #tpu.memory_space<hbm>>) dst(%arg8 : memref<320x64xf32, #tpu.memory_space<vmem>>)
      tpu.yield
    }) : () -> ()
    %barrier3A = arith.constant 0 : index
    tpu.barrier barrier_id(%barrier3A)
    %dma_start3A = arith.constant 0 : i32
    %dma_start3A_9 = tpu.memref_slice %arg6[%dma_start3A] : memref<5120xi32, #tpu.memory_space<vmem>> -> memref<64xi32, #tpu.memory_space<vmem>>
    %dma_start3A_10 = arith.constant 0 : i32
    %dma_start3A_11 = arith.constant 0 : i32
    %dma_start3A_12 = tpu.memref_slice %arg7[%dma_start3A_10, %dma_start3A_11] : memref<10240x64xf32, #tpu.memory_space<vmem_shared>> -> memref<10240x64xf32, #tpu.memory_space<vmem_shared>>
    tpu.enqueue_indirect_dma source(%dma_start3A_12 : memref<10240x64xf32, #tpu.memory_space<vmem_shared>>) target(%arg9 : memref<64x64xf32, #tpu.memory_space<vmem>>) offsets(%dma_start3A_9 : memref<64xi32, #tpu.memory_space<vmem>>) semaphore(%arg13 : memref<!tpu.dma_semaphore, #tpu.memory_space<semaphore_mem>>)
    %scan3A = arith.constant 0 : i32
    %scan3A_13 = arith.constant 0 : i32
    %scan3A_14 = arith.constant 40 : i32
    %scan3A_15 = arith.addi %scan3A_13, %scan3A_14 : i32
    %scan3A_16 = arith.constant 1 : i32
    %scan3A_17 = scf.for %scan3A_30 = %scan3A_13 to %scan3A_15 step %scan3A_16 iter_args(%scan3A_31 = %scan3A) -> (i32)  : i32 {
      %mul3A_32 = arith.constant 2 : i32
      %mul3A_33 = arith.muli %scan3A_30, %mul3A_32 : i32
      %add3A_34 = arith.constant 0 : i32
      %add3A_35 = arith.addi %mul3A_33, %add3A_34 : i32
      %add3A_36 = arith.constant 1 : i32
      %add3A_37 = arith.addi %add3A_35, %add3A_36 : i32
      %lt3A = arith.constant 80 : i32
      %lt3A_38 = arith.cmpi slt, %add3A_37, %lt3A : i32
      %convert_element_type3A = arith.extui %lt3A_38 : i1 to i32
      %cond3A = arith.constant 0 : i32
      %cond3A_39 = arith.cmpi ne, %convert_element_type3A, %cond3A : i32
      scf.if %cond3A_39 {
        %add3A_99 = arith.constant 1 : i32
        %add3A_100 = arith.addi %add3A_35, %add3A_99 : i32
        %mul3A_101 = arith.constant 64 : i32
        %mul3A_102 = arith.muli %add3A_100, %mul3A_101 : i32
        %dma_start3A_103 = tpu.memref_slice %arg6[%mul3A_102] : memref<5120xi32, #tpu.memory_space<vmem>> -> memref<64xi32, #tpu.memory_space<vmem>>
        %dma_start3A_104 = arith.constant 0 : i32
        %dma_start3A_105 = arith.constant 0 : i32
        %dma_start3A_106 = tpu.memref_slice %arg7[%dma_start3A_104, %dma_start3A_105] : memref<10240x64xf32, #tpu.memory_space<vmem_shared>> -> memref<10240x64xf32, #tpu.memory_space<vmem_shared>>
        tpu.enqueue_indirect_dma source(%dma_start3A_106 : memref<10240x64xf32, #tpu.memory_space<vmem_shared>>) target(%arg10 : memref<64x64xf32, #tpu.memory_space<vmem>>) offsets(%dma_start3A_103 : memref<64xi32, #tpu.memory_space<vmem>>) semaphore(%arg14 : memref<!tpu.dma_semaphore, #tpu.memory_space<semaphore_mem>>)
      } else {
      }
      %dma_wait3A_40 = arith.constant 0 : i32
      %dma_wait3A_41 = tpu.memref_slice %arg6[%dma_wait3A_40] : memref<5120xi32, #tpu.memory_space<vmem>> -> memref<64xi32, #tpu.memory_space<vmem>>
      %dma_wait3A_42 = arith.constant 0 : i32
      %dma_wait3A_43 = arith.constant 0 : i32
      %dma_wait3A_44 = tpu.memref_slice %arg7[%dma_wait3A_42, %dma_wait3A_43] : memref<10240x64xf32, #tpu.memory_space<vmem_shared>> -> memref<10240x64xf32, #tpu.memory_space<vmem_shared>>
      tpu.wait_indirect_dma semaphore(%arg13 : memref<!tpu.dma_semaphore, #tpu.memory_space<semaphore_mem>>) src(%dma_wait3A_44 : memref<10240x64xf32, #tpu.memory_space<vmem_shared>>) dst(%arg9 : memref<64x64xf32, #tpu.memory_space<vmem>>)
      %ge3A = arith.constant 2 : i32
      %ge3A_45 = arith.cmpi sge, %add3A_35, %ge3A : i32
      %convert_element_type3A_46 = arith.extui %ge3A_45 : i1 to i32
      %cond3A_47 = arith.constant 0 : i32
      %cond3A_48 = arith.cmpi ne, %convert_element_type3A_46, %cond3A_47 : i32
      scf.if %cond3A_48 {
        %dma_wait3A_99 = arith.constant 0 : i32
        %dma_wait3A_100 = arith.constant 0 : i32
        %dma_wait3A_101 = tpu.memref_slice %arg5[%dma_wait3A_99, %dma_wait3A_100] : memref<10240x64xf32, #tpu.memory_space<hbm>> -> memref<4x64xf32, #tpu.memory_space<hbm>>
        %dma_wait3A_102 = arith.constant 0 : i32
        %dma_wait3A_103 = arith.constant 0 : i32
        %dma_wait3A_104 = tpu.memref_slice %arg5[%dma_wait3A_102, %dma_wait3A_103] : memref<10240x64xf32, #tpu.memory_space<hbm>> -> memref<4x64xf32, #tpu.memory_space<hbm>>
        tpu.wait_dma2 semaphore(%arg15 : memref<!tpu.dma_semaphore, #tpu.memory_space<semaphore_mem>>) src(%arg11 : memref<4x64xf32, #tpu.memory_space<vmem>>) dst(%dma_wait3A_104 : memref<4x64xf32, #tpu.memory_space<hbm>>)
      } else {
      }
      %scan3A_49 = arith.constant 0 : i32
      %scan3A_50 = arith.constant 0 : i32
      %scan3A_51 = arith.constant 4 : i32
      %scan3A_52 = arith.addi %scan3A_50, %scan3A_51 : i32
      %scan3A_53 = arith.constant 1 : i32
      %scan3A_54 = scf.for %scan3A_99 = %scan3A_50 to %scan3A_52 step %scan3A_53 iter_args(%scan3A_100 = %scan3A_49) -> (i32)  : i32 {
        %broadcast_in_dim3A = arith.constant 2129733610 : i32
        %broadcast_in_dim3A_101 = vector.broadcast %broadcast_in_dim3A : i32 to vector<16xi32>
        %broadcast_in_dim3A_102 = arith.constant 16 : i32
        %broadcast_in_dim3A_103 = vector.broadcast %broadcast_in_dim3A_102 : i32 to vector<16xi32>
        %broadcast_in_dim3A_104 = arith.constant -65536 : i32
        %broadcast_in_dim3A_105 = vector.broadcast %broadcast_in_dim3A_104 : i32 to vector<16xi32>
        %mul3A_106 = arith.constant 4 : i32
        %mul3A_107 = arith.muli %add3A_35, %mul3A_106 : i32
        %add3A_108 = arith.addi %mul3A_107, %scan3A_99 : i32
        %get3A = arith.index_cast %add3A_108 : i32 to index
        %get3A_109 = arith.constant 0 : index
        %get3A_110 = tpu.vector_load %arg8[%get3A, %get3A_109] {strides = array<i32>} : memref<320x64xf32, #tpu.memory_space<vmem>>, vector<1x16xf32>,
        %get3A_111 = vector.shape_cast %get3A_110 : vector<1x16xf32> to vector<16xf32>
        %broadcast_in_dim3A_112 = arith.constant 0.000000e+00 : f32
        %broadcast_in_dim3A_113 = vector.broadcast %broadcast_in_dim3A_112 : f32 to vector<16xf32>
        %mul3A_114 = arith.constant 16 : i32
        %mul3A_115 = arith.muli %scan3A_99, %mul3A_114 : i32
        %add3A_116 = arith.constant 0 : i32
        %add3A_117 = arith.addi %mul3A_115, %add3A_116 : i32
        %get3A_118 = arith.index_cast %add3A_117 : i32 to index
        %get3A_119 = arith.constant 0 : index
        %get3A_120 = tpu.vector_load %arg9[%get3A_118, %get3A_119] {strides = array<i32>} : memref<64x64xf32, #tpu.memory_space<vmem>>, vector<1x16xf32>,
        %get3A_121 = vector.shape_cast %get3A_120 : vector<1x16xf32> to vector<16xf32>
        %bitcast_convert_type3A = tpu.bitcast %get3A_121 : vector<16xf32> -> vector<16xi32>
        %shift_left3A = arith.shli %bitcast_convert_type3A, %broadcast_in_dim3A_103 : vector<16xi32>
        %bitcast_convert_type3A_122 = tpu.bitcast %shift_left3A : vector<16xi32> -> vector<16xf32>
        %and3A = arith.andi %bitcast_convert_type3A, %broadcast_in_dim3A_105 : vector<16xi32>
        %bitcast_convert_type3A_123 = tpu.bitcast %and3A : vector<16xi32> -> vector<16xf32>
        %mul3A_124 = arith.mulf %get3A_111, %bitcast_convert_type3A_122 : vector<16xf32>
        %add3A_125 = arith.constant 1.000000e+00 : f32
        %add3A_126 = vector.broadcast %add3A_125 : f32 to vector<16xf32>
        %add3A_127 = arith.addf %add3A_126, %mul3A_124 : vector<16xf32>
        %bitcast_convert_type3A_128 = tpu.bitcast %add3A_127 : vector<16xf32> -> vector<16xi32>
        %sub3A = arith.subi %broadcast_in_dim3A_101, %bitcast_convert_type3A_128 : vector<16xi32>
        %bitcast_convert_type3A_129 = tpu.bitcast %sub3A : vector<16xi32> -> vector<16xf32>
        %mul3A_130 = arith.mulf %add3A_127, %bitcast_convert_type3A_129 : vector<16xf32>
        %sub3A_131 = arith.constant 2.000000e+00 : f32
        %sub3A_132 = vector.broadcast %sub3A_131 : f32 to vector<16xf32>
        %sub3A_133 = arith.subf %sub3A_132, %mul3A_130 : vector<16xf32>
        %mul3A_134 = arith.mulf %bitcast_convert_type3A_129, %sub3A_133 : vector<16xf32>
        %mul3A_135 = arith.mulf %bitcast_convert_type3A_123, %mul3A_134 : vector<16xf32>
        %add3A_136 = arith.addf %broadcast_in_dim3A_113, %mul3A_135 : vector<16xf32>
        %mul3A_137 = arith.constant 16 : i32
        %mul3A_138 = arith.muli %scan3A_99, %mul3A_137 : i32
        %add3A_139 = arith.constant 1 : i32
        %add3A_140 = arith.addi %mul3A_138, %add3A_139 : i32
        %get3A_141 = arith.index_cast %add3A_140 : i32 to index
        %get3A_142 = arith.constant 0 : index
        %get3A_143 = tpu.vector_load %arg9[%get3A_141, %get3A_142] {strides = array<i32>} : memref<64x64xf32, #tpu.memory_space<vmem>>, vector<1x16xf32>,
        %get3A_144 = vector.shape_cast %get3A_143 : vector<1x16xf32> to vector<16xf32>
        %bitcast_convert_type3A_145 = tpu.bitcast %get3A_144 : vector<16xf32> -> vector<16xi32>
        %shift_left3A_146 = arith.shli %bitcast_convert_type3A_145, %broadcast_in_dim3A_103 : vector<16xi32>
        %bitcast_convert_type3A_147 = tpu.bitcast %shift_left3A_146 : vector<16xi32> -> vector<16xf32>
        %and3A_148 = arith.andi %bitcast_convert_type3A_145, %broadcast_in_dim3A_105 : vector<16xi32>
        %bitcast_convert_type3A_149 = tpu.bitcast %and3A_148 : vector<16xi32> -> vector<16xf32>
        %mul3A_150 = arith.mulf %get3A_111, %bitcast_convert_type3A_147 : vector<16xf32>
        %add3A_151 = arith.constant 1.000000e+00 : f32
        %add3A_152 = vector.broadcast %add3A_151 : f32 to vector<16xf32>
        %add3A_153 = arith.addf %add3A_152, %mul3A_150 : vector<16xf32>
        %bitcast_convert_type3A_154 = tpu.bitcast %add3A_153 : vector<16xf32> -> vector<16xi32>
        %sub3A_155 = arith.subi %broadcast_in_dim3A_101, %bitcast_convert_type3A_154 : vector<16xi32>
        %bitcast_convert_type3A_156 = tpu.bitcast %sub3A_155 : vector<16xi32> -> vector<16xf32>
        %mul3A_157 = arith.mulf %add3A_153, %bitcast_convert_type3A_156 : vector<16xf32>
        %sub3A_158 = arith.constant 2.000000e+00 : f32
        %sub3A_159 = vector.broadcast %sub3A_158 : f32 to vector<16xf32>
        %sub3A_160 = arith.subf %sub3A_159, %mul3A_157 : vector<16xf32>
        %mul3A_161 = arith.mulf %bitcast_convert_type3A_156, %sub3A_160 : vector<16xf32>
        %mul3A_162 = arith.mulf %bitcast_convert_type3A_149, %mul3A_161 : vector<16xf32>
        %add3A_163 = arith.addf %add3A_136, %mul3A_162 : vector<16xf32>
        %mul3A_164 = arith.constant 16 : i32
        %mul3A_165 = arith.muli %scan3A_99, %mul3A_164 : i32
        %add3A_166 = arith.constant 2 : i32
        %add3A_167 = arith.addi %mul3A_165, %add3A_166 : i32
        %get3A_168 = arith.index_cast %add3A_167 : i32 to index
        %get3A_169 = arith.constant 0 : index
        %get3A_170 = tpu.vector_load %arg9[%get3A_168, %get3A_169] {strides = array<i32>} : memref<64x64xf32, #tpu.memory_space<vmem>>, vector<1x16xf32>,
        %get3A_171 = vector.shape_cast %get3A_170 : vector<1x16xf32> to vector<16xf32>
        %bitcast_convert_type3A_172 = tpu.bitcast %get3A_171 : vector<16xf32> -> vector<16xi32>
        %shift_left3A_173 = arith.shli %bitcast_convert_type3A_172, %broadcast_in_dim3A_103 : vector<16xi32>
        %bitcast_convert_type3A_174 = tpu.bitcast %shift_left3A_173 : vector<16xi32> -> vector<16xf32>
        %and3A_175 = arith.andi %bitcast_convert_type3A_172, %broadcast_in_dim3A_105 : vector<16xi32>
        %bitcast_convert_type3A_176 = tpu.bitcast %and3A_175 : vector<16xi32> -> vector<16xf32>
        %mul3A_177 = arith.mulf %get3A_111, %bitcast_convert_type3A_174 : vector<16xf32>
        %add3A_178 = arith.constant 1.000000e+00 : f32
        %add3A_179 = vector.broadcast %add3A_178 : f32 to vector<16xf32>
        %add3A_180 = arith.addf %add3A_179, %mul3A_177 : vector<16xf32>
        %bitcast_convert_type3A_181 = tpu.bitcast %add3A_180 : vector<16xf32> -> vector<16xi32>
        %sub3A_182 = arith.subi %broadcast_in_dim3A_101, %bitcast_convert_type3A_181 : vector<16xi32>
        %bitcast_convert_type3A_183 = tpu.bitcast %sub3A_182 : vector<16xi32> -> vector<16xf32>
        %mul3A_184 = arith.mulf %add3A_180, %bitcast_convert_type3A_183 : vector<16xf32>
        %sub3A_185 = arith.constant 2.000000e+00 : f32
        %sub3A_186 = vector.broadcast %sub3A_185 : f32 to vector<16xf32>
        %sub3A_187 = arith.subf %sub3A_186, %mul3A_184 : vector<16xf32>
        %mul3A_188 = arith.mulf %bitcast_convert_type3A_183, %sub3A_187 : vector<16xf32>
        %mul3A_189 = arith.mulf %bitcast_convert_type3A_176, %mul3A_188 : vector<16xf32>
        %add3A_190 = arith.addf %add3A_163, %mul3A_189 : vector<16xf32>
        %mul3A_191 = arith.constant 16 : i32
        %mul3A_192 = arith.muli %scan3A_99, %mul3A_191 : i32
        %add3A_193 = arith.constant 3 : i32
        %add3A_194 = arith.addi %mul3A_192, %add3A_193 : i32
        %get3A_195 = arith.index_cast %add3A_194 : i32 to index
        %get3A_196 = arith.constant 0 : index
        %get3A_197 = tpu.vector_load %arg9[%get3A_195, %get3A_196] {strides = array<i32>} : memref<64x64xf32, #tpu.memory_space<vmem>>, vector<1x16xf32>,
        %get3A_198 = vector.shape_cast %get3A_197 : vector<1x16xf32> to vector<16xf32>
        %bitcast_convert_type3A_199 = tpu.bitcast %get3A_198 : vector<16xf32> -> vector<16xi32>
        %shift_left3A_200 = arith.shli %bitcast_convert_type3A_199, %broadcast_in_dim3A_103 : vector<16xi32>
        %bitcast_convert_type3A_201 = tpu.bitcast %shift_left3A_200 : vector<16xi32> -> vector<16xf32>
        %and3A_202 = arith.andi %bitcast_convert_type3A_199, %broadcast_in_dim3A_105 : vector<16xi32>
        %bitcast_convert_type3A_203 = tpu.bitcast %and3A_202 : vector<16xi32> -> vector<16xf32>
        %mul3A_204 = arith.mulf %get3A_111, %bitcast_convert_type3A_201 : vector<16xf32>
        %add3A_205 = arith.constant 1.000000e+00 : f32
        %add3A_206 = vector.broadcast %add3A_205 : f32 to vector<16xf32>
        %add3A_207 = arith.addf %add3A_206, %mul3A_204 : vector<16xf32>
        %bitcast_convert_type3A_208 = tpu.bitcast %add3A_207 : vector<16xf32> -> vector<16xi32>
        %sub3A_209 = arith.subi %broadcast_in_dim3A_101, %bitcast_convert_type3A_208 : vector<16xi32>
        %bitcast_convert_type3A_210 = tpu.bitcast %sub3A_209 : vector<16xi32> -> vector<16xf32>
        %mul3A_211 = arith.mulf %add3A_207, %bitcast_convert_type3A_210 : vector<16xf32>
        %sub3A_212 = arith.constant 2.000000e+00 : f32
        %sub3A_213 = vector.broadcast %sub3A_212 : f32 to vector<16xf32>
        %sub3A_214 = arith.subf %sub3A_213, %mul3A_211 : vector<16xf32>
        %mul3A_215 = arith.mulf %bitcast_convert_type3A_210, %sub3A_214 : vector<16xf32>
        %mul3A_216 = arith.mulf %bitcast_convert_type3A_203, %mul3A_215 : vector<16xf32>
        %add3A_217 = arith.addf %add3A_190, %mul3A_216 : vector<16xf32>
        %mul3A_218 = arith.constant 16 : i32
        %mul3A_219 = arith.muli %scan3A_99, %mul3A_218 : i32
        %add3A_220 = arith.constant 4 : i32
        %add3A_221 = arith.addi %mul3A_219, %add3A_220 : i32
        %get3A_222 = arith.index_cast %add3A_221 : i32 to index
        %get3A_223 = arith.constant 0 : index
        %get3A_224 = tpu.vector_load %arg9[%get3A_222, %get3A_223] {strides = array<i32>} : memref<64x64xf32, #tpu.memory_space<vmem>>, vector<1x16xf32>,
        %get3A_225 = vector.shape_cast %get3A_224 : vector<1x16xf32> to vector<16xf32>
        %bitcast_convert_type3A_226 = tpu.bitcast %get3A_225 : vector<16xf32> -> vector<16xi32>
        %shift_left3A_227 = arith.shli %bitcast_convert_type3A_226, %broadcast_in_dim3A_103 : vector<16xi32>
        %bitcast_convert_type3A_228 = tpu.bitcast %shift_left3A_227 : vector<16xi32> -> vector<16xf32>
        %and3A_229 = arith.andi %bitcast_convert_type3A_226, %broadcast_in_dim3A_105 : vector<16xi32>
        %bitcast_convert_type3A_230 = tpu.bitcast %and3A_229 : vector<16xi32> -> vector<16xf32>
        %mul3A_231 = arith.mulf %get3A_111, %bitcast_convert_type3A_228 : vector<16xf32>
        %add3A_232 = arith.constant 1.000000e+00 : f32
        %add3A_233 = vector.broadcast %add3A_232 : f32 to vector<16xf32>
        %add3A_234 = arith.addf %add3A_233, %mul3A_231 : vector<16xf32>
        %bitcast_convert_type3A_235 = tpu.bitcast %add3A_234 : vector<16xf32> -> vector<16xi32>
        %sub3A_236 = arith.subi %broadcast_in_dim3A_101, %bitcast_convert_type3A_235 : vector<16xi32>
        %bitcast_convert_type3A_237 = tpu.bitcast %sub3A_236 : vector<16xi32> -> vector<16xf32>
        %mul3A_238 = arith.mulf %add3A_234, %bitcast_convert_type3A_237 : vector<16xf32>
        %sub3A_239 = arith.constant 2.000000e+00 : f32
        %sub3A_240 = vector.broadcast %sub3A_239 : f32 to vector<16xf32>
        %sub3A_241 = arith.subf %sub3A_240, %mul3A_238 : vector<16xf32>
        %mul3A_242 = arith.mulf %bitcast_convert_type3A_237, %sub3A_241 : vector<16xf32>
        %mul3A_243 = arith.mulf %bitcast_convert_type3A_230, %mul3A_242 : vector<16xf32>
        %add3A_244 = arith.addf %add3A_217, %mul3A_243 : vector<16xf32>
        %mul3A_245 = arith.constant 16 : i32
        %mul3A_246 = arith.muli %scan3A_99, %mul3A_245 : i32
        %add3A_247 = arith.constant 5 : i32
        %add3A_248 = arith.addi %mul3A_246, %add3A_247 : i32
        %get3A_249 = arith.index_cast %add3A_248 : i32 to index
        %get3A_250 = arith.constant 0 : index
        %get3A_251 = tpu.vector_load %arg9[%get3A_249, %get3A_250] {strides = array<i32>} : memref<64x64xf32, #tpu.memory_space<vmem>>, vector<1x16xf32>,
        %get3A_252 = vector.shape_cast %get3A_251 : vector<1x16xf32> to vector<16xf32>
        %bitcast_convert_type3A_253 = tpu.bitcast %get3A_252 : vector<16xf32> -> vector<16xi32>
        %shift_left3A_254 = arith.shli %bitcast_convert_type3A_253, %broadcast_in_dim3A_103 : vector<16xi32>
        %bitcast_convert_type3A_255 = tpu.bitcast %shift_left3A_254 : vector<16xi32> -> vector<16xf32>
        %and3A_256 = arith.andi %bitcast_convert_type3A_253, %broadcast_in_dim3A_105 : vector<16xi32>
        %bitcast_convert_type3A_257 = tpu.bitcast %and3A_256 : vector<16xi32> -> vector<16xf32>
        %mul3A_258 = arith.mulf %get3A_111, %bitcast_convert_type3A_255 : vector<16xf32>
        %add3A_259 = arith.constant 1.000000e+00 : f32
        %add3A_260 = vector.broadcast %add3A_259 : f32 to vector<16xf32>
        %add3A_261 = arith.addf %add3A_260, %mul3A_258 : vector<16xf32>
        %bitcast_convert_type3A_262 = tpu.bitcast %add3A_261 : vector<16xf32> -> vector<16xi32>
        %sub3A_263 = arith.subi %broadcast_in_dim3A_101, %bitcast_convert_type3A_262 : vector<16xi32>
        %bitcast_convert_type3A_264 = tpu.bitcast %sub3A_263 : vector<16xi32> -> vector<16xf32>
        %mul3A_265 = arith.mulf %add3A_261, %bitcast_convert_type3A_264 : vector<16xf32>
        %sub3A_266 = arith.constant 2.000000e+00 : f32
        %sub3A_267 = vector.broadcast %sub3A_266 : f32 to vector<16xf32>
        %sub3A_268 = arith.subf %sub3A_267, %mul3A_265 : vector<16xf32>
        %mul3A_269 = arith.mulf %bitcast_convert_type3A_264, %sub3A_268 : vector<16xf32>
        %mul3A_270 = arith.mulf %bitcast_convert_type3A_257, %mul3A_269 : vector<16xf32>
        %add3A_271 = arith.addf %add3A_244, %mul3A_270 : vector<16xf32>
        %mul3A_272 = arith.constant 16 : i32
        %mul3A_273 = arith.muli %scan3A_99, %mul3A_272 : i32
        %add3A_274 = arith.constant 6 : i32
        %add3A_275 = arith.addi %mul3A_273, %add3A_274 : i32
        %get3A_276 = arith.index_cast %add3A_275 : i32 to index
        %get3A_277 = arith.constant 0 : index
        %get3A_278 = tpu.vector_load %arg9[%get3A_276, %get3A_277] {strides = array<i32>} : memref<64x64xf32, #tpu.memory_space<vmem>>, vector<1x16xf32>,
        %get3A_279 = vector.shape_cast %get3A_278 : vector<1x16xf32> to vector<16xf32>
        %bitcast_convert_type3A_280 = tpu.bitcast %get3A_279 : vector<16xf32> -> vector<16xi32>
        %shift_left3A_281 = arith.shli %bitcast_convert_type3A_280, %broadcast_in_dim3A_103 : vector<16xi32>
        %bitcast_convert_type3A_282 = tpu.bitcast %shift_left3A_281 : vector<16xi32> -> vector<16xf32>
        %and3A_283 = arith.andi %bitcast_convert_type3A_280, %broadcast_in_dim3A_105 : vector<16xi32>
        %bitcast_convert_type3A_284 = tpu.bitcast %and3A_283 : vector<16xi32> -> vector<16xf32>
        %mul3A_285 = arith.mulf %get3A_111, %bitcast_convert_type3A_282 : vector<16xf32>
        %add3A_286 = arith.constant 1.000000e+00 : f32
        %add3A_287 = vector.broadcast %add3A_286 : f32 to vector<16xf32>
        %add3A_288 = arith.addf %add3A_287, %mul3A_285 : vector<16xf32>
        %bitcast_convert_type3A_289 = tpu.bitcast %add3A_288 : vector<16xf32> -> vector<16xi32>
        %sub3A_290 = arith.subi %broadcast_in_dim3A_101, %bitcast_convert_type3A_289 : vector<16xi32>
        %bitcast_convert_type3A_291 = tpu.bitcast %sub3A_290 : vector<16xi32> -> vector<16xf32>
        %mul3A_292 = arith.mulf %add3A_288, %bitcast_convert_type3A_291 : vector<16xf32>
        %sub3A_293 = arith.constant 2.000000e+00 : f32
        %sub3A_294 = vector.broadcast %sub3A_293 : f32 to vector<16xf32>
        %sub3A_295 = arith.subf %sub3A_294, %mul3A_292 : vector<16xf32>
        %mul3A_296 = arith.mulf %bitcast_convert_type3A_291, %sub3A_295 : vector<16xf32>
        %mul3A_297 = arith.mulf %bitcast_convert_type3A_284, %mul3A_296 : vector<16xf32>
        %add3A_298 = arith.addf %add3A_271, %mul3A_297 : vector<16xf32>
        %mul3A_299 = arith.constant 16 : i32
        %mul3A_300 = arith.muli %scan3A_99, %mul3A_299 : i32
        %add3A_301 = arith.constant 7 : i32
        %add3A_302 = arith.addi %mul3A_300, %add3A_301 : i32
        %get3A_303 = arith.index_cast %add3A_302 : i32 to index
        %get3A_304 = arith.constant 0 : index
        %get3A_305 = tpu.vector_load %arg9[%get3A_303, %get3A_304] {strides = array<i32>} : memref<64x64xf32, #tpu.memory_space<vmem>>, vector<1x16xf32>,
        %get3A_306 = vector.shape_cast %get3A_305 : vector<1x16xf32> to vector<16xf32>
        %bitcast_convert_type3A_307 = tpu.bitcast %get3A_306 : vector<16xf32> -> vector<16xi32>
        %shift_left3A_308 = arith.shli %bitcast_convert_type3A_307, %broadcast_in_dim3A_103 : vector<16xi32>
        %bitcast_convert_type3A_309 = tpu.bitcast %shift_left3A_308 : vector<16xi32> -> vector<16xf32>
        %and3A_310 = arith.andi %bitcast_convert_type3A_307, %broadcast_in_dim3A_105 : vector<16xi32>
        %bitcast_convert_type3A_311 = tpu.bitcast %and3A_310 : vector<16xi32> -> vector<16xf32>
        %mul3A_312 = arith.mulf %get3A_111, %bitcast_convert_type3A_309 : vector<16xf32>
        %add3A_313 = arith.constant 1.000000e+00 : f32
        %add3A_314 = vector.broadcast %add3A_313 : f32 to vector<16xf32>
        %add3A_315 = arith.addf %add3A_314, %mul3A_312 : vector<16xf32>
        %bitcast_convert_type3A_316 = tpu.bitcast %add3A_315 : vector<16xf32> -> vector<16xi32>
        %sub3A_317 = arith.subi %broadcast_in_dim3A_101, %bitcast_convert_type3A_316 : vector<16xi32>
        %bitcast_convert_type3A_318 = tpu.bitcast %sub3A_317 : vector<16xi32> -> vector<16xf32>
        %mul3A_319 = arith.mulf %add3A_315, %bitcast_convert_type3A_318 : vector<16xf32>
        %sub3A_320 = arith.constant 2.000000e+00 : f32
        %sub3A_321 = vector.broadcast %sub3A_320 : f32 to vector<16xf32>
        %sub3A_322 = arith.subf %sub3A_321, %mul3A_319 : vector<16xf32>
        %mul3A_323 = arith.mulf %bitcast_convert_type3A_318, %sub3A_322 : vector<16xf32>
        %mul3A_324 = arith.mulf %bitcast_convert_type3A_311, %mul3A_323 : vector<16xf32>
        %add3A_325 = arith.addf %add3A_298, %mul3A_324 : vector<16xf32>
        %mul3A_326 = arith.constant 16 : i32
        %mul3A_327 = arith.muli %scan3A_99, %mul3A_326 : i32
        %add3A_328 = arith.constant 8 : i32
        %add3A_329 = arith.addi %mul3A_327, %add3A_328 : i32
        %get3A_330 = arith.index_cast %add3A_329 : i32 to index
        %get3A_331 = arith.constant 0 : index
        %get3A_332 = tpu.vector_load %arg9[%get3A_330, %get3A_331] {strides = array<i32>} : memref<64x64xf32, #tpu.memory_space<vmem>>, vector<1x16xf32>,
        %get3A_333 = vector.shape_cast %get3A_332 : vector<1x16xf32> to vector<16xf32>
        %bitcast_convert_type3A_334 = tpu.bitcast %get3A_333 : vector<16xf32> -> vector<16xi32>
        %shift_left3A_335 = arith.shli %bitcast_convert_type3A_334, %broadcast_in_dim3A_103 : vector<16xi32>
        %bitcast_convert_type3A_336 = tpu.bitcast %shift_left3A_335 : vector<16xi32> -> vector<16xf32>
        %and3A_337 = arith.andi %bitcast_convert_type3A_334, %broadcast_in_dim3A_105 : vector<16xi32>
        %bitcast_convert_type3A_338 = tpu.bitcast %and3A_337 : vector<16xi32> -> vector<16xf32>
        %mul3A_339 = arith.mulf %get3A_111, %bitcast_convert_type3A_336 : vector<16xf32>
        %add3A_340 = arith.constant 1.000000e+00 : f32
        %add3A_341 = vector.broadcast %add3A_340 : f32 to vector<16xf32>
        %add3A_342 = arith.addf %add3A_341, %mul3A_339 : vector<16xf32>
        %bitcast_convert_type3A_343 = tpu.bitcast %add3A_342 : vector<16xf32> -> vector<16xi32>
        %sub3A_344 = arith.subi %broadcast_in_dim3A_101, %bitcast_convert_type3A_343 : vector<16xi32>
        %bitcast_convert_type3A_345 = tpu.bitcast %sub3A_344 : vector<16xi32> -> vector<16xf32>
        %mul3A_346 = arith.mulf %add3A_342, %bitcast_convert_type3A_345 : vector<16xf32>
        %sub3A_347 = arith.constant 2.000000e+00 : f32
        %sub3A_348 = vector.broadcast %sub3A_347 : f32 to vector<16xf32>
        %sub3A_349 = arith.subf %sub3A_348, %mul3A_346 : vector<16xf32>
        %mul3A_350 = arith.mulf %bitcast_convert_type3A_345, %sub3A_349 : vector<16xf32>
        %mul3A_351 = arith.mulf %bitcast_convert_type3A_338, %mul3A_350 : vector<16xf32>
        %add3A_352 = arith.addf %add3A_325, %mul3A_351 : vector<16xf32>
        %mul3A_353 = arith.constant 16 : i32
        %mul3A_354 = arith.muli %scan3A_99, %mul3A_353 : i32
        %add3A_355 = arith.constant 9 : i32
        %add3A_356 = arith.addi %mul3A_354, %add3A_355 : i32
        %get3A_357 = arith.index_cast %add3A_356 : i32 to index
        %get3A_358 = arith.constant 0 : index
        %get3A_359 = tpu.vector_load %arg9[%get3A_357, %get3A_358] {strides = array<i32>} : memref<64x64xf32, #tpu.memory_space<vmem>>, vector<1x16xf32>,
        %get3A_360 = vector.shape_cast %get3A_359 : vector<1x16xf32> to vector<16xf32>
        %bitcast_convert_type3A_361 = tpu.bitcast %get3A_360 : vector<16xf32> -> vector<16xi32>
        %shift_left3A_362 = arith.shli %bitcast_convert_type3A_361, %broadcast_in_dim3A_103 : vector<16xi32>
        %bitcast_convert_type3A_363 = tpu.bitcast %shift_left3A_362 : vector<16xi32> -> vector<16xf32>
        %and3A_364 = arith.andi %bitcast_convert_type3A_361, %broadcast_in_dim3A_105 : vector<16xi32>
        %bitcast_convert_type3A_365 = tpu.bitcast %and3A_364 : vector<16xi32> -> vector<16xf32>
        %mul3A_366 = arith.mulf %get3A_111, %bitcast_convert_type3A_363 : vector<16xf32>
        %add3A_367 = arith.constant 1.000000e+00 : f32
        %add3A_368 = vector.broadcast %add3A_367 : f32 to vector<16xf32>
        %add3A_369 = arith.addf %add3A_368, %mul3A_366 : vector<16xf32>
        %bitcast_convert_type3A_370 = tpu.bitcast %add3A_369 : vector<16xf32> -> vector<16xi32>
        %sub3A_371 = arith.subi %broadcast_in_dim3A_101, %bitcast_convert_type3A_370 : vector<16xi32>
        %bitcast_convert_type3A_372 = tpu.bitcast %sub3A_371 : vector<16xi32> -> vector<16xf32>
        %mul3A_373 = arith.mulf %add3A_369, %bitcast_convert_type3A_372 : vector<16xf32>
        %sub3A_374 = arith.constant 2.000000e+00 : f32
        %sub3A_375 = vector.broadcast %sub3A_374 : f32 to vector<16xf32>
        %sub3A_376 = arith.subf %sub3A_375, %mul3A_373 : vector<16xf32>
        %mul3A_377 = arith.mulf %bitcast_convert_type3A_372, %sub3A_376 : vector<16xf32>
        %mul3A_378 = arith.mulf %bitcast_convert_type3A_365, %mul3A_377 : vector<16xf32>
        %add3A_379 = arith.addf %add3A_352, %mul3A_378 : vector<16xf32>
        %mul3A_380 = arith.constant 16 : i32
        %mul3A_381 = arith.muli %scan3A_99, %mul3A_380 : i32
        %add3A_382 = arith.constant 10 : i32
        %add3A_383 = arith.addi %mul3A_381, %add3A_382 : i32
        %get3A_384 = arith.index_cast %add3A_383 : i32 to index
        %get3A_385 = arith.constant 0 : index
        %get3A_386 = tpu.vector_load %arg9[%get3A_384, %get3A_385] {strides = array<i32>} : memref<64x64xf32, #tpu.memory_space<vmem>>, vector<1x16xf32>,
        %get3A_387 = vector.shape_cast %get3A_386 : vector<1x16xf32> to vector<16xf32>
        %bitcast_convert_type3A_388 = tpu.bitcast %get3A_387 : vector<16xf32> -> vector<16xi32>
        %shift_left3A_389 = arith.shli %bitcast_convert_type3A_388, %broadcast_in_dim3A_103 : vector<16xi32>
        %bitcast_convert_type3A_390 = tpu.bitcast %shift_left3A_389 : vector<16xi32> -> vector<16xf32>
        %and3A_391 = arith.andi %bitcast_convert_type3A_388, %broadcast_in_dim3A_105 : vector<16xi32>
        %bitcast_convert_type3A_392 = tpu.bitcast %and3A_391 : vector<16xi32> -> vector<16xf32>
        %mul3A_393 = arith.mulf %get3A_111, %bitcast_convert_type3A_390 : vector<16xf32>
        %add3A_394 = arith.constant 1.000000e+00 : f32
        %add3A_395 = vector.broadcast %add3A_394 : f32 to vector<16xf32>
        %add3A_396 = arith.addf %add3A_395, %mul3A_393 : vector<16xf32>
        %bitcast_convert_type3A_397 = tpu.bitcast %add3A_396 : vector<16xf32> -> vector<16xi32>
        %sub3A_398 = arith.subi %broadcast_in_dim3A_101, %bitcast_convert_type3A_397 : vector<16xi32>
        %bitcast_convert_type3A_399 = tpu.bitcast %sub3A_398 : vector<16xi32> -> vector<16xf32>
        %mul3A_400 = arith.mulf %add3A_396, %bitcast_convert_type3A_399 : vector<16xf32>
        %sub3A_401 = arith.constant 2.000000e+00 : f32
        %sub3A_402 = vector.broadcast %sub3A_401 : f32 to vector<16xf32>
        %sub3A_403 = arith.subf %sub3A_402, %mul3A_400 : vector<16xf32>
        %mul3A_404 = arith.mulf %bitcast_convert_type3A_399, %sub3A_403 : vector<16xf32>
        %mul3A_405 = arith.mulf %bitcast_convert_type3A_392, %mul3A_404 : vector<16xf32>
        %add3A_406 = arith.addf %add3A_379, %mul3A_405 : vector<16xf32>
        %mul3A_407 = arith.constant 16 : i32
        %mul3A_408 = arith.muli %scan3A_99, %mul3A_407 : i32
        %add3A_409 = arith.constant 11 : i32
        %add3A_410 = arith.addi %mul3A_408, %add3A_409 : i32
        %get3A_411 = arith.index_cast %add3A_410 : i32 to index
        %get3A_412 = arith.constant 0 : index
        %get3A_413 = tpu.vector_load %arg9[%get3A_411, %get3A_412] {strides = array<i32>} : memref<64x64xf32, #tpu.memory_space<vmem>>, vector<1x16xf32>,
        %get3A_414 = vector.shape_cast %get3A_413 : vector<1x16xf32> to vector<16xf32>
        %bitcast_convert_type3A_415 = tpu.bitcast %get3A_414 : vector<16xf32> -> vector<16xi32>
        %shift_left3A_416 = arith.shli %bitcast_convert_type3A_415, %broadcast_in_dim3A_103 : vector<16xi32>
        %bitcast_convert_type3A_417 = tpu.bitcast %shift_left3A_416 : vector<16xi32> -> vector<16xf32>
        %and3A_418 = arith.andi %bitcast_convert_type3A_415, %broadcast_in_dim3A_105 : vector<16xi32>
        %bitcast_convert_type3A_419 = tpu.bitcast %and3A_418 : vector<16xi32> -> vector<16xf32>
        %mul3A_420 = arith.mulf %get3A_111, %bitcast_convert_type3A_417 : vector<16xf32>
        %add3A_421 = arith.constant 1.000000e+00 : f32
        %add3A_422 = vector.broadcast %add3A_421 : f32 to vector<16xf32>
        %add3A_423 = arith.addf %add3A_422, %mul3A_420 : vector<16xf32>
        %bitcast_convert_type3A_424 = tpu.bitcast %add3A_423 : vector<16xf32> -> vector<16xi32>
        %sub3A_425 = arith.subi %broadcast_in_dim3A_101, %bitcast_convert_type3A_424 : vector<16xi32>
        %bitcast_convert_type3A_426 = tpu.bitcast %sub3A_425 : vector<16xi32> -> vector<16xf32>
        %mul3A_427 = arith.mulf %add3A_423, %bitcast_convert_type3A_426 : vector<16xf32>
        %sub3A_428 = arith.constant 2.000000e+00 : f32
        %sub3A_429 = vector.broadcast %sub3A_428 : f32 to vector<16xf32>
        %sub3A_430 = arith.subf %sub3A_429, %mul3A_427 : vector<16xf32>
        %mul3A_431 = arith.mulf %bitcast_convert_type3A_426, %sub3A_430 : vector<16xf32>
        %mul3A_432 = arith.mulf %bitcast_convert_type3A_419, %mul3A_431 : vector<16xf32>
        %add3A_433 = arith.addf %add3A_406, %mul3A_432 : vector<16xf32>
        %mul3A_434 = arith.constant 16 : i32
        %mul3A_435 = arith.muli %scan3A_99, %mul3A_434 : i32
        %add3A_436 = arith.constant 12 : i32
        %add3A_437 = arith.addi %mul3A_435, %add3A_436 : i32
        %get3A_438 = arith.index_cast %add3A_437 : i32 to index
        %get3A_439 = arith.constant 0 : index
        %get3A_440 = tpu.vector_load %arg9[%get3A_438, %get3A_439] {strides = array<i32>} : memref<64x64xf32, #tpu.memory_space<vmem>>, vector<1x16xf32>,
        %get3A_441 = vector.shape_cast %get3A_440 : vector<1x16xf32> to vector<16xf32>
        %bitcast_convert_type3A_442 = tpu.bitcast %get3A_441 : vector<16xf32> -> vector<16xi32>
        %shift_left3A_443 = arith.shli %bitcast_convert_type3A_442, %broadcast_in_dim3A_103 : vector<16xi32>
        %bitcast_convert_type3A_444 = tpu.bitcast %shift_left3A_443 : vector<16xi32> -> vector<16xf32>
        %and3A_445 = arith.andi %bitcast_convert_type3A_442, %broadcast_in_dim3A_105 : vector<16xi32>
        %bitcast_convert_type3A_446 = tpu.bitcast %and3A_445 : vector<16xi32> -> vector<16xf32>
        %mul3A_447 = arith.mulf %get3A_111, %bitcast_convert_type3A_444 : vector<16xf32>
        %add3A_448 = arith.constant 1.000000e+00 : f32
        %add3A_449 = vector.broadcast %add3A_448 : f32 to vector<16xf32>
        %add3A_450 = arith.addf %add3A_449, %mul3A_447 : vector<16xf32>
        %bitcast_convert_type3A_451 = tpu.bitcast %add3A_450 : vector<16xf32> -> vector<16xi32>
        %sub3A_452 = arith.subi %broadcast_in_dim3A_101, %bitcast_convert_type3A_451 : vector<16xi32>
        %bitcast_convert_type3A_453 = tpu.bitcast %sub3A_452 : vector<16xi32> -> vector<16xf32>
        %mul3A_454 = arith.mulf %add3A_450, %bitcast_convert_type3A_453 : vector<16xf32>
        %sub3A_455 = arith.constant 2.000000e+00 : f32
        %sub3A_456 = vector.broadcast %sub3A_455 : f32 to vector<16xf32>
        %sub3A_457 = arith.subf %sub3A_456, %mul3A_454 : vector<16xf32>
        %mul3A_458 = arith.mulf %bitcast_convert_type3A_453, %sub3A_457 : vector<16xf32>
        %mul3A_459 = arith.mulf %bitcast_convert_type3A_446, %mul3A_458 : vector<16xf32>
        %add3A_460 = arith.addf %add3A_433, %mul3A_459 : vector<16xf32>
        %mul3A_461 = arith.constant 16 : i32
        %mul3A_462 = arith.muli %scan3A_99, %mul3A_461 : i32
        %add3A_463 = arith.constant 13 : i32
        %add3A_464 = arith.addi %mul3A_462, %add3A_463 : i32
        %get3A_465 = arith.index_cast %add3A_464 : i32 to index
        %get3A_466 = arith.constant 0 : index
        %get3A_467 = tpu.vector_load %arg9[%get3A_465, %get3A_466] {strides = array<i32>} : memref<64x64xf32, #tpu.memory_space<vmem>>, vector<1x16xf32>,
        %get3A_468 = vector.shape_cast %get3A_467 : vector<1x16xf32> to vector<16xf32>
        %bitcast_convert_type3A_469 = tpu.bitcast %get3A_468 : vector<16xf32> -> vector<16xi32>
        %shift_left3A_470 = arith.shli %bitcast_convert_type3A_469, %broadcast_in_dim3A_103 : vector<16xi32>
        %bitcast_convert_type3A_471 = tpu.bitcast %shift_left3A_470 : vector<16xi32> -> vector<16xf32>
        %and3A_472 = arith.andi %bitcast_convert_type3A_469, %broadcast_in_dim3A_105 : vector<16xi32>
        %bitcast_convert_type3A_473 = tpu.bitcast %and3A_472 : vector<16xi32> -> vector<16xf32>
        %mul3A_474 = arith.mulf %get3A_111, %bitcast_convert_type3A_471 : vector<16xf32>
        %add3A_475 = arith.constant 1.000000e+00 : f32
        %add3A_476 = vector.broadcast %add3A_475 : f32 to vector<16xf32>
        %add3A_477 = arith.addf %add3A_476, %mul3A_474 : vector<16xf32>
        %bitcast_convert_type3A_478 = tpu.bitcast %add3A_477 : vector<16xf32> -> vector<16xi32>
        %sub3A_479 = arith.subi %broadcast_in_dim3A_101, %bitcast_convert_type3A_478 : vector<16xi32>
        %bitcast_convert_type3A_480 = tpu.bitcast %sub3A_479 : vector<16xi32> -> vector<16xf32>
        %mul3A_481 = arith.mulf %add3A_477, %bitcast_convert_type3A_480 : vector<16xf32>
        %sub3A_482 = arith.constant 2.000000e+00 : f32
        %sub3A_483 = vector.broadcast %sub3A_482 : f32 to vector<16xf32>
        %sub3A_484 = arith.subf %sub3A_483, %mul3A_481 : vector<16xf32>
        %mul3A_485 = arith.mulf %bitcast_convert_type3A_480, %sub3A_484 : vector<16xf32>
        %mul3A_486 = arith.mulf %bitcast_convert_type3A_473, %mul3A_485 : vector<16xf32>
        %add3A_487 = arith.addf %add3A_460, %mul3A_486 : vector<16xf32>
        %mul3A_488 = arith.constant 16 : i32
        %mul3A_489 = arith.muli %scan3A_99, %mul3A_488 : i32
        %add3A_490 = arith.constant 14 : i32
        %add3A_491 = arith.addi %mul3A_489, %add3A_490 : i32
        %get3A_492 = arith.index_cast %add3A_491 : i32 to index
        %get3A_493 = arith.constant 0 : index
        %get3A_494 = tpu.vector_load %arg9[%get3A_492, %get3A_493] {strides = array<i32>} : memref<64x64xf32, #tpu.memory_space<vmem>>, vector<1x16xf32>,
        %get3A_495 = vector.shape_cast %get3A_494 : vector<1x16xf32> to vector<16xf32>
        %bitcast_convert_type3A_496 = tpu.bitcast %get3A_495 : vector<16xf32> -> vector<16xi32>
        %shift_left3A_497 = arith.shli %bitcast_convert_type3A_496, %broadcast_in_dim3A_103 : vector<16xi32>
        %bitcast_convert_type3A_498 = tpu.bitcast %shift_left3A_497 : vector<16xi32> -> vector<16xf32>
        %and3A_499 = arith.andi %bitcast_convert_type3A_496, %broadcast_in_dim3A_105 : vector<16xi32>
        %bitcast_convert_type3A_500 = tpu.bitcast %and3A_499 : vector<16xi32> -> vector<16xf32>
        %mul3A_501 = arith.mulf %get3A_111, %bitcast_convert_type3A_498 : vector<16xf32>
        %add3A_502 = arith.constant 1.000000e+00 : f32
        %add3A_503 = vector.broadcast %add3A_502 : f32 to vector<16xf32>
        %add3A_504 = arith.addf %add3A_503, %mul3A_501 : vector<16xf32>
        %bitcast_convert_type3A_505 = tpu.bitcast %add3A_504 : vector<16xf32> -> vector<16xi32>
        %sub3A_506 = arith.subi %broadcast_in_dim3A_101, %bitcast_convert_type3A_505 : vector<16xi32>
        %bitcast_convert_type3A_507 = tpu.bitcast %sub3A_506 : vector<16xi32> -> vector<16xf32>
        %mul3A_508 = arith.mulf %add3A_504, %bitcast_convert_type3A_507 : vector<16xf32>
        %sub3A_509 = arith.constant 2.000000e+00 : f32
        %sub3A_510 = vector.broadcast %sub3A_509 : f32 to vector<16xf32>
        %sub3A_511 = arith.subf %sub3A_510, %mul3A_508 : vector<16xf32>
        %mul3A_512 = arith.mulf %bitcast_convert_type3A_507, %sub3A_511 : vector<16xf32>
        %mul3A_513 = arith.mulf %bitcast_convert_type3A_500, %mul3A_512 : vector<16xf32>
        %add3A_514 = arith.addf %add3A_487, %mul3A_513 : vector<16xf32>
        %mul3A_515 = arith.constant 16 : i32
        %mul3A_516 = arith.muli %scan3A_99, %mul3A_515 : i32
        %add3A_517 = arith.constant 15 : i32
        %add3A_518 = arith.addi %mul3A_516, %add3A_517 : i32
        %get3A_519 = arith.index_cast %add3A_518 : i32 to index
        %get3A_520 = arith.constant 0 : index
        %get3A_521 = tpu.vector_load %arg9[%get3A_519, %get3A_520] {strides = array<i32>} : memref<64x64xf32, #tpu.memory_space<vmem>>, vector<1x16xf32>,
        %get3A_522 = vector.shape_cast %get3A_521 : vector<1x16xf32> to vector<16xf32>
        %bitcast_convert_type3A_523 = tpu.bitcast %get3A_522 : vector<16xf32> -> vector<16xi32>
        %shift_left3A_524 = arith.shli %bitcast_convert_type3A_523, %broadcast_in_dim3A_103 : vector<16xi32>
        %bitcast_convert_type3A_525 = tpu.bitcast %shift_left3A_524 : vector<16xi32> -> vector<16xf32>
        %and3A_526 = arith.andi %bitcast_convert_type3A_523, %broadcast_in_dim3A_105 : vector<16xi32>
        %bitcast_convert_type3A_527 = tpu.bitcast %and3A_526 : vector<16xi32> -> vector<16xf32>
        %mul3A_528 = arith.mulf %get3A_111, %bitcast_convert_type3A_525 : vector<16xf32>
        %add3A_529 = arith.constant 1.000000e+00 : f32
        %add3A_530 = vector.broadcast %add3A_529 : f32 to vector<16xf32>
        %add3A_531 = arith.addf %add3A_530, %mul3A_528 : vector<16xf32>
        %bitcast_convert_type3A_532 = tpu.bitcast %add3A_531 : vector<16xf32> -> vector<16xi32>
        %sub3A_533 = arith.subi %broadcast_in_dim3A_101, %bitcast_convert_type3A_532 : vector<16xi32>
        %bitcast_convert_type3A_534 = tpu.bitcast %sub3A_533 : vector<16xi32> -> vector<16xf32>
        %mul3A_535 = arith.mulf %add3A_531, %bitcast_convert_type3A_534 : vector<16xf32>
        %sub3A_536 = arith.constant 2.000000e+00 : f32
        %sub3A_537 = vector.broadcast %sub3A_536 : f32 to vector<16xf32>
        %sub3A_538 = arith.subf %sub3A_537, %mul3A_535 : vector<16xf32>
        %mul3A_539 = arith.mulf %bitcast_convert_type3A_534, %sub3A_538 : vector<16xf32>
        %mul3A_540 = arith.mulf %bitcast_convert_type3A_527, %mul3A_539 : vector<16xf32>
        %add3A_541 = arith.addf %add3A_514, %mul3A_540 : vector<16xf32>
        %swap3A = arith.index_cast %scan3A_99 : i32 to index
        %swap3A_542 = arith.constant 0 : index
        %swap3A_543 = tpu.vector_load %arg11[%swap3A, %swap3A_542] {strides = array<i32>} : memref<4x64xf32, #tpu.memory_space<vmem>>, vector<1x16xf32>,
        %swap3A_544 = vector.shape_cast %swap3A_543 : vector<1x16xf32> to vector<16xf32>
        %swap3A_545 = vector.shape_cast %add3A_541 : vector<16xf32> to vector<1x16xf32>
        tpu.vector_store %arg11[%swap3A, %swap3A_542], %swap3A_545 {strides = array<i32>} : memref<4x64xf32, #tpu.memory_space<vmem>>, vector<1x16xf32>,
        %get3A_546 = arith.index_cast %add3A_108 : i32 to index
        %get3A_547 = arith.constant 16 : index
        %get3A_548 = tpu.vector_load %arg8[%get3A_546, %get3A_547] {strides = array<i32>} : memref<320x64xf32, #tpu.memory_space<vmem>>, vector<1x16xf32>,
        %get3A_549 = vector.shape_cast %get3A_548 : vector<1x16xf32> to vector<16xf32>
        %broadcast_in_dim3A_550 = arith.constant 0.000000e+00 : f32
        %broadcast_in_dim3A_551 = vector.broadcast %broadcast_in_dim3A_550 : f32 to vector<16xf32>
        %mul3A_552 = arith.constant 16 : i32
        %mul3A_553 = arith.muli %scan3A_99, %mul3A_552 : i32
        %add3A_554 = arith.constant 0 : i32
        %add3A_555 = arith.addi %mul3A_553, %add3A_554 : i32
        %get3A_556 = arith.index_cast %add3A_555 : i32 to index
        %get3A_557 = arith.constant 16 : index
        %get3A_558 = tpu.vector_load %arg9[%get3A_556, %get3A_557] {strides = array<i32>} : memref<64x64xf32, #tpu.memory_space<vmem>>, vector<1x16xf32>,
        %get3A_559 = vector.shape_cast %get3A_558 : vector<1x16xf32> to vector<16xf32>
        %bitcast_convert_type3A_560 = tpu.bitcast %get3A_559 : vector<16xf32> -> vector<16xi32>
        %shift_left3A_561 = arith.shli %bitcast_convert_type3A_560, %broadcast_in_dim3A_103 : vector<16xi32>
        %bitcast_convert_type3A_562 = tpu.bitcast %shift_left3A_561 : vector<16xi32> -> vector<16xf32>
        %and3A_563 = arith.andi %bitcast_convert_type3A_560, %broadcast_in_dim3A_105 : vector<16xi32>
        %bitcast_convert_type3A_564 = tpu.bitcast %and3A_563 : vector<16xi32> -> vector<16xf32>
        %mul3A_565 = arith.mulf %get3A_549, %bitcast_convert_type3A_562 : vector<16xf32>
        %add3A_566 = arith.constant 1.000000e+00 : f32
        %add3A_567 = vector.broadcast %add3A_566 : f32 to vector<16xf32>
        %add3A_568 = arith.addf %add3A_567, %mul3A_565 : vector<16xf32>
        %bitcast_convert_type3A_569 = tpu.bitcast %add3A_568 : vector<16xf32> -> vector<16xi32>
        %sub3A_570 = arith.subi %broadcast_in_dim3A_101, %bitcast_convert_type3A_569 : vector<16xi32>
        %bitcast_convert_type3A_571 = tpu.bitcast %sub3A_570 : vector<16xi32> -> vector<16xf32>
        %mul3A_572 = arith.mulf %add3A_568, %bitcast_convert_type3A_571 : vector<16xf32>
        %sub3A_573 = arith.constant 2.000000e+00 : f32
        %sub3A_574 = vector.broadcast %sub3A_573 : f32 to vector<16xf32>
        %sub3A_575 = arith.subf %sub3A_574, %mul3A_572 : vector<16xf32>
        %mul3A_576 = arith.mulf %bitcast_convert_type3A_571, %sub3A_575 : vector<16xf32>
        %mul3A_577 = arith.mulf %bitcast_convert_type3A_564, %mul3A_576 : vector<16xf32>
        %add3A_578 = arith.addf %broadcast_in_dim3A_551, %mul3A_577 : vector<16xf32>
        %mul3A_579 = arith.constant 16 : i32
        %mul3A_580 = arith.muli %scan3A_99, %mul3A_579 : i32
        %add3A_581 = arith.constant 1 : i32
        %add3A_582 = arith.addi %mul3A_580, %add3A_581 : i32
        %get3A_583 = arith.index_cast %add3A_582 : i32 to index
        %get3A_584 = arith.constant 16 : index
        %get3A_585 = tpu.vector_load %arg9[%get3A_583, %get3A_584] {strides = array<i32>} : memref<64x64xf32, #tpu.memory_space<vmem>>, vector<1x16xf32>,
        %get3A_586 = vector.shape_cast %get3A_585 : vector<1x16xf32> to vector<16xf32>
        %bitcast_convert_type3A_587 = tpu.bitcast %get3A_586 : vector<16xf32> -> vector<16xi32>
        %shift_left3A_588 = arith.shli %bitcast_convert_type3A_587, %broadcast_in_dim3A_103 : vector<16xi32>
        %bitcast_convert_type3A_589 = tpu.bitcast %shift_left3A_588 : vector<16xi32> -> vector<16xf32>
        %and3A_590 = arith.andi %bitcast_convert_type3A_587, %broadcast_in_dim3A_105 : vector<16xi32>
        %bitcast_convert_type3A_591 = tpu.bitcast %and3A_590 : vector<16xi32> -> vector<16xf32>
        %mul3A_592 = arith.mulf %get3A_549, %bitcast_convert_type3A_589 : vector<16xf32>
        %add3A_593 = arith.constant 1.000000e+00 : f32
        %add3A_594 = vector.broadcast %add3A_593 : f32 to vector<16xf32>
        %add3A_595 = arith.addf %add3A_594, %mul3A_592 : vector<16xf32>
        %bitcast_convert_type3A_596 = tpu.bitcast %add3A_595 : vector<16xf32> -> vector<16xi32>
        %sub3A_597 = arith.subi %broadcast_in_dim3A_101, %bitcast_convert_type3A_596 : vector<16xi32>
        %bitcast_convert_type3A_598 = tpu.bitcast %sub3A_597 : vector<16xi32> -> vector<16xf32>
        %mul3A_599 = arith.mulf %add3A_595, %bitcast_convert_type3A_598 : vector<16xf32>
        %sub3A_600 = arith.constant 2.000000e+00 : f32
        %sub3A_601 = vector.broadcast %sub3A_600 : f32 to vector<16xf32>
        %sub3A_602 = arith.subf %sub3A_601, %mul3A_599 : vector<16xf32>
        %mul3A_603 = arith.mulf %bitcast_convert_type3A_598, %sub3A_602 : vector<16xf32>
        %mul3A_604 = arith.mulf %bitcast_convert_type3A_591, %mul3A_603 : vector<16xf32>
        %add3A_605 = arith.addf %add3A_578, %mul3A_604 : vector<16xf32>
        %mul3A_606 = arith.constant 16 : i32
        %mul3A_607 = arith.muli %scan3A_99, %mul3A_606 : i32
        %add3A_608 = arith.constant 2 : i32
        %add3A_609 = arith.addi %mul3A_607, %add3A_608 : i32
        %get3A_610 = arith.index_cast %add3A_609 : i32 to index
        %get3A_611 = arith.constant 16 : index
        %get3A_612 = tpu.vector_load %arg9[%get3A_610, %get3A_611] {strides = array<i32>} : memref<64x64xf32, #tpu.memory_space<vmem>>, vector<1x16xf32>,
        %get3A_613 = vector.shape_cast %get3A_612 : vector<1x16xf32> to vector<16xf32>
        %bitcast_convert_type3A_614 = tpu.bitcast %get3A_613 : vector<16xf32> -> vector<16xi32>
        %shift_left3A_615 = arith.shli %bitcast_convert_type3A_614, %broadcast_in_dim3A_103 : vector<16xi32>
        %bitcast_convert_type3A_616 = tpu.bitcast %shift_left3A_615 : vector<16xi32> -> vector<16xf32>
        %and3A_617 = arith.andi %bitcast_convert_type3A_614, %broadcast_in_dim3A_105 : vector<16xi32>
        %bitcast_convert_type3A_618 = tpu.bitcast %and3A_617 : vector<16xi32> -> vector<16xf32>
        %mul3A_619 = arith.mulf %get3A_549, %bitcast_convert_type3A_616 : vector<16xf32>
        %add3A_620 = arith.constant 1.000000e+00 : f32
        %add3A_621 = vector.broadcast %add3A_620 : f32 to vector<16xf32>
        %add3A_622 = arith.addf %add3A_621, %mul3A_619 : vector<16xf32>
        %bitcast_convert_type3A_623 = tpu.bitcast %add3A_622 : vector<16xf32> -> vector<16xi32>
        %sub3A_624 = arith.subi %broadcast_in_dim3A_101, %bitcast_convert_type3A_623 : vector<16xi32>
        %bitcast_convert_type3A_625 = tpu.bitcast %sub3A_624 : vector<16xi32> -> vector<16xf32>
        %mul3A_626 = arith.mulf %add3A_622, %bitcast_convert_type3A_625 : vector<16xf32>
        %sub3A_627 = arith.constant 2.000000e+00 : f32
        %sub3A_628 = vector.broadcast %sub3A_627 : f32 to vector<16xf32>
        %sub3A_629 = arith.subf %sub3A_628, %mul3A_626 : vector<16xf32>
        %mul3A_630 = arith.mulf %bitcast_convert_type3A_625, %sub3A_629 : vector<16xf32>
        %mul3A_631 = arith.mulf %bitcast_convert_type3A_618, %mul3A_630 : vector<16xf32>
        %add3A_632 = arith.addf %add3A_605, %mul3A_631 : vector<16xf32>
        %mul3A_633 = arith.constant 16 : i32
        %mul3A_634 = arith.muli %scan3A_99, %mul3A_633 : i32
        %add3A_635 = arith.constant 3 : i32
        %add3A_636 = arith.addi %mul3A_634, %add3A_635 : i32
        %get3A_637 = arith.index_cast %add3A_636 : i32 to index
        %get3A_638 = arith.constant 16 : index
        %get3A_639 = tpu.vector_load %arg9[%get3A_637, %get3A_638] {strides = array<i32>} : memref<64x64xf32, #tpu.memory_space<vmem>>, vector<1x16xf32>,
        %get3A_640 = vector.shape_cast %get3A_639 : vector<1x16xf32> to vector<16xf32>
        %bitcast_convert_type3A_641 = tpu.bitcast %get3A_640 : vector<16xf32> -> vector<16xi32>
        %shift_left3A_642 = arith.shli %bitcast_convert_type3A_641, %broadcast_in_dim3A_103 : vector<16xi32>
        %bitcast_convert_type3A_643 = tpu.bitcast %shift_left3A_642 : vector<16xi32> -> vector<16xf32>
        %and3A_644 = arith.andi %bitcast_convert_type3A_641, %broadcast_in_dim3A_105 : vector<16xi32>
        %bitcast_convert_type3A_645 = tpu.bitcast %and3A_644 : vector<16xi32> -> vector<16xf32>
        %mul3A_646 = arith.mulf %get3A_549, %bitcast_convert_type3A_643 : vector<16xf32>
        %add3A_647 = arith.constant 1.000000e+00 : f32
        %add3A_648 = vector.broadcast %add3A_647 : f32 to vector<16xf32>
        %add3A_649 = arith.addf %add3A_648, %mul3A_646 : vector<16xf32>
        %bitcast_convert_type3A_650 = tpu.bitcast %add3A_649 : vector<16xf32> -> vector<16xi32>
        %sub3A_651 = arith.subi %broadcast_in_dim3A_101, %bitcast_convert_type3A_650 : vector<16xi32>
        %bitcast_convert_type3A_652 = tpu.bitcast %sub3A_651 : vector<16xi32> -> vector<16xf32>
        %mul3A_653 = arith.mulf %add3A_649, %bitcast_convert_type3A_652 : vector<16xf32>
        %sub3A_654 = arith.constant 2.000000e+00 : f32
        %sub3A_655 = vector.broadcast %sub3A_654 : f32 to vector<16xf32>
        %sub3A_656 = arith.subf %sub3A_655, %mul3A_653 : vector<16xf32>
        %mul3A_657 = arith.mulf %bitcast_convert_type3A_652, %sub3A_656 : vector<16xf32>
        %mul3A_658 = arith.mulf %bitcast_convert_type3A_645, %mul3A_657 : vector<16xf32>
        %add3A_659 = arith.addf %add3A_632, %mul3A_658 : vector<16xf32>
        %mul3A_660 = arith.constant 16 : i32
        %mul3A_661 = arith.muli %scan3A_99, %mul3A_660 : i32
        %add3A_662 = arith.constant 4 : i32
        %add3A_663 = arith.addi %mul3A_661, %add3A_662 : i32
        %get3A_664 = arith.index_cast %add3A_663 : i32 to index
        %get3A_665 = arith.constant 16 : index
        %get3A_666 = tpu.vector_load %arg9[%get3A_664, %get3A_665] {strides = array<i32>} : memref<64x64xf32, #tpu.memory_space<vmem>>, vector<1x16xf32>,
        %get3A_667 = vector.shape_cast %get3A_666 : vector<1x16xf32> to vector<16xf32>
        %bitcast_convert_type3A_668 = tpu.bitcast %get3A_667 : vector<16xf32> -> vector<16xi32>
        %shift_left3A_669 = arith.shli %bitcast_convert_type3A_668, %broadcast_in_dim3A_103 : vector<16xi32>
        %bitcast_convert_type3A_670 = tpu.bitcast %shift_left3A_669 : vector<16xi32> -> vector<16xf32>
        %and3A_671 = arith.andi %bitcast_convert_type3A_668, %broadcast_in_dim3A_105 : vector<16xi32>
        %bitcast_convert_type3A_672 = tpu.bitcast %and3A_671 : vector<16xi32> -> vector<16xf32>
        %mul3A_673 = arith.mulf %get3A_549, %bitcast_convert_type3A_670 : vector<16xf32>
        %add3A_674 = arith.constant 1.000000e+00 : f32
        %add3A_675 = vector.broadcast %add3A_674 : f32 to vector<16xf32>
        %add3A_676 = arith.addf %add3A_675, %mul3A_673 : vector<16xf32>
        %bitcast_convert_type3A_677 = tpu.bitcast %add3A_676 : vector<16xf32> -> vector<16xi32>
        %sub3A_678 = arith.subi %broadcast_in_dim3A_101, %bitcast_convert_type3A_677 : vector<16xi32>
        %bitcast_convert_type3A_679 = tpu.bitcast %sub3A_678 : vector<16xi32> -> vector<16xf32>
        %mul3A_680 = arith.mulf %add3A_676, %bitcast_convert_type3A_679 : vector<16xf32>
        %sub3A_681 = arith.constant 2.000000e+00 : f32
        %sub3A_682 = vector.broadcast %sub3A_681 : f32 to vector<16xf32>
        %sub3A_683 = arith.subf %sub3A_682, %mul3A_680 : vector<16xf32>
        %mul3A_684 = arith.mulf %bitcast_convert_type3A_679, %sub3A_683 : vector<16xf32>
        %mul3A_685 = arith.mulf %bitcast_convert_type3A_672, %mul3A_684 : vector<16xf32>
        %add3A_686 = arith.addf %add3A_659, %mul3A_685 : vector<16xf32>
        %mul3A_687 = arith.constant 16 : i32
        %mul3A_688 = arith.muli %scan3A_99, %mul3A_687 : i32
        %add3A_689 = arith.constant 5 : i32
        %add3A_690 = arith.addi %mul3A_688, %add3A_689 : i32
        %get3A_691 = arith.index_cast %add3A_690 : i32 to index
        %get3A_692 = arith.constant 16 : index
        %get3A_693 = tpu.vector_load %arg9[%get3A_691, %get3A_692] {strides = array<i32>} : memref<64x64xf32, #tpu.memory_space<vmem>>, vector<1x16xf32>,
        %get3A_694 = vector.shape_cast %get3A_693 : vector<1x16xf32> to vector<16xf32>
        %bitcast_convert_type3A_695 = tpu.bitcast %get3A_694 : vector<16xf32> -> vector<16xi32>
        %shift_left3A_696 = arith.shli %bitcast_convert_type3A_695, %broadcast_in_dim3A_103 : vector<16xi32>
        %bitcast_convert_type3A_697 = tpu.bitcast %shift_left3A_696 : vector<16xi32> -> vector<16xf32>
        %and3A_698 = arith.andi %bitcast_convert_type3A_695, %broadcast_in_dim3A_105 : vector<16xi32>
        %bitcast_convert_type3A_699 = tpu.bitcast %and3A_698 : vector<16xi32> -> vector<16xf32>
        %mul3A_700 = arith.mulf %get3A_549, %bitcast_convert_type3A_697 : vector<16xf32>
        %add3A_701 = arith.constant 1.000000e+00 : f32
        %add3A_702 = vector.broadcast %add3A_701 : f32 to vector<16xf32>
        %add3A_703 = arith.addf %add3A_702, %mul3A_700 : vector<16xf32>
        %bitcast_convert_type3A_704 = tpu.bitcast %add3A_703 : vector<16xf32> -> vector<16xi32>
        %sub3A_705 = arith.subi %broadcast_in_dim3A_101, %bitcast_convert_type3A_704 : vector<16xi32>
        %bitcast_convert_type3A_706 = tpu.bitcast %sub3A_705 : vector<16xi32> -> vector<16xf32>
        %mul3A_707 = arith.mulf %add3A_703, %bitcast_convert_type3A_706 : vector<16xf32>
        %sub3A_708 = arith.constant 2.000000e+00 : f32
        %sub3A_709 = vector.broadcast %sub3A_708 : f32 to vector<16xf32>
        %sub3A_710 = arith.subf %sub3A_709, %mul3A_707 : vector<16xf32>
        %mul3A_711 = arith.mulf %bitcast_convert_type3A_706, %sub3A_710 : vector<16xf32>
        %mul3A_712 = arith.mulf %bitcast_convert_type3A_699, %mul3A_711 : vector<16xf32>
        %add3A_713 = arith.addf %add3A_686, %mul3A_712 : vector<16xf32>
        %mul3A_714 = arith.constant 16 : i32
        %mul3A_715 = arith.muli %scan3A_99, %mul3A_714 : i32
        %add3A_716 = arith.constant 6 : i32
        %add3A_717 = arith.addi %mul3A_715, %add3A_716 : i32
        %get3A_718 = arith.index_cast %add3A_717 : i32 to index
        %get3A_719 = arith.constant 16 : index
        %get3A_720 = tpu.vector_load %arg9[%get3A_718, %get3A_719] {strides = array<i32>} : memref<64x64xf32, #tpu.memory_space<vmem>>, vector<1x16xf32>,
        %get3A_721 = vector.shape_cast %get3A_720 : vector<1x16xf32> to vector<16xf32>
        %bitcast_convert_type3A_722 = tpu.bitcast %get3A_721 : vector<16xf32> -> vector<16xi32>
        %shift_left3A_723 = arith.shli %bitcast_convert_type3A_722, %broadcast_in_dim3A_103 : vector<16xi32>
        %bitcast_convert_type3A_724 = tpu.bitcast %shift_left3A_723 : vector<16xi32> -> vector<16xf32>
        %and3A_725 = arith.andi %bitcast_convert_type3A_722, %broadcast_in_dim3A_105 : vector<16xi32>
        %bitcast_convert_type3A_726 = tpu.bitcast %and3A_725 : vector<16xi32> -> vector<16xf32>
        %mul3A_727 = arith.mulf %get3A_549, %bitcast_convert_type3A_724 : vector<16xf32>
        %add3A_728 = arith.constant 1.000000e+00 : f32
        %add3A_729 = vector.broadcast %add3A_728 : f32 to vector<16xf32>
        %add3A_730 = arith.addf %add3A_729, %mul3A_727 : vector<16xf32>
        %bitcast_convert_type3A_731 = tpu.bitcast %add3A_730 : vector<16xf32> -> vector<16xi32>
        %sub3A_732 = arith.subi %broadcast_in_dim3A_101, %bitcast_convert_type3A_731 : vector<16xi32>
        %bitcast_convert_type3A_733 = tpu.bitcast %sub3A_732 : vector<16xi32> -> vector<16xf32>
        %mul3A_734 = arith.mulf %add3A_730, %bitcast_convert_type3A_733 : vector<16xf32>
        %sub3A_735 = arith.constant 2.000000e+00 : f32
        %sub3A_736 = vector.broadcast %sub3A_735 : f32 to vector<16xf32>
        %sub3A_737 = arith.subf %sub3A_736, %mul3A_734 : vector<16xf32>
        %mul3A_738 = arith.mulf %bitcast_convert_type3A_733, %sub3A_737 : vector<16xf32>
        %mul3A_739 = arith.mulf %bitcast_convert_type3A_726, %mul3A_738 : vector<16xf32>
        %add3A_740 = arith.addf %add3A_713, %mul3A_739 : vector<16xf32>
        %mul3A_741 = arith.constant 16 : i32
        %mul3A_742 = arith.muli %scan3A_99, %mul3A_741 : i32
        %add3A_743 = arith.constant 7 : i32
        %add3A_744 = arith.addi %mul3A_742, %add3A_743 : i32
        %get3A_745 = arith.index_cast %add3A_744 : i32 to index
        %get3A_746 = arith.constant 16 : index
        %get3A_747 = tpu.vector_load %arg9[%get3A_745, %get3A_746] {strides = array<i32>} : memref<64x64xf32, #tpu.memory_space<vmem>>, vector<1x16xf32>,
        %get3A_748 = vector.shape_cast %get3A_747 : vector<1x16xf32> to vector<16xf32>
        %bitcast_convert_type3A_749 = tpu.bitcast %get3A_748 : vector<16xf32> -> vector<16xi32>
        %shift_left3A_750 = arith.shli %bitcast_convert_type3A_749, %broadcast_in_dim3A_103 : vector<16xi32>
        %bitcast_convert_type3A_751 = tpu.bitcast %shift_left3A_750 : vector<16xi32> -> vector<16xf32>
        %and3A_752 = arith.andi %bitcast_convert_type3A_749, %broadcast_in_dim3A_105 : vector<16xi32>
        %bitcast_convert_type3A_753 = tpu.bitcast %and3A_752 : vector<16xi32> -> vector<16xf32>
        %mul3A_754 = arith.mulf %get3A_549, %bitcast_convert_type3A_751 : vector<16xf32>
        %add3A_755 = arith.constant 1.000000e+00 : f32
        %add3A_756 = vector.broadcast %add3A_755 : f32 to vector<16xf32>
        %add3A_757 = arith.addf %add3A_756, %mul3A_754 : vector<16xf32>
        %bitcast_convert_type3A_758 = tpu.bitcast %add3A_757 : vector<16xf32> -> vector<16xi32>
        %sub3A_759 = arith.subi %broadcast_in_dim3A_101, %bitcast_convert_type3A_758 : vector<16xi32>
        %bitcast_convert_type3A_760 = tpu.bitcast %sub3A_759 : vector<16xi32> -> vector<16xf32>
        %mul3A_761 = arith.mulf %add3A_757, %bitcast_convert_type3A_760 : vector<16xf32>
        %sub3A_762 = arith.constant 2.000000e+00 : f32
        %sub3A_763 = vector.broadcast %sub3A_762 : f32 to vector<16xf32>
        %sub3A_764 = arith.subf %sub3A_763, %mul3A_761 : vector<16xf32>
        %mul3A_765 = arith.mulf %bitcast_convert_type3A_760, %sub3A_764 : vector<16xf32>
        %mul3A_766 = arith.mulf %bitcast_convert_type3A_753, %mul3A_765 : vector<16xf32>
        %add3A_767 = arith.addf %add3A_740, %mul3A_766 : vector<16xf32>
        %mul3A_768 = arith.constant 16 : i32
        %mul3A_769 = arith.muli %scan3A_99, %mul3A_768 : i32
        %add3A_770 = arith.constant 8 : i32
        %add3A_771 = arith.addi %mul3A_769, %add3A_770 : i32
        %get3A_772 = arith.index_cast %add3A_771 : i32 to index
        %get3A_773 = arith.constant 16 : index
        %get3A_774 = tpu.vector_load %arg9[%get3A_772, %get3A_773] {strides = array<i32>} : memref<64x64xf32, #tpu.memory_space<vmem>>, vector<1x16xf32>,
        %get3A_775 = vector.shape_cast %get3A_774 : vector<1x16xf32> to vector<16xf32>
        %bitcast_convert_type3A_776 = tpu.bitcast %get3A_775 : vector<16xf32> -> vector<16xi32>
        %shift_left3A_777 = arith.shli %bitcast_convert_type3A_776, %broadcast_in_dim3A_103 : vector<16xi32>
        %bitcast_convert_type3A_778 = tpu.bitcast %shift_left3A_777 : vector<16xi32> -> vector<16xf32>
        %and3A_779 = arith.andi %bitcast_convert_type3A_776, %broadcast_in_dim3A_105 : vector<16xi32>
        %bitcast_convert_type3A_780 = tpu.bitcast %and3A_779 : vector<16xi32> -> vector<16xf32>
        %mul3A_781 = arith.mulf %get3A_549, %bitcast_convert_type3A_778 : vector<16xf32>
        %add3A_782 = arith.constant 1.000000e+00 : f32
        %add3A_783 = vector.broadcast %add3A_782 : f32 to vector<16xf32>
        %add3A_784 = arith.addf %add3A_783, %mul3A_781 : vector<16xf32>
        %bitcast_convert_type3A_785 = tpu.bitcast %add3A_784 : vector<16xf32> -> vector<16xi32>
        %sub3A_786 = arith.subi %broadcast_in_dim3A_101, %bitcast_convert_type3A_785 : vector<16xi32>
        %bitcast_convert_type3A_787 = tpu.bitcast %sub3A_786 : vector<16xi32> -> vector<16xf32>
        %mul3A_788 = arith.mulf %add3A_784, %bitcast_convert_type3A_787 : vector<16xf32>
        %sub3A_789 = arith.constant 2.000000e+00 : f32
        %sub3A_790 = vector.broadcast %sub3A_789 : f32 to vector<16xf32>
        %sub3A_791 = arith.subf %sub3A_790, %mul3A_788 : vector<16xf32>
        %mul3A_792 = arith.mulf %bitcast_convert_type3A_787, %sub3A_791 : vector<16xf32>
        %mul3A_793 = arith.mulf %bitcast_convert_type3A_780, %mul3A_792 : vector<16xf32>
        %add3A_794 = arith.addf %add3A_767, %mul3A_793 : vector<16xf32>
        %mul3A_795 = arith.constant 16 : i32
        %mul3A_796 = arith.muli %scan3A_99, %mul3A_795 : i32
        %add3A_797 = arith.constant 9 : i32
        %add3A_798 = arith.addi %mul3A_796, %add3A_797 : i32
        %get3A_799 = arith.index_cast %add3A_798 : i32 to index
        %get3A_800 = arith.constant 16 : index
        %get3A_801 = tpu.vector_load %arg9[%get3A_799, %get3A_800] {strides = array<i32>} : memref<64x64xf32, #tpu.memory_space<vmem>>, vector<1x16xf32>,
        %get3A_802 = vector.shape_cast %get3A_801 : vector<1x16xf32> to vector<16xf32>
        %bitcast_convert_type3A_803 = tpu.bitcast %get3A_802 : vector<16xf32> -> vector<16xi32>
        %shift_left3A_804 = arith.shli %bitcast_convert_type3A_803, %broadcast_in_dim3A_103 : vector<16xi32>
        %bitcast_convert_type3A_805 = tpu.bitcast %shift_left3A_804 : vector<16xi32> -> vector<16xf32>
        %and3A_806 = arith.andi %bitcast_convert_type3A_803, %broadcast_in_dim3A_105 : vector<16xi32>
        %bitcast_convert_type3A_807 = tpu.bitcast %and3A_806 : vector<16xi32> -> vector<16xf32>
        %mul3A_808 = arith.mulf %get3A_549, %bitcast_convert_type3A_805 : vector<16xf32>
        %add3A_809 = arith.constant 1.000000e+00 : f32
        %add3A_810 = vector.broadcast %add3A_809 : f32 to vector<16xf32>
        %add3A_811 = arith.addf %add3A_810, %mul3A_808 : vector<16xf32>
        %bitcast_convert_type3A_812 = tpu.bitcast %add3A_811 : vector<16xf32> -> vector<16xi32>
        %sub3A_813 = arith.subi %broadcast_in_dim3A_101, %bitcast_convert_type3A_812 : vector<16xi32>
        %bitcast_convert_type3A_814 = tpu.bitcast %sub3A_813 : vector<16xi32> -> vector<16xf32>
        %mul3A_815 = arith.mulf %add3A_811, %bitcast_convert_type3A_814 : vector<16xf32>
        %sub3A_816 = arith.constant 2.000000e+00 : f32
        %sub3A_817 = vector.broadcast %sub3A_816 : f32 to vector<16xf32>
        %sub3A_818 = arith.subf %sub3A_817, %mul3A_815 : vector<16xf32>
        %mul3A_819 = arith.mulf %bitcast_convert_type3A_814, %sub3A_818 : vector<16xf32>
        %mul3A_820 = arith.mulf %bitcast_convert_type3A_807, %mul3A_819 : vector<16xf32>
        %add3A_821 = arith.addf %add3A_794, %mul3A_820 : vector<16xf32>
        %mul3A_822 = arith.constant 16 : i32
        %mul3A_823 = arith.muli %scan3A_99, %mul3A_822 : i32
        %add3A_824 = arith.constant 10 : i32
        %add3A_825 = arith.addi %mul3A_823, %add3A_824 : i32
        %get3A_826 = arith.index_cast %add3A_825 : i32 to index
        %get3A_827 = arith.constant 16 : index
        %get3A_828 = tpu.vector_load %arg9[%get3A_826, %get3A_827] {strides = array<i32>} : memref<64x64xf32, #tpu.memory_space<vmem>>, vector<1x16xf32>,
        %get3A_829 = vector.shape_cast %get3A_828 : vector<1x16xf32> to vector<16xf32>
        %bitcast_convert_type3A_830 = tpu.bitcast %get3A_829 : vector<16xf32> -> vector<16xi32>
        %shift_left3A_831 = arith.shli %bitcast_convert_type3A_830, %broadcast_in_dim3A_103 : vector<16xi32>
        %bitcast_convert_type3A_832 = tpu.bitcast %shift_left3A_831 : vector<16xi32> -> vector<16xf32>
        %and3A_833 = arith.andi %bitcast_convert_type3A_830, %broadcast_in_dim3A_105 : vector<16xi32>
        %bitcast_convert_type3A_834 = tpu.bitcast %and3A_833 : vector<16xi32> -> vector<16xf32>
        %mul3A_835 = arith.mulf %get3A_549, %bitcast_convert_type3A_832 : vector<16xf32>
        %add3A_836 = arith.constant 1.000000e+00 : f32
        %add3A_837 = vector.broadcast %add3A_836 : f32 to vector<16xf32>
        %add3A_838 = arith.addf %add3A_837, %mul3A_835 : vector<16xf32>
        %bitcast_convert_type3A_839 = tpu.bitcast %add3A_838 : vector<16xf32> -> vector<16xi32>
        %sub3A_840 = arith.subi %broadcast_in_dim3A_101, %bitcast_convert_type3A_839 : vector<16xi32>
        %bitcast_convert_type3A_841 = tpu.bitcast %sub3A_840 : vector<16xi32> -> vector<16xf32>
        %mul3A_842 = arith.mulf %add3A_838, %bitcast_convert_type3A_841 : vector<16xf32>
        %sub3A_843 = arith.constant 2.000000e+00 : f32
        %sub3A_844 = vector.broadcast %sub3A_843 : f32 to vector<16xf32>
        %sub3A_845 = arith.subf %sub3A_844, %mul3A_842 : vector<16xf32>
        %mul3A_846 = arith.mulf %bitcast_convert_type3A_841, %sub3A_845 : vector<16xf32>
        %mul3A_847 = arith.mulf %bitcast_convert_type3A_834, %mul3A_846 : vector<16xf32>
        %add3A_848 = arith.addf %add3A_821, %mul3A_847 : vector<16xf32>
        %mul3A_849 = arith.constant 16 : i32
        %mul3A_850 = arith.muli %scan3A_99, %mul3A_849 : i32
        %add3A_851 = arith.constant 11 : i32
        %add3A_852 = arith.addi %mul3A_850, %add3A_851 : i32
        %get3A_853 = arith.index_cast %add3A_852 : i32 to index
        %get3A_854 = arith.constant 16 : index
        %get3A_855 = tpu.vector_load %arg9[%get3A_853, %get3A_854] {strides = array<i32>} : memref<64x64xf32, #tpu.memory_space<vmem>>, vector<1x16xf32>,
        %get3A_856 = vector.shape_cast %get3A_855 : vector<1x16xf32> to vector<16xf32>
        %bitcast_convert_type3A_857 = tpu.bitcast %get3A_856 : vector<16xf32> -> vector<16xi32>
        %shift_left3A_858 = arith.shli %bitcast_convert_type3A_857, %broadcast_in_dim3A_103 : vector<16xi32>
        %bitcast_convert_type3A_859 = tpu.bitcast %shift_left3A_858 : vector<16xi32> -> vector<16xf32>
        %and3A_860 = arith.andi %bitcast_convert_type3A_857, %broadcast_in_dim3A_105 : vector<16xi32>
        %bitcast_convert_type3A_861 = tpu.bitcast %and3A_860 : vector<16xi32> -> vector<16xf32>
        %mul3A_862 = arith.mulf %get3A_549, %bitcast_convert_type3A_859 : vector<16xf32>
        %add3A_863 = arith.constant 1.000000e+00 : f32
        %add3A_864 = vector.broadcast %add3A_863 : f32 to vector<16xf32>
        %add3A_865 = arith.addf %add3A_864, %mul3A_862 : vector<16xf32>
        %bitcast_convert_type3A_866 = tpu.bitcast %add3A_865 : vector<16xf32> -> vector<16xi32>
        %sub3A_867 = arith.subi %broadcast_in_dim3A_101, %bitcast_convert_type3A_866 : vector<16xi32>
        %bitcast_convert_type3A_868 = tpu.bitcast %sub3A_867 : vector<16xi32> -> vector<16xf32>
        %mul3A_869 = arith.mulf %add3A_865, %bitcast_convert_type3A_868 : vector<16xf32>
        %sub3A_870 = arith.constant 2.000000e+00 : f32
        %sub3A_871 = vector.broadcast %sub3A_870 : f32 to vector<16xf32>
        %sub3A_872 = arith.subf %sub3A_871, %mul3A_869 : vector<16xf32>
        %mul3A_873 = arith.mulf %bitcast_convert_type3A_868, %sub3A_872 : vector<16xf32>
        %mul3A_874 = arith.mulf %bitcast_convert_type3A_861, %mul3A_873 : vector<16xf32>
        %add3A_875 = arith.addf %add3A_848, %mul3A_874 : vector<16xf32>
        %mul3A_876 = arith.constant 16 : i32
        %mul3A_877 = arith.muli %scan3A_99, %mul3A_876 : i32
        %add3A_878 = arith.constant 12 : i32
        %add3A_879 = arith.addi %mul3A_877, %add3A_878 : i32
        %get3A_880 = arith.index_cast %add3A_879 : i32 to index
        %get3A_881 = arith.constant 16 : index
        %get3A_882 = tpu.vector_load %arg9[%get3A_880, %get3A_881] {strides = array<i32>} : memref<64x64xf32, #tpu.memory_space<vmem>>, vector<1x16xf32>,
        %get3A_883 = vector.shape_cast %get3A_882 : vector<1x16xf32> to vector<16xf32>
        %bitcast_convert_type3A_884 = tpu.bitcast %get3A_883 : vector<16xf32> -> vector<16xi32>
        %shift_left3A_885 = arith.shli %bitcast_convert_type3A_884, %broadcast_in_dim3A_103 : vector<16xi32>
        %bitcast_convert_type3A_886 = tpu.bitcast %shift_left3A_885 : vector<16xi32> -> vector<16xf32>
        %and3A_887 = arith.andi %bitcast_convert_type3A_884, %broadcast_in_dim3A_105 : vector<16xi32>
        %bitcast_convert_type3A_888 = tpu.bitcast %and3A_887 : vector<16xi32> -> vector<16xf32>
        %mul3A_889 = arith.mulf %get3A_549, %bitcast_convert_type3A_886 : vector<16xf32>
        %add3A_890 = arith.constant 1.000000e+00 : f32
        %add3A_891 = vector.broadcast %add3A_890 : f32 to vector<16xf32>
        %add3A_892 = arith.addf %add3A_891, %mul3A_889 : vector<16xf32>
        %bitcast_convert_type3A_893 = tpu.bitcast %add3A_892 : vector<16xf32> -> vector<16xi32>
        %sub3A_894 = arith.subi %broadcast_in_dim3A_101, %bitcast_convert_type3A_893 : vector<16xi32>
        %bitcast_convert_type3A_895 = tpu.bitcast %sub3A_894 : vector<16xi32> -> vector<16xf32>
        %mul3A_896 = arith.mulf %add3A_892, %bitcast_convert_type3A_895 : vector<16xf32>
        %sub3A_897 = arith.constant 2.000000e+00 : f32
        %sub3A_898 = vector.broadcast %sub3A_897 : f32 to vector<16xf32>
        %sub3A_899 = arith.subf %sub3A_898, %mul3A_896 : vector<16xf32>
        %mul3A_900 = arith.mulf %bitcast_convert_type3A_895, %sub3A_899 : vector<16xf32>
        %mul3A_901 = arith.mulf %bitcast_convert_type3A_888, %mul3A_900 : vector<16xf32>
        %add3A_902 = arith.addf %add3A_875, %mul3A_901 : vector<16xf32>
        %mul3A_903 = arith.constant 16 : i32
        %mul3A_904 = arith.muli %scan3A_99, %mul3A_903 : i32
        %add3A_905 = arith.constant 13 : i32
        %add3A_906 = arith.addi %mul3A_904, %add3A_905 : i32
        %get3A_907 = arith.index_cast %add3A_906 : i32 to index
        %get3A_908 = arith.constant 16 : index
        %get3A_909 = tpu.vector_load %arg9[%get3A_907, %get3A_908] {strides = array<i32>} : memref<64x64xf32, #tpu.memory_space<vmem>>, vector<1x16xf32>,
        %get3A_910 = vector.shape_cast %get3A_909 : vector<1x16xf32> to vector<16xf32>
        %bitcast_convert_type3A_911 = tpu.bitcast %get3A_910 : vector<16xf32> -> vector<16xi32>
        %shift_left3A_912 = arith.shli %bitcast_convert_type3A_911, %broadcast_in_dim3A_103 : vector<16xi32>
        %bitcast_convert_type3A_913 = tpu.bitcast %shift_left3A_912 : vector<16xi32> -> vector<16xf32>
        %and3A_914 = arith.andi %bitcast_convert_type3A_911, %broadcast_in_dim3A_105 : vector<16xi32>
        %bitcast_convert_type3A_915 = tpu.bitcast %and3A_914 : vector<16xi32> -> vector<16xf32>
        %mul3A_916 = arith.mulf %get3A_549, %bitcast_convert_type3A_913 : vector<16xf32>
        %add3A_917 = arith.constant 1.000000e+00 : f32
        %add3A_918 = vector.broadcast %add3A_917 : f32 to vector<16xf32>
        %add3A_919 = arith.addf %add3A_918, %mul3A_916 : vector<16xf32>
        %bitcast_convert_type3A_920 = tpu.bitcast %add3A_919 : vector<16xf32> -> vector<16xi32>
        %sub3A_921 = arith.subi %broadcast_in_dim3A_101, %bitcast_convert_type3A_920 : vector<16xi32>
        %bitcast_convert_type3A_922 = tpu.bitcast %sub3A_921 : vector<16xi32> -> vector<16xf32>
        %mul3A_923 = arith.mulf %add3A_919, %bitcast_convert_type3A_922 : vector<16xf32>
        %sub3A_924 = arith.constant 2.000000e+00 : f32
        %sub3A_925 = vector.broadcast %sub3A_924 : f32 to vector<16xf32>
        %sub3A_926 = arith.subf %sub3A_925, %mul3A_923 : vector<16xf32>
        %mul3A_927 = arith.mulf %bitcast_convert_type3A_922, %sub3A_926 : vector<16xf32>
        %mul3A_928 = arith.mulf %bitcast_convert_type3A_915, %mul3A_927 : vector<16xf32>
        %add3A_929 = arith.addf %add3A_902, %mul3A_928 : vector<16xf32>
        %mul3A_930 = arith.constant 16 : i32
        %mul3A_931 = arith.muli %scan3A_99, %mul3A_930 : i32
        %add3A_932 = arith.constant 14 : i32
        %add3A_933 = arith.addi %mul3A_931, %add3A_932 : i32
        %get3A_934 = arith.index_cast %add3A_933 : i32 to index
        %get3A_935 = arith.constant 16 : index
        %get3A_936 = tpu.vector_load %arg9[%get3A_934, %get3A_935] {strides = array<i32>} : memref<64x64xf32, #tpu.memory_space<vmem>>, vector<1x16xf32>,
        %get3A_937 = vector.shape_cast %get3A_936 : vector<1x16xf32> to vector<16xf32>
        %bitcast_convert_type3A_938 = tpu.bitcast %get3A_937 : vector<16xf32> -> vector<16xi32>
        %shift_left3A_939 = arith.shli %bitcast_convert_type3A_938, %broadcast_in_dim3A_103 : vector<16xi32>
        %bitcast_convert_type3A_940 = tpu.bitcast %shift_left3A_939 : vector<16xi32> -> vector<16xf32>
        %and3A_941 = arith.andi %bitcast_convert_type3A_938, %broadcast_in_dim3A_105 : vector<16xi32>
        %bitcast_convert_type3A_942 = tpu.bitcast %and3A_941 : vector<16xi32> -> vector<16xf32>
        %mul3A_943 = arith.mulf %get3A_549, %bitcast_convert_type3A_940 : vector<16xf32>
        %add3A_944 = arith.constant 1.000000e+00 : f32
        %add3A_945 = vector.broadcast %add3A_944 : f32 to vector<16xf32>
        %add3A_946 = arith.addf %add3A_945, %mul3A_943 : vector<16xf32>
        %bitcast_convert_type3A_947 = tpu.bitcast %add3A_946 : vector<16xf32> -> vector<16xi32>
        %sub3A_948 = arith.subi %broadcast_in_dim3A_101, %bitcast_convert_type3A_947 : vector<16xi32>
        %bitcast_convert_type3A_949 = tpu.bitcast %sub3A_948 : vector<16xi32> -> vector<16xf32>
        %mul3A_950 = arith.mulf %add3A_946, %bitcast_convert_type3A_949 : vector<16xf32>
        %sub3A_951 = arith.constant 2.000000e+00 : f32
        %sub3A_952 = vector.broadcast %sub3A_951 : f32 to vector<16xf32>
        %sub3A_953 = arith.subf %sub3A_952, %mul3A_950 : vector<16xf32>
        %mul3A_954 = arith.mulf %bitcast_convert_type3A_949, %sub3A_953 : vector<16xf32>
        %mul3A_955 = arith.mulf %bitcast_convert_type3A_942, %mul3A_954 : vector<16xf32>
        %add3A_956 = arith.addf %add3A_929, %mul3A_955 : vector<16xf32>
        %mul3A_957 = arith.constant 16 : i32
        %mul3A_958 = arith.muli %scan3A_99, %mul3A_957 : i32
        %add3A_959 = arith.constant 15 : i32
        %add3A_960 = arith.addi %mul3A_958, %add3A_959 : i32
        %get3A_961 = arith.index_cast %add3A_960 : i32 to index
        %get3A_962 = arith.constant 16 : index
        %get3A_963 = tpu.vector_load %arg9[%get3A_961, %get3A_962] {strides = array<i32>} : memref<64x64xf32, #tpu.memory_space<vmem>>, vector<1x16xf32>,
        %get3A_964 = vector.shape_cast %get3A_963 : vector<1x16xf32> to vector<16xf32>
        %bitcast_convert_type3A_965 = tpu.bitcast %get3A_964 : vector<16xf32> -> vector<16xi32>
        %shift_left3A_966 = arith.shli %bitcast_convert_type3A_965, %broadcast_in_dim3A_103 : vector<16xi32>
        %bitcast_convert_type3A_967 = tpu.bitcast %shift_left3A_966 : vector<16xi32> -> vector<16xf32>
        %and3A_968 = arith.andi %bitcast_convert_type3A_965, %broadcast_in_dim3A_105 : vector<16xi32>
        %bitcast_convert_type3A_969 = tpu.bitcast %and3A_968 : vector<16xi32> -> vector<16xf32>
        %mul3A_970 = arith.mulf %get3A_549, %bitcast_convert_type3A_967 : vector<16xf32>
        %add3A_971 = arith.constant 1.000000e+00 : f32
        %add3A_972 = vector.broadcast %add3A_971 : f32 to vector<16xf32>
        %add3A_973 = arith.addf %add3A_972, %mul3A_970 : vector<16xf32>
        %bitcast_convert_type3A_974 = tpu.bitcast %add3A_973 : vector<16xf32> -> vector<16xi32>
        %sub3A_975 = arith.subi %broadcast_in_dim3A_101, %bitcast_convert_type3A_974 : vector<16xi32>
        %bitcast_convert_type3A_976 = tpu.bitcast %sub3A_975 : vector<16xi32> -> vector<16xf32>
        %mul3A_977 = arith.mulf %add3A_973, %bitcast_convert_type3A_976 : vector<16xf32>
        %sub3A_978 = arith.constant 2.000000e+00 : f32
        %sub3A_979 = vector.broadcast %sub3A_978 : f32 to vector<16xf32>
        %sub3A_980 = arith.subf %sub3A_979, %mul3A_977 : vector<16xf32>
        %mul3A_981 = arith.mulf %bitcast_convert_type3A_976, %sub3A_980 : vector<16xf32>
        %mul3A_982 = arith.mulf %bitcast_convert_type3A_969, %mul3A_981 : vector<16xf32>
        %add3A_983 = arith.addf %add3A_956, %mul3A_982 : vector<16xf32>
        %swap3A_984 = arith.index_cast %scan3A_99 : i32 to index
        %swap3A_985 = arith.constant 16 : index
        %swap3A_986 = tpu.vector_load %arg11[%swap3A_984, %swap3A_985] {strides = array<i32>} : memref<4x64xf32, #tpu.memory_space<vmem>>, vector<1x16xf32>,
        %swap3A_987 = vector.shape_cast %swap3A_986 : vector<1x16xf32> to vector<16xf32>
        %swap3A_988 = vector.shape_cast %add3A_983 : vector<16xf32> to vector<1x16xf32>
        tpu.vector_store %arg11[%swap3A_984, %swap3A_985], %swap3A_988 {strides = array<i32>} : memref<4x64xf32, #tpu.memory_space<vmem>>, vector<1x16xf32>,
        %get3A_989 = arith.index_cast %add3A_108 : i32 to index
        %get3A_990 = arith.constant 32 : index
        %get3A_991 = tpu.vector_load %arg8[%get3A_989, %get3A_990] {strides = array<i32>} : memref<320x64xf32, #tpu.memory_space<vmem>>, vector<1x16xf32>,
        %get3A_992 = vector.shape_cast %get3A_991 : vector<1x16xf32> to vector<16xf32>
        %broadcast_in_dim3A_993 = arith.constant 0.000000e+00 : f32
        %broadcast_in_dim3A_994 = vector.broadcast %broadcast_in_dim3A_993 : f32 to vector<16xf32>
        %mul3A_995 = arith.constant 16 : i32
        %mul3A_996 = arith.muli %scan3A_99, %mul3A_995 : i32
        %add3A_997 = arith.constant 0 : i32
        %add3A_998 = arith.addi %mul3A_996, %add3A_997 : i32
        %get3A_999 = arith.index_cast %add3A_998 : i32 to index
        %get3A_1000 = arith.constant 32 : index
        %get3A_1001 = tpu.vector_load %arg9[%get3A_999, %get3A_1000] {strides = array<i32>} : memref<64x64xf32, #tpu.memory_space<vmem>>, vector<1x16xf32>,
        %get3A_1002 = vector.shape_cast %get3A_1001 : vector<1x16xf32> to vector<16xf32>
        %bitcast_convert_type3A_1003 = tpu.bitcast %get3A_1002 : vector<16xf32> -> vector<16xi32>
        %shift_left3A_1004 = arith.shli %bitcast_convert_type3A_1003, %broadcast_in_dim3A_103 : vector<16xi32>
        %bitcast_convert_type3A_1005 = tpu.bitcast %shift_left3A_1004 : vector<16xi32> -> vector<16xf32>
        %and3A_1006 = arith.andi %bitcast_convert_type3A_1003, %broadcast_in_dim3A_105 : vector<16xi32>
        %bitcast_convert_type3A_1007 = tpu.bitcast %and3A_1006 : vector<16xi32> -> vector<16xf32>
        %mul3A_1008 = arith.mulf %get3A_992, %bitcast_convert_type3A_1005 : vector<16xf32>
        %add3A_1009 = arith.constant 1.000000e+00 : f32
        %add3A_1010 = vector.broadcast %add3A_1009 : f32 to vector<16xf32>
        %add3A_1011 = arith.addf %add3A_1010, %mul3A_1008 : vector<16xf32>
        %bitcast_convert_type3A_1012 = tpu.bitcast %add3A_1011 : vector<16xf32> -> vector<16xi32>
        %sub3A_1013 = arith.subi %broadcast_in_dim3A_101, %bitcast_convert_type3A_1012 : vector<16xi32>
        %bitcast_convert_type3A_1014 = tpu.bitcast %sub3A_1013 : vector<16xi32> -> vector<16xf32>
        %mul3A_1015 = arith.mulf %add3A_1011, %bitcast_convert_type3A_1014 : vector<16xf32>
        %sub3A_1016 = arith.constant 2.000000e+00 : f32
        %sub3A_1017 = vector.broadcast %sub3A_1016 : f32 to vector<16xf32>
        %sub3A_1018 = arith.subf %sub3A_1017, %mul3A_1015 : vector<16xf32>
        %mul3A_1019 = arith.mulf %bitcast_convert_type3A_1014, %sub3A_1018 : vector<16xf32>
        %mul3A_1020 = arith.mulf %bitcast_convert_type3A_1007, %mul3A_1019 : vector<16xf32>
        %add3A_1021 = arith.addf %broadcast_in_dim3A_994, %mul3A_1020 : vector<16xf32>
        %mul3A_1022 = arith.constant 16 : i32
        %mul3A_1023 = arith.muli %scan3A_99, %mul3A_1022 : i32
        %add3A_1024 = arith.constant 1 : i32
        %add3A_1025 = arith.addi %mul3A_1023, %add3A_1024 : i32
        %get3A_1026 = arith.index_cast %add3A_1025 : i32 to index
        %get3A_1027 = arith.constant 32 : index
        %get3A_1028 = tpu.vector_load %arg9[%get3A_1026, %get3A_1027] {strides = array<i32>} : memref<64x64xf32, #tpu.memory_space<vmem>>, vector<1x16xf32>,
        %get3A_1029 = vector.shape_cast %get3A_1028 : vector<1x16xf32> to vector<16xf32>
        %bitcast_convert_type3A_1030 = tpu.bitcast %get3A_1029 : vector<16xf32> -> vector<16xi32>
        %shift_left3A_1031 = arith.shli %bitcast_convert_type3A_1030, %broadcast_in_dim3A_103 : vector<16xi32>
        %bitcast_convert_type3A_1032 = tpu.bitcast %shift_left3A_1031 : vector<16xi32> -> vector<16xf32>
        %and3A_1033 = arith.andi %bitcast_convert_type3A_1030, %broadcast_in_dim3A_105 : vector<16xi32>
        %bitcast_convert_type3A_1034 = tpu.bitcast %and3A_1033 : vector<16xi32> -> vector<16xf32>
        %mul3A_1035 = arith.mulf %get3A_992, %bitcast_convert_type3A_1032 : vector<16xf32>
        %add3A_1036 = arith.constant 1.000000e+00 : f32
        %add3A_1037 = vector.broadcast %add3A_1036 : f32 to vector<16xf32>
        %add3A_1038 = arith.addf %add3A_1037, %mul3A_1035 : vector<16xf32>
        %bitcast_convert_type3A_1039 = tpu.bitcast %add3A_1038 : vector<16xf32> -> vector<16xi32>
        %sub3A_1040 = arith.subi %broadcast_in_dim3A_101, %bitcast_convert_type3A_1039 : vector<16xi32>
        %bitcast_convert_type3A_1041 = tpu.bitcast %sub3A_1040 : vector<16xi32> -> vector<16xf32>
        %mul3A_1042 = arith.mulf %add3A_1038, %bitcast_convert_type3A_1041 : vector<16xf32>
        %sub3A_1043 = arith.constant 2.000000e+00 : f32
        %sub3A_1044 = vector.broadcast %sub3A_1043 : f32 to vector<16xf32>
        %sub3A_1045 = arith.subf %sub3A_1044, %mul3A_1042 : vector<16xf32>
        %mul3A_1046 = arith.mulf %bitcast_convert_type3A_1041, %sub3A_1045 : vector<16xf32>
        %mul3A_1047 = arith.mulf %bitcast_convert_type3A_1034, %mul3A_1046 : vector<16xf32>
        %add3A_1048 = arith.addf %add3A_1021, %mul3A_1047 : vector<16xf32>
        %mul3A_1049 = arith.constant 16 : i32
        %mul3A_1050 = arith.muli %scan3A_99, %mul3A_1049 : i32
        %add3A_1051 = arith.constant 2 : i32
        %add3A_1052 = arith.addi %mul3A_1050, %add3A_1051 : i32
        %get3A_1053 = arith.index_cast %add3A_1052 : i32 to index
        %get3A_1054 = arith.constant 32 : index
        %get3A_1055 = tpu.vector_load %arg9[%get3A_1053, %get3A_1054] {strides = array<i32>} : memref<64x64xf32, #tpu.memory_space<vmem>>, vector<1x16xf32>,
        %get3A_1056 = vector.shape_cast %get3A_1055 : vector<1x16xf32> to vector<16xf32>
        %bitcast_convert_type3A_1057 = tpu.bitcast %get3A_1056 : vector<16xf32> -> vector<16xi32>
        %shift_left3A_1058 = arith.shli %bitcast_convert_type3A_1057, %broadcast_in_dim3A_103 : vector<16xi32>
        %bitcast_convert_type3A_1059 = tpu.bitcast %shift_left3A_1058 : vector<16xi32> -> vector<16xf32>
        %and3A_1060 = arith.andi %bitcast_convert_type3A_1057, %broadcast_in_dim3A_105 : vector<16xi32>
        %bitcast_convert_type3A_1061 = tpu.bitcast %and3A_1060 : vector<16xi32> -> vector<16xf32>
        %mul3A_1062 = arith.mulf %get3A_992, %bitcast_convert_type3A_1059 : vector<16xf32>
        %add3A_1063 = arith.constant 1.000000e+00 : f32
        %add3A_1064 = vector.broadcast %add3A_1063 : f32 to vector<16xf32>
        %add3A_1065 = arith.addf %add3A_1064, %mul3A_1062 : vector<16xf32>
        %bitcast_convert_type3A_1066 = tpu.bitcast %add3A_1065 : vector<16xf32> -> vector<16xi32>
        %sub3A_1067 = arith.subi %broadcast_in_dim3A_101, %bitcast_convert_type3A_1066 : vector<16xi32>
        %bitcast_convert_type3A_1068 = tpu.bitcast %sub3A_1067 : vector<16xi32> -> vector<16xf32>
        %mul3A_1069 = arith.mulf %add3A_1065, %bitcast_convert_type3A_1068 : vector<16xf32>
        %sub3A_1070 = arith.constant 2.000000e+00 : f32
        %sub3A_1071 = vector.broadcast %sub3A_1070 : f32 to vector<16xf32>
        %sub3A_1072 = arith.subf %sub3A_1071, %mul3A_1069 : vector<16xf32>
        %mul3A_1073 = arith.mulf %bitcast_convert_type3A_1068, %sub3A_1072 : vector<16xf32>
        %mul3A_1074 = arith.mulf %bitcast_convert_type3A_1061, %mul3A_1073 : vector<16xf32>
        %add3A_1075 = arith.addf %add3A_1048, %mul3A_1074 : vector<16xf32>
        %mul3A_1076 = arith.constant 16 : i32
        %mul3A_1077 = arith.muli %scan3A_99, %mul3A_1076 : i32
        %add3A_1078 = arith.constant 3 : i32
        %add3A_1079 = arith.addi %mul3A_1077, %add3A_1078 : i32
        %get3A_1080 = arith.index_cast %add3A_1079 : i32 to index
        %get3A_1081 = arith.constant 32 : index
        %get3A_1082 = tpu.vector_load %arg9[%get3A_1080, %get3A_1081] {strides = array<i32>} : memref<64x64xf32, #tpu.memory_space<vmem>>, vector<1x16xf32>,
        %get3A_1083 = vector.shape_cast %get3A_1082 : vector<1x16xf32> to vector<16xf32>
        %bitcast_convert_type3A_1084 = tpu.bitcast %get3A_1083 : vector<16xf32> -> vector<16xi32>
        %shift_left3A_1085 = arith.shli %bitcast_convert_type3A_1084, %broadcast_in_dim3A_103 : vector<16xi32>
        %bitcast_convert_type3A_1086 = tpu.bitcast %shift_left3A_1085 : vector<16xi32> -> vector<16xf32>
        %and3A_1087 = arith.andi %bitcast_convert_type3A_1084, %broadcast_in_dim3A_105 : vector<16xi32>
        %bitcast_convert_type3A_1088 = tpu.bitcast %and3A_1087 : vector<16xi32> -> vector<16xf32>
        %mul3A_1089 = arith.mulf %get3A_992, %bitcast_convert_type3A_1086 : vector<16xf32>
        %add3A_1090 = arith.constant 1.000000e+00 : f32
        %add3A_1091 = vector.broadcast %add3A_1090 : f32 to vector<16xf32>
        %add3A_1092 = arith.addf %add3A_1091, %mul3A_1089 : vector<16xf32>
        %bitcast_convert_type3A_1093 = tpu.bitcast %add3A_1092 : vector<16xf32> -> vector<16xi32>
        %sub3A_1094 = arith.subi %broadcast_in_dim3A_101, %bitcast_convert_type3A_1093 : vector<16xi32>
        %bitcast_convert_type3A_1095 = tpu.bitcast %sub3A_1094 : vector<16xi32> -> vector<16xf32>
        %mul3A_1096 = arith.mulf %add3A_1092, %bitcast_convert_type3A_1095 : vector<16xf32>
        %sub3A_1097 = arith.constant 2.000000e+00 : f32
        %sub3A_1098 = vector.broadcast %sub3A_1097 : f32 to vector<16xf32>
        %sub3A_1099 = arith.subf %sub3A_1098, %mul3A_1096 : vector<16xf32>
        %mul3A_1100 = arith.mulf %bitcast_convert_type3A_1095, %sub3A_1099 : vector<16xf32>
        %mul3A_1101 = arith.mulf %bitcast_convert_type3A_1088, %mul3A_1100 : vector<16xf32>
        %add3A_1102 = arith.addf %add3A_1075, %mul3A_1101 : vector<16xf32>
        %mul3A_1103 = arith.constant 16 : i32
        %mul3A_1104 = arith.muli %scan3A_99, %mul3A_1103 : i32
        %add3A_1105 = arith.constant 4 : i32
        %add3A_1106 = arith.addi %mul3A_1104, %add3A_1105 : i32
        %get3A_1107 = arith.index_cast %add3A_1106 : i32 to index
        %get3A_1108 = arith.constant 32 : index
        %get3A_1109 = tpu.vector_load %arg9[%get3A_1107, %get3A_1108] {strides = array<i32>} : memref<64x64xf32, #tpu.memory_space<vmem>>, vector<1x16xf32>,
        %get3A_1110 = vector.shape_cast %get3A_1109 : vector<1x16xf32> to vector<16xf32>
        %bitcast_convert_type3A_1111 = tpu.bitcast %get3A_1110 : vector<16xf32> -> vector<16xi32>
        %shift_left3A_1112 = arith.shli %bitcast_convert_type3A_1111, %broadcast_in_dim3A_103 : vector<16xi32>
        %bitcast_convert_type3A_1113 = tpu.bitcast %shift_left3A_1112 : vector<16xi32> -> vector<16xf32>
        %and3A_1114 = arith.andi %bitcast_convert_type3A_1111, %broadcast_in_dim3A_105 : vector<16xi32>
        %bitcast_convert_type3A_1115 = tpu.bitcast %and3A_1114 : vector<16xi32> -> vector<16xf32>
        %mul3A_1116 = arith.mulf %get3A_992, %bitcast_convert_type3A_1113 : vector<16xf32>
        %add3A_1117 = arith.constant 1.000000e+00 : f32
        %add3A_1118 = vector.broadcast %add3A_1117 : f32 to vector<16xf32>
        %add3A_1119 = arith.addf %add3A_1118, %mul3A_1116 : vector<16xf32>
        %bitcast_convert_type3A_1120 = tpu.bitcast %add3A_1119 : vector<16xf32> -> vector<16xi32>
        %sub3A_1121 = arith.subi %broadcast_in_dim3A_101, %bitcast_convert_type3A_1120 : vector<16xi32>
        %bitcast_convert_type3A_1122 = tpu.bitcast %sub3A_1121 : vector<16xi32> -> vector<16xf32>
        %mul3A_1123 = arith.mulf %add3A_1119, %bitcast_convert_type3A_1122 : vector<16xf32>
        %sub3A_1124 = arith.constant 2.000000e+00 : f32
        %sub3A_1125 = vector.broadcast %sub3A_1124 : f32 to vector<16xf32>
        %sub3A_1126 = arith.subf %sub3A_1125, %mul3A_1123 : vector<16xf32>
        %mul3A_1127 = arith.mulf %bitcast_convert_type3A_1122, %sub3A_1126 : vector<16xf32>
        %mul3A_1128 = arith.mulf %bitcast_convert_type3A_1115, %mul3A_1127 : vector<16xf32>
        %add3A_1129 = arith.addf %add3A_1102, %mul3A_1128 : vector<16xf32>
        %mul3A_1130 = arith.constant 16 : i32
        %mul3A_1131 = arith.muli %scan3A_99, %mul3A_1130 : i32
        %add3A_1132 = arith.constant 5 : i32
        %add3A_1133 = arith.addi %mul3A_1131, %add3A_1132 : i32
        %get3A_1134 = arith.index_cast %add3A_1133 : i32 to index
        %get3A_1135 = arith.constant 32 : index
        %get3A_1136 = tpu.vector_load %arg9[%get3A_1134, %get3A_1135] {strides = array<i32>} : memref<64x64xf32, #tpu.memory_space<vmem>>, vector<1x16xf32>,
        %get3A_1137 = vector.shape_cast %get3A_1136 : vector<1x16xf32> to vector<16xf32>
        %bitcast_convert_type3A_1138 = tpu.bitcast %get3A_1137 : vector<16xf32> -> vector<16xi32>
        %shift_left3A_1139 = arith.shli %bitcast_convert_type3A_1138, %broadcast_in_dim3A_103 : vector<16xi32>
        %bitcast_convert_type3A_1140 = tpu.bitcast %shift_left3A_1139 : vector<16xi32> -> vector<16xf32>
        %and3A_1141 = arith.andi %bitcast_convert_type3A_1138, %broadcast_in_dim3A_105 : vector<16xi32>
        %bitcast_convert_type3A_1142 = tpu.bitcast %and3A_1141 : vector<16xi32> -> vector<16xf32>
        %mul3A_1143 = arith.mulf %get3A_992, %bitcast_convert_type3A_1140 : vector<16xf32>
        %add3A_1144 = arith.constant 1.000000e+00 : f32
        %add3A_1145 = vector.broadcast %add3A_1144 : f32 to vector<16xf32>
        %add3A_1146 = arith.addf %add3A_1145, %mul3A_1143 : vector<16xf32>
        %bitcast_convert_type3A_1147 = tpu.bitcast %add3A_1146 : vector<16xf32> -> vector<16xi32>
        %sub3A_1148 = arith.subi %broadcast_in_dim3A_101, %bitcast_convert_type3A_1147 : vector<16xi32>
        %bitcast_convert_type3A_1149 = tpu.bitcast %sub3A_1148 : vector<16xi32> -> vector<16xf32>
        %mul3A_1150 = arith.mulf %add3A_1146, %bitcast_convert_type3A_1149 : vector<16xf32>
        %sub3A_1151 = arith.constant 2.000000e+00 : f32
        %sub3A_1152 = vector.broadcast %sub3A_1151 : f32 to vector<16xf32>
        %sub3A_1153 = arith.subf %sub3A_1152, %mul3A_1150 : vector<16xf32>
        %mul3A_1154 = arith.mulf %bitcast_convert_type3A_1149, %sub3A_1153 : vector<16xf32>
        %mul3A_1155 = arith.mulf %bitcast_convert_type3A_1142, %mul3A_1154 : vector<16xf32>
        %add3A_1156 = arith.addf %add3A_1129, %mul3A_1155 : vector<16xf32>
        %mul3A_1157 = arith.constant 16 : i32
        %mul3A_1158 = arith.muli %scan3A_99, %mul3A_1157 : i32
        %add3A_1159 = arith.constant 6 : i32
        %add3A_1160 = arith.addi %mul3A_1158, %add3A_1159 : i32
        %get3A_1161 = arith.index_cast %add3A_1160 : i32 to index
        %get3A_1162 = arith.constant 32 : index
        %get3A_1163 = tpu.vector_load %arg9[%get3A_1161, %get3A_1162] {strides = array<i32>} : memref<64x64xf32, #tpu.memory_space<vmem>>, vector<1x16xf32>,
        %get3A_1164 = vector.shape_cast %get3A_1163 : vector<1x16xf32> to vector<16xf32>
        %bitcast_convert_type3A_1165 = tpu.bitcast %get3A_1164 : vector<16xf32> -> vector<16xi32>
        %shift_left3A_1166 = arith.shli %bitcast_convert_type3A_1165, %broadcast_in_dim3A_103 : vector<16xi32>
        %bitcast_convert_type3A_1167 = tpu.bitcast %shift_left3A_1166 : vector<16xi32> -> vector<16xf32>
        %and3A_1168 = arith.andi %bitcast_convert_type3A_1165, %broadcast_in_dim3A_105 : vector<16xi32>
        %bitcast_convert_type3A_1169 = tpu.bitcast %and3A_1168 : vector<16xi32> -> vector<16xf32>
        %mul3A_1170 = arith.mulf %get3A_992, %bitcast_convert_type3A_1167 : vector<16xf32>
        %add3A_1171 = arith.constant 1.000000e+00 : f32
        %add3A_1172 = vector.broadcast %add3A_1171 : f32 to vector<16xf32>
        %add3A_1173 = arith.addf %add3A_1172, %mul3A_1170 : vector<16xf32>
        %bitcast_convert_type3A_1174 = tpu.bitcast %add3A_1173 : vector<16xf32> -> vector<16xi32>
        %sub3A_1175 = arith.subi %broadcast_in_dim3A_101, %bitcast_convert_type3A_1174 : vector<16xi32>
        %bitcast_convert_type3A_1176 = tpu.bitcast %sub3A_1175 : vector<16xi32> -> vector<16xf32>
        %mul3A_1177 = arith.mulf %add3A_1173, %bitcast_convert_type3A_1176 : vector<16xf32>
        %sub3A_1178 = arith.constant 2.000000e+00 : f32
        %sub3A_1179 = vector.broadcast %sub3A_1178 : f32 to vector<16xf32>
        %sub3A_1180 = arith.subf %sub3A_1179, %mul3A_1177 : vector<16xf32>
        %mul3A_1181 = arith.mulf %bitcast_convert_type3A_1176, %sub3A_1180 : vector<16xf32>
        %mul3A_1182 = arith.mulf %bitcast_convert_type3A_1169, %mul3A_1181 : vector<16xf32>
        %add3A_1183 = arith.addf %add3A_1156, %mul3A_1182 : vector<16xf32>
        %mul3A_1184 = arith.constant 16 : i32
        %mul3A_1185 = arith.muli %scan3A_99, %mul3A_1184 : i32
        %add3A_1186 = arith.constant 7 : i32
        %add3A_1187 = arith.addi %mul3A_1185, %add3A_1186 : i32
        %get3A_1188 = arith.index_cast %add3A_1187 : i32 to index
        %get3A_1189 = arith.constant 32 : index
        %get3A_1190 = tpu.vector_load %arg9[%get3A_1188, %get3A_1189] {strides = array<i32>} : memref<64x64xf32, #tpu.memory_space<vmem>>, vector<1x16xf32>,
        %get3A_1191 = vector.shape_cast %get3A_1190 : vector<1x16xf32> to vector<16xf32>
        %bitcast_convert_type3A_1192 = tpu.bitcast %get3A_1191 : vector<16xf32> -> vector<16xi32>
        %shift_left3A_1193 = arith.shli %bitcast_convert_type3A_1192, %broadcast_in_dim3A_103 : vector<16xi32>
        %bitcast_convert_type3A_1194 = tpu.bitcast %shift_left3A_1193 : vector<16xi32> -> vector<16xf32>
        %and3A_1195 = arith.andi %bitcast_convert_type3A_1192, %broadcast_in_dim3A_105 : vector<16xi32>
        %bitcast_convert_type3A_1196 = tpu.bitcast %and3A_1195 : vector<16xi32> -> vector<16xf32>
        %mul3A_1197 = arith.mulf %get3A_992, %bitcast_convert_type3A_1194 : vector<16xf32>
        %add3A_1198 = arith.constant 1.000000e+00 : f32
        %add3A_1199 = vector.broadcast %add3A_1198 : f32 to vector<16xf32>
        %add3A_1200 = arith.addf %add3A_1199, %mul3A_1197 : vector<16xf32>
        %bitcast_convert_type3A_1201 = tpu.bitcast %add3A_1200 : vector<16xf32> -> vector<16xi32>
        %sub3A_1202 = arith.subi %broadcast_in_dim3A_101, %bitcast_convert_type3A_1201 : vector<16xi32>
        %bitcast_convert_type3A_1203 = tpu.bitcast %sub3A_1202 : vector<16xi32> -> vector<16xf32>
        %mul3A_1204 = arith.mulf %add3A_1200, %bitcast_convert_type3A_1203 : vector<16xf32>
        %sub3A_1205 = arith.constant 2.000000e+00 : f32
        %sub3A_1206 = vector.broadcast %sub3A_1205 : f32 to vector<16xf32>
        %sub3A_1207 = arith.subf %sub3A_1206, %mul3A_1204 : vector<16xf32>
        %mul3A_1208 = arith.mulf %bitcast_convert_type3A_1203, %sub3A_1207 : vector<16xf32>
        %mul3A_1209 = arith.mulf %bitcast_convert_type3A_1196, %mul3A_1208 : vector<16xf32>
        %add3A_1210 = arith.addf %add3A_1183, %mul3A_1209 : vector<16xf32>
        %mul3A_1211 = arith.constant 16 : i32
        %mul3A_1212 = arith.muli %scan3A_99, %mul3A_1211 : i32
        %add3A_1213 = arith.constant 8 : i32
        %add3A_1214 = arith.addi %mul3A_1212, %add3A_1213 : i32
        %get3A_1215 = arith.index_cast %add3A_1214 : i32 to index
        %get3A_1216 = arith.constant 32 : index
        %get3A_1217 = tpu.vector_load %arg9[%get3A_1215, %get3A_1216] {strides = array<i32>} : memref<64x64xf32, #tpu.memory_space<vmem>>, vector<1x16xf32>,
        %get3A_1218 = vector.shape_cast %get3A_1217 : vector<1x16xf32> to vector<16xf32>
        %bitcast_convert_type3A_1219 = tpu.bitcast %get3A_1218 : vector<16xf32> -> vector<16xi32>
        %shift_left3A_1220 = arith.shli %bitcast_convert_type3A_1219, %broadcast_in_dim3A_103 : vector<16xi32>
        %bitcast_convert_type3A_1221 = tpu.bitcast %shift_left3A_1220 : vector<16xi32> -> vector<16xf32>
        %and3A_1222 = arith.andi %bitcast_convert_type3A_1219, %broadcast_in_dim3A_105 : vector<16xi32>
        %bitcast_convert_type3A_1223 = tpu.bitcast %and3A_1222 : vector<16xi32> -> vector<16xf32>
        %mul3A_1224 = arith.mulf %get3A_992, %bitcast_convert_type3A_1221 : vector<16xf32>
        %add3A_1225 = arith.constant 1.000000e+00 : f32
        %add3A_1226 = vector.broadcast %add3A_1225 : f32 to vector<16xf32>
        %add3A_1227 = arith.addf %add3A_1226, %mul3A_1224 : vector<16xf32>
        %bitcast_convert_type3A_1228 = tpu.bitcast %add3A_1227 : vector<16xf32> -> vector<16xi32>
        %sub3A_1229 = arith.subi %broadcast_in_dim3A_101, %bitcast_convert_type3A_1228 : vector<16xi32>
        %bitcast_convert_type3A_1230 = tpu.bitcast %sub3A_1229 : vector<16xi32> -> vector<16xf32>
        %mul3A_1231 = arith.mulf %add3A_1227, %bitcast_convert_type3A_1230 : vector<16xf32>
        %sub3A_1232 = arith.constant 2.000000e+00 : f32
        %sub3A_1233 = vector.broadcast %sub3A_1232 : f32 to vector<16xf32>
        %sub3A_1234 = arith.subf %sub3A_1233, %mul3A_1231 : vector<16xf32>
        %mul3A_1235 = arith.mulf %bitcast_convert_type3A_1230, %sub3A_1234 : vector<16xf32>
        %mul3A_1236 = arith.mulf %bitcast_convert_type3A_1223, %mul3A_1235 : vector<16xf32>
        %add3A_1237 = arith.addf %add3A_1210, %mul3A_1236 : vector<16xf32>
        %mul3A_1238 = arith.constant 16 : i32
        %mul3A_1239 = arith.muli %scan3A_99, %mul3A_1238 : i32
        %add3A_1240 = arith.constant 9 : i32
        %add3A_1241 = arith.addi %mul3A_1239, %add3A_1240 : i32
        %get3A_1242 = arith.index_cast %add3A_1241 : i32 to index
        %get3A_1243 = arith.constant 32 : index
        %get3A_1244 = tpu.vector_load %arg9[%get3A_1242, %get3A_1243] {strides = array<i32>} : memref<64x64xf32, #tpu.memory_space<vmem>>, vector<1x16xf32>,
        %get3A_1245 = vector.shape_cast %get3A_1244 : vector<1x16xf32> to vector<16xf32>
        %bitcast_convert_type3A_1246 = tpu.bitcast %get3A_1245 : vector<16xf32> -> vector<16xi32>
        %shift_left3A_1247 = arith.shli %bitcast_convert_type3A_1246, %broadcast_in_dim3A_103 : vector<16xi32>
        %bitcast_convert_type3A_1248 = tpu.bitcast %shift_left3A_1247 : vector<16xi32> -> vector<16xf32>
        %and3A_1249 = arith.andi %bitcast_convert_type3A_1246, %broadcast_in_dim3A_105 : vector<16xi32>
        %bitcast_convert_type3A_1250 = tpu.bitcast %and3A_1249 : vector<16xi32> -> vector<16xf32>
        %mul3A_1251 = arith.mulf %get3A_992, %bitcast_convert_type3A_1248 : vector<16xf32>
        %add3A_1252 = arith.constant 1.000000e+00 : f32
        %add3A_1253 = vector.broadcast %add3A_1252 : f32 to vector<16xf32>
        %add3A_1254 = arith.addf %add3A_1253, %mul3A_1251 : vector<16xf32>
        %bitcast_convert_type3A_1255 = tpu.bitcast %add3A_1254 : vector<16xf32> -> vector<16xi32>
        %sub3A_1256 = arith.subi %broadcast_in_dim3A_101, %bitcast_convert_type3A_1255 : vector<16xi32>
        %bitcast_convert_type3A_1257 = tpu.bitcast %sub3A_1256 : vector<16xi32> -> vector<16xf32>
        %mul3A_1258 = arith.mulf %add3A_1254, %bitcast_convert_type3A_1257 : vector<16xf32>
        %sub3A_1259 = arith.constant 2.000000e+00 : f32
        %sub3A_1260 = vector.broadcast %sub3A_1259 : f32 to vector<16xf32>
        %sub3A_1261 = arith.subf %sub3A_1260, %mul3A_1258 : vector<16xf32>
        %mul3A_1262 = arith.mulf %bitcast_convert_type3A_1257, %sub3A_1261 : vector<16xf32>
        %mul3A_1263 = arith.mulf %bitcast_convert_type3A_1250, %mul3A_1262 : vector<16xf32>
        %add3A_1264 = arith.addf %add3A_1237, %mul3A_1263 : vector<16xf32>
        %mul3A_1265 = arith.constant 16 : i32
        %mul3A_1266 = arith.muli %scan3A_99, %mul3A_1265 : i32
        %add3A_1267 = arith.constant 10 : i32
        %add3A_1268 = arith.addi %mul3A_1266, %add3A_1267 : i32
        %get3A_1269 = arith.index_cast %add3A_1268 : i32 to index
        %get3A_1270 = arith.constant 32 : index
        %get3A_1271 = tpu.vector_load %arg9[%get3A_1269, %get3A_1270] {strides = array<i32>} : memref<64x64xf32, #tpu.memory_space<vmem>>, vector<1x16xf32>,
        %get3A_1272 = vector.shape_cast %get3A_1271 : vector<1x16xf32> to vector<16xf32>
        %bitcast_convert_type3A_1273 = tpu.bitcast %get3A_1272 : vector<16xf32> -> vector<16xi32>
        %shift_left3A_1274 = arith.shli %bitcast_convert_type3A_1273, %broadcast_in_dim3A_103 : vector<16xi32>
        %bitcast_convert_type3A_1275 = tpu.bitcast %shift_left3A_1274 : vector<16xi32> -> vector<16xf32>
        %and3A_1276 = arith.andi %bitcast_convert_type3A_1273, %broadcast_in_dim3A_105 : vector<16xi32>
        %bitcast_convert_type3A_1277 = tpu.bitcast %and3A_1276 : vector<16xi32> -> vector<16xf32>
        %mul3A_1278 = arith.mulf %get3A_992, %bitcast_convert_type3A_1275 : vector<16xf32>
        %add3A_1279 = arith.constant 1.000000e+00 : f32
        %add3A_1280 = vector.broadcast %add3A_1279 : f32 to vector<16xf32>
        %add3A_1281 = arith.addf %add3A_1280, %mul3A_1278 : vector<16xf32>
        %bitcast_convert_type3A_1282 = tpu.bitcast %add3A_1281 : vector<16xf32> -> vector<16xi32>
        %sub3A_1283 = arith.subi %broadcast_in_dim3A_101, %bitcast_convert_type3A_1282 : vector<16xi32>
        %bitcast_convert_type3A_1284 = tpu.bitcast %sub3A_1283 : vector<16xi32> -> vector<16xf32>
        %mul3A_1285 = arith.mulf %add3A_1281, %bitcast_convert_type3A_1284 : vector<16xf32>
        %sub3A_1286 = arith.constant 2.000000e+00 : f32
        %sub3A_1287 = vector.broadcast %sub3A_1286 : f32 to vector<16xf32>
        %sub3A_1288 = arith.subf %sub3A_1287, %mul3A_1285 : vector<16xf32>
        %mul3A_1289 = arith.mulf %bitcast_convert_type3A_1284, %sub3A_1288 : vector<16xf32>
        %mul3A_1290 = arith.mulf %bitcast_convert_type3A_1277, %mul3A_1289 : vector<16xf32>
        %add3A_1291 = arith.addf %add3A_1264, %mul3A_1290 : vector<16xf32>
        %mul3A_1292 = arith.constant 16 : i32
        %mul3A_1293 = arith.muli %scan3A_99, %mul3A_1292 : i32
        %add3A_1294 = arith.constant 11 : i32
        %add3A_1295 = arith.addi %mul3A_1293, %add3A_1294 : i32
        %get3A_1296 = arith.index_cast %add3A_1295 : i32 to index
        %get3A_1297 = arith.constant 32 : index
        %get3A_1298 = tpu.vector_load %arg9[%get3A_1296, %get3A_1297] {strides = array<i32>} : memref<64x64xf32, #tpu.memory_space<vmem>>, vector<1x16xf32>,
        %get3A_1299 = vector.shape_cast %get3A_1298 : vector<1x16xf32> to vector<16xf32>
        %bitcast_convert_type3A_1300 = tpu.bitcast %get3A_1299 : vector<16xf32> -> vector<16xi32>
        %shift_left3A_1301 = arith.shli %bitcast_convert_type3A_1300, %broadcast_in_dim3A_103 : vector<16xi32>
        %bitcast_convert_type3A_1302 = tpu.bitcast %shift_left3A_1301 : vector<16xi32> -> vector<16xf32>
        %and3A_1303 = arith.andi %bitcast_convert_type3A_1300, %broadcast_in_dim3A_105 : vector<16xi32>
        %bitcast_convert_type3A_1304 = tpu.bitcast %and3A_1303 : vector<16xi32> -> vector<16xf32>
        %mul3A_1305 = arith.mulf %get3A_992, %bitcast_convert_type3A_1302 : vector<16xf32>
        %add3A_1306 = arith.constant 1.000000e+00 : f32
        %add3A_1307 = vector.broadcast %add3A_1306 : f32 to vector<16xf32>
        %add3A_1308 = arith.addf %add3A_1307, %mul3A_1305 : vector<16xf32>
        %bitcast_convert_type3A_1309 = tpu.bitcast %add3A_1308 : vector<16xf32> -> vector<16xi32>
        %sub3A_1310 = arith.subi %broadcast_in_dim3A_101, %bitcast_convert_type3A_1309 : vector<16xi32>
        %bitcast_convert_type3A_1311 = tpu.bitcast %sub3A_1310 : vector<16xi32> -> vector<16xf32>
        %mul3A_1312 = arith.mulf %add3A_1308, %bitcast_convert_type3A_1311 : vector<16xf32>
        %sub3A_1313 = arith.constant 2.000000e+00 : f32
        %sub3A_1314 = vector.broadcast %sub3A_1313 : f32 to vector<16xf32>
        %sub3A_1315 = arith.subf %sub3A_1314, %mul3A_1312 : vector<16xf32>
        %mul3A_1316 = arith.mulf %bitcast_convert_type3A_1311, %sub3A_1315 : vector<16xf32>
        %mul3A_1317 = arith.mulf %bitcast_convert_type3A_1304, %mul3A_1316 : vector<16xf32>
        %add3A_1318 = arith.addf %add3A_1291, %mul3A_1317 : vector<16xf32>
        %mul3A_1319 = arith.constant 16 : i32
        %mul3A_1320 = arith.muli %scan3A_99, %mul3A_1319 : i32
        %add3A_1321 = arith.constant 12 : i32
        %add3A_1322 = arith.addi %mul3A_1320, %add3A_1321 : i32
        %get3A_1323 = arith.index_cast %add3A_1322 : i32 to index
        %get3A_1324 = arith.constant 32 : index
        %get3A_1325 = tpu.vector_load %arg9[%get3A_1323, %get3A_1324] {strides = array<i32>} : memref<64x64xf32, #tpu.memory_space<vmem>>, vector<1x16xf32>,
        %get3A_1326 = vector.shape_cast %get3A_1325 : vector<1x16xf32> to vector<16xf32>
        %bitcast_convert_type3A_1327 = tpu.bitcast %get3A_1326 : vector<16xf32> -> vector<16xi32>
        %shift_left3A_1328 = arith.shli %bitcast_convert_type3A_1327, %broadcast_in_dim3A_103 : vector<16xi32>
        %bitcast_convert_type3A_1329 = tpu.bitcast %shift_left3A_1328 : vector<16xi32> -> vector<16xf32>
        %and3A_1330 = arith.andi %bitcast_convert_type3A_1327, %broadcast_in_dim3A_105 : vector<16xi32>
        %bitcast_convert_type3A_1331 = tpu.bitcast %and3A_1330 : vector<16xi32> -> vector<16xf32>
        %mul3A_1332 = arith.mulf %get3A_992, %bitcast_convert_type3A_1329 : vector<16xf32>
        %add3A_1333 = arith.constant 1.000000e+00 : f32
        %add3A_1334 = vector.broadcast %add3A_1333 : f32 to vector<16xf32>
        %add3A_1335 = arith.addf %add3A_1334, %mul3A_1332 : vector<16xf32>
        %bitcast_convert_type3A_1336 = tpu.bitcast %add3A_1335 : vector<16xf32> -> vector<16xi32>
        %sub3A_1337 = arith.subi %broadcast_in_dim3A_101, %bitcast_convert_type3A_1336 : vector<16xi32>
        %bitcast_convert_type3A_1338 = tpu.bitcast %sub3A_1337 : vector<16xi32> -> vector<16xf32>
        %mul3A_1339 = arith.mulf %add3A_1335, %bitcast_convert_type3A_1338 : vector<16xf32>
        %sub3A_1340 = arith.constant 2.000000e+00 : f32
        %sub3A_1341 = vector.broadcast %sub3A_1340 : f32 to vector<16xf32>
        %sub3A_1342 = arith.subf %sub3A_1341, %mul3A_1339 : vector<16xf32>
        %mul3A_1343 = arith.mulf %bitcast_convert_type3A_1338, %sub3A_1342 : vector<16xf32>
        %mul3A_1344 = arith.mulf %bitcast_convert_type3A_1331, %mul3A_1343 : vector<16xf32>
        %add3A_1345 = arith.addf %add3A_1318, %mul3A_1344 : vector<16xf32>
        %mul3A_1346 = arith.constant 16 : i32
        %mul3A_1347 = arith.muli %scan3A_99, %mul3A_1346 : i32
        %add3A_1348 = arith.constant 13 : i32
        %add3A_1349 = arith.addi %mul3A_1347, %add3A_1348 : i32
        %get3A_1350 = arith.index_cast %add3A_1349 : i32 to index
        %get3A_1351 = arith.constant 32 : index
        %get3A_1352 = tpu.vector_load %arg9[%get3A_1350, %get3A_1351] {strides = array<i32>} : memref<64x64xf32, #tpu.memory_space<vmem>>, vector<1x16xf32>,
        %get3A_1353 = vector.shape_cast %get3A_1352 : vector<1x16xf32> to vector<16xf32>
        %bitcast_convert_type3A_1354 = tpu.bitcast %get3A_1353 : vector<16xf32> -> vector<16xi32>
        %shift_left3A_1355 = arith.shli %bitcast_convert_type3A_1354, %broadcast_in_dim3A_103 : vector<16xi32>
        %bitcast_convert_type3A_1356 = tpu.bitcast %shift_left3A_1355 : vector<16xi32> -> vector<16xf32>
        %and3A_1357 = arith.andi %bitcast_convert_type3A_1354, %broadcast_in_dim3A_105 : vector<16xi32>
        %bitcast_convert_type3A_1358 = tpu.bitcast %and3A_1357 : vector<16xi32> -> vector<16xf32>
        %mul3A_1359 = arith.mulf %get3A_992, %bitcast_convert_type3A_1356 : vector<16xf32>
        %add3A_1360 = arith.constant 1.000000e+00 : f32
        %add3A_1361 = vector.broadcast %add3A_1360 : f32 to vector<16xf32>
        %add3A_1362 = arith.addf %add3A_1361, %mul3A_1359 : vector<16xf32>
        %bitcast_convert_type3A_1363 = tpu.bitcast %add3A_1362 : vector<16xf32> -> vector<16xi32>
        %sub3A_1364 = arith.subi %broadcast_in_dim3A_101, %bitcast_convert_type3A_1363 : vector<16xi32>
        %bitcast_convert_type3A_1365 = tpu.bitcast %sub3A_1364 : vector<16xi32> -> vector<16xf32>
        %mul3A_1366 = arith.mulf %add3A_1362, %bitcast_convert_type3A_1365 : vector<16xf32>
        %sub3A_1367 = arith.constant 2.000000e+00 : f32
        %sub3A_1368 = vector.broadcast %sub3A_1367 : f32 to vector<16xf32>
        %sub3A_1369 = arith.subf %sub3A_1368, %mul3A_1366 : vector<16xf32>
        %mul3A_1370 = arith.mulf %bitcast_convert_type3A_1365, %sub3A_1369 : vector<16xf32>
        %mul3A_1371 = arith.mulf %bitcast_convert_type3A_1358, %mul3A_1370 : vector<16xf32>
        %add3A_1372 = arith.addf %add3A_1345, %mul3A_1371 : vector<16xf32>
        %mul3A_1373 = arith.constant 16 : i32
        %mul3A_1374 = arith.muli %scan3A_99, %mul3A_1373 : i32
        %add3A_1375 = arith.constant 14 : i32
        %add3A_1376 = arith.addi %mul3A_1374, %add3A_1375 : i32
        %get3A_1377 = arith.index_cast %add3A_1376 : i32 to index
        %get3A_1378 = arith.constant 32 : index
        %get3A_1379 = tpu.vector_load %arg9[%get3A_1377, %get3A_1378] {strides = array<i32>} : memref<64x64xf32, #tpu.memory_space<vmem>>, vector<1x16xf32>,
        %get3A_1380 = vector.shape_cast %get3A_1379 : vector<1x16xf32> to vector<16xf32>
        %bitcast_convert_type3A_1381 = tpu.bitcast %get3A_1380 : vector<16xf32> -> vector<16xi32>
        %shift_left3A_1382 = arith.shli %bitcast_convert_type3A_1381, %broadcast_in_dim3A_103 : vector<16xi32>
        %bitcast_convert_type3A_1383 = tpu.bitcast %shift_left3A_1382 : vector<16xi32> -> vector<16xf32>
        %and3A_1384 = arith.andi %bitcast_convert_type3A_1381, %broadcast_in_dim3A_105 : vector<16xi32>
        %bitcast_convert_type3A_1385 = tpu.bitcast %and3A_1384 : vector<16xi32> -> vector<16xf32>
        %mul3A_1386 = arith.mulf %get3A_992, %bitcast_convert_type3A_1383 : vector<16xf32>
        %add3A_1387 = arith.constant 1.000000e+00 : f32
        %add3A_1388 = vector.broadcast %add3A_1387 : f32 to vector<16xf32>
        %add3A_1389 = arith.addf %add3A_1388, %mul3A_1386 : vector<16xf32>
        %bitcast_convert_type3A_1390 = tpu.bitcast %add3A_1389 : vector<16xf32> -> vector<16xi32>
        %sub3A_1391 = arith.subi %broadcast_in_dim3A_101, %bitcast_convert_type3A_1390 : vector<16xi32>
        %bitcast_convert_type3A_1392 = tpu.bitcast %sub3A_1391 : vector<16xi32> -> vector<16xf32>
        %mul3A_1393 = arith.mulf %add3A_1389, %bitcast_convert_type3A_1392 : vector<16xf32>
        %sub3A_1394 = arith.constant 2.000000e+00 : f32
        %sub3A_1395 = vector.broadcast %sub3A_1394 : f32 to vector<16xf32>
        %sub3A_1396 = arith.subf %sub3A_1395, %mul3A_1393 : vector<16xf32>
        %mul3A_1397 = arith.mulf %bitcast_convert_type3A_1392, %sub3A_1396 : vector<16xf32>
        %mul3A_1398 = arith.mulf %bitcast_convert_type3A_1385, %mul3A_1397 : vector<16xf32>
        %add3A_1399 = arith.addf %add3A_1372, %mul3A_1398 : vector<16xf32>
        %mul3A_1400 = arith.constant 16 : i32
        %mul3A_1401 = arith.muli %scan3A_99, %mul3A_1400 : i32
        %add3A_1402 = arith.constant 15 : i32
        %add3A_1403 = arith.addi %mul3A_1401, %add3A_1402 : i32
        %get3A_1404 = arith.index_cast %add3A_1403 : i32 to index
        %get3A_1405 = arith.constant 32 : index
        %get3A_1406 = tpu.vector_load %arg9[%get3A_1404, %get3A_1405] {strides = array<i32>} : memref<64x64xf32, #tpu.memory_space<vmem>>, vector<1x16xf32>,
        %get3A_1407 = vector.shape_cast %get3A_1406 : vector<1x16xf32> to vector<16xf32>
        %bitcast_convert_type3A_1408 = tpu.bitcast %get3A_1407 : vector<16xf32> -> vector<16xi32>
        %shift_left3A_1409 = arith.shli %bitcast_convert_type3A_1408, %broadcast_in_dim3A_103 : vector<16xi32>
        %bitcast_convert_type3A_1410 = tpu.bitcast %shift_left3A_1409 : vector<16xi32> -> vector<16xf32>
        %and3A_1411 = arith.andi %bitcast_convert_type3A_1408, %broadcast_in_dim3A_105 : vector<16xi32>
        %bitcast_convert_type3A_1412 = tpu.bitcast %and3A_1411 : vector<16xi32> -> vector<16xf32>
        %mul3A_1413 = arith.mulf %get3A_992, %bitcast_convert_type3A_1410 : vector<16xf32>
        %add3A_1414 = arith.constant 1.000000e+00 : f32
        %add3A_1415 = vector.broadcast %add3A_1414 : f32 to vector<16xf32>
        %add3A_1416 = arith.addf %add3A_1415, %mul3A_1413 : vector<16xf32>
        %bitcast_convert_type3A_1417 = tpu.bitcast %add3A_1416 : vector<16xf32> -> vector<16xi32>
        %sub3A_1418 = arith.subi %broadcast_in_dim3A_101, %bitcast_convert_type3A_1417 : vector<16xi32>
        %bitcast_convert_type3A_1419 = tpu.bitcast %sub3A_1418 : vector<16xi32> -> vector<16xf32>
        %mul3A_1420 = arith.mulf %add3A_1416, %bitcast_convert_type3A_1419 : vector<16xf32>
        %sub3A_1421 = arith.constant 2.000000e+00 : f32
        %sub3A_1422 = vector.broadcast %sub3A_1421 : f32 to vector<16xf32>
        %sub3A_1423 = arith.subf %sub3A_1422, %mul3A_1420 : vector<16xf32>
        %mul3A_1424 = arith.mulf %bitcast_convert_type3A_1419, %sub3A_1423 : vector<16xf32>
        %mul3A_1425 = arith.mulf %bitcast_convert_type3A_1412, %mul3A_1424 : vector<16xf32>
        %add3A_1426 = arith.addf %add3A_1399, %mul3A_1425 : vector<16xf32>
        %swap3A_1427 = arith.index_cast %scan3A_99 : i32 to index
        %swap3A_1428 = arith.constant 32 : index
        %swap3A_1429 = tpu.vector_load %arg11[%swap3A_1427, %swap3A_1428] {strides = array<i32>} : memref<4x64xf32, #tpu.memory_space<vmem>>, vector<1x16xf32>,
        %swap3A_1430 = vector.shape_cast %swap3A_1429 : vector<1x16xf32> to vector<16xf32>
        %swap3A_1431 = vector.shape_cast %add3A_1426 : vector<16xf32> to vector<1x16xf32>
        tpu.vector_store %arg11[%swap3A_1427, %swap3A_1428], %swap3A_1431 {strides = array<i32>} : memref<4x64xf32, #tpu.memory_space<vmem>>, vector<1x16xf32>,
        %get3A_1432 = arith.index_cast %add3A_108 : i32 to index
        %get3A_1433 = arith.constant 48 : index
        %get3A_1434 = tpu.vector_load %arg8[%get3A_1432, %get3A_1433] {strides = array<i32>} : memref<320x64xf32, #tpu.memory_space<vmem>>, vector<1x16xf32>,
        %get3A_1435 = vector.shape_cast %get3A_1434 : vector<1x16xf32> to vector<16xf32>
        %broadcast_in_dim3A_1436 = arith.constant 0.000000e+00 : f32
        %broadcast_in_dim3A_1437 = vector.broadcast %broadcast_in_dim3A_1436 : f32 to vector<16xf32>
        %mul3A_1438 = arith.constant 16 : i32
        %mul3A_1439 = arith.muli %scan3A_99, %mul3A_1438 : i32
        %add3A_1440 = arith.constant 0 : i32
        %add3A_1441 = arith.addi %mul3A_1439, %add3A_1440 : i32
        %get3A_1442 = arith.index_cast %add3A_1441 : i32 to index
        %get3A_1443 = arith.constant 48 : index
        %get3A_1444 = tpu.vector_load %arg9[%get3A_1442, %get3A_1443] {strides = array<i32>} : memref<64x64xf32, #tpu.memory_space<vmem>>, vector<1x16xf32>,
        %get3A_1445 = vector.shape_cast %get3A_1444 : vector<1x16xf32> to vector<16xf32>
        %bitcast_convert_type3A_1446 = tpu.bitcast %get3A_1445 : vector<16xf32> -> vector<16xi32>
        %shift_left3A_1447 = arith.shli %bitcast_convert_type3A_1446, %broadcast_in_dim3A_103 : vector<16xi32>
        %bitcast_convert_type3A_1448 = tpu.bitcast %shift_left3A_1447 : vector<16xi32> -> vector<16xf32>
        %and3A_1449 = arith.andi %bitcast_convert_type3A_1446, %broadcast_in_dim3A_105 : vector<16xi32>
        %bitcast_convert_type3A_1450 = tpu.bitcast %and3A_1449 : vector<16xi32> -> vector<16xf32>
        %mul3A_1451 = arith.mulf %get3A_1435, %bitcast_convert_type3A_1448 : vector<16xf32>
        %add3A_1452 = arith.constant 1.000000e+00 : f32
        %add3A_1453 = vector.broadcast %add3A_1452 : f32 to vector<16xf32>
        %add3A_1454 = arith.addf %add3A_1453, %mul3A_1451 : vector<16xf32>
        %bitcast_convert_type3A_1455 = tpu.bitcast %add3A_1454 : vector<16xf32> -> vector<16xi32>
        %sub3A_1456 = arith.subi %broadcast_in_dim3A_101, %bitcast_convert_type3A_1455 : vector<16xi32>
        %bitcast_convert_type3A_1457 = tpu.bitcast %sub3A_1456 : vector<16xi32> -> vector<16xf32>
        %mul3A_1458 = arith.mulf %add3A_1454, %bitcast_convert_type3A_1457 : vector<16xf32>
        %sub3A_1459 = arith.constant 2.000000e+00 : f32
        %sub3A_1460 = vector.broadcast %sub3A_1459 : f32 to vector<16xf32>
        %sub3A_1461 = arith.subf %sub3A_1460, %mul3A_1458 : vector<16xf32>
        %mul3A_1462 = arith.mulf %bitcast_convert_type3A_1457, %sub3A_1461 : vector<16xf32>
        %mul3A_1463 = arith.mulf %bitcast_convert_type3A_1450, %mul3A_1462 : vector<16xf32>
        %add3A_1464 = arith.addf %broadcast_in_dim3A_1437, %mul3A_1463 : vector<16xf32>
        %mul3A_1465 = arith.constant 16 : i32
        %mul3A_1466 = arith.muli %scan3A_99, %mul3A_1465 : i32
        %add3A_1467 = arith.constant 1 : i32
        %add3A_1468 = arith.addi %mul3A_1466, %add3A_1467 : i32
        %get3A_1469 = arith.index_cast %add3A_1468 : i32 to index
        %get3A_1470 = arith.constant 48 : index
        %get3A_1471 = tpu.vector_load %arg9[%get3A_1469, %get3A_1470] {strides = array<i32>} : memref<64x64xf32, #tpu.memory_space<vmem>>, vector<1x16xf32>,
        %get3A_1472 = vector.shape_cast %get3A_1471 : vector<1x16xf32> to vector<16xf32>
        %bitcast_convert_type3A_1473 = tpu.bitcast %get3A_1472 : vector<16xf32> -> vector<16xi32>
        %shift_left3A_1474 = arith.shli %bitcast_convert_type3A_1473, %broadcast_in_dim3A_103 : vector<16xi32>
        %bitcast_convert_type3A_1475 = tpu.bitcast %shift_left3A_1474 : vector<16xi32> -> vector<16xf32>
        %and3A_1476 = arith.andi %bitcast_convert_type3A_1473, %broadcast_in_dim3A_105 : vector<16xi32>
        %bitcast_convert_type3A_1477 = tpu.bitcast %and3A_1476 : vector<16xi32> -> vector<16xf32>
        %mul3A_1478 = arith.mulf %get3A_1435, %bitcast_convert_type3A_1475 : vector<16xf32>
        %add3A_1479 = arith.constant 1.000000e+00 : f32
        %add3A_1480 = vector.broadcast %add3A_1479 : f32 to vector<16xf32>
        %add3A_1481 = arith.addf %add3A_1480, %mul3A_1478 : vector<16xf32>
        %bitcast_convert_type3A_1482 = tpu.bitcast %add3A_1481 : vector<16xf32> -> vector<16xi32>
        %sub3A_1483 = arith.subi %broadcast_in_dim3A_101, %bitcast_convert_type3A_1482 : vector<16xi32>
        %bitcast_convert_type3A_1484 = tpu.bitcast %sub3A_1483 : vector<16xi32> -> vector<16xf32>
        %mul3A_1485 = arith.mulf %add3A_1481, %bitcast_convert_type3A_1484 : vector<16xf32>
        %sub3A_1486 = arith.constant 2.000000e+00 : f32
        %sub3A_1487 = vector.broadcast %sub3A_1486 : f32 to vector<16xf32>
        %sub3A_1488 = arith.subf %sub3A_1487, %mul3A_1485 : vector<16xf32>
        %mul3A_1489 = arith.mulf %bitcast_convert_type3A_1484, %sub3A_1488 : vector<16xf32>
        %mul3A_1490 = arith.mulf %bitcast_convert_type3A_1477, %mul3A_1489 : vector<16xf32>
        %add3A_1491 = arith.addf %add3A_1464, %mul3A_1490 : vector<16xf32>
        %mul3A_1492 = arith.constant 16 : i32
        %mul3A_1493 = arith.muli %scan3A_99, %mul3A_1492 : i32
        %add3A_1494 = arith.constant 2 : i32
        %add3A_1495 = arith.addi %mul3A_1493, %add3A_1494 : i32
        %get3A_1496 = arith.index_cast %add3A_1495 : i32 to index
        %get3A_1497 = arith.constant 48 : index
        %get3A_1498 = tpu.vector_load %arg9[%get3A_1496, %get3A_1497] {strides = array<i32>} : memref<64x64xf32, #tpu.memory_space<vmem>>, vector<1x16xf32>,
        %get3A_1499 = vector.shape_cast %get3A_1498 : vector<1x16xf32> to vector<16xf32>
        %bitcast_convert_type3A_1500 = tpu.bitcast %get3A_1499 : vector<16xf32> -> vector<16xi32>
        %shift_left3A_1501 = arith.shli %bitcast_convert_type3A_1500, %broadcast_in_dim3A_103 : vector<16xi32>
        %bitcast_convert_type3A_1502 = tpu.bitcast %shift_left3A_1501 : vector<16xi32> -> vector<16xf32>
        %and3A_1503 = arith.andi %bitcast_convert_type3A_1500, %broadcast_in_dim3A_105 : vector<16xi32>
        %bitcast_convert_type3A_1504 = tpu.bitcast %and3A_1503 : vector<16xi32> -> vector<16xf32>
        %mul3A_1505 = arith.mulf %get3A_1435, %bitcast_convert_type3A_1502 : vector<16xf32>
        %add3A_1506 = arith.constant 1.000000e+00 : f32
        %add3A_1507 = vector.broadcast %add3A_1506 : f32 to vector<16xf32>
        %add3A_1508 = arith.addf %add3A_1507, %mul3A_1505 : vector<16xf32>
        %bitcast_convert_type3A_1509 = tpu.bitcast %add3A_1508 : vector<16xf32> -> vector<16xi32>
        %sub3A_1510 = arith.subi %broadcast_in_dim3A_101, %bitcast_convert_type3A_1509 : vector<16xi32>
        %bitcast_convert_type3A_1511 = tpu.bitcast %sub3A_1510 : vector<16xi32> -> vector<16xf32>
        %mul3A_1512 = arith.mulf %add3A_1508, %bitcast_convert_type3A_1511 : vector<16xf32>
        %sub3A_1513 = arith.constant 2.000000e+00 : f32
        %sub3A_1514 = vector.broadcast %sub3A_1513 : f32 to vector<16xf32>
        %sub3A_1515 = arith.subf %sub3A_1514, %mul3A_1512 : vector<16xf32>
        %mul3A_1516 = arith.mulf %bitcast_convert_type3A_1511, %sub3A_1515 : vector<16xf32>
        %mul3A_1517 = arith.mulf %bitcast_convert_type3A_1504, %mul3A_1516 : vector<16xf32>
        %add3A_1518 = arith.addf %add3A_1491, %mul3A_1517 : vector<16xf32>
        %mul3A_1519 = arith.constant 16 : i32
        %mul3A_1520 = arith.muli %scan3A_99, %mul3A_1519 : i32
        %add3A_1521 = arith.constant 3 : i32
        %add3A_1522 = arith.addi %mul3A_1520, %add3A_1521 : i32
        %get3A_1523 = arith.index_cast %add3A_1522 : i32 to index
        %get3A_1524 = arith.constant 48 : index
        %get3A_1525 = tpu.vector_load %arg9[%get3A_1523, %get3A_1524] {strides = array<i32>} : memref<64x64xf32, #tpu.memory_space<vmem>>, vector<1x16xf32>,
        %get3A_1526 = vector.shape_cast %get3A_1525 : vector<1x16xf32> to vector<16xf32>
        %bitcast_convert_type3A_1527 = tpu.bitcast %get3A_1526 : vector<16xf32> -> vector<16xi32>
        %shift_left3A_1528 = arith.shli %bitcast_convert_type3A_1527, %broadcast_in_dim3A_103 : vector<16xi32>
        %bitcast_convert_type3A_1529 = tpu.bitcast %shift_left3A_1528 : vector<16xi32> -> vector<16xf32>
        %and3A_1530 = arith.andi %bitcast_convert_type3A_1527, %broadcast_in_dim3A_105 : vector<16xi32>
        %bitcast_convert_type3A_1531 = tpu.bitcast %and3A_1530 : vector<16xi32> -> vector<16xf32>
        %mul3A_1532 = arith.mulf %get3A_1435, %bitcast_convert_type3A_1529 : vector<16xf32>
        %add3A_1533 = arith.constant 1.000000e+00 : f32
        %add3A_1534 = vector.broadcast %add3A_1533 : f32 to vector<16xf32>
        %add3A_1535 = arith.addf %add3A_1534, %mul3A_1532 : vector<16xf32>
        %bitcast_convert_type3A_1536 = tpu.bitcast %add3A_1535 : vector<16xf32> -> vector<16xi32>
        %sub3A_1537 = arith.subi %broadcast_in_dim3A_101, %bitcast_convert_type3A_1536 : vector<16xi32>
        %bitcast_convert_type3A_1538 = tpu.bitcast %sub3A_1537 : vector<16xi32> -> vector<16xf32>
        %mul3A_1539 = arith.mulf %add3A_1535, %bitcast_convert_type3A_1538 : vector<16xf32>
        %sub3A_1540 = arith.constant 2.000000e+00 : f32
        %sub3A_1541 = vector.broadcast %sub3A_1540 : f32 to vector<16xf32>
        %sub3A_1542 = arith.subf %sub3A_1541, %mul3A_1539 : vector<16xf32>
        %mul3A_1543 = arith.mulf %bitcast_convert_type3A_1538, %sub3A_1542 : vector<16xf32>
        %mul3A_1544 = arith.mulf %bitcast_convert_type3A_1531, %mul3A_1543 : vector<16xf32>
        %add3A_1545 = arith.addf %add3A_1518, %mul3A_1544 : vector<16xf32>
        %mul3A_1546 = arith.constant 16 : i32
        %mul3A_1547 = arith.muli %scan3A_99, %mul3A_1546 : i32
        %add3A_1548 = arith.constant 4 : i32
        %add3A_1549 = arith.addi %mul3A_1547, %add3A_1548 : i32
        %get3A_1550 = arith.index_cast %add3A_1549 : i32 to index
        %get3A_1551 = arith.constant 48 : index
        %get3A_1552 = tpu.vector_load %arg9[%get3A_1550, %get3A_1551] {strides = array<i32>} : memref<64x64xf32, #tpu.memory_space<vmem>>, vector<1x16xf32>,
        %get3A_1553 = vector.shape_cast %get3A_1552 : vector<1x16xf32> to vector<16xf32>
        %bitcast_convert_type3A_1554 = tpu.bitcast %get3A_1553 : vector<16xf32> -> vector<16xi32>
        %shift_left3A_1555 = arith.shli %bitcast_convert_type3A_1554, %broadcast_in_dim3A_103 : vector<16xi32>
        %bitcast_convert_type3A_1556 = tpu.bitcast %shift_left3A_1555 : vector<16xi32> -> vector<16xf32>
        %and3A_1557 = arith.andi %bitcast_convert_type3A_1554, %broadcast_in_dim3A_105 : vector<16xi32>
        %bitcast_convert_type3A_1558 = tpu.bitcast %and3A_1557 : vector<16xi32> -> vector<16xf32>
        %mul3A_1559 = arith.mulf %get3A_1435, %bitcast_convert_type3A_1556 : vector<16xf32>
        %add3A_1560 = arith.constant 1.000000e+00 : f32
        %add3A_1561 = vector.broadcast %add3A_1560 : f32 to vector<16xf32>
        %add3A_1562 = arith.addf %add3A_1561, %mul3A_1559 : vector<16xf32>
        %bitcast_convert_type3A_1563 = tpu.bitcast %add3A_1562 : vector<16xf32> -> vector<16xi32>
        %sub3A_1564 = arith.subi %broadcast_in_dim3A_101, %bitcast_convert_type3A_1563 : vector<16xi32>
        %bitcast_convert_type3A_1565 = tpu.bitcast %sub3A_1564 : vector<16xi32> -> vector<16xf32>
        %mul3A_1566 = arith.mulf %add3A_1562, %bitcast_convert_type3A_1565 : vector<16xf32>
        %sub3A_1567 = arith.constant 2.000000e+00 : f32
        %sub3A_1568 = vector.broadcast %sub3A_1567 : f32 to vector<16xf32>
        %sub3A_1569 = arith.subf %sub3A_1568, %mul3A_1566 : vector<16xf32>
        %mul3A_1570 = arith.mulf %bitcast_convert_type3A_1565, %sub3A_1569 : vector<16xf32>
        %mul3A_1571 = arith.mulf %bitcast_convert_type3A_1558, %mul3A_1570 : vector<16xf32>
        %add3A_1572 = arith.addf %add3A_1545, %mul3A_1571 : vector<16xf32>
        %mul3A_1573 = arith.constant 16 : i32
        %mul3A_1574 = arith.muli %scan3A_99, %mul3A_1573 : i32
        %add3A_1575 = arith.constant 5 : i32
        %add3A_1576 = arith.addi %mul3A_1574, %add3A_1575 : i32
        %get3A_1577 = arith.index_cast %add3A_1576 : i32 to index
        %get3A_1578 = arith.constant 48 : index
        %get3A_1579 = tpu.vector_load %arg9[%get3A_1577, %get3A_1578] {strides = array<i32>} : memref<64x64xf32, #tpu.memory_space<vmem>>, vector<1x16xf32>,
        %get3A_1580 = vector.shape_cast %get3A_1579 : vector<1x16xf32> to vector<16xf32>
        %bitcast_convert_type3A_1581 = tpu.bitcast %get3A_1580 : vector<16xf32> -> vector<16xi32>
        %shift_left3A_1582 = arith.shli %bitcast_convert_type3A_1581, %broadcast_in_dim3A_103 : vector<16xi32>
        %bitcast_convert_type3A_1583 = tpu.bitcast %shift_left3A_1582 : vector<16xi32> -> vector<16xf32>
        %and3A_1584 = arith.andi %bitcast_convert_type3A_1581, %broadcast_in_dim3A_105 : vector<16xi32>
        %bitcast_convert_type3A_1585 = tpu.bitcast %and3A_1584 : vector<16xi32> -> vector<16xf32>
        %mul3A_1586 = arith.mulf %get3A_1435, %bitcast_convert_type3A_1583 : vector<16xf32>
        %add3A_1587 = arith.constant 1.000000e+00 : f32
        %add3A_1588 = vector.broadcast %add3A_1587 : f32 to vector<16xf32>
        %add3A_1589 = arith.addf %add3A_1588, %mul3A_1586 : vector<16xf32>
        %bitcast_convert_type3A_1590 = tpu.bitcast %add3A_1589 : vector<16xf32> -> vector<16xi32>
        %sub3A_1591 = arith.subi %broadcast_in_dim3A_101, %bitcast_convert_type3A_1590 : vector<16xi32>
        %bitcast_convert_type3A_1592 = tpu.bitcast %sub3A_1591 : vector<16xi32> -> vector<16xf32>
        %mul3A_1593 = arith.mulf %add3A_1589, %bitcast_convert_type3A_1592 : vector<16xf32>
        %sub3A_1594 = arith.constant 2.000000e+00 : f32
        %sub3A_1595 = vector.broadcast %sub3A_1594 : f32 to vector<16xf32>
        %sub3A_1596 = arith.subf %sub3A_1595, %mul3A_1593 : vector<16xf32>
        %mul3A_1597 = arith.mulf %bitcast_convert_type3A_1592, %sub3A_1596 : vector<16xf32>
        %mul3A_1598 = arith.mulf %bitcast_convert_type3A_1585, %mul3A_1597 : vector<16xf32>
        %add3A_1599 = arith.addf %add3A_1572, %mul3A_1598 : vector<16xf32>
        %mul3A_1600 = arith.constant 16 : i32
        %mul3A_1601 = arith.muli %scan3A_99, %mul3A_1600 : i32
        %add3A_1602 = arith.constant 6 : i32
        %add3A_1603 = arith.addi %mul3A_1601, %add3A_1602 : i32
        %get3A_1604 = arith.index_cast %add3A_1603 : i32 to index
        %get3A_1605 = arith.constant 48 : index
        %get3A_1606 = tpu.vector_load %arg9[%get3A_1604, %get3A_1605] {strides = array<i32>} : memref<64x64xf32, #tpu.memory_space<vmem>>, vector<1x16xf32>,
        %get3A_1607 = vector.shape_cast %get3A_1606 : vector<1x16xf32> to vector<16xf32>
        %bitcast_convert_type3A_1608 = tpu.bitcast %get3A_1607 : vector<16xf32> -> vector<16xi32>
        %shift_left3A_1609 = arith.shli %bitcast_convert_type3A_1608, %broadcast_in_dim3A_103 : vector<16xi32>
        %bitcast_convert_type3A_1610 = tpu.bitcast %shift_left3A_1609 : vector<16xi32> -> vector<16xf32>
        %and3A_1611 = arith.andi %bitcast_convert_type3A_1608, %broadcast_in_dim3A_105 : vector<16xi32>
        %bitcast_convert_type3A_1612 = tpu.bitcast %and3A_1611 : vector<16xi32> -> vector<16xf32>
        %mul3A_1613 = arith.mulf %get3A_1435, %bitcast_convert_type3A_1610 : vector<16xf32>
        %add3A_1614 = arith.constant 1.000000e+00 : f32
        %add3A_1615 = vector.broadcast %add3A_1614 : f32 to vector<16xf32>
        %add3A_1616 = arith.addf %add3A_1615, %mul3A_1613 : vector<16xf32>
        %bitcast_convert_type3A_1617 = tpu.bitcast %add3A_1616 : vector<16xf32> -> vector<16xi32>
        %sub3A_1618 = arith.subi %broadcast_in_dim3A_101, %bitcast_convert_type3A_1617 : vector<16xi32>
        %bitcast_convert_type3A_1619 = tpu.bitcast %sub3A_1618 : vector<16xi32> -> vector<16xf32>
        %mul3A_1620 = arith.mulf %add3A_1616, %bitcast_convert_type3A_1619 : vector<16xf32>
        %sub3A_1621 = arith.constant 2.000000e+00 : f32
        %sub3A_1622 = vector.broadcast %sub3A_1621 : f32 to vector<16xf32>
        %sub3A_1623 = arith.subf %sub3A_1622, %mul3A_1620 : vector<16xf32>
        %mul3A_1624 = arith.mulf %bitcast_convert_type3A_1619, %sub3A_1623 : vector<16xf32>
        %mul3A_1625 = arith.mulf %bitcast_convert_type3A_1612, %mul3A_1624 : vector<16xf32>
        %add3A_1626 = arith.addf %add3A_1599, %mul3A_1625 : vector<16xf32>
        %mul3A_1627 = arith.constant 16 : i32
        %mul3A_1628 = arith.muli %scan3A_99, %mul3A_1627 : i32
        %add3A_1629 = arith.constant 7 : i32
        %add3A_1630 = arith.addi %mul3A_1628, %add3A_1629 : i32
        %get3A_1631 = arith.index_cast %add3A_1630 : i32 to index
        %get3A_1632 = arith.constant 48 : index
        %get3A_1633 = tpu.vector_load %arg9[%get3A_1631, %get3A_1632] {strides = array<i32>} : memref<64x64xf32, #tpu.memory_space<vmem>>, vector<1x16xf32>,
        %get3A_1634 = vector.shape_cast %get3A_1633 : vector<1x16xf32> to vector<16xf32>
        %bitcast_convert_type3A_1635 = tpu.bitcast %get3A_1634 : vector<16xf32> -> vector<16xi32>
        %shift_left3A_1636 = arith.shli %bitcast_convert_type3A_1635, %broadcast_in_dim3A_103 : vector<16xi32>
        %bitcast_convert_type3A_1637 = tpu.bitcast %shift_left3A_1636 : vector<16xi32> -> vector<16xf32>
        %and3A_1638 = arith.andi %bitcast_convert_type3A_1635, %broadcast_in_dim3A_105 : vector<16xi32>
        %bitcast_convert_type3A_1639 = tpu.bitcast %and3A_1638 : vector<16xi32> -> vector<16xf32>
        %mul3A_1640 = arith.mulf %get3A_1435, %bitcast_convert_type3A_1637 : vector<16xf32>
        %add3A_1641 = arith.constant 1.000000e+00 : f32
        %add3A_1642 = vector.broadcast %add3A_1641 : f32 to vector<16xf32>
        %add3A_1643 = arith.addf %add3A_1642, %mul3A_1640 : vector<16xf32>
        %bitcast_convert_type3A_1644 = tpu.bitcast %add3A_1643 : vector<16xf32> -> vector<16xi32>
        %sub3A_1645 = arith.subi %broadcast_in_dim3A_101, %bitcast_convert_type3A_1644 : vector<16xi32>
        %bitcast_convert_type3A_1646 = tpu.bitcast %sub3A_1645 : vector<16xi32> -> vector<16xf32>
        %mul3A_1647 = arith.mulf %add3A_1643, %bitcast_convert_type3A_1646 : vector<16xf32>
        %sub3A_1648 = arith.constant 2.000000e+00 : f32
        %sub3A_1649 = vector.broadcast %sub3A_1648 : f32 to vector<16xf32>
        %sub3A_1650 = arith.subf %sub3A_1649, %mul3A_1647 : vector<16xf32>
        %mul3A_1651 = arith.mulf %bitcast_convert_type3A_1646, %sub3A_1650 : vector<16xf32>
        %mul3A_1652 = arith.mulf %bitcast_convert_type3A_1639, %mul3A_1651 : vector<16xf32>
        %add3A_1653 = arith.addf %add3A_1626, %mul3A_1652 : vector<16xf32>
        %mul3A_1654 = arith.constant 16 : i32
        %mul3A_1655 = arith.muli %scan3A_99, %mul3A_1654 : i32
        %add3A_1656 = arith.constant 8 : i32
        %add3A_1657 = arith.addi %mul3A_1655, %add3A_1656 : i32
        %get3A_1658 = arith.index_cast %add3A_1657 : i32 to index
        %get3A_1659 = arith.constant 48 : index
        %get3A_1660 = tpu.vector_load %arg9[%get3A_1658, %get3A_1659] {strides = array<i32>} : memref<64x64xf32, #tpu.memory_space<vmem>>, vector<1x16xf32>,
        %get3A_1661 = vector.shape_cast %get3A_1660 : vector<1x16xf32> to vector<16xf32>
        %bitcast_convert_type3A_1662 = tpu.bitcast %get3A_1661 : vector<16xf32> -> vector<16xi32>
        %shift_left3A_1663 = arith.shli %bitcast_convert_type3A_1662, %broadcast_in_dim3A_103 : vector<16xi32>
        %bitcast_convert_type3A_1664 = tpu.bitcast %shift_left3A_1663 : vector<16xi32> -> vector<16xf32>
        %and3A_1665 = arith.andi %bitcast_convert_type3A_1662, %broadcast_in_dim3A_105 : vector<16xi32>
        %bitcast_convert_type3A_1666 = tpu.bitcast %and3A_1665 : vector<16xi32> -> vector<16xf32>
        %mul3A_1667 = arith.mulf %get3A_1435, %bitcast_convert_type3A_1664 : vector<16xf32>
        %add3A_1668 = arith.constant 1.000000e+00 : f32
        %add3A_1669 = vector.broadcast %add3A_1668 : f32 to vector<16xf32>
        %add3A_1670 = arith.addf %add3A_1669, %mul3A_1667 : vector<16xf32>
        %bitcast_convert_type3A_1671 = tpu.bitcast %add3A_1670 : vector<16xf32> -> vector<16xi32>
        %sub3A_1672 = arith.subi %broadcast_in_dim3A_101, %bitcast_convert_type3A_1671 : vector<16xi32>
        %bitcast_convert_type3A_1673 = tpu.bitcast %sub3A_1672 : vector<16xi32> -> vector<16xf32>
        %mul3A_1674 = arith.mulf %add3A_1670, %bitcast_convert_type3A_1673 : vector<16xf32>
        %sub3A_1675 = arith.constant 2.000000e+00 : f32
        %sub3A_1676 = vector.broadcast %sub3A_1675 : f32 to vector<16xf32>
        %sub3A_1677 = arith.subf %sub3A_1676, %mul3A_1674 : vector<16xf32>
        %mul3A_1678 = arith.mulf %bitcast_convert_type3A_1673, %sub3A_1677 : vector<16xf32>
        %mul3A_1679 = arith.mulf %bitcast_convert_type3A_1666, %mul3A_1678 : vector<16xf32>
        %add3A_1680 = arith.addf %add3A_1653, %mul3A_1679 : vector<16xf32>
        %mul3A_1681 = arith.constant 16 : i32
        %mul3A_1682 = arith.muli %scan3A_99, %mul3A_1681 : i32
        %add3A_1683 = arith.constant 9 : i32
        %add3A_1684 = arith.addi %mul3A_1682, %add3A_1683 : i32
        %get3A_1685 = arith.index_cast %add3A_1684 : i32 to index
        %get3A_1686 = arith.constant 48 : index
        %get3A_1687 = tpu.vector_load %arg9[%get3A_1685, %get3A_1686] {strides = array<i32>} : memref<64x64xf32, #tpu.memory_space<vmem>>, vector<1x16xf32>,
        %get3A_1688 = vector.shape_cast %get3A_1687 : vector<1x16xf32> to vector<16xf32>
        %bitcast_convert_type3A_1689 = tpu.bitcast %get3A_1688 : vector<16xf32> -> vector<16xi32>
        %shift_left3A_1690 = arith.shli %bitcast_convert_type3A_1689, %broadcast_in_dim3A_103 : vector<16xi32>
        %bitcast_convert_type3A_1691 = tpu.bitcast %shift_left3A_1690 : vector<16xi32> -> vector<16xf32>
        %and3A_1692 = arith.andi %bitcast_convert_type3A_1689, %broadcast_in_dim3A_105 : vector<16xi32>
        %bitcast_convert_type3A_1693 = tpu.bitcast %and3A_1692 : vector<16xi32> -> vector<16xf32>
        %mul3A_1694 = arith.mulf %get3A_1435, %bitcast_convert_type3A_1691 : vector<16xf32>
        %add3A_1695 = arith.constant 1.000000e+00 : f32
        %add3A_1696 = vector.broadcast %add3A_1695 : f32 to vector<16xf32>
        %add3A_1697 = arith.addf %add3A_1696, %mul3A_1694 : vector<16xf32>
        %bitcast_convert_type3A_1698 = tpu.bitcast %add3A_1697 : vector<16xf32> -> vector<16xi32>
        %sub3A_1699 = arith.subi %broadcast_in_dim3A_101, %bitcast_convert_type3A_1698 : vector<16xi32>
        %bitcast_convert_type3A_1700 = tpu.bitcast %sub3A_1699 : vector<16xi32> -> vector<16xf32>
        %mul3A_1701 = arith.mulf %add3A_1697, %bitcast_convert_type3A_1700 : vector<16xf32>
        %sub3A_1702 = arith.constant 2.000000e+00 : f32
        %sub3A_1703 = vector.broadcast %sub3A_1702 : f32 to vector<16xf32>
        %sub3A_1704 = arith.subf %sub3A_1703, %mul3A_1701 : vector<16xf32>
        %mul3A_1705 = arith.mulf %bitcast_convert_type3A_1700, %sub3A_1704 : vector<16xf32>
        %mul3A_1706 = arith.mulf %bitcast_convert_type3A_1693, %mul3A_1705 : vector<16xf32>
        %add3A_1707 = arith.addf %add3A_1680, %mul3A_1706 : vector<16xf32>
        %mul3A_1708 = arith.constant 16 : i32
        %mul3A_1709 = arith.muli %scan3A_99, %mul3A_1708 : i32
        %add3A_1710 = arith.constant 10 : i32
        %add3A_1711 = arith.addi %mul3A_1709, %add3A_1710 : i32
        %get3A_1712 = arith.index_cast %add3A_1711 : i32 to index
        %get3A_1713 = arith.constant 48 : index
        %get3A_1714 = tpu.vector_load %arg9[%get3A_1712, %get3A_1713] {strides = array<i32>} : memref<64x64xf32, #tpu.memory_space<vmem>>, vector<1x16xf32>,
        %get3A_1715 = vector.shape_cast %get3A_1714 : vector<1x16xf32> to vector<16xf32>
        %bitcast_convert_type3A_1716 = tpu.bitcast %get3A_1715 : vector<16xf32> -> vector<16xi32>
        %shift_left3A_1717 = arith.shli %bitcast_convert_type3A_1716, %broadcast_in_dim3A_103 : vector<16xi32>
        %bitcast_convert_type3A_1718 = tpu.bitcast %shift_left3A_1717 : vector<16xi32> -> vector<16xf32>
        %and3A_1719 = arith.andi %bitcast_convert_type3A_1716, %broadcast_in_dim3A_105 : vector<16xi32>
        %bitcast_convert_type3A_1720 = tpu.bitcast %and3A_1719 : vector<16xi32> -> vector<16xf32>
        %mul3A_1721 = arith.mulf %get3A_1435, %bitcast_convert_type3A_1718 : vector<16xf32>
        %add3A_1722 = arith.constant 1.000000e+00 : f32
        %add3A_1723 = vector.broadcast %add3A_1722 : f32 to vector<16xf32>
        %add3A_1724 = arith.addf %add3A_1723, %mul3A_1721 : vector<16xf32>
        %bitcast_convert_type3A_1725 = tpu.bitcast %add3A_1724 : vector<16xf32> -> vector<16xi32>
        %sub3A_1726 = arith.subi %broadcast_in_dim3A_101, %bitcast_convert_type3A_1725 : vector<16xi32>
        %bitcast_convert_type3A_1727 = tpu.bitcast %sub3A_1726 : vector<16xi32> -> vector<16xf32>
        %mul3A_1728 = arith.mulf %add3A_1724, %bitcast_convert_type3A_1727 : vector<16xf32>
        %sub3A_1729 = arith.constant 2.000000e+00 : f32
        %sub3A_1730 = vector.broadcast %sub3A_1729 : f32 to vector<16xf32>
        %sub3A_1731 = arith.subf %sub3A_1730, %mul3A_1728 : vector<16xf32>
        %mul3A_1732 = arith.mulf %bitcast_convert_type3A_1727, %sub3A_1731 : vector<16xf32>
        %mul3A_1733 = arith.mulf %bitcast_convert_type3A_1720, %mul3A_1732 : vector<16xf32>
        %add3A_1734 = arith.addf %add3A_1707, %mul3A_1733 : vector<16xf32>
        %mul3A_1735 = arith.constant 16 : i32
        %mul3A_1736 = arith.muli %scan3A_99, %mul3A_1735 : i32
        %add3A_1737 = arith.constant 11 : i32
        %add3A_1738 = arith.addi %mul3A_1736, %add3A_1737 : i32
        %get3A_1739 = arith.index_cast %add3A_1738 : i32 to index
        %get3A_1740 = arith.constant 48 : index
        %get3A_1741 = tpu.vector_load %arg9[%get3A_1739, %get3A_1740] {strides = array<i32>} : memref<64x64xf32, #tpu.memory_space<vmem>>, vector<1x16xf32>,
        %get3A_1742 = vector.shape_cast %get3A_1741 : vector<1x16xf32> to vector<16xf32>
        %bitcast_convert_type3A_1743 = tpu.bitcast %get3A_1742 : vector<16xf32> -> vector<16xi32>
        %shift_left3A_1744 = arith.shli %bitcast_convert_type3A_1743, %broadcast_in_dim3A_103 : vector<16xi32>
        %bitcast_convert_type3A_1745 = tpu.bitcast %shift_left3A_1744 : vector<16xi32> -> vector<16xf32>
        %and3A_1746 = arith.andi %bitcast_convert_type3A_1743, %broadcast_in_dim3A_105 : vector<16xi32>
        %bitcast_convert_type3A_1747 = tpu.bitcast %and3A_1746 : vector<16xi32> -> vector<16xf32>
        %mul3A_1748 = arith.mulf %get3A_1435, %bitcast_convert_type3A_1745 : vector<16xf32>
        %add3A_1749 = arith.constant 1.000000e+00 : f32
        %add3A_1750 = vector.broadcast %add3A_1749 : f32 to vector<16xf32>
        %add3A_1751 = arith.addf %add3A_1750, %mul3A_1748 : vector<16xf32>
        %bitcast_convert_type3A_1752 = tpu.bitcast %add3A_1751 : vector<16xf32> -> vector<16xi32>
        %sub3A_1753 = arith.subi %broadcast_in_dim3A_101, %bitcast_convert_type3A_1752 : vector<16xi32>
        %bitcast_convert_type3A_1754 = tpu.bitcast %sub3A_1753 : vector<16xi32> -> vector<16xf32>
        %mul3A_1755 = arith.mulf %add3A_1751, %bitcast_convert_type3A_1754 : vector<16xf32>
        %sub3A_1756 = arith.constant 2.000000e+00 : f32
        %sub3A_1757 = vector.broadcast %sub3A_1756 : f32 to vector<16xf32>
        %sub3A_1758 = arith.subf %sub3A_1757, %mul3A_1755 : vector<16xf32>
        %mul3A_1759 = arith.mulf %bitcast_convert_type3A_1754, %sub3A_1758 : vector<16xf32>
        %mul3A_1760 = arith.mulf %bitcast_convert_type3A_1747, %mul3A_1759 : vector<16xf32>
        %add3A_1761 = arith.addf %add3A_1734, %mul3A_1760 : vector<16xf32>
        %mul3A_1762 = arith.constant 16 : i32
        %mul3A_1763 = arith.muli %scan3A_99, %mul3A_1762 : i32
        %add3A_1764 = arith.constant 12 : i32
        %add3A_1765 = arith.addi %mul3A_1763, %add3A_1764 : i32
        %get3A_1766 = arith.index_cast %add3A_1765 : i32 to index
        %get3A_1767 = arith.constant 48 : index
        %get3A_1768 = tpu.vector_load %arg9[%get3A_1766, %get3A_1767] {strides = array<i32>} : memref<64x64xf32, #tpu.memory_space<vmem>>, vector<1x16xf32>,
        %get3A_1769 = vector.shape_cast %get3A_1768 : vector<1x16xf32> to vector<16xf32>
        %bitcast_convert_type3A_1770 = tpu.bitcast %get3A_1769 : vector<16xf32> -> vector<16xi32>
        %shift_left3A_1771 = arith.shli %bitcast_convert_type3A_1770, %broadcast_in_dim3A_103 : vector<16xi32>
        %bitcast_convert_type3A_1772 = tpu.bitcast %shift_left3A_1771 : vector<16xi32> -> vector<16xf32>
        %and3A_1773 = arith.andi %bitcast_convert_type3A_1770, %broadcast_in_dim3A_105 : vector<16xi32>
        %bitcast_convert_type3A_1774 = tpu.bitcast %and3A_1773 : vector<16xi32> -> vector<16xf32>
        %mul3A_1775 = arith.mulf %get3A_1435, %bitcast_convert_type3A_1772 : vector<16xf32>
        %add3A_1776 = arith.constant 1.000000e+00 : f32
        %add3A_1777 = vector.broadcast %add3A_1776 : f32 to vector<16xf32>
        %add3A_1778 = arith.addf %add3A_1777, %mul3A_1775 : vector<16xf32>
        %bitcast_convert_type3A_1779 = tpu.bitcast %add3A_1778 : vector<16xf32> -> vector<16xi32>
        %sub3A_1780 = arith.subi %broadcast_in_dim3A_101, %bitcast_convert_type3A_1779 : vector<16xi32>
        %bitcast_convert_type3A_1781 = tpu.bitcast %sub3A_1780 : vector<16xi32> -> vector<16xf32>
        %mul3A_1782 = arith.mulf %add3A_1778, %bitcast_convert_type3A_1781 : vector<16xf32>
        %sub3A_1783 = arith.constant 2.000000e+00 : f32
        %sub3A_1784 = vector.broadcast %sub3A_1783 : f32 to vector<16xf32>
        %sub3A_1785 = arith.subf %sub3A_1784, %mul3A_1782 : vector<16xf32>
        %mul3A_1786 = arith.mulf %bitcast_convert_type3A_1781, %sub3A_1785 : vector<16xf32>
        %mul3A_1787 = arith.mulf %bitcast_convert_type3A_1774, %mul3A_1786 : vector<16xf32>
        %add3A_1788 = arith.addf %add3A_1761, %mul3A_1787 : vector<16xf32>
        %mul3A_1789 = arith.constant 16 : i32
        %mul3A_1790 = arith.muli %scan3A_99, %mul3A_1789 : i32
        %add3A_1791 = arith.constant 13 : i32
        %add3A_1792 = arith.addi %mul3A_1790, %add3A_1791 : i32
        %get3A_1793 = arith.index_cast %add3A_1792 : i32 to index
        %get3A_1794 = arith.constant 48 : index
        %get3A_1795 = tpu.vector_load %arg9[%get3A_1793, %get3A_1794] {strides = array<i32>} : memref<64x64xf32, #tpu.memory_space<vmem>>, vector<1x16xf32>,
        %get3A_1796 = vector.shape_cast %get3A_1795 : vector<1x16xf32> to vector<16xf32>
        %bitcast_convert_type3A_1797 = tpu.bitcast %get3A_1796 : vector<16xf32> -> vector<16xi32>
        %shift_left3A_1798 = arith.shli %bitcast_convert_type3A_1797, %broadcast_in_dim3A_103 : vector<16xi32>
        %bitcast_convert_type3A_1799 = tpu.bitcast %shift_left3A_1798 : vector<16xi32> -> vector<16xf32>
        %and3A_1800 = arith.andi %bitcast_convert_type3A_1797, %broadcast_in_dim3A_105 : vector<16xi32>
        %bitcast_convert_type3A_1801 = tpu.bitcast %and3A_1800 : vector<16xi32> -> vector<16xf32>
        %mul3A_1802 = arith.mulf %get3A_1435, %bitcast_convert_type3A_1799 : vector<16xf32>
        %add3A_1803 = arith.constant 1.000000e+00 : f32
        %add3A_1804 = vector.broadcast %add3A_1803 : f32 to vector<16xf32>
        %add3A_1805 = arith.addf %add3A_1804, %mul3A_1802 : vector<16xf32>
        %bitcast_convert_type3A_1806 = tpu.bitcast %add3A_1805 : vector<16xf32> -> vector<16xi32>
        %sub3A_1807 = arith.subi %broadcast_in_dim3A_101, %bitcast_convert_type3A_1806 : vector<16xi32>
        %bitcast_convert_type3A_1808 = tpu.bitcast %sub3A_1807 : vector<16xi32> -> vector<16xf32>
        %mul3A_1809 = arith.mulf %add3A_1805, %bitcast_convert_type3A_1808 : vector<16xf32>
        %sub3A_1810 = arith.constant 2.000000e+00 : f32
        %sub3A_1811 = vector.broadcast %sub3A_1810 : f32 to vector<16xf32>
        %sub3A_1812 = arith.subf %sub3A_1811, %mul3A_1809 : vector<16xf32>
        %mul3A_1813 = arith.mulf %bitcast_convert_type3A_1808, %sub3A_1812 : vector<16xf32>
        %mul3A_1814 = arith.mulf %bitcast_convert_type3A_1801, %mul3A_1813 : vector<16xf32>
        %add3A_1815 = arith.addf %add3A_1788, %mul3A_1814 : vector<16xf32>
        %mul3A_1816 = arith.constant 16 : i32
        %mul3A_1817 = arith.muli %scan3A_99, %mul3A_1816 : i32
        %add3A_1818 = arith.constant 14 : i32
        %add3A_1819 = arith.addi %mul3A_1817, %add3A_1818 : i32
        %get3A_1820 = arith.index_cast %add3A_1819 : i32 to index
        %get3A_1821 = arith.constant 48 : index
        %get3A_1822 = tpu.vector_load %arg9[%get3A_1820, %get3A_1821] {strides = array<i32>} : memref<64x64xf32, #tpu.memory_space<vmem>>, vector<1x16xf32>,
        %get3A_1823 = vector.shape_cast %get3A_1822 : vector<1x16xf32> to vector<16xf32>
        %bitcast_convert_type3A_1824 = tpu.bitcast %get3A_1823 : vector<16xf32> -> vector<16xi32>
        %shift_left3A_1825 = arith.shli %bitcast_convert_type3A_1824, %broadcast_in_dim3A_103 : vector<16xi32>
        %bitcast_convert_type3A_1826 = tpu.bitcast %shift_left3A_1825 : vector<16xi32> -> vector<16xf32>
        %and3A_1827 = arith.andi %bitcast_convert_type3A_1824, %broadcast_in_dim3A_105 : vector<16xi32>
        %bitcast_convert_type3A_1828 = tpu.bitcast %and3A_1827 : vector<16xi32> -> vector<16xf32>
        %mul3A_1829 = arith.mulf %get3A_1435, %bitcast_convert_type3A_1826 : vector<16xf32>
        %add3A_1830 = arith.constant 1.000000e+00 : f32
        %add3A_1831 = vector.broadcast %add3A_1830 : f32 to vector<16xf32>
        %add3A_1832 = arith.addf %add3A_1831, %mul3A_1829 : vector<16xf32>
        %bitcast_convert_type3A_1833 = tpu.bitcast %add3A_1832 : vector<16xf32> -> vector<16xi32>
        %sub3A_1834 = arith.subi %broadcast_in_dim3A_101, %bitcast_convert_type3A_1833 : vector<16xi32>
        %bitcast_convert_type3A_1835 = tpu.bitcast %sub3A_1834 : vector<16xi32> -> vector<16xf32>
        %mul3A_1836 = arith.mulf %add3A_1832, %bitcast_convert_type3A_1835 : vector<16xf32>
        %sub3A_1837 = arith.constant 2.000000e+00 : f32
        %sub3A_1838 = vector.broadcast %sub3A_1837 : f32 to vector<16xf32>
        %sub3A_1839 = arith.subf %sub3A_1838, %mul3A_1836 : vector<16xf32>
        %mul3A_1840 = arith.mulf %bitcast_convert_type3A_1835, %sub3A_1839 : vector<16xf32>
        %mul3A_1841 = arith.mulf %bitcast_convert_type3A_1828, %mul3A_1840 : vector<16xf32>
        %add3A_1842 = arith.addf %add3A_1815, %mul3A_1841 : vector<16xf32>
        %mul3A_1843 = arith.constant 16 : i32
        %mul3A_1844 = arith.muli %scan3A_99, %mul3A_1843 : i32
        %add3A_1845 = arith.constant 15 : i32
        %add3A_1846 = arith.addi %mul3A_1844, %add3A_1845 : i32
        %get3A_1847 = arith.index_cast %add3A_1846 : i32 to index
        %get3A_1848 = arith.constant 48 : index
        %get3A_1849 = tpu.vector_load %arg9[%get3A_1847, %get3A_1848] {strides = array<i32>} : memref<64x64xf32, #tpu.memory_space<vmem>>, vector<1x16xf32>,
        %get3A_1850 = vector.shape_cast %get3A_1849 : vector<1x16xf32> to vector<16xf32>
        %bitcast_convert_type3A_1851 = tpu.bitcast %get3A_1850 : vector<16xf32> -> vector<16xi32>
        %shift_left3A_1852 = arith.shli %bitcast_convert_type3A_1851, %broadcast_in_dim3A_103 : vector<16xi32>
        %bitcast_convert_type3A_1853 = tpu.bitcast %shift_left3A_1852 : vector<16xi32> -> vector<16xf32>
        %and3A_1854 = arith.andi %bitcast_convert_type3A_1851, %broadcast_in_dim3A_105 : vector<16xi32>
        %bitcast_convert_type3A_1855 = tpu.bitcast %and3A_1854 : vector<16xi32> -> vector<16xf32>
        %mul3A_1856 = arith.mulf %get3A_1435, %bitcast_convert_type3A_1853 : vector<16xf32>
        %add3A_1857 = arith.constant 1.000000e+00 : f32
        %add3A_1858 = vector.broadcast %add3A_1857 : f32 to vector<16xf32>
        %add3A_1859 = arith.addf %add3A_1858, %mul3A_1856 : vector<16xf32>
        %bitcast_convert_type3A_1860 = tpu.bitcast %add3A_1859 : vector<16xf32> -> vector<16xi32>
        %sub3A_1861 = arith.subi %broadcast_in_dim3A_101, %bitcast_convert_type3A_1860 : vector<16xi32>
        %bitcast_convert_type3A_1862 = tpu.bitcast %sub3A_1861 : vector<16xi32> -> vector<16xf32>
        %mul3A_1863 = arith.mulf %add3A_1859, %bitcast_convert_type3A_1862 : vector<16xf32>
        %sub3A_1864 = arith.constant 2.000000e+00 : f32
        %sub3A_1865 = vector.broadcast %sub3A_1864 : f32 to vector<16xf32>
        %sub3A_1866 = arith.subf %sub3A_1865, %mul3A_1863 : vector<16xf32>
        %mul3A_1867 = arith.mulf %bitcast_convert_type3A_1862, %sub3A_1866 : vector<16xf32>
        %mul3A_1868 = arith.mulf %bitcast_convert_type3A_1855, %mul3A_1867 : vector<16xf32>
        %add3A_1869 = arith.addf %add3A_1842, %mul3A_1868 : vector<16xf32>
        %swap3A_1870 = arith.index_cast %scan3A_99 : i32 to index
        %swap3A_1871 = arith.constant 48 : index
        %swap3A_1872 = tpu.vector_load %arg11[%swap3A_1870, %swap3A_1871] {strides = array<i32>} : memref<4x64xf32, #tpu.memory_space<vmem>>, vector<1x16xf32>,
        %swap3A_1873 = vector.shape_cast %swap3A_1872 : vector<1x16xf32> to vector<16xf32>
        %swap3A_1874 = vector.shape_cast %add3A_1869 : vector<16xf32> to vector<1x16xf32>
        tpu.vector_store %arg11[%swap3A_1870, %swap3A_1871], %swap3A_1874 {strides = array<i32>} : memref<4x64xf32, #tpu.memory_space<vmem>>, vector<1x16xf32>,
        %scan3A_1875 = arith.constant 0 : i32
        scf.yield %scan3A_1875 : i32
      }
      %scan3A_55 = arith.constant 4 : i32
      %mul3A_56 = arith.constant 4 : i32
      %mul3A_57 = arith.muli %add3A_35, %mul3A_56 : i32
      %add3A_58 = arith.addi %mul3A_2, %mul3A_57 : i32
      %dma_start3A_59 = arith.constant 0 : i32
      %dma_start3A_60 = tpu.memref_slice %arg5[%add3A_58, %dma_start3A_59] : memref<10240x64xf32, #tpu.memory_space<hbm>> -> memref<4x64xf32, #tpu.memory_space<hbm>>
      %dma_start3A_61 = arith.constant 0 : i32
      %dma_start3A_62 = tpu.memref_slice %arg5[%add3A_58, %dma_start3A_61] : memref<10240x64xf32, #tpu.memory_space<hbm>> -> memref<4x64xf32, #tpu.memory_space<hbm>>
      tpu.enqueue_dma source(%arg11 : memref<4x64xf32, #tpu.memory_space<vmem>>) target(%dma_start3A_62 : memref<4x64xf32, #tpu.memory_space<hbm>>) target_semaphore(%arg15 : memref<!tpu.dma_semaphore, #tpu.memory_space<semaphore_mem>>)
      %mul3A_63 = arith.constant 2 : i32
      %mul3A_64 = arith.muli %scan3A_30, %mul3A_63 : i32
      %add3A_65 = arith.constant 1 : i32
      %add3A_66 = arith.addi %mul3A_64, %add3A_65 : i32
      %add3A_67 = arith.constant 1 : i32
      %add3A_68 = arith.addi %add3A_66, %add3A_67 : i32
      %lt3A_69 = arith.constant 80 : i32
      %lt3A_70 = arith.cmpi slt, %add3A_68, %lt3A_69 : i32
      %convert_element_type3A_71 = arith.extui %lt3A_70 : i1 to i32
      %cond3A_72 = arith.constant 0 : i32
      %cond3A_73 = arith.cmpi ne, %convert_element_type3A_71, %cond3A_72 : i32
      scf.if %cond3A_73 {
        %add3A_99 = arith.constant 1 : i32
        %add3A_100 = arith.addi %add3A_66, %add3A_99 : i32
        %mul3A_101 = arith.constant 64 : i32
        %mul3A_102 = arith.muli %add3A_100, %mul3A_101 : i32
        %dma_start3A_103 = tpu.memref_slice %arg6[%mul3A_102] : memref<5120xi32, #tpu.memory_space<vmem>> -> memref<64xi32, #tpu.memory_space<vmem>>
        %dma_start3A_104 = arith.constant 0 : i32
        %dma_start3A_105 = arith.constant 0 : i32
        %dma_start3A_106 = tpu.memref_slice %arg7[%dma_start3A_104, %dma_start3A_105] : memref<10240x64xf32, #tpu.memory_space<vmem_shared>> -> memref<10240x64xf32, #tpu.memory_space<vmem_shared>>
        tpu.enqueue_indirect_dma source(%dma_start3A_106 : memref<10240x64xf32, #tpu.memory_space<vmem_shared>>) target(%arg9 : memref<64x64xf32, #tpu.memory_space<vmem>>) offsets(%dma_start3A_103 : memref<64xi32, #tpu.memory_space<vmem>>) semaphore(%arg13 : memref<!tpu.dma_semaphore, #tpu.memory_space<semaphore_mem>>)
      } else {
      }
      %dma_wait3A_74 = arith.constant 0 : i32
      %dma_wait3A_75 = tpu.memref_slice %arg6[%dma_wait3A_74] : memref<5120xi32, #tpu.memory_space<vmem>> -> memref<64xi32, #tpu.memory_space<vmem>>
      %dma_wait3A_76 = arith.constant 0 : i32
      %dma_wait3A_77 = arith.constant 0 : i32
      %dma_wait3A_78 = tpu.memref_slice %arg7[%dma_wait3A_76, %dma_wait3A_77] : memref<10240x64xf32, #tpu.memory_space<vmem_shared>> -> memref<10240x64xf32, #tpu.memory_space<vmem_shared>>
      tpu.wait_indirect_dma semaphore(%arg14 : memref<!tpu.dma_semaphore, #tpu.memory_space<semaphore_mem>>) src(%dma_wait3A_78 : memref<10240x64xf32, #tpu.memory_space<vmem_shared>>) dst(%arg10 : memref<64x64xf32, #tpu.memory_space<vmem>>)
      %ge3A_79 = arith.constant 2 : i32
      %ge3A_80 = arith.cmpi sge, %add3A_66, %ge3A_79 : i32
      %convert_element_type3A_81 = arith.extui %ge3A_80 : i1 to i32
      %cond3A_82 = arith.constant 0 : i32
      %cond3A_83 = arith.cmpi ne, %convert_element_type3A_81, %cond3A_82 : i32
      scf.if %cond3A_83 {
        %dma_wait3A_99 = arith.constant 0 : i32
        %dma_wait3A_100 = arith.constant 0 : i32
        %dma_wait3A_101 = tpu.memref_slice %arg5[%dma_wait3A_99, %dma_wait3A_100] : memref<10240x64xf32, #tpu.memory_space<hbm>> -> memref<4x64xf32, #tpu.memory_space<hbm>>
        %dma_wait3A_102 = arith.constant 0 : i32
        %dma_wait3A_103 = arith.constant 0 : i32
        %dma_wait3A_104 = tpu.memref_slice %arg5[%dma_wait3A_102, %dma_wait3A_103] : memref<10240x64xf32, #tpu.memory_space<hbm>> -> memref<4x64xf32, #tpu.memory_space<hbm>>
        tpu.wait_dma2 semaphore(%arg16 : memref<!tpu.dma_semaphore, #tpu.memory_space<semaphore_mem>>) src(%arg12 : memref<4x64xf32, #tpu.memory_space<vmem>>) dst(%dma_wait3A_104 : memref<4x64xf32, #tpu.memory_space<hbm>>)
      } else {
      }
      %scan3A_84 = arith.constant 0 : i32
      %scan3A_85 = arith.constant 0 : i32
      %scan3A_86 = arith.constant 4 : i32
      %scan3A_87 = arith.addi %scan3A_85, %scan3A_86 : i32
      %scan3A_88 = arith.constant 1 : i32
      %scan3A_89 = scf.for %scan3A_99 = %scan3A_85 to %scan3A_87 step %scan3A_88 iter_args(%scan3A_100 = %scan3A_84) -> (i32)  : i32 {
        %broadcast_in_dim3A = arith.constant 2129733610 : i32
        %broadcast_in_dim3A_101 = vector.broadcast %broadcast_in_dim3A : i32 to vector<16xi32>
        %broadcast_in_dim3A_102 = arith.constant 16 : i32
        %broadcast_in_dim3A_103 = vector.broadcast %broadcast_in_dim3A_102 : i32 to vector<16xi32>
        %broadcast_in_dim3A_104 = arith.constant -65536 : i32
        %broadcast_in_dim3A_105 = vector.broadcast %broadcast_in_dim3A_104 : i32 to vector<16xi32>
        %mul3A_106 = arith.constant 4 : i32
        %mul3A_107 = arith.muli %add3A_66, %mul3A_106 : i32
        %add3A_108 = arith.addi %mul3A_107, %scan3A_99 : i32
        %get3A = arith.index_cast %add3A_108 : i32 to index
        %get3A_109 = arith.constant 0 : index
        %get3A_110 = tpu.vector_load %arg8[%get3A, %get3A_109] {strides = array<i32>} : memref<320x64xf32, #tpu.memory_space<vmem>>, vector<1x16xf32>,
        %get3A_111 = vector.shape_cast %get3A_110 : vector<1x16xf32> to vector<16xf32>
        %broadcast_in_dim3A_112 = arith.constant 0.000000e+00 : f32
        %broadcast_in_dim3A_113 = vector.broadcast %broadcast_in_dim3A_112 : f32 to vector<16xf32>
        %mul3A_114 = arith.constant 16 : i32
        %mul3A_115 = arith.muli %scan3A_99, %mul3A_114 : i32
        %add3A_116 = arith.constant 0 : i32
        %add3A_117 = arith.addi %mul3A_115, %add3A_116 : i32
        %get3A_118 = arith.index_cast %add3A_117 : i32 to index
        %get3A_119 = arith.constant 0 : index
        %get3A_120 = tpu.vector_load %arg10[%get3A_118, %get3A_119] {strides = array<i32>} : memref<64x64xf32, #tpu.memory_space<vmem>>, vector<1x16xf32>,
        %get3A_121 = vector.shape_cast %get3A_120 : vector<1x16xf32> to vector<16xf32>
        %bitcast_convert_type3A = tpu.bitcast %get3A_121 : vector<16xf32> -> vector<16xi32>
        %shift_left3A = arith.shli %bitcast_convert_type3A, %broadcast_in_dim3A_103 : vector<16xi32>
        %bitcast_convert_type3A_122 = tpu.bitcast %shift_left3A : vector<16xi32> -> vector<16xf32>
        %and3A = arith.andi %bitcast_convert_type3A, %broadcast_in_dim3A_105 : vector<16xi32>
        %bitcast_convert_type3A_123 = tpu.bitcast %and3A : vector<16xi32> -> vector<16xf32>
        %mul3A_124 = arith.mulf %get3A_111, %bitcast_convert_type3A_122 : vector<16xf32>
        %add3A_125 = arith.constant 1.000000e+00 : f32
        %add3A_126 = vector.broadcast %add3A_125 : f32 to vector<16xf32>
        %add3A_127 = arith.addf %add3A_126, %mul3A_124 : vector<16xf32>
        %bitcast_convert_type3A_128 = tpu.bitcast %add3A_127 : vector<16xf32> -> vector<16xi32>
        %sub3A = arith.subi %broadcast_in_dim3A_101, %bitcast_convert_type3A_128 : vector<16xi32>
        %bitcast_convert_type3A_129 = tpu.bitcast %sub3A : vector<16xi32> -> vector<16xf32>
        %mul3A_130 = arith.mulf %add3A_127, %bitcast_convert_type3A_129 : vector<16xf32>
        %sub3A_131 = arith.constant 2.000000e+00 : f32
        %sub3A_132 = vector.broadcast %sub3A_131 : f32 to vector<16xf32>
        %sub3A_133 = arith.subf %sub3A_132, %mul3A_130 : vector<16xf32>
        %mul3A_134 = arith.mulf %bitcast_convert_type3A_129, %sub3A_133 : vector<16xf32>
        %mul3A_135 = arith.mulf %bitcast_convert_type3A_123, %mul3A_134 : vector<16xf32>
        %add3A_136 = arith.addf %broadcast_in_dim3A_113, %mul3A_135 : vector<16xf32>
        %mul3A_137 = arith.constant 16 : i32
        %mul3A_138 = arith.muli %scan3A_99, %mul3A_137 : i32
        %add3A_139 = arith.constant 1 : i32
        %add3A_140 = arith.addi %mul3A_138, %add3A_139 : i32
        %get3A_141 = arith.index_cast %add3A_140 : i32 to index
        %get3A_142 = arith.constant 0 : index
        %get3A_143 = tpu.vector_load %arg10[%get3A_141, %get3A_142] {strides = array<i32>} : memref<64x64xf32, #tpu.memory_space<vmem>>, vector<1x16xf32>,
        %get3A_144 = vector.shape_cast %get3A_143 : vector<1x16xf32> to vector<16xf32>
        %bitcast_convert_type3A_145 = tpu.bitcast %get3A_144 : vector<16xf32> -> vector<16xi32>
        %shift_left3A_146 = arith.shli %bitcast_convert_type3A_145, %broadcast_in_dim3A_103 : vector<16xi32>
        %bitcast_convert_type3A_147 = tpu.bitcast %shift_left3A_146 : vector<16xi32> -> vector<16xf32>
        %and3A_148 = arith.andi %bitcast_convert_type3A_145, %broadcast_in_dim3A_105 : vector<16xi32>
        %bitcast_convert_type3A_149 = tpu.bitcast %and3A_148 : vector<16xi32> -> vector<16xf32>
        %mul3A_150 = arith.mulf %get3A_111, %bitcast_convert_type3A_147 : vector<16xf32>
        %add3A_151 = arith.constant 1.000000e+00 : f32
        %add3A_152 = vector.broadcast %add3A_151 : f32 to vector<16xf32>
        %add3A_153 = arith.addf %add3A_152, %mul3A_150 : vector<16xf32>
        %bitcast_convert_type3A_154 = tpu.bitcast %add3A_153 : vector<16xf32> -> vector<16xi32>
        %sub3A_155 = arith.subi %broadcast_in_dim3A_101, %bitcast_convert_type3A_154 : vector<16xi32>
        %bitcast_convert_type3A_156 = tpu.bitcast %sub3A_155 : vector<16xi32> -> vector<16xf32>
        %mul3A_157 = arith.mulf %add3A_153, %bitcast_convert_type3A_156 : vector<16xf32>
        %sub3A_158 = arith.constant 2.000000e+00 : f32
        %sub3A_159 = vector.broadcast %sub3A_158 : f32 to vector<16xf32>
        %sub3A_160 = arith.subf %sub3A_159, %mul3A_157 : vector<16xf32>
        %mul3A_161 = arith.mulf %bitcast_convert_type3A_156, %sub3A_160 : vector<16xf32>
        %mul3A_162 = arith.mulf %bitcast_convert_type3A_149, %mul3A_161 : vector<16xf32>
        %add3A_163 = arith.addf %add3A_136, %mul3A_162 : vector<16xf32>
        %mul3A_164 = arith.constant 16 : i32
        %mul3A_165 = arith.muli %scan3A_99, %mul3A_164 : i32
        %add3A_166 = arith.constant 2 : i32
        %add3A_167 = arith.addi %mul3A_165, %add3A_166 : i32
        %get3A_168 = arith.index_cast %add3A_167 : i32 to index
        %get3A_169 = arith.constant 0 : index
        %get3A_170 = tpu.vector_load %arg10[%get3A_168, %get3A_169] {strides = array<i32>} : memref<64x64xf32, #tpu.memory_space<vmem>>, vector<1x16xf32>,
        %get3A_171 = vector.shape_cast %get3A_170 : vector<1x16xf32> to vector<16xf32>
        %bitcast_convert_type3A_172 = tpu.bitcast %get3A_171 : vector<16xf32> -> vector<16xi32>
        %shift_left3A_173 = arith.shli %bitcast_convert_type3A_172, %broadcast_in_dim3A_103 : vector<16xi32>
        %bitcast_convert_type3A_174 = tpu.bitcast %shift_left3A_173 : vector<16xi32> -> vector<16xf32>
        %and3A_175 = arith.andi %bitcast_convert_type3A_172, %broadcast_in_dim3A_105 : vector<16xi32>
        %bitcast_convert_type3A_176 = tpu.bitcast %and3A_175 : vector<16xi32> -> vector<16xf32>
        %mul3A_177 = arith.mulf %get3A_111, %bitcast_convert_type3A_174 : vector<16xf32>
        %add3A_178 = arith.constant 1.000000e+00 : f32
        %add3A_179 = vector.broadcast %add3A_178 : f32 to vector<16xf32>
        %add3A_180 = arith.addf %add3A_179, %mul3A_177 : vector<16xf32>
        %bitcast_convert_type3A_181 = tpu.bitcast %add3A_180 : vector<16xf32> -> vector<16xi32>
        %sub3A_182 = arith.subi %broadcast_in_dim3A_101, %bitcast_convert_type3A_181 : vector<16xi32>
        %bitcast_convert_type3A_183 = tpu.bitcast %sub3A_182 : vector<16xi32> -> vector<16xf32>
        %mul3A_184 = arith.mulf %add3A_180, %bitcast_convert_type3A_183 : vector<16xf32>
        %sub3A_185 = arith.constant 2.000000e+00 : f32
        %sub3A_186 = vector.broadcast %sub3A_185 : f32 to vector<16xf32>
        %sub3A_187 = arith.subf %sub3A_186, %mul3A_184 : vector<16xf32>
        %mul3A_188 = arith.mulf %bitcast_convert_type3A_183, %sub3A_187 : vector<16xf32>
        %mul3A_189 = arith.mulf %bitcast_convert_type3A_176, %mul3A_188 : vector<16xf32>
        %add3A_190 = arith.addf %add3A_163, %mul3A_189 : vector<16xf32>
        %mul3A_191 = arith.constant 16 : i32
        %mul3A_192 = arith.muli %scan3A_99, %mul3A_191 : i32
        %add3A_193 = arith.constant 3 : i32
        %add3A_194 = arith.addi %mul3A_192, %add3A_193 : i32
        %get3A_195 = arith.index_cast %add3A_194 : i32 to index
        %get3A_196 = arith.constant 0 : index
        %get3A_197 = tpu.vector_load %arg10[%get3A_195, %get3A_196] {strides = array<i32>} : memref<64x64xf32, #tpu.memory_space<vmem>>, vector<1x16xf32>,
        %get3A_198 = vector.shape_cast %get3A_197 : vector<1x16xf32> to vector<16xf32>
        %bitcast_convert_type3A_199 = tpu.bitcast %get3A_198 : vector<16xf32> -> vector<16xi32>
        %shift_left3A_200 = arith.shli %bitcast_convert_type3A_199, %broadcast_in_dim3A_103 : vector<16xi32>
        %bitcast_convert_type3A_201 = tpu.bitcast %shift_left3A_200 : vector<16xi32> -> vector<16xf32>
        %and3A_202 = arith.andi %bitcast_convert_type3A_199, %broadcast_in_dim3A_105 : vector<16xi32>
        %bitcast_convert_type3A_203 = tpu.bitcast %and3A_202 : vector<16xi32> -> vector<16xf32>
        %mul3A_204 = arith.mulf %get3A_111, %bitcast_convert_type3A_201 : vector<16xf32>
        %add3A_205 = arith.constant 1.000000e+00 : f32
        %add3A_206 = vector.broadcast %add3A_205 : f32 to vector<16xf32>
        %add3A_207 = arith.addf %add3A_206, %mul3A_204 : vector<16xf32>
        %bitcast_convert_type3A_208 = tpu.bitcast %add3A_207 : vector<16xf32> -> vector<16xi32>
        %sub3A_209 = arith.subi %broadcast_in_dim3A_101, %bitcast_convert_type3A_208 : vector<16xi32>
        %bitcast_convert_type3A_210 = tpu.bitcast %sub3A_209 : vector<16xi32> -> vector<16xf32>
        %mul3A_211 = arith.mulf %add3A_207, %bitcast_convert_type3A_210 : vector<16xf32>
        %sub3A_212 = arith.constant 2.000000e+00 : f32
        %sub3A_213 = vector.broadcast %sub3A_212 : f32 to vector<16xf32>
        %sub3A_214 = arith.subf %sub3A_213, %mul3A_211 : vector<16xf32>
        %mul3A_215 = arith.mulf %bitcast_convert_type3A_210, %sub3A_214 : vector<16xf32>
        %mul3A_216 = arith.mulf %bitcast_convert_type3A_203, %mul3A_215 : vector<16xf32>
        %add3A_217 = arith.addf %add3A_190, %mul3A_216 : vector<16xf32>
        %mul3A_218 = arith.constant 16 : i32
        %mul3A_219 = arith.muli %scan3A_99, %mul3A_218 : i32
        %add3A_220 = arith.constant 4 : i32
        %add3A_221 = arith.addi %mul3A_219, %add3A_220 : i32
        %get3A_222 = arith.index_cast %add3A_221 : i32 to index
        %get3A_223 = arith.constant 0 : index
        %get3A_224 = tpu.vector_load %arg10[%get3A_222, %get3A_223] {strides = array<i32>} : memref<64x64xf32, #tpu.memory_space<vmem>>, vector<1x16xf32>,
        %get3A_225 = vector.shape_cast %get3A_224 : vector<1x16xf32> to vector<16xf32>
        %bitcast_convert_type3A_226 = tpu.bitcast %get3A_225 : vector<16xf32> -> vector<16xi32>
        %shift_left3A_227 = arith.shli %bitcast_convert_type3A_226, %broadcast_in_dim3A_103 : vector<16xi32>
        %bitcast_convert_type3A_228 = tpu.bitcast %shift_left3A_227 : vector<16xi32> -> vector<16xf32>
        %and3A_229 = arith.andi %bitcast_convert_type3A_226, %broadcast_in_dim3A_105 : vector<16xi32>
        %bitcast_convert_type3A_230 = tpu.bitcast %and3A_229 : vector<16xi32> -> vector<16xf32>
        %mul3A_231 = arith.mulf %get3A_111, %bitcast_convert_type3A_228 : vector<16xf32>
        %add3A_232 = arith.constant 1.000000e+00 : f32
        %add3A_233 = vector.broadcast %add3A_232 : f32 to vector<16xf32>
        %add3A_234 = arith.addf %add3A_233, %mul3A_231 : vector<16xf32>
        %bitcast_convert_type3A_235 = tpu.bitcast %add3A_234 : vector<16xf32> -> vector<16xi32>
        %sub3A_236 = arith.subi %broadcast_in_dim3A_101, %bitcast_convert_type3A_235 : vector<16xi32>
        %bitcast_convert_type3A_237 = tpu.bitcast %sub3A_236 : vector<16xi32> -> vector<16xf32>
        %mul3A_238 = arith.mulf %add3A_234, %bitcast_convert_type3A_237 : vector<16xf32>
        %sub3A_239 = arith.constant 2.000000e+00 : f32
        %sub3A_240 = vector.broadcast %sub3A_239 : f32 to vector<16xf32>
        %sub3A_241 = arith.subf %sub3A_240, %mul3A_238 : vector<16xf32>
        %mul3A_242 = arith.mulf %bitcast_convert_type3A_237, %sub3A_241 : vector<16xf32>
        %mul3A_243 = arith.mulf %bitcast_convert_type3A_230, %mul3A_242 : vector<16xf32>
        %add3A_244 = arith.addf %add3A_217, %mul3A_243 : vector<16xf32>
        %mul3A_245 = arith.constant 16 : i32
        %mul3A_246 = arith.muli %scan3A_99, %mul3A_245 : i32
        %add3A_247 = arith.constant 5 : i32
        %add3A_248 = arith.addi %mul3A_246, %add3A_247 : i32
        %get3A_249 = arith.index_cast %add3A_248 : i32 to index
        %get3A_250 = arith.constant 0 : index
        %get3A_251 = tpu.vector_load %arg10[%get3A_249, %get3A_250] {strides = array<i32>} : memref<64x64xf32, #tpu.memory_space<vmem>>, vector<1x16xf32>,
        %get3A_252 = vector.shape_cast %get3A_251 : vector<1x16xf32> to vector<16xf32>
        %bitcast_convert_type3A_253 = tpu.bitcast %get3A_252 : vector<16xf32> -> vector<16xi32>
        %shift_left3A_254 = arith.shli %bitcast_convert_type3A_253, %broadcast_in_dim3A_103 : vector<16xi32>
        %bitcast_convert_type3A_255 = tpu.bitcast %shift_left3A_254 : vector<16xi32> -> vector<16xf32>
        %and3A_256 = arith.andi %bitcast_convert_type3A_253, %broadcast_in_dim3A_105 : vector<16xi32>
        %bitcast_convert_type3A_257 = tpu.bitcast %and3A_256 : vector<16xi32> -> vector<16xf32>
        %mul3A_258 = arith.mulf %get3A_111, %bitcast_convert_type3A_255 : vector<16xf32>
        %add3A_259 = arith.constant 1.000000e+00 : f32
        %add3A_260 = vector.broadcast %add3A_259 : f32 to vector<16xf32>
        %add3A_261 = arith.addf %add3A_260, %mul3A_258 : vector<16xf32>
        %bitcast_convert_type3A_262 = tpu.bitcast %add3A_261 : vector<16xf32> -> vector<16xi32>
        %sub3A_263 = arith.subi %broadcast_in_dim3A_101, %bitcast_convert_type3A_262 : vector<16xi32>
        %bitcast_convert_type3A_264 = tpu.bitcast %sub3A_263 : vector<16xi32> -> vector<16xf32>
        %mul3A_265 = arith.mulf %add3A_261, %bitcast_convert_type3A_264 : vector<16xf32>
        %sub3A_266 = arith.constant 2.000000e+00 : f32
        %sub3A_267 = vector.broadcast %sub3A_266 : f32 to vector<16xf32>
        %sub3A_268 = arith.subf %sub3A_267, %mul3A_265 : vector<16xf32>
        %mul3A_269 = arith.mulf %bitcast_convert_type3A_264, %sub3A_268 : vector<16xf32>
        %mul3A_270 = arith.mulf %bitcast_convert_type3A_257, %mul3A_269 : vector<16xf32>
        %add3A_271 = arith.addf %add3A_244, %mul3A_270 : vector<16xf32>
        %mul3A_272 = arith.constant 16 : i32
        %mul3A_273 = arith.muli %scan3A_99, %mul3A_272 : i32
        %add3A_274 = arith.constant 6 : i32
        %add3A_275 = arith.addi %mul3A_273, %add3A_274 : i32
        %get3A_276 = arith.index_cast %add3A_275 : i32 to index
        %get3A_277 = arith.constant 0 : index
        %get3A_278 = tpu.vector_load %arg10[%get3A_276, %get3A_277] {strides = array<i32>} : memref<64x64xf32, #tpu.memory_space<vmem>>, vector<1x16xf32>,
        %get3A_279 = vector.shape_cast %get3A_278 : vector<1x16xf32> to vector<16xf32>
        %bitcast_convert_type3A_280 = tpu.bitcast %get3A_279 : vector<16xf32> -> vector<16xi32>
        %shift_left3A_281 = arith.shli %bitcast_convert_type3A_280, %broadcast_in_dim3A_103 : vector<16xi32>
        %bitcast_convert_type3A_282 = tpu.bitcast %shift_left3A_281 : vector<16xi32> -> vector<16xf32>
        %and3A_283 = arith.andi %bitcast_convert_type3A_280, %broadcast_in_dim3A_105 : vector<16xi32>
        %bitcast_convert_type3A_284 = tpu.bitcast %and3A_283 : vector<16xi32> -> vector<16xf32>
        %mul3A_285 = arith.mulf %get3A_111, %bitcast_convert_type3A_282 : vector<16xf32>
        %add3A_286 = arith.constant 1.000000e+00 : f32
        %add3A_287 = vector.broadcast %add3A_286 : f32 to vector<16xf32>
        %add3A_288 = arith.addf %add3A_287, %mul3A_285 : vector<16xf32>
        %bitcast_convert_type3A_289 = tpu.bitcast %add3A_288 : vector<16xf32> -> vector<16xi32>
        %sub3A_290 = arith.subi %broadcast_in_dim3A_101, %bitcast_convert_type3A_289 : vector<16xi32>
        %bitcast_convert_type3A_291 = tpu.bitcast %sub3A_290 : vector<16xi32> -> vector<16xf32>
        %mul3A_292 = arith.mulf %add3A_288, %bitcast_convert_type3A_291 : vector<16xf32>
        %sub3A_293 = arith.constant 2.000000e+00 : f32
        %sub3A_294 = vector.broadcast %sub3A_293 : f32 to vector<16xf32>
        %sub3A_295 = arith.subf %sub3A_294, %mul3A_292 : vector<16xf32>
        %mul3A_296 = arith.mulf %bitcast_convert_type3A_291, %sub3A_295 : vector<16xf32>
        %mul3A_297 = arith.mulf %bitcast_convert_type3A_284, %mul3A_296 : vector<16xf32>
        %add3A_298 = arith.addf %add3A_271, %mul3A_297 : vector<16xf32>
        %mul3A_299 = arith.constant 16 : i32
        %mul3A_300 = arith.muli %scan3A_99, %mul3A_299 : i32
        %add3A_301 = arith.constant 7 : i32
        %add3A_302 = arith.addi %mul3A_300, %add3A_301 : i32
        %get3A_303 = arith.index_cast %add3A_302 : i32 to index
        %get3A_304 = arith.constant 0 : index
        %get3A_305 = tpu.vector_load %arg10[%get3A_303, %get3A_304] {strides = array<i32>} : memref<64x64xf32, #tpu.memory_space<vmem>>, vector<1x16xf32>,
        %get3A_306 = vector.shape_cast %get3A_305 : vector<1x16xf32> to vector<16xf32>
        %bitcast_convert_type3A_307 = tpu.bitcast %get3A_306 : vector<16xf32> -> vector<16xi32>
        %shift_left3A_308 = arith.shli %bitcast_convert_type3A_307, %broadcast_in_dim3A_103 : vector<16xi32>
        %bitcast_convert_type3A_309 = tpu.bitcast %shift_left3A_308 : vector<16xi32> -> vector<16xf32>
        %and3A_310 = arith.andi %bitcast_convert_type3A_307, %broadcast_in_dim3A_105 : vector<16xi32>
        %bitcast_convert_type3A_311 = tpu.bitcast %and3A_310 : vector<16xi32> -> vector<16xf32>
        %mul3A_312 = arith.mulf %get3A_111, %bitcast_convert_type3A_309 : vector<16xf32>
        %add3A_313 = arith.constant 1.000000e+00 : f32
        %add3A_314 = vector.broadcast %add3A_313 : f32 to vector<16xf32>
        %add3A_315 = arith.addf %add3A_314, %mul3A_312 : vector<16xf32>
        %bitcast_convert_type3A_316 = tpu.bitcast %add3A_315 : vector<16xf32> -> vector<16xi32>
        %sub3A_317 = arith.subi %broadcast_in_dim3A_101, %bitcast_convert_type3A_316 : vector<16xi32>
        %bitcast_convert_type3A_318 = tpu.bitcast %sub3A_317 : vector<16xi32> -> vector<16xf32>
        %mul3A_319 = arith.mulf %add3A_315, %bitcast_convert_type3A_318 : vector<16xf32>
        %sub3A_320 = arith.constant 2.000000e+00 : f32
        %sub3A_321 = vector.broadcast %sub3A_320 : f32 to vector<16xf32>
        %sub3A_322 = arith.subf %sub3A_321, %mul3A_319 : vector<16xf32>
        %mul3A_323 = arith.mulf %bitcast_convert_type3A_318, %sub3A_322 : vector<16xf32>
        %mul3A_324 = arith.mulf %bitcast_convert_type3A_311, %mul3A_323 : vector<16xf32>
        %add3A_325 = arith.addf %add3A_298, %mul3A_324 : vector<16xf32>
        %mul3A_326 = arith.constant 16 : i32
        %mul3A_327 = arith.muli %scan3A_99, %mul3A_326 : i32
        %add3A_328 = arith.constant 8 : i32
        %add3A_329 = arith.addi %mul3A_327, %add3A_328 : i32
        %get3A_330 = arith.index_cast %add3A_329 : i32 to index
        %get3A_331 = arith.constant 0 : index
        %get3A_332 = tpu.vector_load %arg10[%get3A_330, %get3A_331] {strides = array<i32>} : memref<64x64xf32, #tpu.memory_space<vmem>>, vector<1x16xf32>,
        %get3A_333 = vector.shape_cast %get3A_332 : vector<1x16xf32> to vector<16xf32>
        %bitcast_convert_type3A_334 = tpu.bitcast %get3A_333 : vector<16xf32> -> vector<16xi32>
        %shift_left3A_335 = arith.shli %bitcast_convert_type3A_334, %broadcast_in_dim3A_103 : vector<16xi32>
        %bitcast_convert_type3A_336 = tpu.bitcast %shift_left3A_335 : vector<16xi32> -> vector<16xf32>
        %and3A_337 = arith.andi %bitcast_convert_type3A_334, %broadcast_in_dim3A_105 : vector<16xi32>
        %bitcast_convert_type3A_338 = tpu.bitcast %and3A_337 : vector<16xi32> -> vector<16xf32>
        %mul3A_339 = arith.mulf %get3A_111, %bitcast_convert_type3A_336 : vector<16xf32>
        %add3A_340 = arith.constant 1.000000e+00 : f32
        %add3A_341 = vector.broadcast %add3A_340 : f32 to vector<16xf32>
        %add3A_342 = arith.addf %add3A_341, %mul3A_339 : vector<16xf32>
        %bitcast_convert_type3A_343 = tpu.bitcast %add3A_342 : vector<16xf32> -> vector<16xi32>
        %sub3A_344 = arith.subi %broadcast_in_dim3A_101, %bitcast_convert_type3A_343 : vector<16xi32>
        %bitcast_convert_type3A_345 = tpu.bitcast %sub3A_344 : vector<16xi32> -> vector<16xf32>
        %mul3A_346 = arith.mulf %add3A_342, %bitcast_convert_type3A_345 : vector<16xf32>
        %sub3A_347 = arith.constant 2.000000e+00 : f32
        %sub3A_348 = vector.broadcast %sub3A_347 : f32 to vector<16xf32>
        %sub3A_349 = arith.subf %sub3A_348, %mul3A_346 : vector<16xf32>
        %mul3A_350 = arith.mulf %bitcast_convert_type3A_345, %sub3A_349 : vector<16xf32>
        %mul3A_351 = arith.mulf %bitcast_convert_type3A_338, %mul3A_350 : vector<16xf32>
        %add3A_352 = arith.addf %add3A_325, %mul3A_351 : vector<16xf32>
        %mul3A_353 = arith.constant 16 : i32
        %mul3A_354 = arith.muli %scan3A_99, %mul3A_353 : i32
        %add3A_355 = arith.constant 9 : i32
        %add3A_356 = arith.addi %mul3A_354, %add3A_355 : i32
        %get3A_357 = arith.index_cast %add3A_356 : i32 to index
        %get3A_358 = arith.constant 0 : index
        %get3A_359 = tpu.vector_load %arg10[%get3A_357, %get3A_358] {strides = array<i32>} : memref<64x64xf32, #tpu.memory_space<vmem>>, vector<1x16xf32>,
        %get3A_360 = vector.shape_cast %get3A_359 : vector<1x16xf32> to vector<16xf32>
        %bitcast_convert_type3A_361 = tpu.bitcast %get3A_360 : vector<16xf32> -> vector<16xi32>
        %shift_left3A_362 = arith.shli %bitcast_convert_type3A_361, %broadcast_in_dim3A_103 : vector<16xi32>
        %bitcast_convert_type3A_363 = tpu.bitcast %shift_left3A_362 : vector<16xi32> -> vector<16xf32>
        %and3A_364 = arith.andi %bitcast_convert_type3A_361, %broadcast_in_dim3A_105 : vector<16xi32>
        %bitcast_convert_type3A_365 = tpu.bitcast %and3A_364 : vector<16xi32> -> vector<16xf32>
        %mul3A_366 = arith.mulf %get3A_111, %bitcast_convert_type3A_363 : vector<16xf32>
        %add3A_367 = arith.constant 1.000000e+00 : f32
        %add3A_368 = vector.broadcast %add3A_367 : f32 to vector<16xf32>
        %add3A_369 = arith.addf %add3A_368, %mul3A_366 : vector<16xf32>
        %bitcast_convert_type3A_370 = tpu.bitcast %add3A_369 : vector<16xf32> -> vector<16xi32>
        %sub3A_371 = arith.subi %broadcast_in_dim3A_101, %bitcast_convert_type3A_370 : vector<16xi32>
        %bitcast_convert_type3A_372 = tpu.bitcast %sub3A_371 : vector<16xi32> -> vector<16xf32>
        %mul3A_373 = arith.mulf %add3A_369, %bitcast_convert_type3A_372 : vector<16xf32>
        %sub3A_374 = arith.constant 2.000000e+00 : f32
        %sub3A_375 = vector.broadcast %sub3A_374 : f32 to vector<16xf32>
        %sub3A_376 = arith.subf %sub3A_375, %mul3A_373 : vector<16xf32>
        %mul3A_377 = arith.mulf %bitcast_convert_type3A_372, %sub3A_376 : vector<16xf32>
        %mul3A_378 = arith.mulf %bitcast_convert_type3A_365, %mul3A_377 : vector<16xf32>
        %add3A_379 = arith.addf %add3A_352, %mul3A_378 : vector<16xf32>
        %mul3A_380 = arith.constant 16 : i32
        %mul3A_381 = arith.muli %scan3A_99, %mul3A_380 : i32
        %add3A_382 = arith.constant 10 : i32
        %add3A_383 = arith.addi %mul3A_381, %add3A_382 : i32
        %get3A_384 = arith.index_cast %add3A_383 : i32 to index
        %get3A_385 = arith.constant 0 : index
        %get3A_386 = tpu.vector_load %arg10[%get3A_384, %get3A_385] {strides = array<i32>} : memref<64x64xf32, #tpu.memory_space<vmem>>, vector<1x16xf32>,
        %get3A_387 = vector.shape_cast %get3A_386 : vector<1x16xf32> to vector<16xf32>
        %bitcast_convert_type3A_388 = tpu.bitcast %get3A_387 : vector<16xf32> -> vector<16xi32>
        %shift_left3A_389 = arith.shli %bitcast_convert_type3A_388, %broadcast_in_dim3A_103 : vector<16xi32>
        %bitcast_convert_type3A_390 = tpu.bitcast %shift_left3A_389 : vector<16xi32> -> vector<16xf32>
        %and3A_391 = arith.andi %bitcast_convert_type3A_388, %broadcast_in_dim3A_105 : vector<16xi32>
        %bitcast_convert_type3A_392 = tpu.bitcast %and3A_391 : vector<16xi32> -> vector<16xf32>
        %mul3A_393 = arith.mulf %get3A_111, %bitcast_convert_type3A_390 : vector<16xf32>
        %add3A_394 = arith.constant 1.000000e+00 : f32
        %add3A_395 = vector.broadcast %add3A_394 : f32 to vector<16xf32>
        %add3A_396 = arith.addf %add3A_395, %mul3A_393 : vector<16xf32>
        %bitcast_convert_type3A_397 = tpu.bitcast %add3A_396 : vector<16xf32> -> vector<16xi32>
        %sub3A_398 = arith.subi %broadcast_in_dim3A_101, %bitcast_convert_type3A_397 : vector<16xi32>
        %bitcast_convert_type3A_399 = tpu.bitcast %sub3A_398 : vector<16xi32> -> vector<16xf32>
        %mul3A_400 = arith.mulf %add3A_396, %bitcast_convert_type3A_399 : vector<16xf32>
        %sub3A_401 = arith.constant 2.000000e+00 : f32
        %sub3A_402 = vector.broadcast %sub3A_401 : f32 to vector<16xf32>
        %sub3A_403 = arith.subf %sub3A_402, %mul3A_400 : vector<16xf32>
        %mul3A_404 = arith.mulf %bitcast_convert_type3A_399, %sub3A_403 : vector<16xf32>
        %mul3A_405 = arith.mulf %bitcast_convert_type3A_392, %mul3A_404 : vector<16xf32>
        %add3A_406 = arith.addf %add3A_379, %mul3A_405 : vector<16xf32>
        %mul3A_407 = arith.constant 16 : i32
        %mul3A_408 = arith.muli %scan3A_99, %mul3A_407 : i32
        %add3A_409 = arith.constant 11 : i32
        %add3A_410 = arith.addi %mul3A_408, %add3A_409 : i32
        %get3A_411 = arith.index_cast %add3A_410 : i32 to index
        %get3A_412 = arith.constant 0 : index
        %get3A_413 = tpu.vector_load %arg10[%get3A_411, %get3A_412] {strides = array<i32>} : memref<64x64xf32, #tpu.memory_space<vmem>>, vector<1x16xf32>,
        %get3A_414 = vector.shape_cast %get3A_413 : vector<1x16xf32> to vector<16xf32>
        %bitcast_convert_type3A_415 = tpu.bitcast %get3A_414 : vector<16xf32> -> vector<16xi32>
        %shift_left3A_416 = arith.shli %bitcast_convert_type3A_415, %broadcast_in_dim3A_103 : vector<16xi32>
        %bitcast_convert_type3A_417 = tpu.bitcast %shift_left3A_416 : vector<16xi32> -> vector<16xf32>
        %and3A_418 = arith.andi %bitcast_convert_type3A_415, %broadcast_in_dim3A_105 : vector<16xi32>
        %bitcast_convert_type3A_419 = tpu.bitcast %and3A_418 : vector<16xi32> -> vector<16xf32>
        %mul3A_420 = arith.mulf %get3A_111, %bitcast_convert_type3A_417 : vector<16xf32>
        %add3A_421 = arith.constant 1.000000e+00 : f32
        %add3A_422 = vector.broadcast %add3A_421 : f32 to vector<16xf32>
        %add3A_423 = arith.addf %add3A_422, %mul3A_420 : vector<16xf32>
        %bitcast_convert_type3A_424 = tpu.bitcast %add3A_423 : vector<16xf32> -> vector<16xi32>
        %sub3A_425 = arith.subi %broadcast_in_dim3A_101, %bitcast_convert_type3A_424 : vector<16xi32>
        %bitcast_convert_type3A_426 = tpu.bitcast %sub3A_425 : vector<16xi32> -> vector<16xf32>
        %mul3A_427 = arith.mulf %add3A_423, %bitcast_convert_type3A_426 : vector<16xf32>
        %sub3A_428 = arith.constant 2.000000e+00 : f32
        %sub3A_429 = vector.broadcast %sub3A_428 : f32 to vector<16xf32>
        %sub3A_430 = arith.subf %sub3A_429, %mul3A_427 : vector<16xf32>
        %mul3A_431 = arith.mulf %bitcast_convert_type3A_426, %sub3A_430 : vector<16xf32>
        %mul3A_432 = arith.mulf %bitcast_convert_type3A_419, %mul3A_431 : vector<16xf32>
        %add3A_433 = arith.addf %add3A_406, %mul3A_432 : vector<16xf32>
        %mul3A_434 = arith.constant 16 : i32
        %mul3A_435 = arith.muli %scan3A_99, %mul3A_434 : i32
        %add3A_436 = arith.constant 12 : i32
        %add3A_437 = arith.addi %mul3A_435, %add3A_436 : i32
        %get3A_438 = arith.index_cast %add3A_437 : i32 to index
        %get3A_439 = arith.constant 0 : index
        %get3A_440 = tpu.vector_load %arg10[%get3A_438, %get3A_439] {strides = array<i32>} : memref<64x64xf32, #tpu.memory_space<vmem>>, vector<1x16xf32>,
        %get3A_441 = vector.shape_cast %get3A_440 : vector<1x16xf32> to vector<16xf32>
        %bitcast_convert_type3A_442 = tpu.bitcast %get3A_441 : vector<16xf32> -> vector<16xi32>
        %shift_left3A_443 = arith.shli %bitcast_convert_type3A_442, %broadcast_in_dim3A_103 : vector<16xi32>
        %bitcast_convert_type3A_444 = tpu.bitcast %shift_left3A_443 : vector<16xi32> -> vector<16xf32>
        %and3A_445 = arith.andi %bitcast_convert_type3A_442, %broadcast_in_dim3A_105 : vector<16xi32>
        %bitcast_convert_type3A_446 = tpu.bitcast %and3A_445 : vector<16xi32> -> vector<16xf32>
        %mul3A_447 = arith.mulf %get3A_111, %bitcast_convert_type3A_444 : vector<16xf32>
        %add3A_448 = arith.constant 1.000000e+00 : f32
        %add3A_449 = vector.broadcast %add3A_448 : f32 to vector<16xf32>
        %add3A_450 = arith.addf %add3A_449, %mul3A_447 : vector<16xf32>
        %bitcast_convert_type3A_451 = tpu.bitcast %add3A_450 : vector<16xf32> -> vector<16xi32>
        %sub3A_452 = arith.subi %broadcast_in_dim3A_101, %bitcast_convert_type3A_451 : vector<16xi32>
        %bitcast_convert_type3A_453 = tpu.bitcast %sub3A_452 : vector<16xi32> -> vector<16xf32>
        %mul3A_454 = arith.mulf %add3A_450, %bitcast_convert_type3A_453 : vector<16xf32>
        %sub3A_455 = arith.constant 2.000000e+00 : f32
        %sub3A_456 = vector.broadcast %sub3A_455 : f32 to vector<16xf32>
        %sub3A_457 = arith.subf %sub3A_456, %mul3A_454 : vector<16xf32>
        %mul3A_458 = arith.mulf %bitcast_convert_type3A_453, %sub3A_457 : vector<16xf32>
        %mul3A_459 = arith.mulf %bitcast_convert_type3A_446, %mul3A_458 : vector<16xf32>
        %add3A_460 = arith.addf %add3A_433, %mul3A_459 : vector<16xf32>
        %mul3A_461 = arith.constant 16 : i32
        %mul3A_462 = arith.muli %scan3A_99, %mul3A_461 : i32
        %add3A_463 = arith.constant 13 : i32
        %add3A_464 = arith.addi %mul3A_462, %add3A_463 : i32
        %get3A_465 = arith.index_cast %add3A_464 : i32 to index
        %get3A_466 = arith.constant 0 : index
        %get3A_467 = tpu.vector_load %arg10[%get3A_465, %get3A_466] {strides = array<i32>} : memref<64x64xf32, #tpu.memory_space<vmem>>, vector<1x16xf32>,
        %get3A_468 = vector.shape_cast %get3A_467 : vector<1x16xf32> to vector<16xf32>
        %bitcast_convert_type3A_469 = tpu.bitcast %get3A_468 : vector<16xf32> -> vector<16xi32>
        %shift_left3A_470 = arith.shli %bitcast_convert_type3A_469, %broadcast_in_dim3A_103 : vector<16xi32>
        %bitcast_convert_type3A_471 = tpu.bitcast %shift_left3A_470 : vector<16xi32> -> vector<16xf32>
        %and3A_472 = arith.andi %bitcast_convert_type3A_469, %broadcast_in_dim3A_105 : vector<16xi32>
        %bitcast_convert_type3A_473 = tpu.bitcast %and3A_472 : vector<16xi32> -> vector<16xf32>
        %mul3A_474 = arith.mulf %get3A_111, %bitcast_convert_type3A_471 : vector<16xf32>
        %add3A_475 = arith.constant 1.000000e+00 : f32
        %add3A_476 = vector.broadcast %add3A_475 : f32 to vector<16xf32>
        %add3A_477 = arith.addf %add3A_476, %mul3A_474 : vector<16xf32>
        %bitcast_convert_type3A_478 = tpu.bitcast %add3A_477 : vector<16xf32> -> vector<16xi32>
        %sub3A_479 = arith.subi %broadcast_in_dim3A_101, %bitcast_convert_type3A_478 : vector<16xi32>
        %bitcast_convert_type3A_480 = tpu.bitcast %sub3A_479 : vector<16xi32> -> vector<16xf32>
        %mul3A_481 = arith.mulf %add3A_477, %bitcast_convert_type3A_480 : vector<16xf32>
        %sub3A_482 = arith.constant 2.000000e+00 : f32
        %sub3A_483 = vector.broadcast %sub3A_482 : f32 to vector<16xf32>
        %sub3A_484 = arith.subf %sub3A_483, %mul3A_481 : vector<16xf32>
        %mul3A_485 = arith.mulf %bitcast_convert_type3A_480, %sub3A_484 : vector<16xf32>
        %mul3A_486 = arith.mulf %bitcast_convert_type3A_473, %mul3A_485 : vector<16xf32>
        %add3A_487 = arith.addf %add3A_460, %mul3A_486 : vector<16xf32>
        %mul3A_488 = arith.constant 16 : i32
        %mul3A_489 = arith.muli %scan3A_99, %mul3A_488 : i32
        %add3A_490 = arith.constant 14 : i32
        %add3A_491 = arith.addi %mul3A_489, %add3A_490 : i32
        %get3A_492 = arith.index_cast %add3A_491 : i32 to index
        %get3A_493 = arith.constant 0 : index
        %get3A_494 = tpu.vector_load %arg10[%get3A_492, %get3A_493] {strides = array<i32>} : memref<64x64xf32, #tpu.memory_space<vmem>>, vector<1x16xf32>,
        %get3A_495 = vector.shape_cast %get3A_494 : vector<1x16xf32> to vector<16xf32>
        %bitcast_convert_type3A_496 = tpu.bitcast %get3A_495 : vector<16xf32> -> vector<16xi32>
        %shift_left3A_497 = arith.shli %bitcast_convert_type3A_496, %broadcast_in_dim3A_103 : vector<16xi32>
        %bitcast_convert_type3A_498 = tpu.bitcast %shift_left3A_497 : vector<16xi32> -> vector<16xf32>
        %and3A_499 = arith.andi %bitcast_convert_type3A_496, %broadcast_in_dim3A_105 : vector<16xi32>
        %bitcast_convert_type3A_500 = tpu.bitcast %and3A_499 : vector<16xi32> -> vector<16xf32>
        %mul3A_501 = arith.mulf %get3A_111, %bitcast_convert_type3A_498 : vector<16xf32>
        %add3A_502 = arith.constant 1.000000e+00 : f32
        %add3A_503 = vector.broadcast %add3A_502 : f32 to vector<16xf32>
        %add3A_504 = arith.addf %add3A_503, %mul3A_501 : vector<16xf32>
        %bitcast_convert_type3A_505 = tpu.bitcast %add3A_504 : vector<16xf32> -> vector<16xi32>
        %sub3A_506 = arith.subi %broadcast_in_dim3A_101, %bitcast_convert_type3A_505 : vector<16xi32>
        %bitcast_convert_type3A_507 = tpu.bitcast %sub3A_506 : vector<16xi32> -> vector<16xf32>
        %mul3A_508 = arith.mulf %add3A_504, %bitcast_convert_type3A_507 : vector<16xf32>
        %sub3A_509 = arith.constant 2.000000e+00 : f32
        %sub3A_510 = vector.broadcast %sub3A_509 : f32 to vector<16xf32>
        %sub3A_511 = arith.subf %sub3A_510, %mul3A_508 : vector<16xf32>
        %mul3A_512 = arith.mulf %bitcast_convert_type3A_507, %sub3A_511 : vector<16xf32>
        %mul3A_513 = arith.mulf %bitcast_convert_type3A_500, %mul3A_512 : vector<16xf32>
        %add3A_514 = arith.addf %add3A_487, %mul3A_513 : vector<16xf32>
        %mul3A_515 = arith.constant 16 : i32
        %mul3A_516 = arith.muli %scan3A_99, %mul3A_515 : i32
        %add3A_517 = arith.constant 15 : i32
        %add3A_518 = arith.addi %mul3A_516, %add3A_517 : i32
        %get3A_519 = arith.index_cast %add3A_518 : i32 to index
        %get3A_520 = arith.constant 0 : index
        %get3A_521 = tpu.vector_load %arg10[%get3A_519, %get3A_520] {strides = array<i32>} : memref<64x64xf32, #tpu.memory_space<vmem>>, vector<1x16xf32>,
        %get3A_522 = vector.shape_cast %get3A_521 : vector<1x16xf32> to vector<16xf32>
        %bitcast_convert_type3A_523 = tpu.bitcast %get3A_522 : vector<16xf32> -> vector<16xi32>
        %shift_left3A_524 = arith.shli %bitcast_convert_type3A_523, %broadcast_in_dim3A_103 : vector<16xi32>
        %bitcast_convert_type3A_525 = tpu.bitcast %shift_left3A_524 : vector<16xi32> -> vector<16xf32>
        %and3A_526 = arith.andi %bitcast_convert_type3A_523, %broadcast_in_dim3A_105 : vector<16xi32>
        %bitcast_convert_type3A_527 = tpu.bitcast %and3A_526 : vector<16xi32> -> vector<16xf32>
        %mul3A_528 = arith.mulf %get3A_111, %bitcast_convert_type3A_525 : vector<16xf32>
        %add3A_529 = arith.constant 1.000000e+00 : f32
        %add3A_530 = vector.broadcast %add3A_529 : f32 to vector<16xf32>
        %add3A_531 = arith.addf %add3A_530, %mul3A_528 : vector<16xf32>
        %bitcast_convert_type3A_532 = tpu.bitcast %add3A_531 : vector<16xf32> -> vector<16xi32>
        %sub3A_533 = arith.subi %broadcast_in_dim3A_101, %bitcast_convert_type3A_532 : vector<16xi32>
        %bitcast_convert_type3A_534 = tpu.bitcast %sub3A_533 : vector<16xi32> -> vector<16xf32>
        %mul3A_535 = arith.mulf %add3A_531, %bitcast_convert_type3A_534 : vector<16xf32>
        %sub3A_536 = arith.constant 2.000000e+00 : f32
        %sub3A_537 = vector.broadcast %sub3A_536 : f32 to vector<16xf32>
        %sub3A_538 = arith.subf %sub3A_537, %mul3A_535 : vector<16xf32>
        %mul3A_539 = arith.mulf %bitcast_convert_type3A_534, %sub3A_538 : vector<16xf32>
        %mul3A_540 = arith.mulf %bitcast_convert_type3A_527, %mul3A_539 : vector<16xf32>
        %add3A_541 = arith.addf %add3A_514, %mul3A_540 : vector<16xf32>
        %swap3A = arith.index_cast %scan3A_99 : i32 to index
        %swap3A_542 = arith.constant 0 : index
        %swap3A_543 = tpu.vector_load %arg12[%swap3A, %swap3A_542] {strides = array<i32>} : memref<4x64xf32, #tpu.memory_space<vmem>>, vector<1x16xf32>,
        %swap3A_544 = vector.shape_cast %swap3A_543 : vector<1x16xf32> to vector<16xf32>
        %swap3A_545 = vector.shape_cast %add3A_541 : vector<16xf32> to vector<1x16xf32>
        tpu.vector_store %arg12[%swap3A, %swap3A_542], %swap3A_545 {strides = array<i32>} : memref<4x64xf32, #tpu.memory_space<vmem>>, vector<1x16xf32>,
        %get3A_546 = arith.index_cast %add3A_108 : i32 to index
        %get3A_547 = arith.constant 16 : index
        %get3A_548 = tpu.vector_load %arg8[%get3A_546, %get3A_547] {strides = array<i32>} : memref<320x64xf32, #tpu.memory_space<vmem>>, vector<1x16xf32>,
        %get3A_549 = vector.shape_cast %get3A_548 : vector<1x16xf32> to vector<16xf32>
        %broadcast_in_dim3A_550 = arith.constant 0.000000e+00 : f32
        %broadcast_in_dim3A_551 = vector.broadcast %broadcast_in_dim3A_550 : f32 to vector<16xf32>
        %mul3A_552 = arith.constant 16 : i32
        %mul3A_553 = arith.muli %scan3A_99, %mul3A_552 : i32
        %add3A_554 = arith.constant 0 : i32
        %add3A_555 = arith.addi %mul3A_553, %add3A_554 : i32
        %get3A_556 = arith.index_cast %add3A_555 : i32 to index
        %get3A_557 = arith.constant 16 : index
        %get3A_558 = tpu.vector_load %arg10[%get3A_556, %get3A_557] {strides = array<i32>} : memref<64x64xf32, #tpu.memory_space<vmem>>, vector<1x16xf32>,
        %get3A_559 = vector.shape_cast %get3A_558 : vector<1x16xf32> to vector<16xf32>
        %bitcast_convert_type3A_560 = tpu.bitcast %get3A_559 : vector<16xf32> -> vector<16xi32>
        %shift_left3A_561 = arith.shli %bitcast_convert_type3A_560, %broadcast_in_dim3A_103 : vector<16xi32>
        %bitcast_convert_type3A_562 = tpu.bitcast %shift_left3A_561 : vector<16xi32> -> vector<16xf32>
        %and3A_563 = arith.andi %bitcast_convert_type3A_560, %broadcast_in_dim3A_105 : vector<16xi32>
        %bitcast_convert_type3A_564 = tpu.bitcast %and3A_563 : vector<16xi32> -> vector<16xf32>
        %mul3A_565 = arith.mulf %get3A_549, %bitcast_convert_type3A_562 : vector<16xf32>
        %add3A_566 = arith.constant 1.000000e+00 : f32
        %add3A_567 = vector.broadcast %add3A_566 : f32 to vector<16xf32>
        %add3A_568 = arith.addf %add3A_567, %mul3A_565 : vector<16xf32>
        %bitcast_convert_type3A_569 = tpu.bitcast %add3A_568 : vector<16xf32> -> vector<16xi32>
        %sub3A_570 = arith.subi %broadcast_in_dim3A_101, %bitcast_convert_type3A_569 : vector<16xi32>
        %bitcast_convert_type3A_571 = tpu.bitcast %sub3A_570 : vector<16xi32> -> vector<16xf32>
        %mul3A_572 = arith.mulf %add3A_568, %bitcast_convert_type3A_571 : vector<16xf32>
        %sub3A_573 = arith.constant 2.000000e+00 : f32
        %sub3A_574 = vector.broadcast %sub3A_573 : f32 to vector<16xf32>
        %sub3A_575 = arith.subf %sub3A_574, %mul3A_572 : vector<16xf32>
        %mul3A_576 = arith.mulf %bitcast_convert_type3A_571, %sub3A_575 : vector<16xf32>
        %mul3A_577 = arith.mulf %bitcast_convert_type3A_564, %mul3A_576 : vector<16xf32>
        %add3A_578 = arith.addf %broadcast_in_dim3A_551, %mul3A_577 : vector<16xf32>
        %mul3A_579 = arith.constant 16 : i32
        %mul3A_580 = arith.muli %scan3A_99, %mul3A_579 : i32
        %add3A_581 = arith.constant 1 : i32
        %add3A_582 = arith.addi %mul3A_580, %add3A_581 : i32
        %get3A_583 = arith.index_cast %add3A_582 : i32 to index
        %get3A_584 = arith.constant 16 : index
        %get3A_585 = tpu.vector_load %arg10[%get3A_583, %get3A_584] {strides = array<i32>} : memref<64x64xf32, #tpu.memory_space<vmem>>, vector<1x16xf32>,
        %get3A_586 = vector.shape_cast %get3A_585 : vector<1x16xf32> to vector<16xf32>
        %bitcast_convert_type3A_587 = tpu.bitcast %get3A_586 : vector<16xf32> -> vector<16xi32>
        %shift_left3A_588 = arith.shli %bitcast_convert_type3A_587, %broadcast_in_dim3A_103 : vector<16xi32>
        %bitcast_convert_type3A_589 = tpu.bitcast %shift_left3A_588 : vector<16xi32> -> vector<16xf32>
        %and3A_590 = arith.andi %bitcast_convert_type3A_587, %broadcast_in_dim3A_105 : vector<16xi32>
        %bitcast_convert_type3A_591 = tpu.bitcast %and3A_590 : vector<16xi32> -> vector<16xf32>
        %mul3A_592 = arith.mulf %get3A_549, %bitcast_convert_type3A_589 : vector<16xf32>
        %add3A_593 = arith.constant 1.000000e+00 : f32
        %add3A_594 = vector.broadcast %add3A_593 : f32 to vector<16xf32>
        %add3A_595 = arith.addf %add3A_594, %mul3A_592 : vector<16xf32>
        %bitcast_convert_type3A_596 = tpu.bitcast %add3A_595 : vector<16xf32> -> vector<16xi32>
        %sub3A_597 = arith.subi %broadcast_in_dim3A_101, %bitcast_convert_type3A_596 : vector<16xi32>
        %bitcast_convert_type3A_598 = tpu.bitcast %sub3A_597 : vector<16xi32> -> vector<16xf32>
        %mul3A_599 = arith.mulf %add3A_595, %bitcast_convert_type3A_598 : vector<16xf32>
        %sub3A_600 = arith.constant 2.000000e+00 : f32
        %sub3A_601 = vector.broadcast %sub3A_600 : f32 to vector<16xf32>
        %sub3A_602 = arith.subf %sub3A_601, %mul3A_599 : vector<16xf32>
        %mul3A_603 = arith.mulf %bitcast_convert_type3A_598, %sub3A_602 : vector<16xf32>
        %mul3A_604 = arith.mulf %bitcast_convert_type3A_591, %mul3A_603 : vector<16xf32>
        %add3A_605 = arith.addf %add3A_578, %mul3A_604 : vector<16xf32>
        %mul3A_606 = arith.constant 16 : i32
        %mul3A_607 = arith.muli %scan3A_99, %mul3A_606 : i32
        %add3A_608 = arith.constant 2 : i32
        %add3A_609 = arith.addi %mul3A_607, %add3A_608 : i32
        %get3A_610 = arith.index_cast %add3A_609 : i32 to index
        %get3A_611 = arith.constant 16 : index
        %get3A_612 = tpu.vector_load %arg10[%get3A_610, %get3A_611] {strides = array<i32>} : memref<64x64xf32, #tpu.memory_space<vmem>>, vector<1x16xf32>,
        %get3A_613 = vector.shape_cast %get3A_612 : vector<1x16xf32> to vector<16xf32>
        %bitcast_convert_type3A_614 = tpu.bitcast %get3A_613 : vector<16xf32> -> vector<16xi32>
        %shift_left3A_615 = arith.shli %bitcast_convert_type3A_614, %broadcast_in_dim3A_103 : vector<16xi32>
        %bitcast_convert_type3A_616 = tpu.bitcast %shift_left3A_615 : vector<16xi32> -> vector<16xf32>
        %and3A_617 = arith.andi %bitcast_convert_type3A_614, %broadcast_in_dim3A_105 : vector<16xi32>
        %bitcast_convert_type3A_618 = tpu.bitcast %and3A_617 : vector<16xi32> -> vector<16xf32>
        %mul3A_619 = arith.mulf %get3A_549, %bitcast_convert_type3A_616 : vector<16xf32>
        %add3A_620 = arith.constant 1.000000e+00 : f32
        %add3A_621 = vector.broadcast %add3A_620 : f32 to vector<16xf32>
        %add3A_622 = arith.addf %add3A_621, %mul3A_619 : vector<16xf32>
        %bitcast_convert_type3A_623 = tpu.bitcast %add3A_622 : vector<16xf32> -> vector<16xi32>
        %sub3A_624 = arith.subi %broadcast_in_dim3A_101, %bitcast_convert_type3A_623 : vector<16xi32>
        %bitcast_convert_type3A_625 = tpu.bitcast %sub3A_624 : vector<16xi32> -> vector<16xf32>
        %mul3A_626 = arith.mulf %add3A_622, %bitcast_convert_type3A_625 : vector<16xf32>
        %sub3A_627 = arith.constant 2.000000e+00 : f32
        %sub3A_628 = vector.broadcast %sub3A_627 : f32 to vector<16xf32>
        %sub3A_629 = arith.subf %sub3A_628, %mul3A_626 : vector<16xf32>
        %mul3A_630 = arith.mulf %bitcast_convert_type3A_625, %sub3A_629 : vector<16xf32>
        %mul3A_631 = arith.mulf %bitcast_convert_type3A_618, %mul3A_630 : vector<16xf32>
        %add3A_632 = arith.addf %add3A_605, %mul3A_631 : vector<16xf32>
        %mul3A_633 = arith.constant 16 : i32
        %mul3A_634 = arith.muli %scan3A_99, %mul3A_633 : i32
        %add3A_635 = arith.constant 3 : i32
        %add3A_636 = arith.addi %mul3A_634, %add3A_635 : i32
        %get3A_637 = arith.index_cast %add3A_636 : i32 to index
        %get3A_638 = arith.constant 16 : index
        %get3A_639 = tpu.vector_load %arg10[%get3A_637, %get3A_638] {strides = array<i32>} : memref<64x64xf32, #tpu.memory_space<vmem>>, vector<1x16xf32>,
        %get3A_640 = vector.shape_cast %get3A_639 : vector<1x16xf32> to vector<16xf32>
        %bitcast_convert_type3A_641 = tpu.bitcast %get3A_640 : vector<16xf32> -> vector<16xi32>
        %shift_left3A_642 = arith.shli %bitcast_convert_type3A_641, %broadcast_in_dim3A_103 : vector<16xi32>
        %bitcast_convert_type3A_643 = tpu.bitcast %shift_left3A_642 : vector<16xi32> -> vector<16xf32>
        %and3A_644 = arith.andi %bitcast_convert_type3A_641, %broadcast_in_dim3A_105 : vector<16xi32>
        %bitcast_convert_type3A_645 = tpu.bitcast %and3A_644 : vector<16xi32> -> vector<16xf32>
        %mul3A_646 = arith.mulf %get3A_549, %bitcast_convert_type3A_643 : vector<16xf32>
        %add3A_647 = arith.constant 1.000000e+00 : f32
        %add3A_648 = vector.broadcast %add3A_647 : f32 to vector<16xf32>
        %add3A_649 = arith.addf %add3A_648, %mul3A_646 : vector<16xf32>
        %bitcast_convert_type3A_650 = tpu.bitcast %add3A_649 : vector<16xf32> -> vector<16xi32>
        %sub3A_651 = arith.subi %broadcast_in_dim3A_101, %bitcast_convert_type3A_650 : vector<16xi32>
        %bitcast_convert_type3A_652 = tpu.bitcast %sub3A_651 : vector<16xi32> -> vector<16xf32>
        %mul3A_653 = arith.mulf %add3A_649, %bitcast_convert_type3A_652 : vector<16xf32>
        %sub3A_654 = arith.constant 2.000000e+00 : f32
        %sub3A_655 = vector.broadcast %sub3A_654 : f32 to vector<16xf32>
        %sub3A_656 = arith.subf %sub3A_655, %mul3A_653 : vector<16xf32>
        %mul3A_657 = arith.mulf %bitcast_convert_type3A_652, %sub3A_656 : vector<16xf32>
        %mul3A_658 = arith.mulf %bitcast_convert_type3A_645, %mul3A_657 : vector<16xf32>
        %add3A_659 = arith.addf %add3A_632, %mul3A_658 : vector<16xf32>
        %mul3A_660 = arith.constant 16 : i32
        %mul3A_661 = arith.muli %scan3A_99, %mul3A_660 : i32
        %add3A_662 = arith.constant 4 : i32
        %add3A_663 = arith.addi %mul3A_661, %add3A_662 : i32
        %get3A_664 = arith.index_cast %add3A_663 : i32 to index
        %get3A_665 = arith.constant 16 : index
        %get3A_666 = tpu.vector_load %arg10[%get3A_664, %get3A_665] {strides = array<i32>} : memref<64x64xf32, #tpu.memory_space<vmem>>, vector<1x16xf32>,
        %get3A_667 = vector.shape_cast %get3A_666 : vector<1x16xf32> to vector<16xf32>
        %bitcast_convert_type3A_668 = tpu.bitcast %get3A_667 : vector<16xf32> -> vector<16xi32>
        %shift_left3A_669 = arith.shli %bitcast_convert_type3A_668, %broadcast_in_dim3A_103 : vector<16xi32>
        %bitcast_convert_type3A_670 = tpu.bitcast %shift_left3A_669 : vector<16xi32> -> vector<16xf32>
        %and3A_671 = arith.andi %bitcast_convert_type3A_668, %broadcast_in_dim3A_105 : vector<16xi32>
        %bitcast_convert_type3A_672 = tpu.bitcast %and3A_671 : vector<16xi32> -> vector<16xf32>
        %mul3A_673 = arith.mulf %get3A_549, %bitcast_convert_type3A_670 : vector<16xf32>
        %add3A_674 = arith.constant 1.000000e+00 : f32
        %add3A_675 = vector.broadcast %add3A_674 : f32 to vector<16xf32>
        %add3A_676 = arith.addf %add3A_675, %mul3A_673 : vector<16xf32>
        %bitcast_convert_type3A_677 = tpu.bitcast %add3A_676 : vector<16xf32> -> vector<16xi32>
        %sub3A_678 = arith.subi %broadcast_in_dim3A_101, %bitcast_convert_type3A_677 : vector<16xi32>
        %bitcast_convert_type3A_679 = tpu.bitcast %sub3A_678 : vector<16xi32> -> vector<16xf32>
        %mul3A_680 = arith.mulf %add3A_676, %bitcast_convert_type3A_679 : vector<16xf32>
        %sub3A_681 = arith.constant 2.000000e+00 : f32
        %sub3A_682 = vector.broadcast %sub3A_681 : f32 to vector<16xf32>
        %sub3A_683 = arith.subf %sub3A_682, %mul3A_680 : vector<16xf32>
        %mul3A_684 = arith.mulf %bitcast_convert_type3A_679, %sub3A_683 : vector<16xf32>
        %mul3A_685 = arith.mulf %bitcast_convert_type3A_672, %mul3A_684 : vector<16xf32>
        %add3A_686 = arith.addf %add3A_659, %mul3A_685 : vector<16xf32>
        %mul3A_687 = arith.constant 16 : i32
        %mul3A_688 = arith.muli %scan3A_99, %mul3A_687 : i32
        %add3A_689 = arith.constant 5 : i32
        %add3A_690 = arith.addi %mul3A_688, %add3A_689 : i32
        %get3A_691 = arith.index_cast %add3A_690 : i32 to index
        %get3A_692 = arith.constant 16 : index
        %get3A_693 = tpu.vector_load %arg10[%get3A_691, %get3A_692] {strides = array<i32>} : memref<64x64xf32, #tpu.memory_space<vmem>>, vector<1x16xf32>,
        %get3A_694 = vector.shape_cast %get3A_693 : vector<1x16xf32> to vector<16xf32>
        %bitcast_convert_type3A_695 = tpu.bitcast %get3A_694 : vector<16xf32> -> vector<16xi32>
        %shift_left3A_696 = arith.shli %bitcast_convert_type3A_695, %broadcast_in_dim3A_103 : vector<16xi32>
        %bitcast_convert_type3A_697 = tpu.bitcast %shift_left3A_696 : vector<16xi32> -> vector<16xf32>
        %and3A_698 = arith.andi %bitcast_convert_type3A_695, %broadcast_in_dim3A_105 : vector<16xi32>
        %bitcast_convert_type3A_699 = tpu.bitcast %and3A_698 : vector<16xi32> -> vector<16xf32>
        %mul3A_700 = arith.mulf %get3A_549, %bitcast_convert_type3A_697 : vector<16xf32>
        %add3A_701 = arith.constant 1.000000e+00 : f32
        %add3A_702 = vector.broadcast %add3A_701 : f32 to vector<16xf32>
        %add3A_703 = arith.addf %add3A_702, %mul3A_700 : vector<16xf32>
        %bitcast_convert_type3A_704 = tpu.bitcast %add3A_703 : vector<16xf32> -> vector<16xi32>
        %sub3A_705 = arith.subi %broadcast_in_dim3A_101, %bitcast_convert_type3A_704 : vector<16xi32>
        %bitcast_convert_type3A_706 = tpu.bitcast %sub3A_705 : vector<16xi32> -> vector<16xf32>
        %mul3A_707 = arith.mulf %add3A_703, %bitcast_convert_type3A_706 : vector<16xf32>
        %sub3A_708 = arith.constant 2.000000e+00 : f32
        %sub3A_709 = vector.broadcast %sub3A_708 : f32 to vector<16xf32>
        %sub3A_710 = arith.subf %sub3A_709, %mul3A_707 : vector<16xf32>
        %mul3A_711 = arith.mulf %bitcast_convert_type3A_706, %sub3A_710 : vector<16xf32>
        %mul3A_712 = arith.mulf %bitcast_convert_type3A_699, %mul3A_711 : vector<16xf32>
        %add3A_713 = arith.addf %add3A_686, %mul3A_712 : vector<16xf32>
        %mul3A_714 = arith.constant 16 : i32
        %mul3A_715 = arith.muli %scan3A_99, %mul3A_714 : i32
        %add3A_716 = arith.constant 6 : i32
        %add3A_717 = arith.addi %mul3A_715, %add3A_716 : i32
        %get3A_718 = arith.index_cast %add3A_717 : i32 to index
        %get3A_719 = arith.constant 16 : index
        %get3A_720 = tpu.vector_load %arg10[%get3A_718, %get3A_719] {strides = array<i32>} : memref<64x64xf32, #tpu.memory_space<vmem>>, vector<1x16xf32>,
        %get3A_721 = vector.shape_cast %get3A_720 : vector<1x16xf32> to vector<16xf32>
        %bitcast_convert_type3A_722 = tpu.bitcast %get3A_721 : vector<16xf32> -> vector<16xi32>
        %shift_left3A_723 = arith.shli %bitcast_convert_type3A_722, %broadcast_in_dim3A_103 : vector<16xi32>
        %bitcast_convert_type3A_724 = tpu.bitcast %shift_left3A_723 : vector<16xi32> -> vector<16xf32>
        %and3A_725 = arith.andi %bitcast_convert_type3A_722, %broadcast_in_dim3A_105 : vector<16xi32>
        %bitcast_convert_type3A_726 = tpu.bitcast %and3A_725 : vector<16xi32> -> vector<16xf32>
        %mul3A_727 = arith.mulf %get3A_549, %bitcast_convert_type3A_724 : vector<16xf32>
        %add3A_728 = arith.constant 1.000000e+00 : f32
        %add3A_729 = vector.broadcast %add3A_728 : f32 to vector<16xf32>
        %add3A_730 = arith.addf %add3A_729, %mul3A_727 : vector<16xf32>
        %bitcast_convert_type3A_731 = tpu.bitcast %add3A_730 : vector<16xf32> -> vector<16xi32>
        %sub3A_732 = arith.subi %broadcast_in_dim3A_101, %bitcast_convert_type3A_731 : vector<16xi32>
        %bitcast_convert_type3A_733 = tpu.bitcast %sub3A_732 : vector<16xi32> -> vector<16xf32>
        %mul3A_734 = arith.mulf %add3A_730, %bitcast_convert_type3A_733 : vector<16xf32>
        %sub3A_735 = arith.constant 2.000000e+00 : f32
        %sub3A_736 = vector.broadcast %sub3A_735 : f32 to vector<16xf32>
        %sub3A_737 = arith.subf %sub3A_736, %mul3A_734 : vector<16xf32>
        %mul3A_738 = arith.mulf %bitcast_convert_type3A_733, %sub3A_737 : vector<16xf32>
        %mul3A_739 = arith.mulf %bitcast_convert_type3A_726, %mul3A_738 : vector<16xf32>
        %add3A_740 = arith.addf %add3A_713, %mul3A_739 : vector<16xf32>
        %mul3A_741 = arith.constant 16 : i32
        %mul3A_742 = arith.muli %scan3A_99, %mul3A_741 : i32
        %add3A_743 = arith.constant 7 : i32
        %add3A_744 = arith.addi %mul3A_742, %add3A_743 : i32
        %get3A_745 = arith.index_cast %add3A_744 : i32 to index
        %get3A_746 = arith.constant 16 : index
        %get3A_747 = tpu.vector_load %arg10[%get3A_745, %get3A_746] {strides = array<i32>} : memref<64x64xf32, #tpu.memory_space<vmem>>, vector<1x16xf32>,
        %get3A_748 = vector.shape_cast %get3A_747 : vector<1x16xf32> to vector<16xf32>
        %bitcast_convert_type3A_749 = tpu.bitcast %get3A_748 : vector<16xf32> -> vector<16xi32>
        %shift_left3A_750 = arith.shli %bitcast_convert_type3A_749, %broadcast_in_dim3A_103 : vector<16xi32>
        %bitcast_convert_type3A_751 = tpu.bitcast %shift_left3A_750 : vector<16xi32> -> vector<16xf32>
        %and3A_752 = arith.andi %bitcast_convert_type3A_749, %broadcast_in_dim3A_105 : vector<16xi32>
        %bitcast_convert_type3A_753 = tpu.bitcast %and3A_752 : vector<16xi32> -> vector<16xf32>
        %mul3A_754 = arith.mulf %get3A_549, %bitcast_convert_type3A_751 : vector<16xf32>
        %add3A_755 = arith.constant 1.000000e+00 : f32
        %add3A_756 = vector.broadcast %add3A_755 : f32 to vector<16xf32>
        %add3A_757 = arith.addf %add3A_756, %mul3A_754 : vector<16xf32>
        %bitcast_convert_type3A_758 = tpu.bitcast %add3A_757 : vector<16xf32> -> vector<16xi32>
        %sub3A_759 = arith.subi %broadcast_in_dim3A_101, %bitcast_convert_type3A_758 : vector<16xi32>
        %bitcast_convert_type3A_760 = tpu.bitcast %sub3A_759 : vector<16xi32> -> vector<16xf32>
        %mul3A_761 = arith.mulf %add3A_757, %bitcast_convert_type3A_760 : vector<16xf32>
        %sub3A_762 = arith.constant 2.000000e+00 : f32
        %sub3A_763 = vector.broadcast %sub3A_762 : f32 to vector<16xf32>
        %sub3A_764 = arith.subf %sub3A_763, %mul3A_761 : vector<16xf32>
        %mul3A_765 = arith.mulf %bitcast_convert_type3A_760, %sub3A_764 : vector<16xf32>
        %mul3A_766 = arith.mulf %bitcast_convert_type3A_753, %mul3A_765 : vector<16xf32>
        %add3A_767 = arith.addf %add3A_740, %mul3A_766 : vector<16xf32>
        %mul3A_768 = arith.constant 16 : i32
        %mul3A_769 = arith.muli %scan3A_99, %mul3A_768 : i32
        %add3A_770 = arith.constant 8 : i32
        %add3A_771 = arith.addi %mul3A_769, %add3A_770 : i32
        %get3A_772 = arith.index_cast %add3A_771 : i32 to index
        %get3A_773 = arith.constant 16 : index
        %get3A_774 = tpu.vector_load %arg10[%get3A_772, %get3A_773] {strides = array<i32>} : memref<64x64xf32, #tpu.memory_space<vmem>>, vector<1x16xf32>,
        %get3A_775 = vector.shape_cast %get3A_774 : vector<1x16xf32> to vector<16xf32>
        %bitcast_convert_type3A_776 = tpu.bitcast %get3A_775 : vector<16xf32> -> vector<16xi32>
        %shift_left3A_777 = arith.shli %bitcast_convert_type3A_776, %broadcast_in_dim3A_103 : vector<16xi32>
        %bitcast_convert_type3A_778 = tpu.bitcast %shift_left3A_777 : vector<16xi32> -> vector<16xf32>
        %and3A_779 = arith.andi %bitcast_convert_type3A_776, %broadcast_in_dim3A_105 : vector<16xi32>
        %bitcast_convert_type3A_780 = tpu.bitcast %and3A_779 : vector<16xi32> -> vector<16xf32>
        %mul3A_781 = arith.mulf %get3A_549, %bitcast_convert_type3A_778 : vector<16xf32>
        %add3A_782 = arith.constant 1.000000e+00 : f32
        %add3A_783 = vector.broadcast %add3A_782 : f32 to vector<16xf32>
        %add3A_784 = arith.addf %add3A_783, %mul3A_781 : vector<16xf32>
        %bitcast_convert_type3A_785 = tpu.bitcast %add3A_784 : vector<16xf32> -> vector<16xi32>
        %sub3A_786 = arith.subi %broadcast_in_dim3A_101, %bitcast_convert_type3A_785 : vector<16xi32>
        %bitcast_convert_type3A_787 = tpu.bitcast %sub3A_786 : vector<16xi32> -> vector<16xf32>
        %mul3A_788 = arith.mulf %add3A_784, %bitcast_convert_type3A_787 : vector<16xf32>
        %sub3A_789 = arith.constant 2.000000e+00 : f32
        %sub3A_790 = vector.broadcast %sub3A_789 : f32 to vector<16xf32>
        %sub3A_791 = arith.subf %sub3A_790, %mul3A_788 : vector<16xf32>
        %mul3A_792 = arith.mulf %bitcast_convert_type3A_787, %sub3A_791 : vector<16xf32>
        %mul3A_793 = arith.mulf %bitcast_convert_type3A_780, %mul3A_792 : vector<16xf32>
        %add3A_794 = arith.addf %add3A_767, %mul3A_793 : vector<16xf32>
        %mul3A_795 = arith.constant 16 : i32
        %mul3A_796 = arith.muli %scan3A_99, %mul3A_795 : i32
        %add3A_797 = arith.constant 9 : i32
        %add3A_798 = arith.addi %mul3A_796, %add3A_797 : i32
        %get3A_799 = arith.index_cast %add3A_798 : i32 to index
        %get3A_800 = arith.constant 16 : index
        %get3A_801 = tpu.vector_load %arg10[%get3A_799, %get3A_800] {strides = array<i32>} : memref<64x64xf32, #tpu.memory_space<vmem>>, vector<1x16xf32>,
        %get3A_802 = vector.shape_cast %get3A_801 : vector<1x16xf32> to vector<16xf32>
        %bitcast_convert_type3A_803 = tpu.bitcast %get3A_802 : vector<16xf32> -> vector<16xi32>
        %shift_left3A_804 = arith.shli %bitcast_convert_type3A_803, %broadcast_in_dim3A_103 : vector<16xi32>
        %bitcast_convert_type3A_805 = tpu.bitcast %shift_left3A_804 : vector<16xi32> -> vector<16xf32>
        %and3A_806 = arith.andi %bitcast_convert_type3A_803, %broadcast_in_dim3A_105 : vector<16xi32>
        %bitcast_convert_type3A_807 = tpu.bitcast %and3A_806 : vector<16xi32> -> vector<16xf32>
        %mul3A_808 = arith.mulf %get3A_549, %bitcast_convert_type3A_805 : vector<16xf32>
        %add3A_809 = arith.constant 1.000000e+00 : f32
        %add3A_810 = vector.broadcast %add3A_809 : f32 to vector<16xf32>
        %add3A_811 = arith.addf %add3A_810, %mul3A_808 : vector<16xf32>
        %bitcast_convert_type3A_812 = tpu.bitcast %add3A_811 : vector<16xf32> -> vector<16xi32>
        %sub3A_813 = arith.subi %broadcast_in_dim3A_101, %bitcast_convert_type3A_812 : vector<16xi32>
        %bitcast_convert_type3A_814 = tpu.bitcast %sub3A_813 : vector<16xi32> -> vector<16xf32>
        %mul3A_815 = arith.mulf %add3A_811, %bitcast_convert_type3A_814 : vector<16xf32>
        %sub3A_816 = arith.constant 2.000000e+00 : f32
        %sub3A_817 = vector.broadcast %sub3A_816 : f32 to vector<16xf32>
        %sub3A_818 = arith.subf %sub3A_817, %mul3A_815 : vector<16xf32>
        %mul3A_819 = arith.mulf %bitcast_convert_type3A_814, %sub3A_818 : vector<16xf32>
        %mul3A_820 = arith.mulf %bitcast_convert_type3A_807, %mul3A_819 : vector<16xf32>
        %add3A_821 = arith.addf %add3A_794, %mul3A_820 : vector<16xf32>
        %mul3A_822 = arith.constant 16 : i32
        %mul3A_823 = arith.muli %scan3A_99, %mul3A_822 : i32
        %add3A_824 = arith.constant 10 : i32
        %add3A_825 = arith.addi %mul3A_823, %add3A_824 : i32
        %get3A_826 = arith.index_cast %add3A_825 : i32 to index
        %get3A_827 = arith.constant 16 : index
        %get3A_828 = tpu.vector_load %arg10[%get3A_826, %get3A_827] {strides = array<i32>} : memref<64x64xf32, #tpu.memory_space<vmem>>, vector<1x16xf32>,
        %get3A_829 = vector.shape_cast %get3A_828 : vector<1x16xf32> to vector<16xf32>
        %bitcast_convert_type3A_830 = tpu.bitcast %get3A_829 : vector<16xf32> -> vector<16xi32>
        %shift_left3A_831 = arith.shli %bitcast_convert_type3A_830, %broadcast_in_dim3A_103 : vector<16xi32>
        %bitcast_convert_type3A_832 = tpu.bitcast %shift_left3A_831 : vector<16xi32> -> vector<16xf32>
        %and3A_833 = arith.andi %bitcast_convert_type3A_830, %broadcast_in_dim3A_105 : vector<16xi32>
        %bitcast_convert_type3A_834 = tpu.bitcast %and3A_833 : vector<16xi32> -> vector<16xf32>
        %mul3A_835 = arith.mulf %get3A_549, %bitcast_convert_type3A_832 : vector<16xf32>
        %add3A_836 = arith.constant 1.000000e+00 : f32
        %add3A_837 = vector.broadcast %add3A_836 : f32 to vector<16xf32>
        %add3A_838 = arith.addf %add3A_837, %mul3A_835 : vector<16xf32>
        %bitcast_convert_type3A_839 = tpu.bitcast %add3A_838 : vector<16xf32> -> vector<16xi32>
        %sub3A_840 = arith.subi %broadcast_in_dim3A_101, %bitcast_convert_type3A_839 : vector<16xi32>
        %bitcast_convert_type3A_841 = tpu.bitcast %sub3A_840 : vector<16xi32> -> vector<16xf32>
        %mul3A_842 = arith.mulf %add3A_838, %bitcast_convert_type3A_841 : vector<16xf32>
        %sub3A_843 = arith.constant 2.000000e+00 : f32
        %sub3A_844 = vector.broadcast %sub3A_843 : f32 to vector<16xf32>
        %sub3A_845 = arith.subf %sub3A_844, %mul3A_842 : vector<16xf32>
        %mul3A_846 = arith.mulf %bitcast_convert_type3A_841, %sub3A_845 : vector<16xf32>
        %mul3A_847 = arith.mulf %bitcast_convert_type3A_834, %mul3A_846 : vector<16xf32>
        %add3A_848 = arith.addf %add3A_821, %mul3A_847 : vector<16xf32>
        %mul3A_849 = arith.constant 16 : i32
        %mul3A_850 = arith.muli %scan3A_99, %mul3A_849 : i32
        %add3A_851 = arith.constant 11 : i32
        %add3A_852 = arith.addi %mul3A_850, %add3A_851 : i32
        %get3A_853 = arith.index_cast %add3A_852 : i32 to index
        %get3A_854 = arith.constant 16 : index
        %get3A_855 = tpu.vector_load %arg10[%get3A_853, %get3A_854] {strides = array<i32>} : memref<64x64xf32, #tpu.memory_space<vmem>>, vector<1x16xf32>,
        %get3A_856 = vector.shape_cast %get3A_855 : vector<1x16xf32> to vector<16xf32>
        %bitcast_convert_type3A_857 = tpu.bitcast %get3A_856 : vector<16xf32> -> vector<16xi32>
        %shift_left3A_858 = arith.shli %bitcast_convert_type3A_857, %broadcast_in_dim3A_103 : vector<16xi32>
        %bitcast_convert_type3A_859 = tpu.bitcast %shift_left3A_858 : vector<16xi32> -> vector<16xf32>
        %and3A_860 = arith.andi %bitcast_convert_type3A_857, %broadcast_in_dim3A_105 : vector<16xi32>
        %bitcast_convert_type3A_861 = tpu.bitcast %and3A_860 : vector<16xi32> -> vector<16xf32>
        %mul3A_862 = arith.mulf %get3A_549, %bitcast_convert_type3A_859 : vector<16xf32>
        %add3A_863 = arith.constant 1.000000e+00 : f32
        %add3A_864 = vector.broadcast %add3A_863 : f32 to vector<16xf32>
        %add3A_865 = arith.addf %add3A_864, %mul3A_862 : vector<16xf32>
        %bitcast_convert_type3A_866 = tpu.bitcast %add3A_865 : vector<16xf32> -> vector<16xi32>
        %sub3A_867 = arith.subi %broadcast_in_dim3A_101, %bitcast_convert_type3A_866 : vector<16xi32>
        %bitcast_convert_type3A_868 = tpu.bitcast %sub3A_867 : vector<16xi32> -> vector<16xf32>
        %mul3A_869 = arith.mulf %add3A_865, %bitcast_convert_type3A_868 : vector<16xf32>
        %sub3A_870 = arith.constant 2.000000e+00 : f32
        %sub3A_871 = vector.broadcast %sub3A_870 : f32 to vector<16xf32>
        %sub3A_872 = arith.subf %sub3A_871, %mul3A_869 : vector<16xf32>
        %mul3A_873 = arith.mulf %bitcast_convert_type3A_868, %sub3A_872 : vector<16xf32>
        %mul3A_874 = arith.mulf %bitcast_convert_type3A_861, %mul3A_873 : vector<16xf32>
        %add3A_875 = arith.addf %add3A_848, %mul3A_874 : vector<16xf32>
        %mul3A_876 = arith.constant 16 : i32
        %mul3A_877 = arith.muli %scan3A_99, %mul3A_876 : i32
        %add3A_878 = arith.constant 12 : i32
        %add3A_879 = arith.addi %mul3A_877, %add3A_878 : i32
        %get3A_880 = arith.index_cast %add3A_879 : i32 to index
        %get3A_881 = arith.constant 16 : index
        %get3A_882 = tpu.vector_load %arg10[%get3A_880, %get3A_881] {strides = array<i32>} : memref<64x64xf32, #tpu.memory_space<vmem>>, vector<1x16xf32>,
        %get3A_883 = vector.shape_cast %get3A_882 : vector<1x16xf32> to vector<16xf32>
        %bitcast_convert_type3A_884 = tpu.bitcast %get3A_883 : vector<16xf32> -> vector<16xi32>
        %shift_left3A_885 = arith.shli %bitcast_convert_type3A_884, %broadcast_in_dim3A_103 : vector<16xi32>
        %bitcast_convert_type3A_886 = tpu.bitcast %shift_left3A_885 : vector<16xi32> -> vector<16xf32>
        %and3A_887 = arith.andi %bitcast_convert_type3A_884, %broadcast_in_dim3A_105 : vector<16xi32>
        %bitcast_convert_type3A_888 = tpu.bitcast %and3A_887 : vector<16xi32> -> vector<16xf32>
        %mul3A_889 = arith.mulf %get3A_549, %bitcast_convert_type3A_886 : vector<16xf32>
        %add3A_890 = arith.constant 1.000000e+00 : f32
        %add3A_891 = vector.broadcast %add3A_890 : f32 to vector<16xf32>
        %add3A_892 = arith.addf %add3A_891, %mul3A_889 : vector<16xf32>
        %bitcast_convert_type3A_893 = tpu.bitcast %add3A_892 : vector<16xf32> -> vector<16xi32>
        %sub3A_894 = arith.subi %broadcast_in_dim3A_101, %bitcast_convert_type3A_893 : vector<16xi32>
        %bitcast_convert_type3A_895 = tpu.bitcast %sub3A_894 : vector<16xi32> -> vector<16xf32>
        %mul3A_896 = arith.mulf %add3A_892, %bitcast_convert_type3A_895 : vector<16xf32>
        %sub3A_897 = arith.constant 2.000000e+00 : f32
        %sub3A_898 = vector.broadcast %sub3A_897 : f32 to vector<16xf32>
        %sub3A_899 = arith.subf %sub3A_898, %mul3A_896 : vector<16xf32>
        %mul3A_900 = arith.mulf %bitcast_convert_type3A_895, %sub3A_899 : vector<16xf32>
        %mul3A_901 = arith.mulf %bitcast_convert_type3A_888, %mul3A_900 : vector<16xf32>
        %add3A_902 = arith.addf %add3A_875, %mul3A_901 : vector<16xf32>
        %mul3A_903 = arith.constant 16 : i32
        %mul3A_904 = arith.muli %scan3A_99, %mul3A_903 : i32
        %add3A_905 = arith.constant 13 : i32
        %add3A_906 = arith.addi %mul3A_904, %add3A_905 : i32
        %get3A_907 = arith.index_cast %add3A_906 : i32 to index
        %get3A_908 = arith.constant 16 : index
        %get3A_909 = tpu.vector_load %arg10[%get3A_907, %get3A_908] {strides = array<i32>} : memref<64x64xf32, #tpu.memory_space<vmem>>, vector<1x16xf32>,
        %get3A_910 = vector.shape_cast %get3A_909 : vector<1x16xf32> to vector<16xf32>
        %bitcast_convert_type3A_911 = tpu.bitcast %get3A_910 : vector<16xf32> -> vector<16xi32>
        %shift_left3A_912 = arith.shli %bitcast_convert_type3A_911, %broadcast_in_dim3A_103 : vector<16xi32>
        %bitcast_convert_type3A_913 = tpu.bitcast %shift_left3A_912 : vector<16xi32> -> vector<16xf32>
        %and3A_914 = arith.andi %bitcast_convert_type3A_911, %broadcast_in_dim3A_105 : vector<16xi32>
        %bitcast_convert_type3A_915 = tpu.bitcast %and3A_914 : vector<16xi32> -> vector<16xf32>
        %mul3A_916 = arith.mulf %get3A_549, %bitcast_convert_type3A_913 : vector<16xf32>
        %add3A_917 = arith.constant 1.000000e+00 : f32
        %add3A_918 = vector.broadcast %add3A_917 : f32 to vector<16xf32>
        %add3A_919 = arith.addf %add3A_918, %mul3A_916 : vector<16xf32>
        %bitcast_convert_type3A_920 = tpu.bitcast %add3A_919 : vector<16xf32> -> vector<16xi32>
        %sub3A_921 = arith.subi %broadcast_in_dim3A_101, %bitcast_convert_type3A_920 : vector<16xi32>
        %bitcast_convert_type3A_922 = tpu.bitcast %sub3A_921 : vector<16xi32> -> vector<16xf32>
        %mul3A_923 = arith.mulf %add3A_919, %bitcast_convert_type3A_922 : vector<16xf32>
        %sub3A_924 = arith.constant 2.000000e+00 : f32
        %sub3A_925 = vector.broadcast %sub3A_924 : f32 to vector<16xf32>
        %sub3A_926 = arith.subf %sub3A_925, %mul3A_923 : vector<16xf32>
        %mul3A_927 = arith.mulf %bitcast_convert_type3A_922, %sub3A_926 : vector<16xf32>
        %mul3A_928 = arith.mulf %bitcast_convert_type3A_915, %mul3A_927 : vector<16xf32>
        %add3A_929 = arith.addf %add3A_902, %mul3A_928 : vector<16xf32>
        %mul3A_930 = arith.constant 16 : i32
        %mul3A_931 = arith.muli %scan3A_99, %mul3A_930 : i32
        %add3A_932 = arith.constant 14 : i32
        %add3A_933 = arith.addi %mul3A_931, %add3A_932 : i32
        %get3A_934 = arith.index_cast %add3A_933 : i32 to index
        %get3A_935 = arith.constant 16 : index
        %get3A_936 = tpu.vector_load %arg10[%get3A_934, %get3A_935] {strides = array<i32>} : memref<64x64xf32, #tpu.memory_space<vmem>>, vector<1x16xf32>,
        %get3A_937 = vector.shape_cast %get3A_936 : vector<1x16xf32> to vector<16xf32>
        %bitcast_convert_type3A_938 = tpu.bitcast %get3A_937 : vector<16xf32> -> vector<16xi32>
        %shift_left3A_939 = arith.shli %bitcast_convert_type3A_938, %broadcast_in_dim3A_103 : vector<16xi32>
        %bitcast_convert_type3A_940 = tpu.bitcast %shift_left3A_939 : vector<16xi32> -> vector<16xf32>
        %and3A_941 = arith.andi %bitcast_convert_type3A_938, %broadcast_in_dim3A_105 : vector<16xi32>
        %bitcast_convert_type3A_942 = tpu.bitcast %and3A_941 : vector<16xi32> -> vector<16xf32>
        %mul3A_943 = arith.mulf %get3A_549, %bitcast_convert_type3A_940 : vector<16xf32>
        %add3A_944 = arith.constant 1.000000e+00 : f32
        %add3A_945 = vector.broadcast %add3A_944 : f32 to vector<16xf32>
        %add3A_946 = arith.addf %add3A_945, %mul3A_943 : vector<16xf32>
        %bitcast_convert_type3A_947 = tpu.bitcast %add3A_946 : vector<16xf32> -> vector<16xi32>
        %sub3A_948 = arith.subi %broadcast_in_dim3A_101, %bitcast_convert_type3A_947 : vector<16xi32>
        %bitcast_convert_type3A_949 = tpu.bitcast %sub3A_948 : vector<16xi32> -> vector<16xf32>
        %mul3A_950 = arith.mulf %add3A_946, %bitcast_convert_type3A_949 : vector<16xf32>
        %sub3A_951 = arith.constant 2.000000e+00 : f32
        %sub3A_952 = vector.broadcast %sub3A_951 : f32 to vector<16xf32>
        %sub3A_953 = arith.subf %sub3A_952, %mul3A_950 : vector<16xf32>
        %mul3A_954 = arith.mulf %bitcast_convert_type3A_949, %sub3A_953 : vector<16xf32>
        %mul3A_955 = arith.mulf %bitcast_convert_type3A_942, %mul3A_954 : vector<16xf32>
        %add3A_956 = arith.addf %add3A_929, %mul3A_955 : vector<16xf32>
        %mul3A_957 = arith.constant 16 : i32
        %mul3A_958 = arith.muli %scan3A_99, %mul3A_957 : i32
        %add3A_959 = arith.constant 15 : i32
        %add3A_960 = arith.addi %mul3A_958, %add3A_959 : i32
        %get3A_961 = arith.index_cast %add3A_960 : i32 to index
        %get3A_962 = arith.constant 16 : index
        %get3A_963 = tpu.vector_load %arg10[%get3A_961, %get3A_962] {strides = array<i32>} : memref<64x64xf32, #tpu.memory_space<vmem>>, vector<1x16xf32>,
        %get3A_964 = vector.shape_cast %get3A_963 : vector<1x16xf32> to vector<16xf32>
        %bitcast_convert_type3A_965 = tpu.bitcast %get3A_964 : vector<16xf32> -> vector<16xi32>
        %shift_left3A_966 = arith.shli %bitcast_convert_type3A_965, %broadcast_in_dim3A_103 : vector<16xi32>
        %bitcast_convert_type3A_967 = tpu.bitcast %shift_left3A_966 : vector<16xi32> -> vector<16xf32>
        %and3A_968 = arith.andi %bitcast_convert_type3A_965, %broadcast_in_dim3A_105 : vector<16xi32>
        %bitcast_convert_type3A_969 = tpu.bitcast %and3A_968 : vector<16xi32> -> vector<16xf32>
        %mul3A_970 = arith.mulf %get3A_549, %bitcast_convert_type3A_967 : vector<16xf32>
        %add3A_971 = arith.constant 1.000000e+00 : f32
        %add3A_972 = vector.broadcast %add3A_971 : f32 to vector<16xf32>
        %add3A_973 = arith.addf %add3A_972, %mul3A_970 : vector<16xf32>
        %bitcast_convert_type3A_974 = tpu.bitcast %add3A_973 : vector<16xf32> -> vector<16xi32>
        %sub3A_975 = arith.subi %broadcast_in_dim3A_101, %bitcast_convert_type3A_974 : vector<16xi32>
        %bitcast_convert_type3A_976 = tpu.bitcast %sub3A_975 : vector<16xi32> -> vector<16xf32>
        %mul3A_977 = arith.mulf %add3A_973, %bitcast_convert_type3A_976 : vector<16xf32>
        %sub3A_978 = arith.constant 2.000000e+00 : f32
        %sub3A_979 = vector.broadcast %sub3A_978 : f32 to vector<16xf32>
        %sub3A_980 = arith.subf %sub3A_979, %mul3A_977 : vector<16xf32>
        %mul3A_981 = arith.mulf %bitcast_convert_type3A_976, %sub3A_980 : vector<16xf32>
        %mul3A_982 = arith.mulf %bitcast_convert_type3A_969, %mul3A_981 : vector<16xf32>
        %add3A_983 = arith.addf %add3A_956, %mul3A_982 : vector<16xf32>
        %swap3A_984 = arith.index_cast %scan3A_99 : i32 to index
        %swap3A_985 = arith.constant 16 : index
        %swap3A_986 = tpu.vector_load %arg12[%swap3A_984, %swap3A_985] {strides = array<i32>} : memref<4x64xf32, #tpu.memory_space<vmem>>, vector<1x16xf32>,
        %swap3A_987 = vector.shape_cast %swap3A_986 : vector<1x16xf32> to vector<16xf32>
        %swap3A_988 = vector.shape_cast %add3A_983 : vector<16xf32> to vector<1x16xf32>
        tpu.vector_store %arg12[%swap3A_984, %swap3A_985], %swap3A_988 {strides = array<i32>} : memref<4x64xf32, #tpu.memory_space<vmem>>, vector<1x16xf32>,
        %get3A_989 = arith.index_cast %add3A_108 : i32 to index
        %get3A_990 = arith.constant 32 : index
        %get3A_991 = tpu.vector_load %arg8[%get3A_989, %get3A_990] {strides = array<i32>} : memref<320x64xf32, #tpu.memory_space<vmem>>, vector<1x16xf32>,
        %get3A_992 = vector.shape_cast %get3A_991 : vector<1x16xf32> to vector<16xf32>
        %broadcast_in_dim3A_993 = arith.constant 0.000000e+00 : f32
        %broadcast_in_dim3A_994 = vector.broadcast %broadcast_in_dim3A_993 : f32 to vector<16xf32>
        %mul3A_995 = arith.constant 16 : i32
        %mul3A_996 = arith.muli %scan3A_99, %mul3A_995 : i32
        %add3A_997 = arith.constant 0 : i32
        %add3A_998 = arith.addi %mul3A_996, %add3A_997 : i32
        %get3A_999 = arith.index_cast %add3A_998 : i32 to index
        %get3A_1000 = arith.constant 32 : index
        %get3A_1001 = tpu.vector_load %arg10[%get3A_999, %get3A_1000] {strides = array<i32>} : memref<64x64xf32, #tpu.memory_space<vmem>>, vector<1x16xf32>,
        %get3A_1002 = vector.shape_cast %get3A_1001 : vector<1x16xf32> to vector<16xf32>
        %bitcast_convert_type3A_1003 = tpu.bitcast %get3A_1002 : vector<16xf32> -> vector<16xi32>
        %shift_left3A_1004 = arith.shli %bitcast_convert_type3A_1003, %broadcast_in_dim3A_103 : vector<16xi32>
        %bitcast_convert_type3A_1005 = tpu.bitcast %shift_left3A_1004 : vector<16xi32> -> vector<16xf32>
        %and3A_1006 = arith.andi %bitcast_convert_type3A_1003, %broadcast_in_dim3A_105 : vector<16xi32>
        %bitcast_convert_type3A_1007 = tpu.bitcast %and3A_1006 : vector<16xi32> -> vector<16xf32>
        %mul3A_1008 = arith.mulf %get3A_992, %bitcast_convert_type3A_1005 : vector<16xf32>
        %add3A_1009 = arith.constant 1.000000e+00 : f32
        %add3A_1010 = vector.broadcast %add3A_1009 : f32 to vector<16xf32>
        %add3A_1011 = arith.addf %add3A_1010, %mul3A_1008 : vector<16xf32>
        %bitcast_convert_type3A_1012 = tpu.bitcast %add3A_1011 : vector<16xf32> -> vector<16xi32>
        %sub3A_1013 = arith.subi %broadcast_in_dim3A_101, %bitcast_convert_type3A_1012 : vector<16xi32>
        %bitcast_convert_type3A_1014 = tpu.bitcast %sub3A_1013 : vector<16xi32> -> vector<16xf32>
        %mul3A_1015 = arith.mulf %add3A_1011, %bitcast_convert_type3A_1014 : vector<16xf32>
        %sub3A_1016 = arith.constant 2.000000e+00 : f32
        %sub3A_1017 = vector.broadcast %sub3A_1016 : f32 to vector<16xf32>
        %sub3A_1018 = arith.subf %sub3A_1017, %mul3A_1015 : vector<16xf32>
        %mul3A_1019 = arith.mulf %bitcast_convert_type3A_1014, %sub3A_1018 : vector<16xf32>
        %mul3A_1020 = arith.mulf %bitcast_convert_type3A_1007, %mul3A_1019 : vector<16xf32>
        %add3A_1021 = arith.addf %broadcast_in_dim3A_994, %mul3A_1020 : vector<16xf32>
        %mul3A_1022 = arith.constant 16 : i32
        %mul3A_1023 = arith.muli %scan3A_99, %mul3A_1022 : i32
        %add3A_1024 = arith.constant 1 : i32
        %add3A_1025 = arith.addi %mul3A_1023, %add3A_1024 : i32
        %get3A_1026 = arith.index_cast %add3A_1025 : i32 to index
        %get3A_1027 = arith.constant 32 : index
        %get3A_1028 = tpu.vector_load %arg10[%get3A_1026, %get3A_1027] {strides = array<i32>} : memref<64x64xf32, #tpu.memory_space<vmem>>, vector<1x16xf32>,
        %get3A_1029 = vector.shape_cast %get3A_1028 : vector<1x16xf32> to vector<16xf32>
        %bitcast_convert_type3A_1030 = tpu.bitcast %get3A_1029 : vector<16xf32> -> vector<16xi32>
        %shift_left3A_1031 = arith.shli %bitcast_convert_type3A_1030, %broadcast_in_dim3A_103 : vector<16xi32>
        %bitcast_convert_type3A_1032 = tpu.bitcast %shift_left3A_1031 : vector<16xi32> -> vector<16xf32>
        %and3A_1033 = arith.andi %bitcast_convert_type3A_1030, %broadcast_in_dim3A_105 : vector<16xi32>
        %bitcast_convert_type3A_1034 = tpu.bitcast %and3A_1033 : vector<16xi32> -> vector<16xf32>
        %mul3A_1035 = arith.mulf %get3A_992, %bitcast_convert_type3A_1032 : vector<16xf32>
        %add3A_1036 = arith.constant 1.000000e+00 : f32
        %add3A_1037 = vector.broadcast %add3A_1036 : f32 to vector<16xf32>
        %add3A_1038 = arith.addf %add3A_1037, %mul3A_1035 : vector<16xf32>
        %bitcast_convert_type3A_1039 = tpu.bitcast %add3A_1038 : vector<16xf32> -> vector<16xi32>
        %sub3A_1040 = arith.subi %broadcast_in_dim3A_101, %bitcast_convert_type3A_1039 : vector<16xi32>
        %bitcast_convert_type3A_1041 = tpu.bitcast %sub3A_1040 : vector<16xi32> -> vector<16xf32>
        %mul3A_1042 = arith.mulf %add3A_1038, %bitcast_convert_type3A_1041 : vector<16xf32>
        %sub3A_1043 = arith.constant 2.000000e+00 : f32
        %sub3A_1044 = vector.broadcast %sub3A_1043 : f32 to vector<16xf32>
        %sub3A_1045 = arith.subf %sub3A_1044, %mul3A_1042 : vector<16xf32>
        %mul3A_1046 = arith.mulf %bitcast_convert_type3A_1041, %sub3A_1045 : vector<16xf32>
        %mul3A_1047 = arith.mulf %bitcast_convert_type3A_1034, %mul3A_1046 : vector<16xf32>
        %add3A_1048 = arith.addf %add3A_1021, %mul3A_1047 : vector<16xf32>
        %mul3A_1049 = arith.constant 16 : i32
        %mul3A_1050 = arith.muli %scan3A_99, %mul3A_1049 : i32
        %add3A_1051 = arith.constant 2 : i32
        %add3A_1052 = arith.addi %mul3A_1050, %add3A_1051 : i32
        %get3A_1053 = arith.index_cast %add3A_1052 : i32 to index
        %get3A_1054 = arith.constant 32 : index
        %get3A_1055 = tpu.vector_load %arg10[%get3A_1053, %get3A_1054] {strides = array<i32>} : memref<64x64xf32, #tpu.memory_space<vmem>>, vector<1x16xf32>,
        %get3A_1056 = vector.shape_cast %get3A_1055 : vector<1x16xf32> to vector<16xf32>
        %bitcast_convert_type3A_1057 = tpu.bitcast %get3A_1056 : vector<16xf32> -> vector<16xi32>
        %shift_left3A_1058 = arith.shli %bitcast_convert_type3A_1057, %broadcast_in_dim3A_103 : vector<16xi32>
        %bitcast_convert_type3A_1059 = tpu.bitcast %shift_left3A_1058 : vector<16xi32> -> vector<16xf32>
        %and3A_1060 = arith.andi %bitcast_convert_type3A_1057, %broadcast_in_dim3A_105 : vector<16xi32>
        %bitcast_convert_type3A_1061 = tpu.bitcast %and3A_1060 : vector<16xi32> -> vector<16xf32>
        %mul3A_1062 = arith.mulf %get3A_992, %bitcast_convert_type3A_1059 : vector<16xf32>
        %add3A_1063 = arith.constant 1.000000e+00 : f32
        %add3A_1064 = vector.broadcast %add3A_1063 : f32 to vector<16xf32>
        %add3A_1065 = arith.addf %add3A_1064, %mul3A_1062 : vector<16xf32>
        %bitcast_convert_type3A_1066 = tpu.bitcast %add3A_1065 : vector<16xf32> -> vector<16xi32>
        %sub3A_1067 = arith.subi %broadcast_in_dim3A_101, %bitcast_convert_type3A_1066 : vector<16xi32>
        %bitcast_convert_type3A_1068 = tpu.bitcast %sub3A_1067 : vector<16xi32> -> vector<16xf32>
        %mul3A_1069 = arith.mulf %add3A_1065, %bitcast_convert_type3A_1068 : vector<16xf32>
        %sub3A_1070 = arith.constant 2.000000e+00 : f32
        %sub3A_1071 = vector.broadcast %sub3A_1070 : f32 to vector<16xf32>
        %sub3A_1072 = arith.subf %sub3A_1071, %mul3A_1069 : vector<16xf32>
        %mul3A_1073 = arith.mulf %bitcast_convert_type3A_1068, %sub3A_1072 : vector<16xf32>
        %mul3A_1074 = arith.mulf %bitcast_convert_type3A_1061, %mul3A_1073 : vector<16xf32>
        %add3A_1075 = arith.addf %add3A_1048, %mul3A_1074 : vector<16xf32>
        %mul3A_1076 = arith.constant 16 : i32
        %mul3A_1077 = arith.muli %scan3A_99, %mul3A_1076 : i32
        %add3A_1078 = arith.constant 3 : i32
        %add3A_1079 = arith.addi %mul3A_1077, %add3A_1078 : i32
        %get3A_1080 = arith.index_cast %add3A_1079 : i32 to index
        %get3A_1081 = arith.constant 32 : index
        %get3A_1082 = tpu.vector_load %arg10[%get3A_1080, %get3A_1081] {strides = array<i32>} : memref<64x64xf32, #tpu.memory_space<vmem>>, vector<1x16xf32>,
        %get3A_1083 = vector.shape_cast %get3A_1082 : vector<1x16xf32> to vector<16xf32>
        %bitcast_convert_type3A_1084 = tpu.bitcast %get3A_1083 : vector<16xf32> -> vector<16xi32>
        %shift_left3A_1085 = arith.shli %bitcast_convert_type3A_1084, %broadcast_in_dim3A_103 : vector<16xi32>
        %bitcast_convert_type3A_1086 = tpu.bitcast %shift_left3A_1085 : vector<16xi32> -> vector<16xf32>
        %and3A_1087 = arith.andi %bitcast_convert_type3A_1084, %broadcast_in_dim3A_105 : vector<16xi32>
        %bitcast_convert_type3A_1088 = tpu.bitcast %and3A_1087 : vector<16xi32> -> vector<16xf32>
        %mul3A_1089 = arith.mulf %get3A_992, %bitcast_convert_type3A_1086 : vector<16xf32>
        %add3A_1090 = arith.constant 1.000000e+00 : f32
        %add3A_1091 = vector.broadcast %add3A_1090 : f32 to vector<16xf32>
        %add3A_1092 = arith.addf %add3A_1091, %mul3A_1089 : vector<16xf32>
        %bitcast_convert_type3A_1093 = tpu.bitcast %add3A_1092 : vector<16xf32> -> vector<16xi32>
        %sub3A_1094 = arith.subi %broadcast_in_dim3A_101, %bitcast_convert_type3A_1093 : vector<16xi32>
        %bitcast_convert_type3A_1095 = tpu.bitcast %sub3A_1094 : vector<16xi32> -> vector<16xf32>
        %mul3A_1096 = arith.mulf %add3A_1092, %bitcast_convert_type3A_1095 : vector<16xf32>
        %sub3A_1097 = arith.constant 2.000000e+00 : f32
        %sub3A_1098 = vector.broadcast %sub3A_1097 : f32 to vector<16xf32>
        %sub3A_1099 = arith.subf %sub3A_1098, %mul3A_1096 : vector<16xf32>
        %mul3A_1100 = arith.mulf %bitcast_convert_type3A_1095, %sub3A_1099 : vector<16xf32>
        %mul3A_1101 = arith.mulf %bitcast_convert_type3A_1088, %mul3A_1100 : vector<16xf32>
        %add3A_1102 = arith.addf %add3A_1075, %mul3A_1101 : vector<16xf32>
        %mul3A_1103 = arith.constant 16 : i32
        %mul3A_1104 = arith.muli %scan3A_99, %mul3A_1103 : i32
        %add3A_1105 = arith.constant 4 : i32
        %add3A_1106 = arith.addi %mul3A_1104, %add3A_1105 : i32
        %get3A_1107 = arith.index_cast %add3A_1106 : i32 to index
        %get3A_1108 = arith.constant 32 : index
        %get3A_1109 = tpu.vector_load %arg10[%get3A_1107, %get3A_1108] {strides = array<i32>} : memref<64x64xf32, #tpu.memory_space<vmem>>, vector<1x16xf32>,
        %get3A_1110 = vector.shape_cast %get3A_1109 : vector<1x16xf32> to vector<16xf32>
        %bitcast_convert_type3A_1111 = tpu.bitcast %get3A_1110 : vector<16xf32> -> vector<16xi32>
        %shift_left3A_1112 = arith.shli %bitcast_convert_type3A_1111, %broadcast_in_dim3A_103 : vector<16xi32>
        %bitcast_convert_type3A_1113 = tpu.bitcast %shift_left3A_1112 : vector<16xi32> -> vector<16xf32>
        %and3A_1114 = arith.andi %bitcast_convert_type3A_1111, %broadcast_in_dim3A_105 : vector<16xi32>
        %bitcast_convert_type3A_1115 = tpu.bitcast %and3A_1114 : vector<16xi32> -> vector<16xf32>
        %mul3A_1116 = arith.mulf %get3A_992, %bitcast_convert_type3A_1113 : vector<16xf32>
        %add3A_1117 = arith.constant 1.000000e+00 : f32
        %add3A_1118 = vector.broadcast %add3A_1117 : f32 to vector<16xf32>
        %add3A_1119 = arith.addf %add3A_1118, %mul3A_1116 : vector<16xf32>
        %bitcast_convert_type3A_1120 = tpu.bitcast %add3A_1119 : vector<16xf32> -> vector<16xi32>
        %sub3A_1121 = arith.subi %broadcast_in_dim3A_101, %bitcast_convert_type3A_1120 : vector<16xi32>
        %bitcast_convert_type3A_1122 = tpu.bitcast %sub3A_1121 : vector<16xi32> -> vector<16xf32>
        %mul3A_1123 = arith.mulf %add3A_1119, %bitcast_convert_type3A_1122 : vector<16xf32>
        %sub3A_1124 = arith.constant 2.000000e+00 : f32
        %sub3A_1125 = vector.broadcast %sub3A_1124 : f32 to vector<16xf32>
        %sub3A_1126 = arith.subf %sub3A_1125, %mul3A_1123 : vector<16xf32>
        %mul3A_1127 = arith.mulf %bitcast_convert_type3A_1122, %sub3A_1126 : vector<16xf32>
        %mul3A_1128 = arith.mulf %bitcast_convert_type3A_1115, %mul3A_1127 : vector<16xf32>
        %add3A_1129 = arith.addf %add3A_1102, %mul3A_1128 : vector<16xf32>
        %mul3A_1130 = arith.constant 16 : i32
        %mul3A_1131 = arith.muli %scan3A_99, %mul3A_1130 : i32
        %add3A_1132 = arith.constant 5 : i32
        %add3A_1133 = arith.addi %mul3A_1131, %add3A_1132 : i32
        %get3A_1134 = arith.index_cast %add3A_1133 : i32 to index
        %get3A_1135 = arith.constant 32 : index
        %get3A_1136 = tpu.vector_load %arg10[%get3A_1134, %get3A_1135] {strides = array<i32>} : memref<64x64xf32, #tpu.memory_space<vmem>>, vector<1x16xf32>,
        %get3A_1137 = vector.shape_cast %get3A_1136 : vector<1x16xf32> to vector<16xf32>
        %bitcast_convert_type3A_1138 = tpu.bitcast %get3A_1137 : vector<16xf32> -> vector<16xi32>
        %shift_left3A_1139 = arith.shli %bitcast_convert_type3A_1138, %broadcast_in_dim3A_103 : vector<16xi32>
        %bitcast_convert_type3A_1140 = tpu.bitcast %shift_left3A_1139 : vector<16xi32> -> vector<16xf32>
        %and3A_1141 = arith.andi %bitcast_convert_type3A_1138, %broadcast_in_dim3A_105 : vector<16xi32>
        %bitcast_convert_type3A_1142 = tpu.bitcast %and3A_1141 : vector<16xi32> -> vector<16xf32>
        %mul3A_1143 = arith.mulf %get3A_992, %bitcast_convert_type3A_1140 : vector<16xf32>
        %add3A_1144 = arith.constant 1.000000e+00 : f32
        %add3A_1145 = vector.broadcast %add3A_1144 : f32 to vector<16xf32>
        %add3A_1146 = arith.addf %add3A_1145, %mul3A_1143 : vector<16xf32>
        %bitcast_convert_type3A_1147 = tpu.bitcast %add3A_1146 : vector<16xf32> -> vector<16xi32>
        %sub3A_1148 = arith.subi %broadcast_in_dim3A_101, %bitcast_convert_type3A_1147 : vector<16xi32>
        %bitcast_convert_type3A_1149 = tpu.bitcast %sub3A_1148 : vector<16xi32> -> vector<16xf32>
        %mul3A_1150 = arith.mulf %add3A_1146, %bitcast_convert_type3A_1149 : vector<16xf32>
        %sub3A_1151 = arith.constant 2.000000e+00 : f32
        %sub3A_1152 = vector.broadcast %sub3A_1151 : f32 to vector<16xf32>
        %sub3A_1153 = arith.subf %sub3A_1152, %mul3A_1150 : vector<16xf32>
        %mul3A_1154 = arith.mulf %bitcast_convert_type3A_1149, %sub3A_1153 : vector<16xf32>
        %mul3A_1155 = arith.mulf %bitcast_convert_type3A_1142, %mul3A_1154 : vector<16xf32>
        %add3A_1156 = arith.addf %add3A_1129, %mul3A_1155 : vector<16xf32>
        %mul3A_1157 = arith.constant 16 : i32
        %mul3A_1158 = arith.muli %scan3A_99, %mul3A_1157 : i32
        %add3A_1159 = arith.constant 6 : i32
        %add3A_1160 = arith.addi %mul3A_1158, %add3A_1159 : i32
        %get3A_1161 = arith.index_cast %add3A_1160 : i32 to index
        %get3A_1162 = arith.constant 32 : index
        %get3A_1163 = tpu.vector_load %arg10[%get3A_1161, %get3A_1162] {strides = array<i32>} : memref<64x64xf32, #tpu.memory_space<vmem>>, vector<1x16xf32>,
        %get3A_1164 = vector.shape_cast %get3A_1163 : vector<1x16xf32> to vector<16xf32>
        %bitcast_convert_type3A_1165 = tpu.bitcast %get3A_1164 : vector<16xf32> -> vector<16xi32>
        %shift_left3A_1166 = arith.shli %bitcast_convert_type3A_1165, %broadcast_in_dim3A_103 : vector<16xi32>
        %bitcast_convert_type3A_1167 = tpu.bitcast %shift_left3A_1166 : vector<16xi32> -> vector<16xf32>
        %and3A_1168 = arith.andi %bitcast_convert_type3A_1165, %broadcast_in_dim3A_105 : vector<16xi32>
        %bitcast_convert_type3A_1169 = tpu.bitcast %and3A_1168 : vector<16xi32> -> vector<16xf32>
        %mul3A_1170 = arith.mulf %get3A_992, %bitcast_convert_type3A_1167 : vector<16xf32>
        %add3A_1171 = arith.constant 1.000000e+00 : f32
        %add3A_1172 = vector.broadcast %add3A_1171 : f32 to vector<16xf32>
        %add3A_1173 = arith.addf %add3A_1172, %mul3A_1170 : vector<16xf32>
        %bitcast_convert_type3A_1174 = tpu.bitcast %add3A_1173 : vector<16xf32> -> vector<16xi32>
        %sub3A_1175 = arith.subi %broadcast_in_dim3A_101, %bitcast_convert_type3A_1174 : vector<16xi32>
        %bitcast_convert_type3A_1176 = tpu.bitcast %sub3A_1175 : vector<16xi32> -> vector<16xf32>
        %mul3A_1177 = arith.mulf %add3A_1173, %bitcast_convert_type3A_1176 : vector<16xf32>
        %sub3A_1178 = arith.constant 2.000000e+00 : f32
        %sub3A_1179 = vector.broadcast %sub3A_1178 : f32 to vector<16xf32>
        %sub3A_1180 = arith.subf %sub3A_1179, %mul3A_1177 : vector<16xf32>
        %mul3A_1181 = arith.mulf %bitcast_convert_type3A_1176, %sub3A_1180 : vector<16xf32>
        %mul3A_1182 = arith.mulf %bitcast_convert_type3A_1169, %mul3A_1181 : vector<16xf32>
        %add3A_1183 = arith.addf %add3A_1156, %mul3A_1182 : vector<16xf32>
        %mul3A_1184 = arith.constant 16 : i32
        %mul3A_1185 = arith.muli %scan3A_99, %mul3A_1184 : i32
        %add3A_1186 = arith.constant 7 : i32
        %add3A_1187 = arith.addi %mul3A_1185, %add3A_1186 : i32
        %get3A_1188 = arith.index_cast %add3A_1187 : i32 to index
        %get3A_1189 = arith.constant 32 : index
        %get3A_1190 = tpu.vector_load %arg10[%get3A_1188, %get3A_1189] {strides = array<i32>} : memref<64x64xf32, #tpu.memory_space<vmem>>, vector<1x16xf32>,
        %get3A_1191 = vector.shape_cast %get3A_1190 : vector<1x16xf32> to vector<16xf32>
        %bitcast_convert_type3A_1192 = tpu.bitcast %get3A_1191 : vector<16xf32> -> vector<16xi32>
        %shift_left3A_1193 = arith.shli %bitcast_convert_type3A_1192, %broadcast_in_dim3A_103 : vector<16xi32>
        %bitcast_convert_type3A_1194 = tpu.bitcast %shift_left3A_1193 : vector<16xi32> -> vector<16xf32>
        %and3A_1195 = arith.andi %bitcast_convert_type3A_1192, %broadcast_in_dim3A_105 : vector<16xi32>
        %bitcast_convert_type3A_1196 = tpu.bitcast %and3A_1195 : vector<16xi32> -> vector<16xf32>
        %mul3A_1197 = arith.mulf %get3A_992, %bitcast_convert_type3A_1194 : vector<16xf32>
        %add3A_1198 = arith.constant 1.000000e+00 : f32
        %add3A_1199 = vector.broadcast %add3A_1198 : f32 to vector<16xf32>
        %add3A_1200 = arith.addf %add3A_1199, %mul3A_1197 : vector<16xf32>
        %bitcast_convert_type3A_1201 = tpu.bitcast %add3A_1200 : vector<16xf32> -> vector<16xi32>
        %sub3A_1202 = arith.subi %broadcast_in_dim3A_101, %bitcast_convert_type3A_1201 : vector<16xi32>
        %bitcast_convert_type3A_1203 = tpu.bitcast %sub3A_1202 : vector<16xi32> -> vector<16xf32>
        %mul3A_1204 = arith.mulf %add3A_1200, %bitcast_convert_type3A_1203 : vector<16xf32>
        %sub3A_1205 = arith.constant 2.000000e+00 : f32
        %sub3A_1206 = vector.broadcast %sub3A_1205 : f32 to vector<16xf32>
        %sub3A_1207 = arith.subf %sub3A_1206, %mul3A_1204 : vector<16xf32>
        %mul3A_1208 = arith.mulf %bitcast_convert_type3A_1203, %sub3A_1207 : vector<16xf32>
        %mul3A_1209 = arith.mulf %bitcast_convert_type3A_1196, %mul3A_1208 : vector<16xf32>
        %add3A_1210 = arith.addf %add3A_1183, %mul3A_1209 : vector<16xf32>
        %mul3A_1211 = arith.constant 16 : i32
        %mul3A_1212 = arith.muli %scan3A_99, %mul3A_1211 : i32
        %add3A_1213 = arith.constant 8 : i32
        %add3A_1214 = arith.addi %mul3A_1212, %add3A_1213 : i32
        %get3A_1215 = arith.index_cast %add3A_1214 : i32 to index
        %get3A_1216 = arith.constant 32 : index
        %get3A_1217 = tpu.vector_load %arg10[%get3A_1215, %get3A_1216] {strides = array<i32>} : memref<64x64xf32, #tpu.memory_space<vmem>>, vector<1x16xf32>,
        %get3A_1218 = vector.shape_cast %get3A_1217 : vector<1x16xf32> to vector<16xf32>
        %bitcast_convert_type3A_1219 = tpu.bitcast %get3A_1218 : vector<16xf32> -> vector<16xi32>
        %shift_left3A_1220 = arith.shli %bitcast_convert_type3A_1219, %broadcast_in_dim3A_103 : vector<16xi32>
        %bitcast_convert_type3A_1221 = tpu.bitcast %shift_left3A_1220 : vector<16xi32> -> vector<16xf32>
        %and3A_1222 = arith.andi %bitcast_convert_type3A_1219, %broadcast_in_dim3A_105 : vector<16xi32>
        %bitcast_convert_type3A_1223 = tpu.bitcast %and3A_1222 : vector<16xi32> -> vector<16xf32>
        %mul3A_1224 = arith.mulf %get3A_992, %bitcast_convert_type3A_1221 : vector<16xf32>
        %add3A_1225 = arith.constant 1.000000e+00 : f32
        %add3A_1226 = vector.broadcast %add3A_1225 : f32 to vector<16xf32>
        %add3A_1227 = arith.addf %add3A_1226, %mul3A_1224 : vector<16xf32>
        %bitcast_convert_type3A_1228 = tpu.bitcast %add3A_1227 : vector<16xf32> -> vector<16xi32>
        %sub3A_1229 = arith.subi %broadcast_in_dim3A_101, %bitcast_convert_type3A_1228 : vector<16xi32>
        %bitcast_convert_type3A_1230 = tpu.bitcast %sub3A_1229 : vector<16xi32> -> vector<16xf32>
        %mul3A_1231 = arith.mulf %add3A_1227, %bitcast_convert_type3A_1230 : vector<16xf32>
        %sub3A_1232 = arith.constant 2.000000e+00 : f32
        %sub3A_1233 = vector.broadcast %sub3A_1232 : f32 to vector<16xf32>
        %sub3A_1234 = arith.subf %sub3A_1233, %mul3A_1231 : vector<16xf32>
        %mul3A_1235 = arith.mulf %bitcast_convert_type3A_1230, %sub3A_1234 : vector<16xf32>
        %mul3A_1236 = arith.mulf %bitcast_convert_type3A_1223, %mul3A_1235 : vector<16xf32>
        %add3A_1237 = arith.addf %add3A_1210, %mul3A_1236 : vector<16xf32>
        %mul3A_1238 = arith.constant 16 : i32
        %mul3A_1239 = arith.muli %scan3A_99, %mul3A_1238 : i32
        %add3A_1240 = arith.constant 9 : i32
        %add3A_1241 = arith.addi %mul3A_1239, %add3A_1240 : i32
        %get3A_1242 = arith.index_cast %add3A_1241 : i32 to index
        %get3A_1243 = arith.constant 32 : index
        %get3A_1244 = tpu.vector_load %arg10[%get3A_1242, %get3A_1243] {strides = array<i32>} : memref<64x64xf32, #tpu.memory_space<vmem>>, vector<1x16xf32>,
        %get3A_1245 = vector.shape_cast %get3A_1244 : vector<1x16xf32> to vector<16xf32>
        %bitcast_convert_type3A_1246 = tpu.bitcast %get3A_1245 : vector<16xf32> -> vector<16xi32>
        %shift_left3A_1247 = arith.shli %bitcast_convert_type3A_1246, %broadcast_in_dim3A_103 : vector<16xi32>
        %bitcast_convert_type3A_1248 = tpu.bitcast %shift_left3A_1247 : vector<16xi32> -> vector<16xf32>
        %and3A_1249 = arith.andi %bitcast_convert_type3A_1246, %broadcast_in_dim3A_105 : vector<16xi32>
        %bitcast_convert_type3A_1250 = tpu.bitcast %and3A_1249 : vector<16xi32> -> vector<16xf32>
        %mul3A_1251 = arith.mulf %get3A_992, %bitcast_convert_type3A_1248 : vector<16xf32>
        %add3A_1252 = arith.constant 1.000000e+00 : f32
        %add3A_1253 = vector.broadcast %add3A_1252 : f32 to vector<16xf32>
        %add3A_1254 = arith.addf %add3A_1253, %mul3A_1251 : vector<16xf32>
        %bitcast_convert_type3A_1255 = tpu.bitcast %add3A_1254 : vector<16xf32> -> vector<16xi32>
        %sub3A_1256 = arith.subi %broadcast_in_dim3A_101, %bitcast_convert_type3A_1255 : vector<16xi32>
        %bitcast_convert_type3A_1257 = tpu.bitcast %sub3A_1256 : vector<16xi32> -> vector<16xf32>
        %mul3A_1258 = arith.mulf %add3A_1254, %bitcast_convert_type3A_1257 : vector<16xf32>
        %sub3A_1259 = arith.constant 2.000000e+00 : f32
        %sub3A_1260 = vector.broadcast %sub3A_1259 : f32 to vector<16xf32>
        %sub3A_1261 = arith.subf %sub3A_1260, %mul3A_1258 : vector<16xf32>
        %mul3A_1262 = arith.mulf %bitcast_convert_type3A_1257, %sub3A_1261 : vector<16xf32>
        %mul3A_1263 = arith.mulf %bitcast_convert_type3A_1250, %mul3A_1262 : vector<16xf32>
        %add3A_1264 = arith.addf %add3A_1237, %mul3A_1263 : vector<16xf32>
        %mul3A_1265 = arith.constant 16 : i32
        %mul3A_1266 = arith.muli %scan3A_99, %mul3A_1265 : i32
        %add3A_1267 = arith.constant 10 : i32
        %add3A_1268 = arith.addi %mul3A_1266, %add3A_1267 : i32
        %get3A_1269 = arith.index_cast %add3A_1268 : i32 to index
        %get3A_1270 = arith.constant 32 : index
        %get3A_1271 = tpu.vector_load %arg10[%get3A_1269, %get3A_1270] {strides = array<i32>} : memref<64x64xf32, #tpu.memory_space<vmem>>, vector<1x16xf32>,
        %get3A_1272 = vector.shape_cast %get3A_1271 : vector<1x16xf32> to vector<16xf32>
        %bitcast_convert_type3A_1273 = tpu.bitcast %get3A_1272 : vector<16xf32> -> vector<16xi32>
        %shift_left3A_1274 = arith.shli %bitcast_convert_type3A_1273, %broadcast_in_dim3A_103 : vector<16xi32>
        %bitcast_convert_type3A_1275 = tpu.bitcast %shift_left3A_1274 : vector<16xi32> -> vector<16xf32>
        %and3A_1276 = arith.andi %bitcast_convert_type3A_1273, %broadcast_in_dim3A_105 : vector<16xi32>
        %bitcast_convert_type3A_1277 = tpu.bitcast %and3A_1276 : vector<16xi32> -> vector<16xf32>
        %mul3A_1278 = arith.mulf %get3A_992, %bitcast_convert_type3A_1275 : vector<16xf32>
        %add3A_1279 = arith.constant 1.000000e+00 : f32
        %add3A_1280 = vector.broadcast %add3A_1279 : f32 to vector<16xf32>
        %add3A_1281 = arith.addf %add3A_1280, %mul3A_1278 : vector<16xf32>
        %bitcast_convert_type3A_1282 = tpu.bitcast %add3A_1281 : vector<16xf32> -> vector<16xi32>
        %sub3A_1283 = arith.subi %broadcast_in_dim3A_101, %bitcast_convert_type3A_1282 : vector<16xi32>
        %bitcast_convert_type3A_1284 = tpu.bitcast %sub3A_1283 : vector<16xi32> -> vector<16xf32>
        %mul3A_1285 = arith.mulf %add3A_1281, %bitcast_convert_type3A_1284 : vector<16xf32>
        %sub3A_1286 = arith.constant 2.000000e+00 : f32
        %sub3A_1287 = vector.broadcast %sub3A_1286 : f32 to vector<16xf32>
        %sub3A_1288 = arith.subf %sub3A_1287, %mul3A_1285 : vector<16xf32>
        %mul3A_1289 = arith.mulf %bitcast_convert_type3A_1284, %sub3A_1288 : vector<16xf32>
        %mul3A_1290 = arith.mulf %bitcast_convert_type3A_1277, %mul3A_1289 : vector<16xf32>
        %add3A_1291 = arith.addf %add3A_1264, %mul3A_1290 : vector<16xf32>
        %mul3A_1292 = arith.constant 16 : i32
        %mul3A_1293 = arith.muli %scan3A_99, %mul3A_1292 : i32
        %add3A_1294 = arith.constant 11 : i32
        %add3A_1295 = arith.addi %mul3A_1293, %add3A_1294 : i32
        %get3A_1296 = arith.index_cast %add3A_1295 : i32 to index
        %get3A_1297 = arith.constant 32 : index
        %get3A_1298 = tpu.vector_load %arg10[%get3A_1296, %get3A_1297] {strides = array<i32>} : memref<64x64xf32, #tpu.memory_space<vmem>>, vector<1x16xf32>,
        %get3A_1299 = vector.shape_cast %get3A_1298 : vector<1x16xf32> to vector<16xf32>
        %bitcast_convert_type3A_1300 = tpu.bitcast %get3A_1299 : vector<16xf32> -> vector<16xi32>
        %shift_left3A_1301 = arith.shli %bitcast_convert_type3A_1300, %broadcast_in_dim3A_103 : vector<16xi32>
        %bitcast_convert_type3A_1302 = tpu.bitcast %shift_left3A_1301 : vector<16xi32> -> vector<16xf32>
        %and3A_1303 = arith.andi %bitcast_convert_type3A_1300, %broadcast_in_dim3A_105 : vector<16xi32>
        %bitcast_convert_type3A_1304 = tpu.bitcast %and3A_1303 : vector<16xi32> -> vector<16xf32>
        %mul3A_1305 = arith.mulf %get3A_992, %bitcast_convert_type3A_1302 : vector<16xf32>
        %add3A_1306 = arith.constant 1.000000e+00 : f32
        %add3A_1307 = vector.broadcast %add3A_1306 : f32 to vector<16xf32>
        %add3A_1308 = arith.addf %add3A_1307, %mul3A_1305 : vector<16xf32>
        %bitcast_convert_type3A_1309 = tpu.bitcast %add3A_1308 : vector<16xf32> -> vector<16xi32>
        %sub3A_1310 = arith.subi %broadcast_in_dim3A_101, %bitcast_convert_type3A_1309 : vector<16xi32>
        %bitcast_convert_type3A_1311 = tpu.bitcast %sub3A_1310 : vector<16xi32> -> vector<16xf32>
        %mul3A_1312 = arith.mulf %add3A_1308, %bitcast_convert_type3A_1311 : vector<16xf32>
        %sub3A_1313 = arith.constant 2.000000e+00 : f32
        %sub3A_1314 = vector.broadcast %sub3A_1313 : f32 to vector<16xf32>
        %sub3A_1315 = arith.subf %sub3A_1314, %mul3A_1312 : vector<16xf32>
        %mul3A_1316 = arith.mulf %bitcast_convert_type3A_1311, %sub3A_1315 : vector<16xf32>
        %mul3A_1317 = arith.mulf %bitcast_convert_type3A_1304, %mul3A_1316 : vector<16xf32>
        %add3A_1318 = arith.addf %add3A_1291, %mul3A_1317 : vector<16xf32>
        %mul3A_1319 = arith.constant 16 : i32
        %mul3A_1320 = arith.muli %scan3A_99, %mul3A_1319 : i32
        %add3A_1321 = arith.constant 12 : i32
        %add3A_1322 = arith.addi %mul3A_1320, %add3A_1321 : i32
        %get3A_1323 = arith.index_cast %add3A_1322 : i32 to index
        %get3A_1324 = arith.constant 32 : index
        %get3A_1325 = tpu.vector_load %arg10[%get3A_1323, %get3A_1324] {strides = array<i32>} : memref<64x64xf32, #tpu.memory_space<vmem>>, vector<1x16xf32>,
        %get3A_1326 = vector.shape_cast %get3A_1325 : vector<1x16xf32> to vector<16xf32>
        %bitcast_convert_type3A_1327 = tpu.bitcast %get3A_1326 : vector<16xf32> -> vector<16xi32>
        %shift_left3A_1328 = arith.shli %bitcast_convert_type3A_1327, %broadcast_in_dim3A_103 : vector<16xi32>
        %bitcast_convert_type3A_1329 = tpu.bitcast %shift_left3A_1328 : vector<16xi32> -> vector<16xf32>
        %and3A_1330 = arith.andi %bitcast_convert_type3A_1327, %broadcast_in_dim3A_105 : vector<16xi32>
        %bitcast_convert_type3A_1331 = tpu.bitcast %and3A_1330 : vector<16xi32> -> vector<16xf32>
        %mul3A_1332 = arith.mulf %get3A_992, %bitcast_convert_type3A_1329 : vector<16xf32>
        %add3A_1333 = arith.constant 1.000000e+00 : f32
        %add3A_1334 = vector.broadcast %add3A_1333 : f32 to vector<16xf32>
        %add3A_1335 = arith.addf %add3A_1334, %mul3A_1332 : vector<16xf32>
        %bitcast_convert_type3A_1336 = tpu.bitcast %add3A_1335 : vector<16xf32> -> vector<16xi32>
        %sub3A_1337 = arith.subi %broadcast_in_dim3A_101, %bitcast_convert_type3A_1336 : vector<16xi32>
        %bitcast_convert_type3A_1338 = tpu.bitcast %sub3A_1337 : vector<16xi32> -> vector<16xf32>
        %mul3A_1339 = arith.mulf %add3A_1335, %bitcast_convert_type3A_1338 : vector<16xf32>
        %sub3A_1340 = arith.constant 2.000000e+00 : f32
        %sub3A_1341 = vector.broadcast %sub3A_1340 : f32 to vector<16xf32>
        %sub3A_1342 = arith.subf %sub3A_1341, %mul3A_1339 : vector<16xf32>
        %mul3A_1343 = arith.mulf %bitcast_convert_type3A_1338, %sub3A_1342 : vector<16xf32>
        %mul3A_1344 = arith.mulf %bitcast_convert_type3A_1331, %mul3A_1343 : vector<16xf32>
        %add3A_1345 = arith.addf %add3A_1318, %mul3A_1344 : vector<16xf32>
        %mul3A_1346 = arith.constant 16 : i32
        %mul3A_1347 = arith.muli %scan3A_99, %mul3A_1346 : i32
        %add3A_1348 = arith.constant 13 : i32
        %add3A_1349 = arith.addi %mul3A_1347, %add3A_1348 : i32
        %get3A_1350 = arith.index_cast %add3A_1349 : i32 to index
        %get3A_1351 = arith.constant 32 : index
        %get3A_1352 = tpu.vector_load %arg10[%get3A_1350, %get3A_1351] {strides = array<i32>} : memref<64x64xf32, #tpu.memory_space<vmem>>, vector<1x16xf32>,
        %get3A_1353 = vector.shape_cast %get3A_1352 : vector<1x16xf32> to vector<16xf32>
        %bitcast_convert_type3A_1354 = tpu.bitcast %get3A_1353 : vector<16xf32> -> vector<16xi32>
        %shift_left3A_1355 = arith.shli %bitcast_convert_type3A_1354, %broadcast_in_dim3A_103 : vector<16xi32>
        %bitcast_convert_type3A_1356 = tpu.bitcast %shift_left3A_1355 : vector<16xi32> -> vector<16xf32>
        %and3A_1357 = arith.andi %bitcast_convert_type3A_1354, %broadcast_in_dim3A_105 : vector<16xi32>
        %bitcast_convert_type3A_1358 = tpu.bitcast %and3A_1357 : vector<16xi32> -> vector<16xf32>
        %mul3A_1359 = arith.mulf %get3A_992, %bitcast_convert_type3A_1356 : vector<16xf32>
        %add3A_1360 = arith.constant 1.000000e+00 : f32
        %add3A_1361 = vector.broadcast %add3A_1360 : f32 to vector<16xf32>
        %add3A_1362 = arith.addf %add3A_1361, %mul3A_1359 : vector<16xf32>
        %bitcast_convert_type3A_1363 = tpu.bitcast %add3A_1362 : vector<16xf32> -> vector<16xi32>
        %sub3A_1364 = arith.subi %broadcast_in_dim3A_101, %bitcast_convert_type3A_1363 : vector<16xi32>
        %bitcast_convert_type3A_1365 = tpu.bitcast %sub3A_1364 : vector<16xi32> -> vector<16xf32>
        %mul3A_1366 = arith.mulf %add3A_1362, %bitcast_convert_type3A_1365 : vector<16xf32>
        %sub3A_1367 = arith.constant 2.000000e+00 : f32
        %sub3A_1368 = vector.broadcast %sub3A_1367 : f32 to vector<16xf32>
        %sub3A_1369 = arith.subf %sub3A_1368, %mul3A_1366 : vector<16xf32>
        %mul3A_1370 = arith.mulf %bitcast_convert_type3A_1365, %sub3A_1369 : vector<16xf32>
        %mul3A_1371 = arith.mulf %bitcast_convert_type3A_1358, %mul3A_1370 : vector<16xf32>
        %add3A_1372 = arith.addf %add3A_1345, %mul3A_1371 : vector<16xf32>
        %mul3A_1373 = arith.constant 16 : i32
        %mul3A_1374 = arith.muli %scan3A_99, %mul3A_1373 : i32
        %add3A_1375 = arith.constant 14 : i32
        %add3A_1376 = arith.addi %mul3A_1374, %add3A_1375 : i32
        %get3A_1377 = arith.index_cast %add3A_1376 : i32 to index
        %get3A_1378 = arith.constant 32 : index
        %get3A_1379 = tpu.vector_load %arg10[%get3A_1377, %get3A_1378] {strides = array<i32>} : memref<64x64xf32, #tpu.memory_space<vmem>>, vector<1x16xf32>,
        %get3A_1380 = vector.shape_cast %get3A_1379 : vector<1x16xf32> to vector<16xf32>
        %bitcast_convert_type3A_1381 = tpu.bitcast %get3A_1380 : vector<16xf32> -> vector<16xi32>
        %shift_left3A_1382 = arith.shli %bitcast_convert_type3A_1381, %broadcast_in_dim3A_103 : vector<16xi32>
        %bitcast_convert_type3A_1383 = tpu.bitcast %shift_left3A_1382 : vector<16xi32> -> vector<16xf32>
        %and3A_1384 = arith.andi %bitcast_convert_type3A_1381, %broadcast_in_dim3A_105 : vector<16xi32>
        %bitcast_convert_type3A_1385 = tpu.bitcast %and3A_1384 : vector<16xi32> -> vector<16xf32>
        %mul3A_1386 = arith.mulf %get3A_992, %bitcast_convert_type3A_1383 : vector<16xf32>
        %add3A_1387 = arith.constant 1.000000e+00 : f32
        %add3A_1388 = vector.broadcast %add3A_1387 : f32 to vector<16xf32>
        %add3A_1389 = arith.addf %add3A_1388, %mul3A_1386 : vector<16xf32>
        %bitcast_convert_type3A_1390 = tpu.bitcast %add3A_1389 : vector<16xf32> -> vector<16xi32>
        %sub3A_1391 = arith.subi %broadcast_in_dim3A_101, %bitcast_convert_type3A_1390 : vector<16xi32>
        %bitcast_convert_type3A_1392 = tpu.bitcast %sub3A_1391 : vector<16xi32> -> vector<16xf32>
        %mul3A_1393 = arith.mulf %add3A_1389, %bitcast_convert_type3A_1392 : vector<16xf32>
        %sub3A_1394 = arith.constant 2.000000e+00 : f32
        %sub3A_1395 = vector.broadcast %sub3A_1394 : f32 to vector<16xf32>
        %sub3A_1396 = arith.subf %sub3A_1395, %mul3A_1393 : vector<16xf32>
        %mul3A_1397 = arith.mulf %bitcast_convert_type3A_1392, %sub3A_1396 : vector<16xf32>
        %mul3A_1398 = arith.mulf %bitcast_convert_type3A_1385, %mul3A_1397 : vector<16xf32>
        %add3A_1399 = arith.addf %add3A_1372, %mul3A_1398 : vector<16xf32>
        %mul3A_1400 = arith.constant 16 : i32
        %mul3A_1401 = arith.muli %scan3A_99, %mul3A_1400 : i32
        %add3A_1402 = arith.constant 15 : i32
        %add3A_1403 = arith.addi %mul3A_1401, %add3A_1402 : i32
        %get3A_1404 = arith.index_cast %add3A_1403 : i32 to index
        %get3A_1405 = arith.constant 32 : index
        %get3A_1406 = tpu.vector_load %arg10[%get3A_1404, %get3A_1405] {strides = array<i32>} : memref<64x64xf32, #tpu.memory_space<vmem>>, vector<1x16xf32>,
        %get3A_1407 = vector.shape_cast %get3A_1406 : vector<1x16xf32> to vector<16xf32>
        %bitcast_convert_type3A_1408 = tpu.bitcast %get3A_1407 : vector<16xf32> -> vector<16xi32>
        %shift_left3A_1409 = arith.shli %bitcast_convert_type3A_1408, %broadcast_in_dim3A_103 : vector<16xi32>
        %bitcast_convert_type3A_1410 = tpu.bitcast %shift_left3A_1409 : vector<16xi32> -> vector<16xf32>
        %and3A_1411 = arith.andi %bitcast_convert_type3A_1408, %broadcast_in_dim3A_105 : vector<16xi32>
        %bitcast_convert_type3A_1412 = tpu.bitcast %and3A_1411 : vector<16xi32> -> vector<16xf32>
        %mul3A_1413 = arith.mulf %get3A_992, %bitcast_convert_type3A_1410 : vector<16xf32>
        %add3A_1414 = arith.constant 1.000000e+00 : f32
        %add3A_1415 = vector.broadcast %add3A_1414 : f32 to vector<16xf32>
        %add3A_1416 = arith.addf %add3A_1415, %mul3A_1413 : vector<16xf32>
        %bitcast_convert_type3A_1417 = tpu.bitcast %add3A_1416 : vector<16xf32> -> vector<16xi32>
        %sub3A_1418 = arith.subi %broadcast_in_dim3A_101, %bitcast_convert_type3A_1417 : vector<16xi32>
        %bitcast_convert_type3A_1419 = tpu.bitcast %sub3A_1418 : vector<16xi32> -> vector<16xf32>
        %mul3A_1420 = arith.mulf %add3A_1416, %bitcast_convert_type3A_1419 : vector<16xf32>
        %sub3A_1421 = arith.constant 2.000000e+00 : f32
        %sub3A_1422 = vector.broadcast %sub3A_1421 : f32 to vector<16xf32>
        %sub3A_1423 = arith.subf %sub3A_1422, %mul3A_1420 : vector<16xf32>
        %mul3A_1424 = arith.mulf %bitcast_convert_type3A_1419, %sub3A_1423 : vector<16xf32>
        %mul3A_1425 = arith.mulf %bitcast_convert_type3A_1412, %mul3A_1424 : vector<16xf32>
        %add3A_1426 = arith.addf %add3A_1399, %mul3A_1425 : vector<16xf32>
        %swap3A_1427 = arith.index_cast %scan3A_99 : i32 to index
        %swap3A_1428 = arith.constant 32 : index
        %swap3A_1429 = tpu.vector_load %arg12[%swap3A_1427, %swap3A_1428] {strides = array<i32>} : memref<4x64xf32, #tpu.memory_space<vmem>>, vector<1x16xf32>,
        %swap3A_1430 = vector.shape_cast %swap3A_1429 : vector<1x16xf32> to vector<16xf32>
        %swap3A_1431 = vector.shape_cast %add3A_1426 : vector<16xf32> to vector<1x16xf32>
        tpu.vector_store %arg12[%swap3A_1427, %swap3A_1428], %swap3A_1431 {strides = array<i32>} : memref<4x64xf32, #tpu.memory_space<vmem>>, vector<1x16xf32>,
        %get3A_1432 = arith.index_cast %add3A_108 : i32 to index
        %get3A_1433 = arith.constant 48 : index
        %get3A_1434 = tpu.vector_load %arg8[%get3A_1432, %get3A_1433] {strides = array<i32>} : memref<320x64xf32, #tpu.memory_space<vmem>>, vector<1x16xf32>,
        %get3A_1435 = vector.shape_cast %get3A_1434 : vector<1x16xf32> to vector<16xf32>
        %broadcast_in_dim3A_1436 = arith.constant 0.000000e+00 : f32
        %broadcast_in_dim3A_1437 = vector.broadcast %broadcast_in_dim3A_1436 : f32 to vector<16xf32>
        %mul3A_1438 = arith.constant 16 : i32
        %mul3A_1439 = arith.muli %scan3A_99, %mul3A_1438 : i32
        %add3A_1440 = arith.constant 0 : i32
        %add3A_1441 = arith.addi %mul3A_1439, %add3A_1440 : i32
        %get3A_1442 = arith.index_cast %add3A_1441 : i32 to index
        %get3A_1443 = arith.constant 48 : index
        %get3A_1444 = tpu.vector_load %arg10[%get3A_1442, %get3A_1443] {strides = array<i32>} : memref<64x64xf32, #tpu.memory_space<vmem>>, vector<1x16xf32>,
        %get3A_1445 = vector.shape_cast %get3A_1444 : vector<1x16xf32> to vector<16xf32>
        %bitcast_convert_type3A_1446 = tpu.bitcast %get3A_1445 : vector<16xf32> -> vector<16xi32>
        %shift_left3A_1447 = arith.shli %bitcast_convert_type3A_1446, %broadcast_in_dim3A_103 : vector<16xi32>
        %bitcast_convert_type3A_1448 = tpu.bitcast %shift_left3A_1447 : vector<16xi32> -> vector<16xf32>
        %and3A_1449 = arith.andi %bitcast_convert_type3A_1446, %broadcast_in_dim3A_105 : vector<16xi32>
        %bitcast_convert_type3A_1450 = tpu.bitcast %and3A_1449 : vector<16xi32> -> vector<16xf32>
        %mul3A_1451 = arith.mulf %get3A_1435, %bitcast_convert_type3A_1448 : vector<16xf32>
        %add3A_1452 = arith.constant 1.000000e+00 : f32
        %add3A_1453 = vector.broadcast %add3A_1452 : f32 to vector<16xf32>
        %add3A_1454 = arith.addf %add3A_1453, %mul3A_1451 : vector<16xf32>
        %bitcast_convert_type3A_1455 = tpu.bitcast %add3A_1454 : vector<16xf32> -> vector<16xi32>
        %sub3A_1456 = arith.subi %broadcast_in_dim3A_101, %bitcast_convert_type3A_1455 : vector<16xi32>
        %bitcast_convert_type3A_1457 = tpu.bitcast %sub3A_1456 : vector<16xi32> -> vector<16xf32>
        %mul3A_1458 = arith.mulf %add3A_1454, %bitcast_convert_type3A_1457 : vector<16xf32>
        %sub3A_1459 = arith.constant 2.000000e+00 : f32
        %sub3A_1460 = vector.broadcast %sub3A_1459 : f32 to vector<16xf32>
        %sub3A_1461 = arith.subf %sub3A_1460, %mul3A_1458 : vector<16xf32>
        %mul3A_1462 = arith.mulf %bitcast_convert_type3A_1457, %sub3A_1461 : vector<16xf32>
        %mul3A_1463 = arith.mulf %bitcast_convert_type3A_1450, %mul3A_1462 : vector<16xf32>
        %add3A_1464 = arith.addf %broadcast_in_dim3A_1437, %mul3A_1463 : vector<16xf32>
        %mul3A_1465 = arith.constant 16 : i32
        %mul3A_1466 = arith.muli %scan3A_99, %mul3A_1465 : i32
        %add3A_1467 = arith.constant 1 : i32
        %add3A_1468 = arith.addi %mul3A_1466, %add3A_1467 : i32
        %get3A_1469 = arith.index_cast %add3A_1468 : i32 to index
        %get3A_1470 = arith.constant 48 : index
        %get3A_1471 = tpu.vector_load %arg10[%get3A_1469, %get3A_1470] {strides = array<i32>} : memref<64x64xf32, #tpu.memory_space<vmem>>, vector<1x16xf32>,
        %get3A_1472 = vector.shape_cast %get3A_1471 : vector<1x16xf32> to vector<16xf32>
        %bitcast_convert_type3A_1473 = tpu.bitcast %get3A_1472 : vector<16xf32> -> vector<16xi32>
        %shift_left3A_1474 = arith.shli %bitcast_convert_type3A_1473, %broadcast_in_dim3A_103 : vector<16xi32>
        %bitcast_convert_type3A_1475 = tpu.bitcast %shift_left3A_1474 : vector<16xi32> -> vector<16xf32>
        %and3A_1476 = arith.andi %bitcast_convert_type3A_1473, %broadcast_in_dim3A_105 : vector<16xi32>
        %bitcast_convert_type3A_1477 = tpu.bitcast %and3A_1476 : vector<16xi32> -> vector<16xf32>
        %mul3A_1478 = arith.mulf %get3A_1435, %bitcast_convert_type3A_1475 : vector<16xf32>
        %add3A_1479 = arith.constant 1.000000e+00 : f32
        %add3A_1480 = vector.broadcast %add3A_1479 : f32 to vector<16xf32>
        %add3A_1481 = arith.addf %add3A_1480, %mul3A_1478 : vector<16xf32>
        %bitcast_convert_type3A_1482 = tpu.bitcast %add3A_1481 : vector<16xf32> -> vector<16xi32>
        %sub3A_1483 = arith.subi %broadcast_in_dim3A_101, %bitcast_convert_type3A_1482 : vector<16xi32>
        %bitcast_convert_type3A_1484 = tpu.bitcast %sub3A_1483 : vector<16xi32> -> vector<16xf32>
        %mul3A_1485 = arith.mulf %add3A_1481, %bitcast_convert_type3A_1484 : vector<16xf32>
        %sub3A_1486 = arith.constant 2.000000e+00 : f32
        %sub3A_1487 = vector.broadcast %sub3A_1486 : f32 to vector<16xf32>
        %sub3A_1488 = arith.subf %sub3A_1487, %mul3A_1485 : vector<16xf32>
        %mul3A_1489 = arith.mulf %bitcast_convert_type3A_1484, %sub3A_1488 : vector<16xf32>
        %mul3A_1490 = arith.mulf %bitcast_convert_type3A_1477, %mul3A_1489 : vector<16xf32>
        %add3A_1491 = arith.addf %add3A_1464, %mul3A_1490 : vector<16xf32>
        %mul3A_1492 = arith.constant 16 : i32
        %mul3A_1493 = arith.muli %scan3A_99, %mul3A_1492 : i32
        %add3A_1494 = arith.constant 2 : i32
        %add3A_1495 = arith.addi %mul3A_1493, %add3A_1494 : i32
        %get3A_1496 = arith.index_cast %add3A_1495 : i32 to index
        %get3A_1497 = arith.constant 48 : index
        %get3A_1498 = tpu.vector_load %arg10[%get3A_1496, %get3A_1497] {strides = array<i32>} : memref<64x64xf32, #tpu.memory_space<vmem>>, vector<1x16xf32>,
        %get3A_1499 = vector.shape_cast %get3A_1498 : vector<1x16xf32> to vector<16xf32>
        %bitcast_convert_type3A_1500 = tpu.bitcast %get3A_1499 : vector<16xf32> -> vector<16xi32>
        %shift_left3A_1501 = arith.shli %bitcast_convert_type3A_1500, %broadcast_in_dim3A_103 : vector<16xi32>
        %bitcast_convert_type3A_1502 = tpu.bitcast %shift_left3A_1501 : vector<16xi32> -> vector<16xf32>
        %and3A_1503 = arith.andi %bitcast_convert_type3A_1500, %broadcast_in_dim3A_105 : vector<16xi32>
        %bitcast_convert_type3A_1504 = tpu.bitcast %and3A_1503 : vector<16xi32> -> vector<16xf32>
        %mul3A_1505 = arith.mulf %get3A_1435, %bitcast_convert_type3A_1502 : vector<16xf32>
        %add3A_1506 = arith.constant 1.000000e+00 : f32
        %add3A_1507 = vector.broadcast %add3A_1506 : f32 to vector<16xf32>
        %add3A_1508 = arith.addf %add3A_1507, %mul3A_1505 : vector<16xf32>
        %bitcast_convert_type3A_1509 = tpu.bitcast %add3A_1508 : vector<16xf32> -> vector<16xi32>
        %sub3A_1510 = arith.subi %broadcast_in_dim3A_101, %bitcast_convert_type3A_1509 : vector<16xi32>
        %bitcast_convert_type3A_1511 = tpu.bitcast %sub3A_1510 : vector<16xi32> -> vector<16xf32>
        %mul3A_1512 = arith.mulf %add3A_1508, %bitcast_convert_type3A_1511 : vector<16xf32>
        %sub3A_1513 = arith.constant 2.000000e+00 : f32
        %sub3A_1514 = vector.broadcast %sub3A_1513 : f32 to vector<16xf32>
        %sub3A_1515 = arith.subf %sub3A_1514, %mul3A_1512 : vector<16xf32>
        %mul3A_1516 = arith.mulf %bitcast_convert_type3A_1511, %sub3A_1515 : vector<16xf32>
        %mul3A_1517 = arith.mulf %bitcast_convert_type3A_1504, %mul3A_1516 : vector<16xf32>
        %add3A_1518 = arith.addf %add3A_1491, %mul3A_1517 : vector<16xf32>
        %mul3A_1519 = arith.constant 16 : i32
        %mul3A_1520 = arith.muli %scan3A_99, %mul3A_1519 : i32
        %add3A_1521 = arith.constant 3 : i32
        %add3A_1522 = arith.addi %mul3A_1520, %add3A_1521 : i32
        %get3A_1523 = arith.index_cast %add3A_1522 : i32 to index
        %get3A_1524 = arith.constant 48 : index
        %get3A_1525 = tpu.vector_load %arg10[%get3A_1523, %get3A_1524] {strides = array<i32>} : memref<64x64xf32, #tpu.memory_space<vmem>>, vector<1x16xf32>,
        %get3A_1526 = vector.shape_cast %get3A_1525 : vector<1x16xf32> to vector<16xf32>
        %bitcast_convert_type3A_1527 = tpu.bitcast %get3A_1526 : vector<16xf32> -> vector<16xi32>
        %shift_left3A_1528 = arith.shli %bitcast_convert_type3A_1527, %broadcast_in_dim3A_103 : vector<16xi32>
        %bitcast_convert_type3A_1529 = tpu.bitcast %shift_left3A_1528 : vector<16xi32> -> vector<16xf32>
        %and3A_1530 = arith.andi %bitcast_convert_type3A_1527, %broadcast_in_dim3A_105 : vector<16xi32>
        %bitcast_convert_type3A_1531 = tpu.bitcast %and3A_1530 : vector<16xi32> -> vector<16xf32>
        %mul3A_1532 = arith.mulf %get3A_1435, %bitcast_convert_type3A_1529 : vector<16xf32>
        %add3A_1533 = arith.constant 1.000000e+00 : f32
        %add3A_1534 = vector.broadcast %add3A_1533 : f32 to vector<16xf32>
        %add3A_1535 = arith.addf %add3A_1534, %mul3A_1532 : vector<16xf32>
        %bitcast_convert_type3A_1536 = tpu.bitcast %add3A_1535 : vector<16xf32> -> vector<16xi32>
        %sub3A_1537 = arith.subi %broadcast_in_dim3A_101, %bitcast_convert_type3A_1536 : vector<16xi32>
        %bitcast_convert_type3A_1538 = tpu.bitcast %sub3A_1537 : vector<16xi32> -> vector<16xf32>
        %mul3A_1539 = arith.mulf %add3A_1535, %bitcast_convert_type3A_1538 : vector<16xf32>
        %sub3A_1540 = arith.constant 2.000000e+00 : f32
        %sub3A_1541 = vector.broadcast %sub3A_1540 : f32 to vector<16xf32>
        %sub3A_1542 = arith.subf %sub3A_1541, %mul3A_1539 : vector<16xf32>
        %mul3A_1543 = arith.mulf %bitcast_convert_type3A_1538, %sub3A_1542 : vector<16xf32>
        %mul3A_1544 = arith.mulf %bitcast_convert_type3A_1531, %mul3A_1543 : vector<16xf32>
        %add3A_1545 = arith.addf %add3A_1518, %mul3A_1544 : vector<16xf32>
        %mul3A_1546 = arith.constant 16 : i32
        %mul3A_1547 = arith.muli %scan3A_99, %mul3A_1546 : i32
        %add3A_1548 = arith.constant 4 : i32
        %add3A_1549 = arith.addi %mul3A_1547, %add3A_1548 : i32
        %get3A_1550 = arith.index_cast %add3A_1549 : i32 to index
        %get3A_1551 = arith.constant 48 : index
        %get3A_1552 = tpu.vector_load %arg10[%get3A_1550, %get3A_1551] {strides = array<i32>} : memref<64x64xf32, #tpu.memory_space<vmem>>, vector<1x16xf32>,
        %get3A_1553 = vector.shape_cast %get3A_1552 : vector<1x16xf32> to vector<16xf32>
        %bitcast_convert_type3A_1554 = tpu.bitcast %get3A_1553 : vector<16xf32> -> vector<16xi32>
        %shift_left3A_1555 = arith.shli %bitcast_convert_type3A_1554, %broadcast_in_dim3A_103 : vector<16xi32>
        %bitcast_convert_type3A_1556 = tpu.bitcast %shift_left3A_1555 : vector<16xi32> -> vector<16xf32>
        %and3A_1557 = arith.andi %bitcast_convert_type3A_1554, %broadcast_in_dim3A_105 : vector<16xi32>
        %bitcast_convert_type3A_1558 = tpu.bitcast %and3A_1557 : vector<16xi32> -> vector<16xf32>
        %mul3A_1559 = arith.mulf %get3A_1435, %bitcast_convert_type3A_1556 : vector<16xf32>
        %add3A_1560 = arith.constant 1.000000e+00 : f32
        %add3A_1561 = vector.broadcast %add3A_1560 : f32 to vector<16xf32>
        %add3A_1562 = arith.addf %add3A_1561, %mul3A_1559 : vector<16xf32>
        %bitcast_convert_type3A_1563 = tpu.bitcast %add3A_1562 : vector<16xf32> -> vector<16xi32>
        %sub3A_1564 = arith.subi %broadcast_in_dim3A_101, %bitcast_convert_type3A_1563 : vector<16xi32>
        %bitcast_convert_type3A_1565 = tpu.bitcast %sub3A_1564 : vector<16xi32> -> vector<16xf32>
        %mul3A_1566 = arith.mulf %add3A_1562, %bitcast_convert_type3A_1565 : vector<16xf32>
        %sub3A_1567 = arith.constant 2.000000e+00 : f32
        %sub3A_1568 = vector.broadcast %sub3A_1567 : f32 to vector<16xf32>
        %sub3A_1569 = arith.subf %sub3A_1568, %mul3A_1566 : vector<16xf32>
        %mul3A_1570 = arith.mulf %bitcast_convert_type3A_1565, %sub3A_1569 : vector<16xf32>
        %mul3A_1571 = arith.mulf %bitcast_convert_type3A_1558, %mul3A_1570 : vector<16xf32>
        %add3A_1572 = arith.addf %add3A_1545, %mul3A_1571 : vector<16xf32>
        %mul3A_1573 = arith.constant 16 : i32
        %mul3A_1574 = arith.muli %scan3A_99, %mul3A_1573 : i32
        %add3A_1575 = arith.constant 5 : i32
        %add3A_1576 = arith.addi %mul3A_1574, %add3A_1575 : i32
        %get3A_1577 = arith.index_cast %add3A_1576 : i32 to index
        %get3A_1578 = arith.constant 48 : index
        %get3A_1579 = tpu.vector_load %arg10[%get3A_1577, %get3A_1578] {strides = array<i32>} : memref<64x64xf32, #tpu.memory_space<vmem>>, vector<1x16xf32>,
        %get3A_1580 = vector.shape_cast %get3A_1579 : vector<1x16xf32> to vector<16xf32>
        %bitcast_convert_type3A_1581 = tpu.bitcast %get3A_1580 : vector<16xf32> -> vector<16xi32>
        %shift_left3A_1582 = arith.shli %bitcast_convert_type3A_1581, %broadcast_in_dim3A_103 : vector<16xi32>
        %bitcast_convert_type3A_1583 = tpu.bitcast %shift_left3A_1582 : vector<16xi32> -> vector<16xf32>
        %and3A_1584 = arith.andi %bitcast_convert_type3A_1581, %broadcast_in_dim3A_105 : vector<16xi32>
        %bitcast_convert_type3A_1585 = tpu.bitcast %and3A_1584 : vector<16xi32> -> vector<16xf32>
        %mul3A_1586 = arith.mulf %get3A_1435, %bitcast_convert_type3A_1583 : vector<16xf32>
        %add3A_1587 = arith.constant 1.000000e+00 : f32
        %add3A_1588 = vector.broadcast %add3A_1587 : f32 to vector<16xf32>
        %add3A_1589 = arith.addf %add3A_1588, %mul3A_1586 : vector<16xf32>
        %bitcast_convert_type3A_1590 = tpu.bitcast %add3A_1589 : vector<16xf32> -> vector<16xi32>
        %sub3A_1591 = arith.subi %broadcast_in_dim3A_101, %bitcast_convert_type3A_1590 : vector<16xi32>
        %bitcast_convert_type3A_1592 = tpu.bitcast %sub3A_1591 : vector<16xi32> -> vector<16xf32>
        %mul3A_1593 = arith.mulf %add3A_1589, %bitcast_convert_type3A_1592 : vector<16xf32>
        %sub3A_1594 = arith.constant 2.000000e+00 : f32
        %sub3A_1595 = vector.broadcast %sub3A_1594 : f32 to vector<16xf32>
        %sub3A_1596 = arith.subf %sub3A_1595, %mul3A_1593 : vector<16xf32>
        %mul3A_1597 = arith.mulf %bitcast_convert_type3A_1592, %sub3A_1596 : vector<16xf32>
        %mul3A_1598 = arith.mulf %bitcast_convert_type3A_1585, %mul3A_1597 : vector<16xf32>
        %add3A_1599 = arith.addf %add3A_1572, %mul3A_1598 : vector<16xf32>
        %mul3A_1600 = arith.constant 16 : i32
        %mul3A_1601 = arith.muli %scan3A_99, %mul3A_1600 : i32
        %add3A_1602 = arith.constant 6 : i32
        %add3A_1603 = arith.addi %mul3A_1601, %add3A_1602 : i32
        %get3A_1604 = arith.index_cast %add3A_1603 : i32 to index
        %get3A_1605 = arith.constant 48 : index
        %get3A_1606 = tpu.vector_load %arg10[%get3A_1604, %get3A_1605] {strides = array<i32>} : memref<64x64xf32, #tpu.memory_space<vmem>>, vector<1x16xf32>,
        %get3A_1607 = vector.shape_cast %get3A_1606 : vector<1x16xf32> to vector<16xf32>
        %bitcast_convert_type3A_1608 = tpu.bitcast %get3A_1607 : vector<16xf32> -> vector<16xi32>
        %shift_left3A_1609 = arith.shli %bitcast_convert_type3A_1608, %broadcast_in_dim3A_103 : vector<16xi32>
        %bitcast_convert_type3A_1610 = tpu.bitcast %shift_left3A_1609 : vector<16xi32> -> vector<16xf32>
        %and3A_1611 = arith.andi %bitcast_convert_type3A_1608, %broadcast_in_dim3A_105 : vector<16xi32>
        %bitcast_convert_type3A_1612 = tpu.bitcast %and3A_1611 : vector<16xi32> -> vector<16xf32>
        %mul3A_1613 = arith.mulf %get3A_1435, %bitcast_convert_type3A_1610 : vector<16xf32>
        %add3A_1614 = arith.constant 1.000000e+00 : f32
        %add3A_1615 = vector.broadcast %add3A_1614 : f32 to vector<16xf32>
        %add3A_1616 = arith.addf %add3A_1615, %mul3A_1613 : vector<16xf32>
        %bitcast_convert_type3A_1617 = tpu.bitcast %add3A_1616 : vector<16xf32> -> vector<16xi32>
        %sub3A_1618 = arith.subi %broadcast_in_dim3A_101, %bitcast_convert_type3A_1617 : vector<16xi32>
        %bitcast_convert_type3A_1619 = tpu.bitcast %sub3A_1618 : vector<16xi32> -> vector<16xf32>
        %mul3A_1620 = arith.mulf %add3A_1616, %bitcast_convert_type3A_1619 : vector<16xf32>
        %sub3A_1621 = arith.constant 2.000000e+00 : f32
        %sub3A_1622 = vector.broadcast %sub3A_1621 : f32 to vector<16xf32>
        %sub3A_1623 = arith.subf %sub3A_1622, %mul3A_1620 : vector<16xf32>
        %mul3A_1624 = arith.mulf %bitcast_convert_type3A_1619, %sub3A_1623 : vector<16xf32>
        %mul3A_1625 = arith.mulf %bitcast_convert_type3A_1612, %mul3A_1624 : vector<16xf32>
        %add3A_1626 = arith.addf %add3A_1599, %mul3A_1625 : vector<16xf32>
        %mul3A_1627 = arith.constant 16 : i32
        %mul3A_1628 = arith.muli %scan3A_99, %mul3A_1627 : i32
        %add3A_1629 = arith.constant 7 : i32
        %add3A_1630 = arith.addi %mul3A_1628, %add3A_1629 : i32
        %get3A_1631 = arith.index_cast %add3A_1630 : i32 to index
        %get3A_1632 = arith.constant 48 : index
        %get3A_1633 = tpu.vector_load %arg10[%get3A_1631, %get3A_1632] {strides = array<i32>} : memref<64x64xf32, #tpu.memory_space<vmem>>, vector<1x16xf32>,
        %get3A_1634 = vector.shape_cast %get3A_1633 : vector<1x16xf32> to vector<16xf32>
        %bitcast_convert_type3A_1635 = tpu.bitcast %get3A_1634 : vector<16xf32> -> vector<16xi32>
        %shift_left3A_1636 = arith.shli %bitcast_convert_type3A_1635, %broadcast_in_dim3A_103 : vector<16xi32>
        %bitcast_convert_type3A_1637 = tpu.bitcast %shift_left3A_1636 : vector<16xi32> -> vector<16xf32>
        %and3A_1638 = arith.andi %bitcast_convert_type3A_1635, %broadcast_in_dim3A_105 : vector<16xi32>
        %bitcast_convert_type3A_1639 = tpu.bitcast %and3A_1638 : vector<16xi32> -> vector<16xf32>
        %mul3A_1640 = arith.mulf %get3A_1435, %bitcast_convert_type3A_1637 : vector<16xf32>
        %add3A_1641 = arith.constant 1.000000e+00 : f32
        %add3A_1642 = vector.broadcast %add3A_1641 : f32 to vector<16xf32>
        %add3A_1643 = arith.addf %add3A_1642, %mul3A_1640 : vector<16xf32>
        %bitcast_convert_type3A_1644 = tpu.bitcast %add3A_1643 : vector<16xf32> -> vector<16xi32>
        %sub3A_1645 = arith.subi %broadcast_in_dim3A_101, %bitcast_convert_type3A_1644 : vector<16xi32>
        %bitcast_convert_type3A_1646 = tpu.bitcast %sub3A_1645 : vector<16xi32> -> vector<16xf32>
        %mul3A_1647 = arith.mulf %add3A_1643, %bitcast_convert_type3A_1646 : vector<16xf32>
        %sub3A_1648 = arith.constant 2.000000e+00 : f32
        %sub3A_1649 = vector.broadcast %sub3A_1648 : f32 to vector<16xf32>
        %sub3A_1650 = arith.subf %sub3A_1649, %mul3A_1647 : vector<16xf32>
        %mul3A_1651 = arith.mulf %bitcast_convert_type3A_1646, %sub3A_1650 : vector<16xf32>
        %mul3A_1652 = arith.mulf %bitcast_convert_type3A_1639, %mul3A_1651 : vector<16xf32>
        %add3A_1653 = arith.addf %add3A_1626, %mul3A_1652 : vector<16xf32>
        %mul3A_1654 = arith.constant 16 : i32
        %mul3A_1655 = arith.muli %scan3A_99, %mul3A_1654 : i32
        %add3A_1656 = arith.constant 8 : i32
        %add3A_1657 = arith.addi %mul3A_1655, %add3A_1656 : i32
        %get3A_1658 = arith.index_cast %add3A_1657 : i32 to index
        %get3A_1659 = arith.constant 48 : index
        %get3A_1660 = tpu.vector_load %arg10[%get3A_1658, %get3A_1659] {strides = array<i32>} : memref<64x64xf32, #tpu.memory_space<vmem>>, vector<1x16xf32>,
        %get3A_1661 = vector.shape_cast %get3A_1660 : vector<1x16xf32> to vector<16xf32>
        %bitcast_convert_type3A_1662 = tpu.bitcast %get3A_1661 : vector<16xf32> -> vector<16xi32>
        %shift_left3A_1663 = arith.shli %bitcast_convert_type3A_1662, %broadcast_in_dim3A_103 : vector<16xi32>
        %bitcast_convert_type3A_1664 = tpu.bitcast %shift_left3A_1663 : vector<16xi32> -> vector<16xf32>
        %and3A_1665 = arith.andi %bitcast_convert_type3A_1662, %broadcast_in_dim3A_105 : vector<16xi32>
        %bitcast_convert_type3A_1666 = tpu.bitcast %and3A_1665 : vector<16xi32> -> vector<16xf32>
        %mul3A_1667 = arith.mulf %get3A_1435, %bitcast_convert_type3A_1664 : vector<16xf32>
        %add3A_1668 = arith.constant 1.000000e+00 : f32
        %add3A_1669 = vector.broadcast %add3A_1668 : f32 to vector<16xf32>
        %add3A_1670 = arith.addf %add3A_1669, %mul3A_1667 : vector<16xf32>
        %bitcast_convert_type3A_1671 = tpu.bitcast %add3A_1670 : vector<16xf32> -> vector<16xi32>
        %sub3A_1672 = arith.subi %broadcast_in_dim3A_101, %bitcast_convert_type3A_1671 : vector<16xi32>
        %bitcast_convert_type3A_1673 = tpu.bitcast %sub3A_1672 : vector<16xi32> -> vector<16xf32>
        %mul3A_1674 = arith.mulf %add3A_1670, %bitcast_convert_type3A_1673 : vector<16xf32>
        %sub3A_1675 = arith.constant 2.000000e+00 : f32
        %sub3A_1676 = vector.broadcast %sub3A_1675 : f32 to vector<16xf32>
        %sub3A_1677 = arith.subf %sub3A_1676, %mul3A_1674 : vector<16xf32>
        %mul3A_1678 = arith.mulf %bitcast_convert_type3A_1673, %sub3A_1677 : vector<16xf32>
        %mul3A_1679 = arith.mulf %bitcast_convert_type3A_1666, %mul3A_1678 : vector<16xf32>
        %add3A_1680 = arith.addf %add3A_1653, %mul3A_1679 : vector<16xf32>
        %mul3A_1681 = arith.constant 16 : i32
        %mul3A_1682 = arith.muli %scan3A_99, %mul3A_1681 : i32
        %add3A_1683 = arith.constant 9 : i32
        %add3A_1684 = arith.addi %mul3A_1682, %add3A_1683 : i32
        %get3A_1685 = arith.index_cast %add3A_1684 : i32 to index
        %get3A_1686 = arith.constant 48 : index
        %get3A_1687 = tpu.vector_load %arg10[%get3A_1685, %get3A_1686] {strides = array<i32>} : memref<64x64xf32, #tpu.memory_space<vmem>>, vector<1x16xf32>,
        %get3A_1688 = vector.shape_cast %get3A_1687 : vector<1x16xf32> to vector<16xf32>
        %bitcast_convert_type3A_1689 = tpu.bitcast %get3A_1688 : vector<16xf32> -> vector<16xi32>
        %shift_left3A_1690 = arith.shli %bitcast_convert_type3A_1689, %broadcast_in_dim3A_103 : vector<16xi32>
        %bitcast_convert_type3A_1691 = tpu.bitcast %shift_left3A_1690 : vector<16xi32> -> vector<16xf32>
        %and3A_1692 = arith.andi %bitcast_convert_type3A_1689, %broadcast_in_dim3A_105 : vector<16xi32>
        %bitcast_convert_type3A_1693 = tpu.bitcast %and3A_1692 : vector<16xi32> -> vector<16xf32>
        %mul3A_1694 = arith.mulf %get3A_1435, %bitcast_convert_type3A_1691 : vector<16xf32>
        %add3A_1695 = arith.constant 1.000000e+00 : f32
        %add3A_1696 = vector.broadcast %add3A_1695 : f32 to vector<16xf32>
        %add3A_1697 = arith.addf %add3A_1696, %mul3A_1694 : vector<16xf32>
        %bitcast_convert_type3A_1698 = tpu.bitcast %add3A_1697 : vector<16xf32> -> vector<16xi32>
        %sub3A_1699 = arith.subi %broadcast_in_dim3A_101, %bitcast_convert_type3A_1698 : vector<16xi32>
        %bitcast_convert_type3A_1700 = tpu.bitcast %sub3A_1699 : vector<16xi32> -> vector<16xf32>
        %mul3A_1701 = arith.mulf %add3A_1697, %bitcast_convert_type3A_1700 : vector<16xf32>
        %sub3A_1702 = arith.constant 2.000000e+00 : f32
        %sub3A_1703 = vector.broadcast %sub3A_1702 : f32 to vector<16xf32>
        %sub3A_1704 = arith.subf %sub3A_1703, %mul3A_1701 : vector<16xf32>
        %mul3A_1705 = arith.mulf %bitcast_convert_type3A_1700, %sub3A_1704 : vector<16xf32>
        %mul3A_1706 = arith.mulf %bitcast_convert_type3A_1693, %mul3A_1705 : vector<16xf32>
        %add3A_1707 = arith.addf %add3A_1680, %mul3A_1706 : vector<16xf32>
        %mul3A_1708 = arith.constant 16 : i32
        %mul3A_1709 = arith.muli %scan3A_99, %mul3A_1708 : i32
        %add3A_1710 = arith.constant 10 : i32
        %add3A_1711 = arith.addi %mul3A_1709, %add3A_1710 : i32
        %get3A_1712 = arith.index_cast %add3A_1711 : i32 to index
        %get3A_1713 = arith.constant 48 : index
        %get3A_1714 = tpu.vector_load %arg10[%get3A_1712, %get3A_1713] {strides = array<i32>} : memref<64x64xf32, #tpu.memory_space<vmem>>, vector<1x16xf32>,
        %get3A_1715 = vector.shape_cast %get3A_1714 : vector<1x16xf32> to vector<16xf32>
        %bitcast_convert_type3A_1716 = tpu.bitcast %get3A_1715 : vector<16xf32> -> vector<16xi32>
        %shift_left3A_1717 = arith.shli %bitcast_convert_type3A_1716, %broadcast_in_dim3A_103 : vector<16xi32>
        %bitcast_convert_type3A_1718 = tpu.bitcast %shift_left3A_1717 : vector<16xi32> -> vector<16xf32>
        %and3A_1719 = arith.andi %bitcast_convert_type3A_1716, %broadcast_in_dim3A_105 : vector<16xi32>
        %bitcast_convert_type3A_1720 = tpu.bitcast %and3A_1719 : vector<16xi32> -> vector<16xf32>
        %mul3A_1721 = arith.mulf %get3A_1435, %bitcast_convert_type3A_1718 : vector<16xf32>
        %add3A_1722 = arith.constant 1.000000e+00 : f32
        %add3A_1723 = vector.broadcast %add3A_1722 : f32 to vector<16xf32>
        %add3A_1724 = arith.addf %add3A_1723, %mul3A_1721 : vector<16xf32>
        %bitcast_convert_type3A_1725 = tpu.bitcast %add3A_1724 : vector<16xf32> -> vector<16xi32>
        %sub3A_1726 = arith.subi %broadcast_in_dim3A_101, %bitcast_convert_type3A_1725 : vector<16xi32>
        %bitcast_convert_type3A_1727 = tpu.bitcast %sub3A_1726 : vector<16xi32> -> vector<16xf32>
        %mul3A_1728 = arith.mulf %add3A_1724, %bitcast_convert_type3A_1727 : vector<16xf32>
        %sub3A_1729 = arith.constant 2.000000e+00 : f32
        %sub3A_1730 = vector.broadcast %sub3A_1729 : f32 to vector<16xf32>
        %sub3A_1731 = arith.subf %sub3A_1730, %mul3A_1728 : vector<16xf32>
        %mul3A_1732 = arith.mulf %bitcast_convert_type3A_1727, %sub3A_1731 : vector<16xf32>
        %mul3A_1733 = arith.mulf %bitcast_convert_type3A_1720, %mul3A_1732 : vector<16xf32>
        %add3A_1734 = arith.addf %add3A_1707, %mul3A_1733 : vector<16xf32>
        %mul3A_1735 = arith.constant 16 : i32
        %mul3A_1736 = arith.muli %scan3A_99, %mul3A_1735 : i32
        %add3A_1737 = arith.constant 11 : i32
        %add3A_1738 = arith.addi %mul3A_1736, %add3A_1737 : i32
        %get3A_1739 = arith.index_cast %add3A_1738 : i32 to index
        %get3A_1740 = arith.constant 48 : index
        %get3A_1741 = tpu.vector_load %arg10[%get3A_1739, %get3A_1740] {strides = array<i32>} : memref<64x64xf32, #tpu.memory_space<vmem>>, vector<1x16xf32>,
        %get3A_1742 = vector.shape_cast %get3A_1741 : vector<1x16xf32> to vector<16xf32>
        %bitcast_convert_type3A_1743 = tpu.bitcast %get3A_1742 : vector<16xf32> -> vector<16xi32>
        %shift_left3A_1744 = arith.shli %bitcast_convert_type3A_1743, %broadcast_in_dim3A_103 : vector<16xi32>
        %bitcast_convert_type3A_1745 = tpu.bitcast %shift_left3A_1744 : vector<16xi32> -> vector<16xf32>
        %and3A_1746 = arith.andi %bitcast_convert_type3A_1743, %broadcast_in_dim3A_105 : vector<16xi32>
        %bitcast_convert_type3A_1747 = tpu.bitcast %and3A_1746 : vector<16xi32> -> vector<16xf32>
        %mul3A_1748 = arith.mulf %get3A_1435, %bitcast_convert_type3A_1745 : vector<16xf32>
        %add3A_1749 = arith.constant 1.000000e+00 : f32
        %add3A_1750 = vector.broadcast %add3A_1749 : f32 to vector<16xf32>
        %add3A_1751 = arith.addf %add3A_1750, %mul3A_1748 : vector<16xf32>
        %bitcast_convert_type3A_1752 = tpu.bitcast %add3A_1751 : vector<16xf32> -> vector<16xi32>
        %sub3A_1753 = arith.subi %broadcast_in_dim3A_101, %bitcast_convert_type3A_1752 : vector<16xi32>
        %bitcast_convert_type3A_1754 = tpu.bitcast %sub3A_1753 : vector<16xi32> -> vector<16xf32>
        %mul3A_1755 = arith.mulf %add3A_1751, %bitcast_convert_type3A_1754 : vector<16xf32>
        %sub3A_1756 = arith.constant 2.000000e+00 : f32
        %sub3A_1757 = vector.broadcast %sub3A_1756 : f32 to vector<16xf32>
        %sub3A_1758 = arith.subf %sub3A_1757, %mul3A_1755 : vector<16xf32>
        %mul3A_1759 = arith.mulf %bitcast_convert_type3A_1754, %sub3A_1758 : vector<16xf32>
        %mul3A_1760 = arith.mulf %bitcast_convert_type3A_1747, %mul3A_1759 : vector<16xf32>
        %add3A_1761 = arith.addf %add3A_1734, %mul3A_1760 : vector<16xf32>
        %mul3A_1762 = arith.constant 16 : i32
        %mul3A_1763 = arith.muli %scan3A_99, %mul3A_1762 : i32
        %add3A_1764 = arith.constant 12 : i32
        %add3A_1765 = arith.addi %mul3A_1763, %add3A_1764 : i32
        %get3A_1766 = arith.index_cast %add3A_1765 : i32 to index
        %get3A_1767 = arith.constant 48 : index
        %get3A_1768 = tpu.vector_load %arg10[%get3A_1766, %get3A_1767] {strides = array<i32>} : memref<64x64xf32, #tpu.memory_space<vmem>>, vector<1x16xf32>,
        %get3A_1769 = vector.shape_cast %get3A_1768 : vector<1x16xf32> to vector<16xf32>
        %bitcast_convert_type3A_1770 = tpu.bitcast %get3A_1769 : vector<16xf32> -> vector<16xi32>
        %shift_left3A_1771 = arith.shli %bitcast_convert_type3A_1770, %broadcast_in_dim3A_103 : vector<16xi32>
        %bitcast_convert_type3A_1772 = tpu.bitcast %shift_left3A_1771 : vector<16xi32> -> vector<16xf32>
        %and3A_1773 = arith.andi %bitcast_convert_type3A_1770, %broadcast_in_dim3A_105 : vector<16xi32>
        %bitcast_convert_type3A_1774 = tpu.bitcast %and3A_1773 : vector<16xi32> -> vector<16xf32>
        %mul3A_1775 = arith.mulf %get3A_1435, %bitcast_convert_type3A_1772 : vector<16xf32>
        %add3A_1776 = arith.constant 1.000000e+00 : f32
        %add3A_1777 = vector.broadcast %add3A_1776 : f32 to vector<16xf32>
        %add3A_1778 = arith.addf %add3A_1777, %mul3A_1775 : vector<16xf32>
        %bitcast_convert_type3A_1779 = tpu.bitcast %add3A_1778 : vector<16xf32> -> vector<16xi32>
        %sub3A_1780 = arith.subi %broadcast_in_dim3A_101, %bitcast_convert_type3A_1779 : vector<16xi32>
        %bitcast_convert_type3A_1781 = tpu.bitcast %sub3A_1780 : vector<16xi32> -> vector<16xf32>
        %mul3A_1782 = arith.mulf %add3A_1778, %bitcast_convert_type3A_1781 : vector<16xf32>
        %sub3A_1783 = arith.constant 2.000000e+00 : f32
        %sub3A_1784 = vector.broadcast %sub3A_1783 : f32 to vector<16xf32>
        %sub3A_1785 = arith.subf %sub3A_1784, %mul3A_1782 : vector<16xf32>
        %mul3A_1786 = arith.mulf %bitcast_convert_type3A_1781, %sub3A_1785 : vector<16xf32>
        %mul3A_1787 = arith.mulf %bitcast_convert_type3A_1774, %mul3A_1786 : vector<16xf32>
        %add3A_1788 = arith.addf %add3A_1761, %mul3A_1787 : vector<16xf32>
        %mul3A_1789 = arith.constant 16 : i32
        %mul3A_1790 = arith.muli %scan3A_99, %mul3A_1789 : i32
        %add3A_1791 = arith.constant 13 : i32
        %add3A_1792 = arith.addi %mul3A_1790, %add3A_1791 : i32
        %get3A_1793 = arith.index_cast %add3A_1792 : i32 to index
        %get3A_1794 = arith.constant 48 : index
        %get3A_1795 = tpu.vector_load %arg10[%get3A_1793, %get3A_1794] {strides = array<i32>} : memref<64x64xf32, #tpu.memory_space<vmem>>, vector<1x16xf32>,
        %get3A_1796 = vector.shape_cast %get3A_1795 : vector<1x16xf32> to vector<16xf32>
        %bitcast_convert_type3A_1797 = tpu.bitcast %get3A_1796 : vector<16xf32> -> vector<16xi32>
        %shift_left3A_1798 = arith.shli %bitcast_convert_type3A_1797, %broadcast_in_dim3A_103 : vector<16xi32>
        %bitcast_convert_type3A_1799 = tpu.bitcast %shift_left3A_1798 : vector<16xi32> -> vector<16xf32>
        %and3A_1800 = arith.andi %bitcast_convert_type3A_1797, %broadcast_in_dim3A_105 : vector<16xi32>
        %bitcast_convert_type3A_1801 = tpu.bitcast %and3A_1800 : vector<16xi32> -> vector<16xf32>
        %mul3A_1802 = arith.mulf %get3A_1435, %bitcast_convert_type3A_1799 : vector<16xf32>
        %add3A_1803 = arith.constant 1.000000e+00 : f32
        %add3A_1804 = vector.broadcast %add3A_1803 : f32 to vector<16xf32>
        %add3A_1805 = arith.addf %add3A_1804, %mul3A_1802 : vector<16xf32>
        %bitcast_convert_type3A_1806 = tpu.bitcast %add3A_1805 : vector<16xf32> -> vector<16xi32>
        %sub3A_1807 = arith.subi %broadcast_in_dim3A_101, %bitcast_convert_type3A_1806 : vector<16xi32>
        %bitcast_convert_type3A_1808 = tpu.bitcast %sub3A_1807 : vector<16xi32> -> vector<16xf32>
        %mul3A_1809 = arith.mulf %add3A_1805, %bitcast_convert_type3A_1808 : vector<16xf32>
        %sub3A_1810 = arith.constant 2.000000e+00 : f32
        %sub3A_1811 = vector.broadcast %sub3A_1810 : f32 to vector<16xf32>
        %sub3A_1812 = arith.subf %sub3A_1811, %mul3A_1809 : vector<16xf32>
        %mul3A_1813 = arith.mulf %bitcast_convert_type3A_1808, %sub3A_1812 : vector<16xf32>
        %mul3A_1814 = arith.mulf %bitcast_convert_type3A_1801, %mul3A_1813 : vector<16xf32>
        %add3A_1815 = arith.addf %add3A_1788, %mul3A_1814 : vector<16xf32>
        %mul3A_1816 = arith.constant 16 : i32
        %mul3A_1817 = arith.muli %scan3A_99, %mul3A_1816 : i32
        %add3A_1818 = arith.constant 14 : i32
        %add3A_1819 = arith.addi %mul3A_1817, %add3A_1818 : i32
        %get3A_1820 = arith.index_cast %add3A_1819 : i32 to index
        %get3A_1821 = arith.constant 48 : index
        %get3A_1822 = tpu.vector_load %arg10[%get3A_1820, %get3A_1821] {strides = array<i32>} : memref<64x64xf32, #tpu.memory_space<vmem>>, vector<1x16xf32>,
        %get3A_1823 = vector.shape_cast %get3A_1822 : vector<1x16xf32> to vector<16xf32>
        %bitcast_convert_type3A_1824 = tpu.bitcast %get3A_1823 : vector<16xf32> -> vector<16xi32>
        %shift_left3A_1825 = arith.shli %bitcast_convert_type3A_1824, %broadcast_in_dim3A_103 : vector<16xi32>
        %bitcast_convert_type3A_1826 = tpu.bitcast %shift_left3A_1825 : vector<16xi32> -> vector<16xf32>
        %and3A_1827 = arith.andi %bitcast_convert_type3A_1824, %broadcast_in_dim3A_105 : vector<16xi32>
        %bitcast_convert_type3A_1828 = tpu.bitcast %and3A_1827 : vector<16xi32> -> vector<16xf32>
        %mul3A_1829 = arith.mulf %get3A_1435, %bitcast_convert_type3A_1826 : vector<16xf32>
        %add3A_1830 = arith.constant 1.000000e+00 : f32
        %add3A_1831 = vector.broadcast %add3A_1830 : f32 to vector<16xf32>
        %add3A_1832 = arith.addf %add3A_1831, %mul3A_1829 : vector<16xf32>
        %bitcast_convert_type3A_1833 = tpu.bitcast %add3A_1832 : vector<16xf32> -> vector<16xi32>
        %sub3A_1834 = arith.subi %broadcast_in_dim3A_101, %bitcast_convert_type3A_1833 : vector<16xi32>
        %bitcast_convert_type3A_1835 = tpu.bitcast %sub3A_1834 : vector<16xi32> -> vector<16xf32>
        %mul3A_1836 = arith.mulf %add3A_1832, %bitcast_convert_type3A_1835 : vector<16xf32>
        %sub3A_1837 = arith.constant 2.000000e+00 : f32
        %sub3A_1838 = vector.broadcast %sub3A_1837 : f32 to vector<16xf32>
        %sub3A_1839 = arith.subf %sub3A_1838, %mul3A_1836 : vector<16xf32>
        %mul3A_1840 = arith.mulf %bitcast_convert_type3A_1835, %sub3A_1839 : vector<16xf32>
        %mul3A_1841 = arith.mulf %bitcast_convert_type3A_1828, %mul3A_1840 : vector<16xf32>
        %add3A_1842 = arith.addf %add3A_1815, %mul3A_1841 : vector<16xf32>
        %mul3A_1843 = arith.constant 16 : i32
        %mul3A_1844 = arith.muli %scan3A_99, %mul3A_1843 : i32
        %add3A_1845 = arith.constant 15 : i32
        %add3A_1846 = arith.addi %mul3A_1844, %add3A_1845 : i32
        %get3A_1847 = arith.index_cast %add3A_1846 : i32 to index
        %get3A_1848 = arith.constant 48 : index
        %get3A_1849 = tpu.vector_load %arg10[%get3A_1847, %get3A_1848] {strides = array<i32>} : memref<64x64xf32, #tpu.memory_space<vmem>>, vector<1x16xf32>,
        %get3A_1850 = vector.shape_cast %get3A_1849 : vector<1x16xf32> to vector<16xf32>
        %bitcast_convert_type3A_1851 = tpu.bitcast %get3A_1850 : vector<16xf32> -> vector<16xi32>
        %shift_left3A_1852 = arith.shli %bitcast_convert_type3A_1851, %broadcast_in_dim3A_103 : vector<16xi32>
        %bitcast_convert_type3A_1853 = tpu.bitcast %shift_left3A_1852 : vector<16xi32> -> vector<16xf32>
        %and3A_1854 = arith.andi %bitcast_convert_type3A_1851, %broadcast_in_dim3A_105 : vector<16xi32>
        %bitcast_convert_type3A_1855 = tpu.bitcast %and3A_1854 : vector<16xi32> -> vector<16xf32>
        %mul3A_1856 = arith.mulf %get3A_1435, %bitcast_convert_type3A_1853 : vector<16xf32>
        %add3A_1857 = arith.constant 1.000000e+00 : f32
        %add3A_1858 = vector.broadcast %add3A_1857 : f32 to vector<16xf32>
        %add3A_1859 = arith.addf %add3A_1858, %mul3A_1856 : vector<16xf32>
        %bitcast_convert_type3A_1860 = tpu.bitcast %add3A_1859 : vector<16xf32> -> vector<16xi32>
        %sub3A_1861 = arith.subi %broadcast_in_dim3A_101, %bitcast_convert_type3A_1860 : vector<16xi32>
        %bitcast_convert_type3A_1862 = tpu.bitcast %sub3A_1861 : vector<16xi32> -> vector<16xf32>
        %mul3A_1863 = arith.mulf %add3A_1859, %bitcast_convert_type3A_1862 : vector<16xf32>
        %sub3A_1864 = arith.constant 2.000000e+00 : f32
        %sub3A_1865 = vector.broadcast %sub3A_1864 : f32 to vector<16xf32>
        %sub3A_1866 = arith.subf %sub3A_1865, %mul3A_1863 : vector<16xf32>
        %mul3A_1867 = arith.mulf %bitcast_convert_type3A_1862, %sub3A_1866 : vector<16xf32>
        %mul3A_1868 = arith.mulf %bitcast_convert_type3A_1855, %mul3A_1867 : vector<16xf32>
        %add3A_1869 = arith.addf %add3A_1842, %mul3A_1868 : vector<16xf32>
        %swap3A_1870 = arith.index_cast %scan3A_99 : i32 to index
        %swap3A_1871 = arith.constant 48 : index
        %swap3A_1872 = tpu.vector_load %arg12[%swap3A_1870, %swap3A_1871] {strides = array<i32>} : memref<4x64xf32, #tpu.memory_space<vmem>>, vector<1x16xf32>,
        %swap3A_1873 = vector.shape_cast %swap3A_1872 : vector<1x16xf32> to vector<16xf32>
        %swap3A_1874 = vector.shape_cast %add3A_1869 : vector<16xf32> to vector<1x16xf32>
        tpu.vector_store %arg12[%swap3A_1870, %swap3A_1871], %swap3A_1874 {strides = array<i32>} : memref<4x64xf32, #tpu.memory_space<vmem>>, vector<1x16xf32>,
        %scan3A_1875 = arith.constant 0 : i32
        scf.yield %scan3A_1875 : i32
      }
      %scan3A_90 = arith.constant 4 : i32
      %mul3A_91 = arith.constant 4 : i32
      %mul3A_92 = arith.muli %add3A_66, %mul3A_91 : i32
      %add3A_93 = arith.addi %mul3A_2, %mul3A_92 : i32
      %dma_start3A_94 = arith.constant 0 : i32
      %dma_start3A_95 = tpu.memref_slice %arg5[%add3A_93, %dma_start3A_94] : memref<10240x64xf32, #tpu.memory_space<hbm>> -> memref<4x64xf32, #tpu.memory_space<hbm>>
      %dma_start3A_96 = arith.constant 0 : i32
      %dma_start3A_97 = tpu.memref_slice %arg5[%add3A_93, %dma_start3A_96] : memref<10240x64xf32, #tpu.memory_space<hbm>> -> memref<4x64xf32, #tpu.memory_space<hbm>>
      tpu.enqueue_dma source(%arg12 : memref<4x64xf32, #tpu.memory_space<vmem>>) target(%dma_start3A_97 : memref<4x64xf32, #tpu.memory_space<hbm>>) target_semaphore(%arg16 : memref<!tpu.dma_semaphore, #tpu.memory_space<semaphore_mem>>)
      %scan3A_98 = arith.constant 0 : i32
      scf.yield %scan3A_98 : i32
    }
    %scan3A_18 = arith.constant 40 : i32
    %dma_wait3A = arith.constant 0 : i32
    %dma_wait3A_19 = arith.constant 0 : i32
    %dma_wait3A_20 = tpu.memref_slice %arg5[%dma_wait3A, %dma_wait3A_19] : memref<10240x64xf32, #tpu.memory_space<hbm>> -> memref<4x64xf32, #tpu.memory_space<hbm>>
    %dma_wait3A_21 = arith.constant 0 : i32
    %dma_wait3A_22 = arith.constant 0 : i32
    %dma_wait3A_23 = tpu.memref_slice %arg5[%dma_wait3A_21, %dma_wait3A_22] : memref<10240x64xf32, #tpu.memory_space<hbm>> -> memref<4x64xf32, #tpu.memory_space<hbm>>
    tpu.wait_dma2 semaphore(%arg15 : memref<!tpu.dma_semaphore, #tpu.memory_space<semaphore_mem>>) src(%arg11 : memref<4x64xf32, #tpu.memory_space<vmem>>) dst(%dma_wait3A_23 : memref<4x64xf32, #tpu.memory_space<hbm>>)
    %dma_wait3A_24 = arith.constant 0 : i32
    %dma_wait3A_25 = arith.constant 0 : i32
    %dma_wait3A_26 = tpu.memref_slice %arg5[%dma_wait3A_24, %dma_wait3A_25] : memref<10240x64xf32, #tpu.memory_space<hbm>> -> memref<4x64xf32, #tpu.memory_space<hbm>>
    %dma_wait3A_27 = arith.constant 0 : i32
    %dma_wait3A_28 = arith.constant 0 : i32
    %dma_wait3A_29 = tpu.memref_slice %arg5[%dma_wait3A_27, %dma_wait3A_28] : memref<10240x64xf32, #tpu.memory_space<hbm>> -> memref<4x64xf32, #tpu.memory_space<hbm>>
    tpu.wait_dma2 semaphore(%arg16 : memref<!tpu.dma_semaphore, #tpu.memory_space<semaphore_mem>>) src(%arg12 : memref<4x64xf32, #tpu.memory_space<vmem>>) dst(%dma_wait3A_29 : memref<4x64xf32, #tpu.memory_space<hbm>>)
    return
  }
}

module attributes {stable_mosaic.version = 14 : i64} {
  func.func @_pass1_body(%arg0: i32, %arg1: memref<400x10000xf32, #tpu.memory_space<vmem>>, %arg2: memref<10000x128xf32, #tpu.memory_space<vmem>>, %arg3: memref<128x64xf32, #tpu.memory_space<vmem>>, %arg4: memref<1x64xf32, #tpu.memory_space<vmem>>, %arg5: memref<128x64xf32, #tpu.memory_space<vmem>>, %arg6: memref<400x64xf32, #tpu.memory_space<vmem>>, %arg7: memref<400x64xf32, #tpu.memory_space<vmem>>, %arg8: memref<400x64xf32, #tpu.memory_space<vmem>>, %arg9: memref<10000x64xf32, #tpu.memory_space<vmem>>) attributes {dimension_semantics = [#tpu.dimension_semantics<arbitrary>], iteration_bounds = array<i64: 25>, scalar_prefetch = 0 : i64, scratch_operands = 1 : i64, tpu.core_type = #tpu.core_type<tc>, window_params = [{transform_indices = @transform_0, window_bounds = array<i64: 400, 10000>}, {pipeline_mode = #tpu.pipeline_mode<synchronous>, transform_indices = @transform_1, window_bounds = array<i64: 10000, 128>}, {pipeline_mode = #tpu.pipeline_mode<synchronous>, transform_indices = @transform_2, window_bounds = array<i64: 128, 64>}, {pipeline_mode = #tpu.pipeline_mode<synchronous>, transform_indices = @transform_3, window_bounds = array<i64: 1, 64>}, {pipeline_mode = #tpu.pipeline_mode<synchronous>, transform_indices = @transform_4, window_bounds = array<i64: 128, 64>}, {transform_indices = @transform_5, window_bounds = array<i64: 400, 64>}, {transform_indices = @transform_6, window_bounds = array<i64: 400, 64>}, {transform_indices = @transform_7, window_bounds = array<i64: 400, 64>}]} {
    %eq3A = arith.constant 0 : i32
    %eq3A_0 = arith.cmpi eq, %arg0, %eq3A : i32
    %convert_element_type3A = arith.extui %eq3A_0 : i1 to i32
    %cond3A = arith.constant 0 : i32
    %cond3A_1 = arith.cmpi ne, %convert_element_type3A, %cond3A : i32
    scf.if %cond3A_1 {
      %get3A_50 = arith.constant 0 : index
      %get3A_51 = arith.constant 0 : index
      %get3A_52 = vector.load %arg2[%get3A_50, %get3A_51] : memref<10000x128xf32, #tpu.memory_space<vmem>>, vector<10000x128xf32>
      %get3A_53 = arith.constant 0 : index
      %get3A_54 = arith.constant 0 : index
      %get3A_55 = vector.load %arg3[%get3A_53, %get3A_54] : memref<128x64xf32, #tpu.memory_space<vmem>>, vector<128x64xf32>
      %dot_general3A_56 = arith.constant dense<0.000000e+00> : vector<10000x64xf32>
      %dot_general3A_57 = tpu.matmul %get3A_52, %get3A_55, %dot_general3A_56 {dimension_numbers = #tpu.dot_dimension_numbers<[1], [0], [0], [1], [0, 0, 1, 1], [], []>, transpose_lhs_hint = false} : vector<10000x128xf32>, vector<128x64xf32>, vector<10000x64xf32> -> vector<10000x64xf32>
      %get3A_58 = arith.constant 0 : index
      %get3A_59 = arith.constant 0 : index
      %get3A_60 = vector.load %arg4[%get3A_58, %get3A_59] : memref<1x64xf32, #tpu.memory_space<vmem>>, vector<1x64xf32>
      %add3A_61 = vector.broadcast %get3A_60 : vector<1x64xf32> to vector<10000x64xf32>
      %add3A_62 = arith.addf %dot_general3A_57, %add3A_61 : vector<10000x64xf32>
      %swap3A_63 = arith.constant 0 : index
      %swap3A_64 = arith.constant 0 : index
      %swap3A_65 = vector.load %arg9[%swap3A_63, %swap3A_64] : memref<10000x64xf32, #tpu.memory_space<vmem>>, vector<10000x64xf32>
      tpu.vector_store %arg9[%swap3A_63, %swap3A_64], %add3A_62 {strides = array<i32>} : memref<10000x64xf32, #tpu.memory_space<vmem>>, vector<10000x64xf32>,
    } else {
    }
    %get3A = arith.constant 0 : index
    %get3A_2 = arith.constant 0 : index
    %get3A_3 = vector.load %arg1[%get3A, %get3A_2] : memref<400x10000xf32, #tpu.memory_space<vmem>>, vector<400x10000xf32>
    %get3A_4 = arith.constant 0 : index
    %get3A_5 = arith.constant 0 : index
    %get3A_6 = vector.load %arg9[%get3A_4, %get3A_5] : memref<10000x64xf32, #tpu.memory_space<vmem>>, vector<10000x64xf32>
    %dot_general3A = arith.constant dense<0.000000e+00> : vector<400x64xf32>
    %dot_general3A_7 = tpu.matmul %get3A_3, %get3A_6, %dot_general3A {dimension_numbers = #tpu.dot_dimension_numbers<[1], [0], [0], [1], [0, 0, 1, 1], [], []>, transpose_lhs_hint = false} : vector<400x10000xf32>, vector<10000x64xf32>, vector<400x64xf32> -> vector<400x64xf32>
    %max3A = arith.constant 0.000000e+00 : f32
    %max3A_8 = vector.broadcast %max3A : f32 to vector<400x64xf32>
    %max3A_9 = arith.maximumf %dot_general3A_7, %max3A_8 : vector<400x64xf32>
    %get3A_10 = arith.constant 0 : index
    %get3A_11 = arith.constant 0 : index
    %get3A_12 = vector.load %arg5[%get3A_10, %get3A_11] : memref<128x64xf32, #tpu.memory_space<vmem>>, vector<64x64xf32>
    %get3A_13 = arith.constant 64 : index
    %get3A_14 = arith.constant 0 : index
    %get3A_15 = vector.load %arg5[%get3A_13, %get3A_14] : memref<128x64xf32, #tpu.memory_space<vmem>>, vector<64x64xf32>
    %dot_general3A_16 = arith.constant dense<0.000000e+00> : vector<400x64xf32>
    %dot_general3A_17 = tpu.matmul %max3A_9, %get3A_12, %dot_general3A_16 {dimension_numbers = #tpu.dot_dimension_numbers<[1], [0], [0], [1], [0, 0, 1, 1], [], []>, transpose_lhs_hint = false} : vector<400x64xf32>, vector<64x64xf32>, vector<400x64xf32> -> vector<400x64xf32>
    %dot_general3A_18 = arith.constant dense<0.000000e+00> : vector<400x64xf32>
    %dot_general3A_19 = tpu.matmul %max3A_9, %get3A_15, %dot_general3A_18 {dimension_numbers = #tpu.dot_dimension_numbers<[1], [0], [0], [1], [0, 0, 1, 1], [], []>, transpose_lhs_hint = false} : vector<400x64xf32>, vector<64x64xf32>, vector<400x64xf32> -> vector<400x64xf32>
    %neg3A = arith.constant 0.000000e+00 : f32
    %neg3A_20 = vector.broadcast %neg3A : f32 to vector<400x64xf32>
    %neg3A_21 = arith.subf %neg3A_20, %dot_general3A_17 : vector<400x64xf32>
    %min3A = arith.constant 3.400000e+01 : f32
    %min3A_22 = vector.broadcast %min3A : f32 to vector<400x64xf32>
    %min3A_23 = arith.minimumf %neg3A_21, %min3A_22 : vector<400x64xf32>
    %exp3A = math.exp %min3A_23 : vector<400x64xf32>
    %swap3A = arith.constant 0 : index
    %swap3A_24 = arith.constant 0 : index
    %swap3A_25 = vector.load %arg6[%swap3A, %swap3A_24] : memref<400x64xf32, #tpu.memory_space<vmem>>, vector<400x64xf32>
    tpu.vector_store %arg6[%swap3A, %swap3A_24], %exp3A {strides = array<i32>} : memref<400x64xf32, #tpu.memory_space<vmem>>, vector<400x64xf32>,
    %neg3A_26 = arith.constant 0.000000e+00 : f32
    %neg3A_27 = vector.broadcast %neg3A_26 : f32 to vector<400x64xf32>
    %neg3A_28 = arith.subf %neg3A_27, %dot_general3A_19 : vector<400x64xf32>
    %min3A_29 = arith.constant 3.400000e+01 : f32
    %min3A_30 = vector.broadcast %min3A_29 : f32 to vector<400x64xf32>
    %min3A_31 = arith.minimumf %neg3A_28, %min3A_30 : vector<400x64xf32>
    %exp3A_32 = math.exp %min3A_31 : vector<400x64xf32>
    %bitcast_convert_type3A = tpu.bitcast %exp3A_32 : vector<400x64xf32> -> vector<400x64xi32>
    %add3A = arith.constant 32768 : i32
    %add3A_33 = vector.broadcast %add3A : i32 to vector<400x64xi32>
    %add3A_34 = arith.addi %bitcast_convert_type3A, %add3A_33 : vector<400x64xi32>
    %shift_right_logical3A = arith.constant 16 : i32
    %shift_right_logical3A_35 = vector.broadcast %shift_right_logical3A : i32 to vector<400x64xi32>
    %shift_right_logical3A_36 = arith.shrui %add3A_34, %shift_right_logical3A_35 : vector<400x64xi32>
    %bitcast_convert_type3A_37 = tpu.bitcast %max3A_9 : vector<400x64xf32> -> vector<400x64xi32>
    %add3A_38 = arith.constant 32768 : i32
    %add3A_39 = vector.broadcast %add3A_38 : i32 to vector<400x64xi32>
    %add3A_40 = arith.addi %bitcast_convert_type3A_37, %add3A_39 : vector<400x64xi32>
    %and3A = arith.constant -65536 : i32
    %and3A_41 = vector.broadcast %and3A : i32 to vector<400x64xi32>
    %and3A_42 = arith.andi %add3A_40, %and3A_41 : vector<400x64xi32>
    %or3A = arith.ori %and3A_42, %shift_right_logical3A_36 : vector<400x64xi32>
    %bitcast_convert_type3A_43 = tpu.bitcast %or3A : vector<400x64xi32> -> vector<400x64xf32>
    %swap3A_44 = arith.constant 0 : index
    %swap3A_45 = arith.constant 0 : index
    %swap3A_46 = vector.load %arg7[%swap3A_44, %swap3A_45] : memref<400x64xf32, #tpu.memory_space<vmem>>, vector<400x64xf32>
    tpu.vector_store %arg7[%swap3A_44, %swap3A_45], %bitcast_convert_type3A_43 {strides = array<i32>} : memref<400x64xf32, #tpu.memory_space<vmem>>, vector<400x64xf32>,
    %swap3A_47 = arith.constant 0 : index
    %swap3A_48 = arith.constant 0 : index
    %swap3A_49 = vector.load %arg8[%swap3A_47, %swap3A_48] : memref<400x64xf32, #tpu.memory_space<vmem>>, vector<400x64xf32>
    tpu.vector_store %arg8[%swap3A_47, %swap3A_48], %max3A_9 {strides = array<i32>} : memref<400x64xf32, #tpu.memory_space<vmem>>, vector<400x64xf32>,
    return
  }
  func.func @transform_0(%arg0: i32) -> (i32, i32) {
    %c0_i32 = arith.constant 0 : i32
    %c0_i32_0 = arith.constant 0 : i32
    return %arg0, %c0_i32 : i32, i32
  }
  func.func @transform_1(%arg0: i32) -> (i32, i32) {
    %c0_i32 = arith.constant 0 : i32
    %c0_i32_0 = arith.constant 0 : i32
    %c0_i32_1 = arith.constant 0 : i32
    return %c0_i32, %c0_i32_0 : i32, i32
  }
  func.func @transform_2(%arg0: i32) -> (i32, i32) {
    %c0_i32 = arith.constant 0 : i32
    %c0_i32_0 = arith.constant 0 : i32
    %c0_i32_1 = arith.constant 0 : i32
    return %c0_i32, %c0_i32_0 : i32, i32
  }
  func.func @transform_3(%arg0: i32) -> (i32, i32) {
    %c0_i32 = arith.constant 0 : i32
    %c0_i32_0 = arith.constant 0 : i32
    %c0_i32_1 = arith.constant 0 : i32
    return %c0_i32, %c0_i32_0 : i32, i32
  }
  func.func @transform_4(%arg0: i32) -> (i32, i32) {
    %c0_i32 = arith.constant 0 : i32
    %c0_i32_0 = arith.constant 0 : i32
    %c0_i32_1 = arith.constant 0 : i32
    return %c0_i32, %c0_i32_0 : i32, i32
  }
  func.func @transform_5(%arg0: i32) -> (i32, i32) {
    %c0_i32 = arith.constant 0 : i32
    %c0_i32_0 = arith.constant 0 : i32
    return %arg0, %c0_i32 : i32, i32
  }
  func.func @transform_6(%arg0: i32) -> (i32, i32) {
    %c0_i32 = arith.constant 0 : i32
    %c0_i32_0 = arith.constant 0 : i32
    return %arg0, %c0_i32 : i32, i32
  }
  func.func @transform_7(%arg0: i32) -> (i32, i32) {
    %c0_i32 = arith.constant 0 : i32
    %c0_i32_0 = arith.constant 0 : i32
    return %arg0, %c0_i32 : i32, i32
  }
}

module attributes {stable_mosaic.version = 14 : i64} {
  func.func @_pass2_body(%arg0: i32, %arg1: memref<400x10000xf32, #tpu.memory_space<vmem>>, %arg2: memref<10000x64xf32, #tpu.memory_space<vmem>>, %arg3: memref<10000x64xf32, #tpu.memory_space<vmem>>, %arg4: memref<64x16xf32, #tpu.memory_space<vmem>>, %arg5: memref<1x16xf32, #tpu.memory_space<vmem>>, %arg6: memref<400x16xf32, #tpu.memory_space<vmem>>, %arg7: memref<10000x16xf32, #tpu.memory_space<vmem>>) attributes {dimension_semantics = [#tpu.dimension_semantics<arbitrary>], iteration_bounds = array<i64: 25>, scalar_prefetch = 0 : i64, scratch_operands = 1 : i64, tpu.core_type = #tpu.core_type<tc>, window_params = [{transform_indices = @transform_0, window_bounds = array<i64: 400, 10000>}, {pipeline_mode = #tpu.pipeline_mode<synchronous>, transform_indices = @transform_1, window_bounds = array<i64: 10000, 64>}, {transform_indices = @transform_2, window_bounds = array<i64: 10000, 64>}, {pipeline_mode = #tpu.pipeline_mode<synchronous>, transform_indices = @transform_3, window_bounds = array<i64: 64, 16>}, {pipeline_mode = #tpu.pipeline_mode<synchronous>, transform_indices = @transform_4, window_bounds = array<i64: 1, 16>}, {transform_indices = @transform_5, window_bounds = array<i64: 400, 16>}]} {
    %eq3A = arith.constant 0 : i32
    %eq3A_0 = arith.cmpi eq, %arg0, %eq3A : i32
    %convert_element_type3A = arith.extui %eq3A_0 : i1 to i32
    %cond3A = arith.constant 0 : i32
    %cond3A_1 = arith.cmpi ne, %convert_element_type3A, %cond3A : i32
    scf.if %cond3A_1 {
      %get3A_18 = arith.constant 0 : index
      %get3A_19 = arith.constant 0 : index
      %get3A_20 = vector.load %arg2[%get3A_18, %get3A_19] : memref<10000x64xf32, #tpu.memory_space<vmem>>, vector<10000x64xf32>
      %get3A_21 = arith.constant 0 : index
      %get3A_22 = arith.constant 0 : index
      %get3A_23 = vector.load %arg3[%get3A_21, %get3A_22] : memref<10000x64xf32, #tpu.memory_space<vmem>>, vector<10000x64xf32>
      %add3A = arith.addf %get3A_20, %get3A_23 : vector<10000x64xf32>
      %get3A_24 = arith.constant 0 : index
      %get3A_25 = arith.constant 0 : index
      %get3A_26 = vector.load %arg4[%get3A_24, %get3A_25] : memref<64x16xf32, #tpu.memory_space<vmem>>, vector<64x16xf32>
      %dot_general3A_27 = arith.constant dense<0.000000e+00> : vector<10000x16xf32>
      %dot_general3A_28 = tpu.matmul %add3A, %get3A_26, %dot_general3A_27 {dimension_numbers = #tpu.dot_dimension_numbers<[1], [0], [0], [1], [0, 0, 1, 1], [], []>, transpose_lhs_hint = false} : vector<10000x64xf32>, vector<64x16xf32>, vector<10000x16xf32> -> vector<10000x16xf32>
      %get3A_29 = arith.constant 0 : index
      %get3A_30 = arith.constant 0 : index
      %get3A_31 = vector.load %arg5[%get3A_29, %get3A_30] : memref<1x16xf32, #tpu.memory_space<vmem>>, vector<1x16xf32>
      %add3A_32 = vector.broadcast %get3A_31 : vector<1x16xf32> to vector<10000x16xf32>
      %add3A_33 = arith.addf %dot_general3A_28, %add3A_32 : vector<10000x16xf32>
      %swap3A_34 = arith.constant 0 : index
      %swap3A_35 = arith.constant 0 : index
      %swap3A_36 = vector.load %arg7[%swap3A_34, %swap3A_35] : memref<10000x16xf32, #tpu.memory_space<vmem>>, vector<10000x16xf32>
      tpu.vector_store %arg7[%swap3A_34, %swap3A_35], %add3A_33 {strides = array<i32>} : memref<10000x16xf32, #tpu.memory_space<vmem>>, vector<10000x16xf32>,
    } else {
    }
    %get3A = arith.constant 0 : index
    %get3A_2 = arith.constant 0 : index
    %get3A_3 = vector.load %arg1[%get3A, %get3A_2] : memref<400x10000xf32, #tpu.memory_space<vmem>>, vector<400x10000xf32>
    %get3A_4 = arith.constant 0 : index
    %get3A_5 = arith.constant 0 : index
    %get3A_6 = vector.load %arg7[%get3A_4, %get3A_5] : memref<10000x16xf32, #tpu.memory_space<vmem>>, vector<10000x16xf32>
    %dot_general3A = arith.constant dense<0.000000e+00> : vector<400x16xf32>
    %dot_general3A_7 = tpu.matmul %get3A_3, %get3A_6, %dot_general3A {dimension_numbers = #tpu.dot_dimension_numbers<[1], [0], [0], [1], [0, 0, 1, 1], [], []>, transpose_lhs_hint = false} : vector<400x10000xf32>, vector<10000x16xf32>, vector<400x16xf32> -> vector<400x16xf32>
    %reduce_max3A = arith.constant dense<0xFF800000> : vector<400xf32>
    %reduce_max3A_8 = vector.multi_reduction <maximumf>, %dot_general3A_7, %reduce_max3A [1] : vector<400x16xf32> to vector<400xf32>
    %broadcast_in_dim3A = vector.shape_cast %reduce_max3A_8 : vector<400xf32> to vector<400x1xf32>
    %sub3A = vector.broadcast %broadcast_in_dim3A : vector<400x1xf32> to vector<400x16xf32>
    %sub3A_9 = arith.subf %dot_general3A_7, %sub3A : vector<400x16xf32>
    %exp3A = math.exp %sub3A_9 : vector<400x16xf32>
    %reduce_sum3A = arith.constant dense<0.000000e+00> : vector<400xf32>
    %reduce_sum3A_10 = vector.multi_reduction <add>, %exp3A, %reduce_sum3A [1] : vector<400x16xf32> to vector<400xf32>
    %broadcast_in_dim3A_11 = vector.shape_cast %reduce_sum3A_10 : vector<400xf32> to vector<400x1xf32>
    %log3A = math.log %broadcast_in_dim3A_11 : vector<400x1xf32>
    %sub3A_12 = vector.broadcast %broadcast_in_dim3A : vector<400x1xf32> to vector<400x16xf32>
    %sub3A_13 = arith.subf %dot_general3A_7, %sub3A_12 : vector<400x16xf32>
    %sub3A_14 = vector.broadcast %log3A : vector<400x1xf32> to vector<400x16xf32>
    %sub3A_15 = arith.subf %sub3A_13, %sub3A_14 : vector<400x16xf32>
    %swap3A = arith.constant 0 : index
    %swap3A_16 = arith.constant 0 : index
    %swap3A_17 = vector.load %arg6[%swap3A, %swap3A_16] : memref<400x16xf32, #tpu.memory_space<vmem>>, vector<400x16xf32>
    tpu.vector_store %arg6[%swap3A, %swap3A_16], %sub3A_15 {strides = array<i32>} : memref<400x16xf32, #tpu.memory_space<vmem>>, vector<400x16xf32>,
    return
  }
  func.func @transform_0(%arg0: i32) -> (i32, i32) {
    %c0_i32 = arith.constant 0 : i32
    %c0_i32_0 = arith.constant 0 : i32
    return %arg0, %c0_i32 : i32, i32
  }
  func.func @transform_1(%arg0: i32) -> (i32, i32) {
    %c0_i32 = arith.constant 0 : i32
    %c0_i32_0 = arith.constant 0 : i32
    %c0_i32_1 = arith.constant 0 : i32
    return %c0_i32, %c0_i32_0 : i32, i32
  }
  func.func @transform_2(%arg0: i32) -> (i32, i32) {
    %c0_i32 = arith.constant 0 : i32
    %c0_i32_0 = arith.constant 0 : i32
    %c0_i32_1 = arith.constant 0 : i32
    return %c0_i32, %c0_i32_0 : i32, i32
  }
  func.func @transform_3(%arg0: i32) -> (i32, i32) {
    %c0_i32 = arith.constant 0 : i32
    %c0_i32_0 = arith.constant 0 : i32
    %c0_i32_1 = arith.constant 0 : i32
    return %c0_i32, %c0_i32_0 : i32, i32
  }
  func.func @transform_4(%arg0: i32) -> (i32, i32) {
    %c0_i32 = arith.constant 0 : i32
    %c0_i32_0 = arith.constant 0 : i32
    %c0_i32_1 = arith.constant 0 : i32
    return %c0_i32, %c0_i32_0 : i32, i32
  }
  func.func @transform_5(%arg0: i32) -> (i32, i32) {
    %c0_i32 = arith.constant 0 : i32
    %c0_i32_0 = arith.constant 0 : i32
    return %arg0, %c0_i32 : i32, i32
  }
}

</mosaic_0001>

<sc_bundles>
// kernel: kernel.5.cloned.1.call-start
scs
__scs_entry_jumppad:
0x0: {  	(pc) =	sbr.rel $0x88, $3  }
0x1: {  	(tag) =	ssettag $0x0;
	lr =	simm.s32 $0x1  }
0x2: {  	[smem:$0x3F99] =	sst lr;
	_ =	strace $0xD0000000  }
0x3: {  	_ = 	snop  }
0x4: {  	_ = 	snop  }
0x5: {  	_ = 	snop  }
0x6: {  	_ = 	snop  }
0x7: {  	_ = 	snop  }
__scs_overlays_trampoline_lowered:
0x8: {  	[smem:$0x3FA8] =	sst s0  }
0x9: {  	[smem:$0x3FA9] =	sst s1  }
0xa: {  	[smem:$0x3FAA] =	sst s2  }
0xb: {  	[smem:$0x3FAB] =	sst s3  }
0xc: {  	[smem:$0x3FAC] =	sst s4  }
0xd: {  	[smem:$0x3FAD] =	sst s5  }
0xe: {  	[smem:$0x3FAE] =	sst s6  }
0xf: {  	[smem:$0x3FAF] =	sst s7  }
0x10: {  	[smem:$0x3FB0] =	sst s8  }
0x11: {  	[smem:$0x3FB1] =	sst s9;
	s0 =	simm.s32 @!p0 $0x0  }
0x12: {  	s1 =	sld [smem:$0x3F97];
	s0 =	simm.s32 @p0 $0x1  }
0x13: {  	[smem:$0x3FB2] =	sst s0;
	s0 =	simm.s32 @!p1 $0x0  }
0x14: {  	s2 =	sld [smem:$0x3F96];
	s0 =	simm.s32 @p1 $0x1  }
0x15: {  	[smem:$0x3FB3] =	sst s0;
	s0 =	simm.s32 @!p2 $0x0  }
0x16: {  	s3 =	sld [smem:$0x3FDB];
	s0 =	simm.s32 @p2 $0x1  }
0x17: {  	s4 =	simm.s32 $0x1BF5;
	[smem:$0x3FB5] =	sst s0  }
0x18: {  	s0 =	sld [smem:$0x3F98];
	_ =	swait.ge [sflag:s4], $0x0  }
0x19: {  	s7 =	sld [smem:$0x3F99]  }
0x1a: {  	s8 =	sadd.s32 $0xFFFFE003, lr  }
0x1b: {  	s9 =	sadd.s32 $0xFFFFFEF7, lr;
	s5 =	simm.s32 $0xFFFFFFFF;
	p2 =	slt.u32 s8, $0xFFFFF086  }
0x1c: {  	p1 =	slt.u32 s9, $0xF7A;
	s5 =	simm.s32 @!p2 $0x0  }
0x1d: {  	s5 =	simm.s32 @p1 $0x1;
	p0 =	seq.s32 s7, s2  }
0x1e: {  	s7 =	smul.u32 @!p0 $0xF7A, s2;
	p2 =	seq.s32 @!p0 s5, $0x0  }
0x1f: {  	s9 =	smul.u32 $0xF7A, s1;
	s8 =	simm.s32 @!p0 $0x1BF5;
	p2 =	por !p2, p0  }
0x20: {  	[sflag:s8] =	ssyncset.s32 @!p0 $0xFFFFF086;
	s6 =	sadd.s32 @!p0 s3, s7;
	s7 =	simm.s32 @!p0 $0x108  }
0x21: {  	s3 =	sadd.s32 s3, s9;
	s6 =	sadd.s32 @!p0 $0x88, s6;
	s7 =	simm.s32 @p2 $0x1082  }
0x22: {  	[simem:s7], [sflag:s8] =	dma.local @!p0 [hbm:s6], $0xF7A  }
0x23: {  	s9 =	sor.u32 $0xD0000000, s2;
	s6 =	simm.s32 $0x108;
	_ =	swait.ge @!p0 [sflag:s8], $0x0  }
0x24: {  	s3 =	sadd.s32 $0x88, s3;
	s6 =	simm.s32 @!p1 $0x1082;
	[sflag:s4] =	ssyncset.s32 $0xFFFFF086  }
0x25: {  	[simem:s6], [sflag:s4] =	dma.local [hbm:s3], $0xF7A  }
0x26: {  	[smem:$0x3F99] =	sst s1;
	(tag) =	ssettag s2;
	_ =	strace s9  }
0x27: {  	s1 =	sld [smem:$0x3FA9]  }
0x28: {  	s2 =	sld [smem:$0x3FAA]  }
0x29: {  	s4 =	sld [smem:$0x3FAC]  }
0x2a: {  	p0 =	seq.s32 s5, $0x0;
	s5 =	sld [smem:$0x3FAD]  }
0x2b: {  	s6 =	sld [smem:$0x3FAE]  }
0x2c: {  	s7 =	sld [smem:$0x3FAF]  }
0x2d: {  	s3 =	simm.s32 $0x108;
	s8 =	sld [smem:$0x3FB0]  }
0x2e: {  	s3 =	simm.s32 @!p0 $0x1082;
	s9 =	sld [smem:$0x3FB1]  }
0x2f: {  	lr =	sadd.s32 s0, s3;
	s0 =	sld [smem:$0x3FA8]  }
0x30: {  	s3 =	sld [smem:$0x3FAB]  }
0x31: {  	[smem:$0x3FB4] =	sst s10  }
0x32: {  	s10 =	sld [smem:$0x3FB2];
	_ =	sdelay $0x3  }
0x33: {  	p0 =	seq.s32 s10, $0x1;
	s10 =	sld [smem:$0x3FB4];
	_ =	sdelay $0x3  }
0x34: {  	[smem:$0x3FB4] =	sst s10  }
0x35: {  	s10 =	sld [smem:$0x3FB3];
	_ =	sdelay $0x3  }
0x36: {  	p1 =	seq.s32 s10, $0x1;
	s10 =	sld [smem:$0x3FB4];
	_ =	sdelay $0x3  }
0x37: {  	[smem:$0x3FB4] =	sst s10  }
0x38: {  	s10 =	sld [smem:$0x3FB5]  }
0x39: {  	_ = 	snop;
	(pc) =	sbr.ind lr, $3  }
0x3a: {  	_ = 	snop  }
0x3b: {  	_ = 	snop  }
0x3c: {  	p2 =	seq.s32 s10, $0x1;
	s10 =	sld [smem:$0x3FB4]  }
0x3d: {  	_ =	shalt  }
0x3e: {  	_ =	shalt  }
0x3f: {  	_ =	shalt  }
0x40: {  	_ =	shalt  }
0x41: {  	_ =	shalt  }
0x42: {  	_ =	shalt  }
0x43: {  	_ =	shalt  }
0x44: {  	_ =	shalt  }
0x45: {  	_ =	shalt  }
0x46: {  	_ =	shalt  }
0x47: {  	_ =	shalt  }
0x48: {  	_ =	shalt  }
0x49: {  	_ =	shalt  }
0x4a: {  	_ =	shalt  }
0x4b: {  	_ =	shalt  }
0x4c: {  	_ =	shalt  }
0x4d: {  	_ =	shalt  }
0x4e: {  	_ =	shalt  }
0x4f: {  	_ =	shalt  }
0x50: {  	_ =	shalt  }
0x51: {  	_ =	shalt  }
0x52: {  	_ =	shalt  }
0x53: {  	_ =	shalt  }
0x54: {  	_ =	shalt  }
0x55: {  	_ =	shalt  }
0x56: {  	_ =	shalt  }
0x57: {  	_ =	shalt  }
0x58: {  	_ =	shalt  }
0x59: {  	_ =	shalt  }
0x5a: {  	_ =	shalt  }
0x5b: {  	_ =	shalt  }
0x5c: {  	_ =	shalt  }
0x5d: {  	_ =	shalt  }
0x5e: {  	_ =	shalt  }
0x5f: {  	_ =	shalt  }
0x60: {  	_ =	shalt  }
0x61: {  	_ =	shalt  }
0x62: {  	_ =	shalt  }
0x63: {  	_ =	shalt  }
0x64: {  	_ =	shalt  }
0x65: {  	_ =	shalt  }
0x66: {  	_ =	shalt  }
0x67: {  	_ =	shalt  }
0x68: {  	_ =	shalt  }
0x69: {  	_ =	shalt  }
0x6a: {  	_ =	shalt  }
0x6b: {  	_ =	shalt  }
0x6c: {  	_ =	shalt  }
0x6d: {  	_ =	shalt  }
0x6e: {  	_ =	shalt  }
0x6f: {  	_ =	shalt  }
0x70: {  	_ =	shalt  }
0x71: {  	_ =	shalt  }
0x72: {  	_ =	shalt  }
0x73: {  	_ =	shalt  }
0x74: {  	_ =	shalt  }
0x75: {  	_ =	shalt  }
0x76: {  	_ =	shalt  }
0x77: {  	_ =	shalt  }
0x78: {  	_ =	shalt  }
0x79: {  	_ =	shalt  }
0x7a: {  	_ =	shalt  }
0x7b: {  	_ =	shalt  }
0x7c: {  	_ =	shalt  }
0x7d: {  	_ =	shalt  }
0x7e: {  	_ =	shalt  }
0x7f: {  	_ =	shalt  }
0x80: {  	_ =	shalt  }
0x81: {  	_ =	shalt  }
0x82: {  	_ =	shalt  }
0x83: {  	_ =	shalt  }
0x84: {  	_ =	shalt  }
0x85: {  	_ =	shalt  }
0x86: {  	_ =	shalt  }
0x87: {  	_ =	shalt  }
.Lfunc_end0:
.L_simem_size_0:
called_computation_lowered:
.L_overlay_start_0:
0x88: {  	s2 =	sld [smem:$0x3FD9]  }
0x89: {  	s3 =	sld [smem:$0x3FFE];
	_ =	sdelay $0x1  }
0x8a: {  	s1 =	srdreg.scid  }
0x8b: {  	s0 =	sand.u32 $0x1, s1  }
0x8c: {  	s16 =	sshll.u32 s0, $0xA;
	s2 =	sadd.s32 s3, s2  }
0x8d: {  	s2 =	sadd.s32 s2, s16  }
0x8e: {  	[smem:$0x3FC0] =	sst s2  }
0x8f: {  	_ = 	snop  }
0x90: {  	(tm) =	ssettm $0x1  }
0x91: {  	s17 =	sld [smem:$0x3FFB];
	_ =	sdelay $0x3  }
0x92: {  	_ =	strace s17  }
0x93: {  	s2 =	sld [smem:$0x3FFC];
	_ =	sdelay $0x3  }
0x94: {  	_ =	strace s2  }
0x95: {  	s2 =	sld [smem:$0x3FFD];
	_ =	sdelay $0x3  }
0x96: {  	_ =	strace s2  }
0x97: {  	_ =	strace $0x8FFFFFFF  }
0x98: {  	s18 =	sld [smem:$0x3FDB];
	_ =	sdelay $0x1  }
0x99: {  	s19 =	simm.s32 $_scs_section_size  }
0x9a: {  	s4 =	simm.s32 $_size__tile_overlayer_lowered;
	s5 =	simm.s32 $_tile_overlayer_lowered  }
0x9b: {  	s22 =	simm.s32 $0x1BFF;
	s21 =	sshll.u32 s5, $0x1;
	s2 =	sadd.s32 s19, s18  }
0x9c: {  	s6 =	simm.s32 $0x0;
	s20 =	sshll.u32 s4, $0x1;
	s4 =	sadd.s32 s21, s2  }
0x9d: {  	[timem:s6], [sflag:s22] =	dma.local [hbm:s4], s20  }
0x9e: {  	_ =	swait.ge [sflag:s22], s20  }
0x9f: {  	s3 =	ssub.s32 $0x0, s20;
	[sflag:s22] =	ssyncset.done $0x0  }
0xa0: {  	[sflag:s22] =	ssyncadd.s32 s3;
	_ =	sdelay $0x1  }
0xa1: {  	s23 =	simm.s32 $0x1B8B  }
0xa2: {  	_ =	swait.ge [sflag:s23], $0x1  }
0xa3: {  	[sflag:s23] =	ssyncset.done $0x0  }
0xa4: {  	s25 =	simm.s32 $0x1B8E;
	s24 =	sld [smem:$0x3FFE];
	[sflag:s23] =	ssyncadd.s32 $0xFFFFFFFF  }
0xa5: {  	s26 =	simm.s32 $execute0_lowered;
	[smem:$0x3FD2] =	sst s25  }
0xa6: {  	s4 =	sshll.u32 s26, $0x1;
	_ =	strace $0x80000046;
	[dreg:$0x1] =	wrdreg $0xFFFFFFFF  }
0xa7: {  	s28 =	simm.s32 $_size_execute0_lowered;
	s2 =	sadd.s32 s2, s4;
	[dreg:$0x0] =	wrdreg $0x0  }
0xa8: {  	s4 =	sshll.u32 s28, $0x1;
	[dreg:$0x2] =	wrdreg s2  }
0xa9: {  	[dreg:$0x3] =	wrdreg s4  }
0xaa: {  	[dreg:$0x4] =	wrdreg $0xC0  }
0xab: {  	_ =	task [dreg:s6], $0x5FFFF  }
0xac: {  	[dreg:$0x1] =	wrdreg $0xFFFFFFFF  }
0xad: {  	[dreg:$0x0] =	wrdreg $0x60  }
0xae: {  	[dreg:$0x2] =	wrdreg s24  }
0xaf: {  	[dreg:$0x3] =	wrdreg $0x14000  }
0xb0: {  	[dreg:$0x4] =	wrdreg $0x9  }
0xb1: {  	_ =	task.clear_ibuf [dreg:s6], $0x5FFFF;
	_ =	strace $0x90000046  }
0xb2: {  	s29 =	simm.s32 $0x9;
	_ =	strace $0x80000048  }
0xb3: {  	_ =	swait.ge [sflag:s29], $0x1  }
0xb4: {  	[sflag:s29] =	ssyncadd.s32 $0xFFFFFFFF  }
0xb5: {  	_ =	strace $0x90000048  }
0xb6: {  	_ =	sfence  }
0xb7: {  	s30 =	sld [smem:$0x0];
	_ =	sdelay $0x2  }
0xb8: {  	s31 =	sshll.u32 s1, $0xD;
	s1 =	sshrl.u32 s1, $0x2  }
0xb9: {  	s3 =	sand.u32 $0x4000, s31;
	s1 =	sadd.s32 s1, s30  }
0xba: {  	s0 =	sor.u32 s3, s0;
	s1 =	sshll.u32 s1, $0x11  }
0xbb: {  	s0 =	sor.u32 s1, s0  }
0xbc: {  	s0 =	sadd.s32 $0x8F2B, s0  }
0xbd: {  	[sflag:s0] =	ssyncadd.remote.s32 $0x1  }
0xbe: {  	_ =	sfence.sel $0xFFFF  }
0xbf: {  	[dreg:$0x0] =	wrdreg $0xFFFFFFFF;
	(pc) =	sbr.abs _section_cstart, $3  }
0xc0: {  	[dreg:$0x1] =	wrdreg $0xFFFFFFFF  }
0xc1: {  	_ =	task.clear_ibuf [dreg:s6], $0x2FFFF;
	_ =	strace $0x9FFFFFFF  }
0xc2: {  	(tm) =	ssettm $0x7FFFFFFF  }
0xc3: {  	_ =	shalt  }
tec
execute0_lowered:
.L_overlay_start_1:
0x0: {  	(tag) =	ssettag $0x1  }
0x1: {  	s0 =	srdreg.scid  }
0x2: {  	s10 =	stileid.u32;
	s11 =	rddreg [dreg:$0x0]  }
0x3: {  	s2 =	rddreg [dreg:$0x1];
	s3 =	simm.s32 $0x0;
	s14 =	simm.s32 $0x5  }
0x4: {  	s15 =	simm.s32 $0xB400;
	s16 =	simm.s32 $0x40;
	s17 =	simm.s32 $0x15400  }
0x5: {  	s18 =	simm.s32 $0x17400;
	s19 =	simm.s32 $0x1;
	s20 =	simm.s32 $0x19400  }
0x6: {  	s21 =	simm.s32 $0x2;
	s22 =	simm.s32 $0x4;
	s23 =	simm.s32 $0x19600  }
0x7: {  	s24 =	simm.s32 $0x3;
	s25 =	simm.s32 $0x0;
	s0 =	sand.u32 $0x1, s0  }
0x8: {  	s1 =	sshll.u32 s10, $0x1;
	[smem:$0x7FF] =	sst s3;
	s6 =	smul.u32 $0x2800, s10  }
0x9: {  	s7 =	smul.u32 $0x50000, s10;
	s31 =	sshll.u32 s10, $0x6;
	s1 =	sor.u32 s0, s1  }
0xa: {  	_ =	strace $0x80000047;
	s0 =	ssub.s32 $0x2, s0;
	s4 =	smul.u32 $0x280, s1  }
0xb: {  	s5 =	smul.u32 $0x1400, s1;
	s29 =	sadd.s32 s6, s11;
	s30 =	sshrl.u32 s0, $0x1  }
0xc: {  	s7 =	sshrl.u32 s7, $0x2;
	s6 =	sor.u32 $0x1C05, s31;
	s10 =	smul.u32 $0xA000, s1  }
0xd: {  	s0 =	ssub.s32 s0, s30;
	s13 =	sadd.s32 s7, s2;
	s7 =	smul.u32 $0x28, s1  }
0xe: {  	s8 =	sadd.s32 s4, s11;
	s9 =	sadd.s32 s5, s11;
	s4 =	sadd.s32 $0x7D200, s11  }
0xf: {  	s5 =	sadd.s32 $0x2E000, s29;
	s11 =	sadd.s32 $0x7D240, s11;
	s12 =	smax.u32 s0, $0x1  }
0x10: {  	s13 =	sshrl.u32 s13, $0x3;
	s8 =	sadd.s32 $0x1000, s8;
	s9 =	sadd.s32 $0x6000, s9  }
.LBB2_1:
0x11: {  	[spmem:s13], [sflag:s6] =	dma.local [hbm:s5], $0x2800  }
0x12: {  	_ =	swait.ge [sflag:s14], $0x2800  }
0x13: {  	[sflag:s14] =	ssyncset.done $0x0  }
0x14: {  	[sflag:s14] =	ssyncadd.s32 $0xFFFFD800  }
0x15: {  	[tilespmem:s3], [sflag:$0x5] =	stream.linear.gather [hbm4b:s8+s3], $0x1400, $0x38;
	[tilespmem:$0x19800] =	vst v63  }
0x16: {  	_ =	swait.ge [sflag:s14], $0x1400  }
0x17: {  	[sflag:s14] =	ssyncset.done $0x0  }
0x18: {  	[sflag:s14] =	ssyncadd.s32 $0xFFFFEC00  }
0x19: {  	[tilespmem:s15], [sflag:$0x5] =	stream.linear.gather [hbm4b:s9+s3], $0xA000, $0x38;
	[tilespmem:$0x19800] =	vst v63  }
0x1a: {  	_ =	swait.ge [sflag:s14], $0xA000  }
0x1b: {  	[sflag:s14] =	ssyncset.done $0x0  }
0x1c: {  	s26 =	simm.s32 $0xB430;
	[sflag:s14] =	ssyncadd.s32 $0xFFFF6000  }
0x1d: {  	s28 =	simm.s32 $0xB630;
	s29 =	simm.s32 $0x0;
	[bflag:$0x0] =	sbarrier.arrive $0xFFFF  }
0x1e: {  	[tilespmem:s17], [sflag:$0x1] =	stream.indirect.gather [spmem:s2], $0x40, s3, s16, $0xb8;
	[tilespmem:$0x19800] =	vst v63  }
.LBB2_2:
0x1f: {  	s30 =	sshll.u32 s29, $0x7  }
0x20: {  	s0 =	sor.u32 $0x40, s30  }
0x21: {  	s0 =	sand.u32 $0x3FFFFFC0, s0  }
0x22: {  	[tilespmem:s18], [sflag:$0x2] =	stream.indirect.gather [spmem:s2], $0x40, s0, s16, $0xb8;
	[tilespmem:$0x19800] =	vst v63  }
0x23: {  	_ =	swait.ge [sflag:s19], $0x1000  }
0x24: {  	p0 =	seq.s32 s29, $0x0;
	[sflag:s19] =	ssyncset.done $0x0  }
0x25: {  	s0 =	simm.s32 @!p0 $0x3;
	[sflag:s19] =	ssyncadd.s32 $0xFFFFF000  }
0x26: {  	_ =	swait.ge @!p0 [sflag:s0], $0x200  }
0x27: {  	[sflag:s0] =	ssyncset.done @!p0 $0x0  }
0x28: {  	s31 =	simm.s32 $0x0;
	s1 =	simm.s32 $0x15800;
	v0 =	vmov s26;
	[sflag:s0] =	ssyncadd.s32 @!p0 $0xFFFFFE00  }
.LBB2_3:
0x29: {  	v2 =	vld [tilespmem:s1+$0xFFFFFC00]  }
0x2a: {  	v3 =	vld [tilespmem:s1+$0xFFFFFC80]  }
0x2b: {  	v5 =	vld [tilespmem:s1+$0xFFFFFD00]  }
0x2c: {  	v7 =	vld [tilespmem:s1+$0xFFFFFD80]  }
0x2d: {  	v12 =	vld [tilespmem:s1+$0xFFFFFE00]  }
0x2e: {  	s0 =	sshra.s32 s31, $0x2;
	v13 =	vld [tilespmem:s1+$0xFFFFFE80]  }
0x2f: {  	v1 =	vld.idx.msk [tilespmem:v0+s0+$0xFFFFFFD0 ss:$0x1], $0xffff  }
0x30: {  	v20 =	vld [tilespmem:s1+$0xFFFFFF80];
	_ =	sdelay $0x1  }
0x31: {  	v29 =	vld [tilespmem:s1+$0x80];
	v4 =	vshll.u32 v2, $0x10;
	v6 =	vshll.u32 v3, $0x10;
	v9 =	vshll.u32 v5, $0x10  }
0x32: {  	v25 =	vld [tilespmem:s1+$0x0];
	v11 =	vshll.u32 v7, $0x10;
	v2 =	vand.u32 $0xFFFF0000, v2;
	v14 =	vshll.u32 v12, $0x10  }
0x33: {  	v3 =	vand.u32 $0xFFFF0000, v3;
	v18 =	vshll.u32 v13, $0x10;
	v4 =	vmul.f32 v4, v1  }
0x34: {  	v28 =	vshll.u32 v20, $0x10;
	v6 =	vmul.f32 v6, v1;
	v9 =	vmul.f32 v9, v1  }
0x35: {  	v44 =	vld [tilespmem:s1+$0x180];
	v31 =	vand.u32 $0xFFFF0000, v13;
	v11 =	vmul.f32 v11, v1;
	v4 =	vadd.f32 $1.000000000e+00, v4  }
0x36: {  	v34 =	vshll.u32 v29, $0x10;
	v6 =	vadd.f32 $1.000000000e+00, v6;
	v9 =	vadd.f32 $1.000000000e+00, v9  }
0x37: {  	v47 =	vand.u32 $0xFFFF0000, v25;
	v11 =	vadd.f32 $1.000000000e+00, v11;
	v8 =	vsub.s32 $0x7EF127EA, v4  }
0x38: {  	v10 =	vsub.s32 $0x7EF127EA, v6;
	v60 =	vsub.s32 $0x7EF127EA, v9;
	v4 =	vmul.f32 v8, v4  }
0x39: {  	v46 =	vld [tilespmem:s1+$0x200];
	v63 =	vsub.s32 $0x7EF127EA, v11;
	v6 =	vmul.f32 v10, v6;
	v9 =	vmul.f32 v60, v9  }
0x3a: {  	v50 =	vshll.u32 v44, $0x10;
	v11 =	vmul.f32 v63, v11;
	v4 =	vsub.f32 $2.000000000e+00, v4  }
0x3b: {  	v52 =	vld [tilespmem:s1+$0x280];
	v19 =	vmul.f32 v18, v1;
	v6 =	vsub.f32 $2.000000000e+00, v6;
	v62 =	vsub.f32 $2.000000000e+00, v9  }
0x3c: {  	v16 =	vsub.f32 $2.000000000e+00, v11;
	v11 =	vmul.f32 v28, v1;
	v4 =	vmul.f32 v8, v4  }
0x3d: {  	v51 =	vand.u32 $0xFFFF0000, v29;
	v61 =	vmul.f32 v10, v6;
	v10 =	vmul.f32 v14, v1;
	v14 =	vld [tilespmem:s1+$0xFFFFFF00]  }
0x3e: {  	v53 =	vshll.u32 v46, $0x10;
	v35 =	vmul.f32 v34, v1;
	v15 =	vmul.f32 v60, v62  }
0x3f: {  	v11 =	vadd.f32 $1.000000000e+00, v11;
	v2 =	vmul.f32 v2, v4;
	v17 =	vadd.f32 $1.000000000e+00, v10  }
0x40: {  	v59 =	vshll.u32 v52, $0x10;
	v21 =	vmul.f32 v63, v16;
	v3 =	vmul.f32 v3, v61  }
0x41: {  	v33 =	vsub.s32 $0x7EF127EA, v11;
	v2 =	vadd.f32 $0.0e+00, v2;
	v22 =	vsub.s32 $0x7EF127EA, v17  }
0x42: {  	v11 =	vmul.f32 v33, v11;
	v8 =	vmul.f32 v22, v17;
	v23 =	vshll.u32 v14, $0x10  }
0x43: {  	v2 =	vadd.f32 v3, v2;
	v3 =	vand.u32 $0xFFFF0000, v5;
	v5 =	vadd.f32 $1.000000000e+00, v19  }
0x44: {  	v24 =	vmul.f32 v23, v1;
	v3 =	vmul.f32 v3, v15;
	v15 =	vshll.u32 v25, $0x10  }
0x45: {  	v37 =	vsub.f32 $2.000000000e+00, v11;
	v27 =	vsub.s32 $0x7EF127EA, v5;
	v32 =	vmul.f32 v15, v1  }
0x46: {  	v2 =	vadd.f32 v3, v2;
	v3 =	vand.u32 $0xFFFF0000, v7;
	v7 =	vadd.f32 $1.000000000e+00, v24  }
0x47: {  	v16 =	vld [tilespmem:s1+$0x100];
	v39 =	vand.u32 $0xFFFF0000, v14;
	v26 =	vsub.f32 $2.000000000e+00, v8;
	v5 =	vmul.f32 v27, v5  }
0x48: {  	v3 =	vmul.f32 v3, v21;
	v13 =	vadd.f32 $1.000000000e+00, v32;
	v30 =	vsub.s32 $0x7EF127EA, v7  }
0x49: {  	v4 =	vmul.f32 v22, v26;
	v5 =	vsub.f32 $2.000000000e+00, v5;
	v7 =	vmul.f32 v30, v7  }
0x4a: {  	v2 =	vadd.f32 v3, v2;
	v3 =	vand.u32 $0xFFFF0000, v12;
	v38 =	vsub.s32 $0x7EF127EA, v13  }
0x4b: {  	v3 =	vmul.f32 v3, v4;
	v5 =	vmul.f32 v27, v5;
	v7 =	vsub.f32 $2.000000000e+00, v7  }
0x4c: {  	v43 =	vshll.u32 v16, $0x10;
	v13 =	vmul.f32 v38, v13;
	v4 =	vadd.f32 $1.000000000e+00, v35  }
0x4d: {  	v57 =	vld [tilespmem:s1+$0x380];
	v2 =	vadd.f32 v3, v2;
	v3 =	vmul.f32 v31, v5;
	v36 =	vmul.f32 v30, v7  }
0x4e: {  	v40 =	vmul.f32 v33, v37;
	v41 =	vsub.f32 $2.000000000e+00, v13;
	v42 =	vsub.s32 $0x7EF127EA, v4  }
0x4f: {  	v55 =	vld [tilespmem:s1+$0x300];
	v4 =	vmul.f32 v42, v4;
	v2 =	vadd.f32 v3, v2;
	v3 =	vmul.f32 v39, v36  }
0x50: {  	v10 =	vand.u32 $0xFFFF0000, v20;
	v11 =	vmul.f32 v43, v1;
	v45 =	vmul.f32 v38, v41  }
0x51: {  	v4 =	vsub.f32 $2.000000000e+00, v4;
	v2 =	vadd.f32 v3, v2;
	v3 =	vmul.f32 v10, v40  }
0x52: {  	v62 =	vshll.u32 v57, $0x10;
	v48 =	vadd.f32 $1.000000000e+00, v11;
	v7 =	vmul.f32 v50, v1  }
0x53: {  	v4 =	vmul.f32 v42, v4;
	v2 =	vadd.f32 v3, v2;
	v3 =	vmul.f32 v47, v45  }
0x54: {  	v61 =	vshll.u32 v55, $0x10;
	v49 =	vsub.s32 $0x7EF127EA, v48;
	v7 =	vadd.f32 $1.000000000e+00, v7  }
0x55: {  	v2 =	vadd.f32 v3, v2;
	v3 =	vmul.f32 v51, v4;
	v4 =	vmul.f32 v53, v1  }
0x56: {  	v14 =	vmul.f32 v61, v1;
	v9 =	vmul.f32 v49, v48;
	v56 =	vsub.s32 $0x7EF127EA, v7  }
0x57: {  	v12 =	vmul.f32 v59, v1;
	v7 =	vmul.f32 v56, v7;
	v4 =	vadd.f32 $1.000000000e+00, v4  }
0x58: {  	v58 =	vand.u32 $0xFFFF0000, v16;
	v14 =	vadd.f32 $1.000000000e+00, v14;
	v54 =	vsub.f32 $2.000000000e+00, v9  }
0x59: {  	v12 =	vadd.f32 $1.000000000e+00, v12;
	v7 =	vsub.f32 $2.000000000e+00, v7;
	v60 =	vsub.s32 $0x7EF127EA, v4  }
0x5a: {  	v2 =	vadd.f32 v3, v2;
	v3 =	vmul.f32 v49, v54;
	v4 =	vmul.f32 v60, v4  }
0x5b: {  	v18 =	vsub.s32 $0x7EF127EA, v14;
	v63 =	vsub.s32 $0x7EF127EA, v12;
	v1 =	vmul.f32 v62, v1  }
0x5c: {  	v5 =	vmul.f32 v56, v7;
	v3 =	vmul.f32 v58, v3;
	v4 =	vsub.f32 $2.000000000e+00, v4  }
0x5d: {  	v13 =	vand.u32 $0xFFFF0000, v44;
	v17 =	vmul.f32 v63, v12;
	v1 =	vadd.f32 $1.000000000e+00, v1  }
0x5e: {  	v2 =	vadd.f32 v3, v2;
	v3 =	vmul.f32 v13, v5;
	v4 =	vmul.f32 v60, v4  }
0x5f: {  	v6 =	vand.u32 $0xFFFF0000, v46;
	v19 =	vmul.f32 v18, v14;
	v5 =	vsub.f32 $2.000000000e+00, v17  }
0x60: {  	v20 =	vsub.s32 $0x7EF127EA, v1;
	v2 =	vadd.f32 v3, v2;
	v3 =	vmul.f32 v6, v4  }
0x61: {  	v21 =	vsub.f32 $2.000000000e+00, v19;
	v1 =	vmul.f32 v20, v1;
	v5 =	vmul.f32 v63, v5  }
0x62: {  	v2 =	vadd.f32 v3, v2;
	v3 =	vand.u32 $0xFFFF0000, v52  }
0x63: {  	v22 =	vmul.f32 v18, v21;
	v1 =	vsub.f32 $2.000000000e+00, v1;
	v3 =	vmul.f32 v3, v5  }
0x64: {  	v23 =	vand.u32 $0xFFFF0000, v55  }
0x65: {  	v1 =	vmul.f32 v20, v1;
	v2 =	vadd.f32 v3, v2;
	v3 =	vmul.f32 v23, v22  }
0x66: {  	v24 =	vand.u32 $0xFFFF0000, v57  }
0x67: {  	v1 =	vmul.f32 v24, v1;
	v2 =	vadd.f32 v3, v2;
	_ =	sdelay $0x1  }
0x68: {  	v1 =	vadd.f32 v1, v2;
	_ =	sdelay $0x1  }
0x69: {  	[tilespmem:s0+$0x19400] =	vst v1  }
0x6a: {  	v2 =	vld [tilespmem:s1+$0xFFFFFC10]  }
0x6b: {  	v1 =	vld.idx.msk [tilespmem:v0+s0+$0xFFFFFFE0 ss:$0x1], $0xffff  }
0x6c: {  	v3 =	vld [tilespmem:s1+$0xFFFFFC90]  }
0x6d: {  	v26 =	vld [tilespmem:s1+$0xFFFFFD10]  }
0x6e: {  	v28 =	vld [tilespmem:s1+$0xFFFFFD90]  }
0x6f: {  	v33 =	vld [tilespmem:s1+$0xFFFFFE10]  }
0x70: {  	v35 =	vld [tilespmem:s1+$0xFFFFFE90]  }
0x71: {  	v40 =	vld [tilespmem:s1+$0xFFFFFF10]  }
0x72: {  	v46 =	vld [tilespmem:s1+$0xFFFFFF90]  }
0x73: {  	v51 =	vld [tilespmem:s1+$0x10]  }
0x74: {  	v55 =	vld [tilespmem:s1+$0x90]  }
0x75: {  	v25 =	vshll.u32 v2, $0x10;
	v27 =	vshll.u32 v3, $0x10;
	v30 =	vshll.u32 v26, $0x10  }
0x76: {  	v32 =	vshll.u32 v28, $0x10;
	v2 =	vand.u32 $0xFFFF0000, v2;
	v39 =	vshll.u32 v33, $0x10  }
0x77: {  	v62 =	vld [tilespmem:s1+$0x110];
	v3 =	vand.u32 $0xFFFF0000, v3;
	v44 =	vshll.u32 v35, $0x10;
	v49 =	vshll.u32 v40, $0x10  }
0x78: {  	v54 =	vshll.u32 v46, $0x10;
	v57 =	vshll.u32 v51, $0x10;
	v58 =	vand.u32 $0xFFFF0000, v35  }
0x79: {  	v61 =	vshll.u32 v55, $0x10;
	v4 =	vmul.f32 v25, v1;
	v6 =	vmul.f32 v27, v1  }
0x7a: {  	v20 =	vand.u32 $0xFFFF0000, v40;
	v9 =	vmul.f32 v30, v1;
	v11 =	vmul.f32 v32, v1  }
0x7b: {  	v10 =	vmul.f32 v39, v1;
	v45 =	vmul.f32 v44, v1;
	v4 =	vadd.f32 $1.000000000e+00, v4  }
0x7c: {  	v24 =	vshll.u32 v62, $0x10;
	v50 =	vmul.f32 v49, v1;
	v59 =	vmul.f32 v57, v1  }
0x7d: {  	v63 =	vmul.f32 v61, v1;
	v6 =	vadd.f32 $1.000000000e+00, v6;
	v29 =	vsub.s32 $0x7EF127EA, v4  }
0x7e: {  	v32 =	vand.u32 $0xFFFF0000, v55;
	v9 =	vadd.f32 $1.000000000e+00, v9;
	v4 =	vmul.f32 v29, v4  }
0x7f: {  	v11 =	vadd.f32 $1.000000000e+00, v11;
	v43 =	vadd.f32 $1.000000000e+00, v10;
	v31 =	vsub.s32 $0x7EF127EA, v6  }
0x80: {  	v5 =	vadd.f32 $1.000000000e+00, v45;
	v6 =	vmul.f32 v31, v6;
	v4 =	vsub.f32 $2.000000000e+00, v4  }
0x81: {  	v39 =	vand.u32 $0xFFFF0000, v62;
	v7 =	vadd.f32 $1.000000000e+00, v50;
	v13 =	vadd.f32 $1.000000000e+00, v59  }
0x82: {  	v34 =	vsub.s32 $0x7EF127EA, v9;
	v6 =	vsub.f32 $2.000000000e+00, v6;
	v4 =	vmul.f32 v29, v4  }
0x83: {  	v10 =	vand.u32 $0xFFFF0000, v46;
	v38 =	vsub.s32 $0x7EF127EA, v11;
	v9 =	vmul.f32 v34, v9  }
0x84: {  	v48 =	vsub.s32 $0x7EF127EA, v43;
	v36 =	vmul.f32 v31, v6;
	v2 =	vmul.f32 v2, v4  }
0x85: {  	v53 =	vsub.s32 $0x7EF127EA, v5;
	v11 =	vmul.f32 v38, v11;
	v37 =	vsub.f32 $2.000000000e+00, v9  }
0x86: {  	v8 =	vmul.f32 v48, v43;
	v3 =	vmul.f32 v3, v36;
	v2 =	vadd.f32 $0.0e+00, v2  }
0x87: {  	v56 =	vsub.s32 $0x7EF127EA, v7;
	v5 =	vmul.f32 v53, v5;
	v41 =	vmul.f32 v34, v37  }
0x88: {  	v42 =	vsub.f32 $2.000000000e+00, v11;
	v2 =	vadd.f32 v3, v2;
	v3 =	vand.u32 $0xFFFF0000, v26  }
0x89: {  	v19 =	vsub.s32 $0x7EF127EA, v13;
	v11 =	vmul.f32 v54, v1;
	v3 =	vmul.f32 v3, v41  }
0x8a: {  	v7 =	vmul.f32 v56, v7;
	v52 =	vsub.f32 $2.000000000e+00, v8;
	v47 =	vmul.f32 v38, v42  }
0x8b: {  	v11 =	vadd.f32 $1.000000000e+00, v11;
	v2 =	vadd.f32 v3, v2;
	v3 =	vand.u32 $0xFFFF0000, v28  }
0x8c: {  	v25 =	vld [tilespmem:s1+$0x190];
	v13 =	vmul.f32 v19, v13;
	v5 =	vsub.f32 $2.000000000e+00, v5;
	v3 =	vmul.f32 v3, v47  }
0x8d: {  	v7 =	vsub.f32 $2.000000000e+00, v7;
	v4 =	vmul.f32 v48, v52;
	v60 =	vsub.s32 $0x7EF127EA, v11  }
0x8e: {  	v11 =	vmul.f32 v60, v11;
	v2 =	vadd.f32 v3, v2;
	v3 =	vand.u32 $0xFFFF0000, v33  }
0x8f: {  	v22 =	vsub.f32 $2.000000000e+00, v13;
	v5 =	vmul.f32 v53, v5;
	v3 =	vmul.f32 v3, v4  }
0x90: {  	v17 =	vmul.f32 v56, v7;
	v18 =	vsub.f32 $2.000000000e+00, v11;
	v4 =	vadd.f32 $1.000000000e+00, v63  }
0x91: {  	v31 =	vshll.u32 v25, $0x10;
	v2 =	vadd.f32 v3, v2;
	v3 =	vmul.f32 v58, v5  }
0x92: {  	v7 =	vmul.f32 v31, v1;
	v21 =	vmul.f32 v60, v18;
	v23 =	vsub.s32 $0x7EF127EA, v4  }
0x93: {  	v27 =	vld [tilespmem:s1+$0x210];
	v4 =	vmul.f32 v23, v4;
	v2 =	vadd.f32 v3, v2;
	v3 =	vmul.f32 v20, v17  }
0x94: {  	v13 =	vand.u32 $0xFFFF0000, v25;
	v11 =	vmul.f32 v24, v1;
	v26 =	vmul.f32 v19, v22  }
0x95: {  	v33 =	vld [tilespmem:s1+$0x290];
	v4 =	vsub.f32 $2.000000000e+00, v4;
	v2 =	vadd.f32 v3, v2;
	v3 =	vmul.f32 v10, v21  }
0x96: {  	v38 =	vld [tilespmem:s1+$0x390];
	v7 =	vadd.f32 $1.000000000e+00, v7;
	v29 =	vadd.f32 $1.000000000e+00, v11;
	v28 =	vand.u32 $0xFFFF0000, v51  }
0x97: {  	v36 =	vld [tilespmem:s1+$0x310];
	v4 =	vmul.f32 v23, v4;
	v2 =	vadd.f32 v3, v2;
	v3 =	vmul.f32 v28, v26  }
0x98: {  	v34 =	vshll.u32 v27, $0x10;
	v37 =	vsub.s32 $0x7EF127EA, v7;
	v30 =	vsub.s32 $0x7EF127EA, v29  }
0x99: {  	v2 =	vadd.f32 v3, v2;
	v3 =	vmul.f32 v32, v4;
	v4 =	vmul.f32 v34, v1  }
0x9a: {  	v7 =	vmul.f32 v37, v7;
	v9 =	vmul.f32 v30, v29;
	v40 =	vshll.u32 v33, $0x10  }
0x9b: {  	v43 =	vshll.u32 v38, $0x10;
	v12 =	vmul.f32 v40, v1;
	v4 =	vadd.f32 $1.000000000e+00, v4  }
0x9c: {  	v42 =	vshll.u32 v36, $0x10;
	v7 =	vsub.f32 $2.000000000e+00, v7;
	v35 =	vsub.f32 $2.000000000e+00, v9  }
0x9d: {  	v14 =	vmul.f32 v42, v1;
	v12 =	vadd.f32 $1.000000000e+00, v12;
	v41 =	vsub.s32 $0x7EF127EA, v4  }
0x9e: {  	v2 =	vadd.f32 v3, v2;
	v3 =	vmul.f32 v30, v35;
	v4 =	vmul.f32 v41, v4  }
0x9f: {  	v14 =	vadd.f32 $1.000000000e+00, v14;
	v5 =	vmul.f32 v37, v7;
	v1 =	vmul.f32 v43, v1  }
0xa0: {  	v44 =	vsub.s32 $0x7EF127EA, v12;
	v3 =	vmul.f32 v39, v3;
	v4 =	vsub.f32 $2.000000000e+00, v4  }
0xa1: {  	v46 =	vsub.s32 $0x7EF127EA, v14;
	v45 =	vmul.f32 v44, v12;
	v1 =	vadd.f32 $1.000000000e+00, v1  }
0xa2: {  	v2 =	vadd.f32 v3, v2;
	v3 =	vmul.f32 v13, v5;
	v4 =	vmul.f32 v41, v4  }
0xa3: {  	v6 =	vand.u32 $0xFFFF0000, v27;
	v47 =	vmul.f32 v46, v14;
	v5 =	vsub.f32 $2.000000000e+00, v45  }
0xa4: {  	v48 =	vsub.s32 $0x7EF127EA, v1;
	v2 =	vadd.f32 v3, v2;
	v3 =	vmul.f32 v6, v4  }
0xa5: {  	v49 =	vsub.f32 $2.000000000e+00, v47;
	v1 =	vmul.f32 v48, v1;
	v5 =	vmul.f32 v44, v5  }
0xa6: {  	v2 =	vadd.f32 v3, v2;
	v3 =	vand.u32 $0xFFFF0000, v33  }
0xa7: {  	v50 =	vmul.f32 v46, v49;
	v1 =	vsub.f32 $2.000000000e+00, v1;
	v3 =	vmul.f32 v3, v5  }
0xa8: {  	v51 =	vand.u32 $0xFFFF0000, v36  }
0xa9: {  	v1 =	vmul.f32 v48, v1;
	v2 =	vadd.f32 v3, v2;
	v3 =	vmul.f32 v51, v50  }
0xaa: {  	v52 =	vand.u32 $0xFFFF0000, v38  }
0xab: {  	v1 =	vmul.f32 v52, v1;
	v2 =	vadd.f32 v3, v2;
	_ =	sdelay $0x1  }
0xac: {  	v1 =	vadd.f32 v1, v2;
	_ =	sdelay $0x1  }
0xad: {  	[tilespmem:s0+$0x19410] =	vst v1  }
0xae: {  	v2 =	vld [tilespmem:s1+$0xFFFFFC20]  }
0xaf: {  	v1 =	vld.idx.msk [tilespmem:v0+s0+$0xFFFFFFF0 ss:$0x1], $0xffff  }
0xb0: {  	v3 =	vld [tilespmem:s1+$0xFFFFFCA0]  }
0xb1: {  	v54 =	vld [tilespmem:s1+$0xFFFFFD20]  }
0xb2: {  	v56 =	vld [tilespmem:s1+$0xFFFFFDA0]  }
0xb3: {  	v61 =	vld [tilespmem:s1+$0xFFFFFE20]  }
0xb4: {  	v63 =	vld [tilespmem:s1+$0xFFFFFEA0]  }
0xb5: {  	v20 =	vld [tilespmem:s1+$0xFFFFFF20]  }
0xb6: {  	v26 =	vld [tilespmem:s1+$0xFFFFFFA0]  }
0xb7: {  	v31 =	vld [tilespmem:s1+$0x20]  }
0xb8: {  	v35 =	vld [tilespmem:s1+$0xA0]  }
0xb9: {  	v53 =	vshll.u32 v2, $0x10;
	v55 =	vshll.u32 v3, $0x10;
	v58 =	vshll.u32 v54, $0x10  }
0xba: {  	v60 =	vshll.u32 v56, $0x10;
	v2 =	vand.u32 $0xFFFF0000, v2;
	v19 =	vshll.u32 v61, $0x10  }
0xbb: {  	v42 =	vld [tilespmem:s1+$0x120];
	v3 =	vand.u32 $0xFFFF0000, v3;
	v24 =	vshll.u32 v63, $0x10;
	v29 =	vshll.u32 v20, $0x10  }
0xbc: {  	v34 =	vshll.u32 v26, $0x10;
	v37 =	vshll.u32 v31, $0x10;
	v38 =	vand.u32 $0xFFFF0000, v63  }
0xbd: {  	v52 =	vld [tilespmem:s1+$0x1A0];
	v41 =	vshll.u32 v35, $0x10;
	v4 =	vmul.f32 v53, v1;
	v6 =	vmul.f32 v55, v1  }
0xbe: {  	v47 =	vand.u32 $0xFFFF0000, v20;
	v9 =	vmul.f32 v58, v1;
	v11 =	vmul.f32 v60, v1  }
0xbf: {  	v10 =	vmul.f32 v19, v1;
	v25 =	vmul.f32 v24, v1;
	v4 =	vadd.f32 $1.000000000e+00, v4  }
0xc0: {  	v51 =	vshll.u32 v42, $0x10;
	v30 =	vmul.f32 v29, v1;
	v39 =	vmul.f32 v37, v1  }
0xc1: {  	v43 =	vmul.f32 v41, v1;
	v6 =	vadd.f32 $1.000000000e+00, v6;
	v57 =	vsub.s32 $0x7EF127EA, v4  }
0xc2: {  	v55 =	vand.u32 $0xFFFF0000, v31;
	v58 =	vshll.u32 v52, $0x10;
	v4 =	vmul.f32 v57, v4  }
0xc3: {  	v9 =	vadd.f32 $1.000000000e+00, v9;
	v11 =	vadd.f32 $1.000000000e+00, v11;
	v59 =	vsub.s32 $0x7EF127EA, v6  }
0xc4: {  	v23 =	vadd.f32 $1.000000000e+00, v10;
	v6 =	vmul.f32 v59, v6;
	v4 =	vsub.f32 $2.000000000e+00, v4  }
0xc5: {  	v19 =	vand.u32 $0xFFFF0000, v42;
	v5 =	vadd.f32 $1.000000000e+00, v25;
	v7 =	vadd.f32 $1.000000000e+00, v30  }
0xc6: {  	v62 =	vsub.s32 $0x7EF127EA, v9;
	v6 =	vsub.f32 $2.000000000e+00, v6;
	v4 =	vmul.f32 v57, v4  }
0xc7: {  	v13 =	vadd.f32 $1.000000000e+00, v39;
	v18 =	vsub.s32 $0x7EF127EA, v11;
	v9 =	vmul.f32 v62, v9  }
0xc8: {  	v28 =	vsub.s32 $0x7EF127EA, v23;
	v16 =	vmul.f32 v59, v6;
	v2 =	vmul.f32 v2, v4  }
0xc9: {  	v33 =	vsub.s32 $0x7EF127EA, v5;
	v11 =	vmul.f32 v18, v11;
	v17 =	vsub.f32 $2.000000000e+00, v9  }
0xca: {  	v8 =	vmul.f32 v28, v23;
	v3 =	vmul.f32 v3, v16;
	v2 =	vadd.f32 $0.0e+00, v2  }
0xcb: {  	v60 =	vld [tilespmem:s1+$0x2A0];
	v36 =	vsub.s32 $0x7EF127EA, v7;
	v5 =	vmul.f32 v33, v5;
	v21 =	vmul.f32 v62, v17  }
0xcc: {  	v22 =	vsub.f32 $2.000000000e+00, v11;
	v2 =	vadd.f32 v3, v2;
	v3 =	vand.u32 $0xFFFF0000, v54  }
0xcd: {  	v46 =	vsub.s32 $0x7EF127EA, v13;
	v11 =	vmul.f32 v34, v1;
	v3 =	vmul.f32 v3, v21  }
0xce: {  	v7 =	vmul.f32 v36, v7;
	v32 =	vsub.f32 $2.000000000e+00, v8;
	v27 =	vmul.f32 v18, v22  }
0xcf: {  	v11 =	vadd.f32 $1.000000000e+00, v11;
	v2 =	vadd.f32 v3, v2;
	v3 =	vand.u32 $0xFFFF0000, v56  }
0xd0: {  	v13 =	vmul.f32 v46, v13;
	v20 =	vshll.u32 v60, $0x10;
	v3 =	vmul.f32 v3, v27  }
0xd1: {  	v5 =	vsub.f32 $2.000000000e+00, v5;
	v4 =	vmul.f32 v28, v32;
	v40 =	vsub.s32 $0x7EF127EA, v11  }
0xd2: {  	v11 =	vmul.f32 v40, v11;
	v2 =	vadd.f32 v3, v2;
	v3 =	vand.u32 $0xFFFF0000, v61  }
0xd3: {  	v7 =	vsub.f32 $2.000000000e+00, v7;
	v5 =	vmul.f32 v33, v5;
	v3 =	vmul.f32 v3, v4  }
0xd4: {  	v12 =	vmul.f32 v20, v1;
	v45 =	vsub.f32 $2.000000000e+00, v11;
	v4 =	vadd.f32 $1.000000000e+00, v43  }
0xd5: {  	v44 =	vmul.f32 v36, v7;
	v2 =	vadd.f32 v3, v2;
	v3 =	vmul.f32 v38, v5  }
0xd6: {  	v49 =	vsub.f32 $2.000000000e+00, v13;
	v48 =	vmul.f32 v40, v45;
	v50 =	vsub.s32 $0x7EF127EA, v4  }
0xd7: {  	v54 =	vld [tilespmem:s1+$0x220];
	v4 =	vmul.f32 v50, v4;
	v2 =	vadd.f32 v3, v2;
	v3 =	vmul.f32 v47, v44  }
0xd8: {  	v10 =	vand.u32 $0xFFFF0000, v26;
	v53 =	vmul.f32 v46, v49;
	v11 =	vmul.f32 v51, v1  }
0xd9: {  	v4 =	vsub.f32 $2.000000000e+00, v4;
	v2 =	vadd.f32 v3, v2;
	v3 =	vmul.f32 v10, v48  }
0xda: {  	v63 =	vld [tilespmem:s1+$0x320];
	v59 =	vand.u32 $0xFFFF0000, v35;
	v7 =	vmul.f32 v58, v1;
	v56 =	vadd.f32 $1.000000000e+00, v11  }
0xdb: {  	v4 =	vmul.f32 v50, v4;
	v2 =	vadd.f32 v3, v2;
	v3 =	vmul.f32 v55, v53  }
0xdc: {  	v18 =	vld [tilespmem:s1+$0x3A0];
	v7 =	vadd.f32 $1.000000000e+00, v7;
	v57 =	vsub.s32 $0x7EF127EA, v56;
	v61 =	vshll.u32 v54, $0x10  }
0xdd: {  	v2 =	vadd.f32 v3, v2;
	v3 =	vmul.f32 v59, v4;
	v4 =	vmul.f32 v61, v1  }
0xde: {  	v13 =	vand.u32 $0xFFFF0000, v52;
	v17 =	vsub.s32 $0x7EF127EA, v7;
	v9 =	vmul.f32 v57, v56  }
0xdf: {  	v22 =	vshll.u32 v63, $0x10;
	v7 =	vmul.f32 v17, v7;
	v4 =	vadd.f32 $1.000000000e+00, v4  }
0xe0: {  	v12 =	vadd.f32 $1.000000000e+00, v12;
	v14 =	vmul.f32 v22, v1;
	v62 =	vsub.f32 $2.000000000e+00, v9  }
0xe1: {  	v23 =	vshll.u32 v18, $0x10;
	v7 =	vsub.f32 $2.000000000e+00, v7;
	v21 =	vsub.s32 $0x7EF127EA, v4  }
0xe2: {  	v2 =	vadd.f32 v3, v2;
	v3 =	vmul.f32 v57, v62;
	v4 =	vmul.f32 v21, v4  }
0xe3: {  	v24 =	vsub.s32 $0x7EF127EA, v12;
	v14 =	vadd.f32 $1.000000000e+00, v14;
	v1 =	vmul.f32 v23, v1  }
0xe4: {  	v5 =	vmul.f32 v17, v7;
	v3 =	vmul.f32 v19, v3;
	v4 =	vsub.f32 $2.000000000e+00, v4  }
0xe5: {  	v25 =	vmul.f32 v24, v12;
	v26 =	vsub.s32 $0x7EF127EA, v14;
	v1 =	vadd.f32 $1.000000000e+00, v1  }
0xe6: {  	v2 =	vadd.f32 v3, v2;
	v3 =	vmul.f32 v13, v5;
	v4 =	vmul.f32 v21, v4  }
0xe7: {  	v27 =	vmul.f32 v26, v14;
	v6 =	vand.u32 $0xFFFF0000, v54;
	v5 =	vsub.f32 $2.000000000e+00, v25  }
0xe8: {  	v28 =	vsub.s32 $0x7EF127EA, v1;
	v2 =	vadd.f32 v3, v2;
	v3 =	vmul.f32 v6, v4  }
0xe9: {  	v29 =	vsub.f32 $2.000000000e+00, v27;
	v1 =	vmul.f32 v28, v1;
	v5 =	vmul.f32 v24, v5  }
0xea: {  	v2 =	vadd.f32 v3, v2;
	v3 =	vand.u32 $0xFFFF0000, v60  }
0xeb: {  	v30 =	vmul.f32 v26, v29;
	v1 =	vsub.f32 $2.000000000e+00, v1;
	v3 =	vmul.f32 v3, v5  }
0xec: {  	v31 =	vand.u32 $0xFFFF0000, v63  }
0xed: {  	v1 =	vmul.f32 v28, v1;
	v2 =	vadd.f32 v3, v2;
	v3 =	vmul.f32 v31, v30  }
0xee: {  	v32 =	vand.u32 $0xFFFF0000, v18  }
0xef: {  	v1 =	vmul.f32 v32, v1;
	v2 =	vadd.f32 v3, v2;
	_ =	sdelay $0x1  }
0xf0: {  	v1 =	vadd.f32 v1, v2;
	_ =	sdelay $0x1  }
0xf1: {  	[tilespmem:s0+$0x19420] =	vst v1  }
0xf2: {  	v2 =	vld [tilespmem:s1+$0xFFFFFC30]  }
0xf3: {  	v1 =	vld.idx.msk [tilespmem:v0+s0+$0x0 ss:$0x1], $0xffff  }
0xf4: {  	v3 =	vld [tilespmem:s1+$0xFFFFFCB0]  }
0xf5: {  	v34 =	vld [tilespmem:s1+$0xFFFFFD30]  }
0xf6: {  	v36 =	vld [tilespmem:s1+$0xFFFFFDB0]  }
0xf7: {  	v41 =	vld [tilespmem:s1+$0xFFFFFE30]  }
0xf8: {  	v43 =	vld [tilespmem:s1+$0xFFFFFEB0]  }
0xf9: {  	v48 =	vld [tilespmem:s1+$0xFFFFFF30]  }
0xfa: {  	v54 =	vld [tilespmem:s1+$0xFFFFFFB0]  }
0xfb: {  	v59 =	vld [tilespmem:s1+$0x30]  }
0xfc: {  	v63 =	vld [tilespmem:s1+$0xB0]  }
0xfd: {  	v33 =	vshll.u32 v2, $0x10;
	v35 =	vshll.u32 v3, $0x10;
	v38 =	vshll.u32 v34, $0x10  }
0xfe: {  	v40 =	vshll.u32 v36, $0x10;
	v2 =	vand.u32 $0xFFFF0000, v2;
	v47 =	vshll.u32 v41, $0x10  }
0xff: {  	v3 =	vand.u32 $0xFFFF0000, v3;
	v52 =	vshll.u32 v43, $0x10;
	v57 =	vshll.u32 v48, $0x10  }
0x100: {  	v62 =	vshll.u32 v54, $0x10;
	v21 =	vshll.u32 v59, $0x10;
	v22 =	vand.u32 $0xFFFF0000, v43  }
0x101: {  	v26 =	vld [tilespmem:s1+$0x130];
	v25 =	vshll.u32 v63, $0x10;
	v4 =	vmul.f32 v33, v1;
	v6 =	vmul.f32 v35, v1  }
0x102: {  	v31 =	vand.u32 $0xFFFF0000, v48;
	v9 =	vmul.f32 v38, v1;
	v11 =	vmul.f32 v40, v1  }
0x103: {  	v10 =	vmul.f32 v47, v1;
	v53 =	vmul.f32 v52, v1;
	v4 =	vadd.f32 $1.000000000e+00, v4  }
0x104: {  	v43 =	vand.u32 $0xFFFF0000, v63;
	v58 =	vmul.f32 v57, v1;
	v23 =	vmul.f32 v21, v1  }
0x105: {  	v27 =	vmul.f32 v25, v1;
	v6 =	vadd.f32 $1.000000000e+00, v6;
	v37 =	vsub.s32 $0x7EF127EA, v4  }
0x106: {  	v35 =	vshll.u32 v26, $0x10;
	v9 =	vadd.f32 $1.000000000e+00, v9;
	v4 =	vmul.f32 v37, v4  }
0x107: {  	v11 =	vadd.f32 $1.000000000e+00, v11;
	v51 =	vadd.f32 $1.000000000e+00, v10;
	v39 =	vsub.s32 $0x7EF127EA, v6  }
0x108: {  	v5 =	vadd.f32 $1.000000000e+00, v53;
	v6 =	vmul.f32 v39, v6;
	v4 =	vsub.f32 $2.000000000e+00, v4  }
0x109: {  	v7 =	vadd.f32 $1.000000000e+00, v58;
	v13 =	vadd.f32 $1.000000000e+00, v23;
	v42 =	vsub.s32 $0x7EF127EA, v9  }
0x10a: {  	v46 =	vsub.s32 $0x7EF127EA, v11;
	v6 =	vsub.f32 $2.000000000e+00, v6;
	v4 =	vmul.f32 v37, v4  }
0x10b: {  	v56 =	vsub.s32 $0x7EF127EA, v51;
	v61 =	vsub.s32 $0x7EF127EA, v5;
	v9 =	vmul.f32 v42, v9  }
0x10c: {  	v20 =	vsub.s32 $0x7EF127EA, v7;
	v44 =	vmul.f32 v39, v6;
	v2 =	vmul.f32 v2, v4  }
0x10d: {  	v11 =	vmul.f32 v46, v11;
	v8 =	vmul.f32 v56, v51;
	v45 =	vsub.f32 $2.000000000e+00, v9  }
0x10e: {  	v5 =	vmul.f32 v61, v5;
	v3 =	vmul.f32 v3, v44;
	v2 =	vadd.f32 $0.0e+00, v2  }
0x10f: {  	v47 =	vld [tilespmem:s1+$0x330];
	v10 =	vand.u32 $0xFFFF0000, v54;
	v7 =	vmul.f32 v20, v7;
	v49 =	vmul.f32 v42, v45  }
0x110: {  	v50 =	vsub.f32 $2.000000000e+00, v11;
	v2 =	vadd.f32 v3, v2;
	v3 =	vand.u32 $0xFFFF0000, v34  }
0x111: {  	v30 =	vsub.s32 $0x7EF127EA, v13;
	v11 =	vmul.f32 v62, v1;
	v3 =	vmul.f32 v3, v49  }
0x112: {  	v13 =	vmul.f32 v30, v13;
	v60 =	vsub.f32 $2.000000000e+00, v8;
	v55 =	vmul.f32 v46, v50  }
0x113: {  	v11 =	vadd.f32 $1.000000000e+00, v11;
	v2 =	vadd.f32 v3, v2;
	v3 =	vand.u32 $0xFFFF0000, v36  }
0x114: {  	v53 =	vshll.u32 v47, $0x10;
	v5 =	vsub.f32 $2.000000000e+00, v5;
	v3 =	vmul.f32 v3, v55  }
0x115: {  	v7 =	vsub.f32 $2.000000000e+00, v7;
	v4 =	vmul.f32 v56, v60;
	v24 =	vsub.s32 $0x7EF127EA, v11  }
0x116: {  	v11 =	vmul.f32 v24, v11;
	v2 =	vadd.f32 v3, v2;
	v3 =	vand.u32 $0xFFFF0000, v41  }
0x117: {  	v33 =	vsub.f32 $2.000000000e+00, v13;
	v5 =	vmul.f32 v61, v5;
	v36 =	vld [tilespmem:s1+$0x1B0];
	v3 =	vmul.f32 v3, v4  }
0x118: {  	v14 =	vmul.f32 v53, v1;
	v29 =	vsub.f32 $2.000000000e+00, v11;
	v4 =	vadd.f32 $1.000000000e+00, v27  }
0x119: {  	v38 =	vld [tilespmem:s1+$0x230];
	v28 =	vmul.f32 v20, v7;
	v2 =	vadd.f32 v3, v2;
	v3 =	vmul.f32 v22, v5  }
0x11a: {  	v37 =	vmul.f32 v30, v33;
	v32 =	vmul.f32 v24, v29;
	v34 =	vsub.s32 $0x7EF127EA, v4  }
0x11b: {  	v44 =	vld [tilespmem:s1+$0x2B0];
	v4 =	vmul.f32 v34, v4;
	v2 =	vadd.f32 v3, v2;
	v3 =	vmul.f32 v31, v28  }
0x11c: {  	v39 =	vand.u32 $0xFFFF0000, v59;
	v11 =	vmul.f32 v35, v1;
	v42 =	vshll.u32 v36, $0x10  }
0x11d: {  	v4 =	vsub.f32 $2.000000000e+00, v4;
	v2 =	vadd.f32 v3, v2;
	v3 =	vmul.f32 v10, v32  }
0x11e: {  	v45 =	vshll.u32 v38, $0x10;
	v40 =	vadd.f32 $1.000000000e+00, v11;
	v7 =	vmul.f32 v42, v1  }
0x11f: {  	v4 =	vmul.f32 v34, v4;
	v2 =	vadd.f32 v3, v2;
	v3 =	vmul.f32 v39, v37  }
0x120: {  	v49 =	vld [tilespmem:s1+$0x3B0];
	v51 =	vshll.u32 v44, $0x10;
	v41 =	vsub.s32 $0x7EF127EA, v40;
	v7 =	vadd.f32 $1.000000000e+00, v7  }
0x121: {  	v2 =	vadd.f32 v3, v2;
	v3 =	vmul.f32 v43, v4;
	v4 =	vmul.f32 v45, v1  }
0x122: {  	v12 =	vmul.f32 v51, v1;
	v9 =	vmul.f32 v41, v40;
	v48 =	vsub.s32 $0x7EF127EA, v7  }
0x123: {  	v14 =	vadd.f32 $1.000000000e+00, v14;
	v7 =	vmul.f32 v48, v7;
	v4 =	vadd.f32 $1.000000000e+00, v4  }
0x124: {  	v50 =	vand.u32 $0xFFFF0000, v26;
	v12 =	vadd.f32 $1.000000000e+00, v12;
	v46 =	vsub.f32 $2.000000000e+00, v9  }
0x125: {  	v54 =	vshll.u32 v49, $0x10;
	v7 =	vsub.f32 $2.000000000e+00, v7;
	v52 =	vsub.s32 $0x7EF127EA, v4  }
0x126: {  	v2 =	vadd.f32 v3, v2;
	v3 =	vmul.f32 v41, v46;
	v4 =	vmul.f32 v52, v4  }
0x127: {  	v57 =	vsub.s32 $0x7EF127EA, v14;
	v55 =	vsub.s32 $0x7EF127EA, v12;
	v1 =	vmul.f32 v54, v1  }
0x128: {  	v5 =	vmul.f32 v48, v7;
	v3 =	vmul.f32 v50, v3;
	v4 =	vsub.f32 $2.000000000e+00, v4  }
0x129: {  	v56 =	vmul.f32 v55, v12;
	v13 =	vand.u32 $0xFFFF0000, v36;
	v1 =	vadd.f32 $1.000000000e+00, v1  }
0x12a: {  	v2 =	vadd.f32 v3, v2;
	v3 =	vmul.f32 v13, v5;
	v4 =	vmul.f32 v52, v4  }
0x12b: {  	v6 =	vand.u32 $0xFFFF0000, v38;
	v58 =	vmul.f32 v57, v14;
	v5 =	vsub.f32 $2.000000000e+00, v56  }
0x12c: {  	v59 =	vsub.s32 $0x7EF127EA, v1;
	v2 =	vadd.f32 v3, v2;
	v3 =	vmul.f32 v6, v4  }
0x12d: {  	v60 =	vsub.f32 $2.000000000e+00, v58;
	v1 =	vmul.f32 v59, v1;
	v5 =	vmul.f32 v55, v5  }
0x12e: {  	v2 =	vadd.f32 v3, v2;
	v3 =	vand.u32 $0xFFFF0000, v44  }
0x12f: {  	v61 =	vmul.f32 v57, v60;
	v1 =	vsub.f32 $2.000000000e+00, v1;
	v3 =	vmul.f32 v3, v5  }
0x130: {  	v62 =	vand.u32 $0xFFFF0000, v47  }
0x131: {  	v1 =	vmul.f32 v59, v1;
	v2 =	vadd.f32 v3, v2;
	v3 =	vmul.f32 v62, v61  }
0x132: {  	p1 =	sne.s32 s31, $0x600;
	v63 =	vand.u32 $0xFFFF0000, v49  }
.Ltmp0:
0x133: {  	v1 =	vmul.f32 v63, v1;
	v2 =	vadd.f32 v3, v2;
	(pc) =	sbr.rel @p1 .LBB2_3-.Ltmp0, $3  }
0x134: {  	_ = 	snop  }
0x135: {  	v1 =	vadd.f32 v1, v2;
	_ =	sdelay $0x1  }
0x136: {  	s31 =	sadd.s32 $0x200, s31;
	s1 =	sadd.s32 $0x800, s1;
	[tilespmem:s0+$0x19430] =	vst v1  }
0x137: {  	p1 =	sne.s32 s29, $0x27  }
.Ltmp1:
0x138: {  	_ = 	snop;
	(pc) =	sbr.rel @p1 .LBB2_6-.Ltmp1, $4  }
0x139: {  	s0 =	sadd.s32 s7, s29  }
0x13a: {  	s0 =	sshll.u32 s0, $0x7  }
0x13b: {  	s0 =	sadd.s32 s4, s0  }
0x13c: {  	[hbm4b:s0+s3] =	stream.linear.scatter [tilespmem:s20], [sflag:$0x3], $0x200, $0x38;
	[tilespmem:$0x19800] =	vst v63  }
.Ltmp2:
0x13d: {  	(pc) =	sbr.rel .LBB2_7-.Ltmp2, $4  }
0x13e: {  	_ = 	snop  }
0x13f: {  	_ =	swait.ge [sflag:s21], $0x1000  }
0x140: {  	[sflag:s21] =	ssyncset.done $0x0  }
0x141: {  	[sflag:s21] =	ssyncadd.s32 $0xFFFFF000  }
.LBB2_6:
0x142: {  	s0 =	sand.u32 $0x3FFFFF80, s30  }
.Ltmp3:
0x143: {  	s0 =	sadd.s32 $0x80, s0;
	(pc) =	sbr.rel @p0 .LBB2_8-.Ltmp3, $4  }
0x144: {  	[tilespmem:s17], [sflag:$0x1] =	stream.indirect.gather [spmem:s2], $0x40, s0, s16, $0xb8;
	[tilespmem:$0x19800] =	vst v63  }
0x145: {  	_ =	swait.ge [sflag:s21], $0x1000  }
0x146: {  	[sflag:s21] =	ssyncset.done $0x0  }
0x147: {  	[sflag:s21] =	ssyncadd.s32 $0xFFFFF000  }
.LBB2_7:
0x148: {  	_ =	swait.ge [sflag:s22], $0x200  }
0x149: {  	[sflag:s22] =	ssyncset.done $0x0  }
0x14a: {  	[sflag:s22] =	ssyncadd.s32 $0xFFFFFE00  }
.LBB2_8:
0x14b: {  	s30 =	simm.s32 $0x0;
	s1 =	simm.s32 $0x17800;
	v0 =	vmov s28  }
.LBB2_9:
0x14c: {  	v2 =	vld [tilespmem:s1+$0xFFFFFC00]  }
0x14d: {  	v3 =	vld [tilespmem:s1+$0xFFFFFC80]  }
0x14e: {  	v5 =	vld [tilespmem:s1+$0xFFFFFD00]  }
0x14f: {  	v7 =	vld [tilespmem:s1+$0xFFFFFD80]  }
0x150: {  	v12 =	vld [tilespmem:s1+$0xFFFFFE00]  }
0x151: {  	s0 =	sshra.s32 s30, $0x2;
	v13 =	vld [tilespmem:s1+$0xFFFFFE80]  }
0x152: {  	v1 =	vld.idx.msk [tilespmem:v0+s0+$0xFFFFFFD0 ss:$0x1], $0xffff  }
0x153: {  	v20 =	vld [tilespmem:s1+$0xFFFFFF80];
	_ =	sdelay $0x1  }
0x154: {  	v29 =	vld [tilespmem:s1+$0x80];
	v4 =	vshll.u32 v2, $0x10;
	v6 =	vshll.u32 v3, $0x10;
	v9 =	vshll.u32 v5, $0x10  }
0x155: {  	v25 =	vld [tilespmem:s1+$0x0];
	v11 =	vshll.u32 v7, $0x10;
	v2 =	vand.u32 $0xFFFF0000, v2;
	v14 =	vshll.u32 v12, $0x10  }
0x156: {  	v3 =	vand.u32 $0xFFFF0000, v3;
	v18 =	vshll.u32 v13, $0x10;
	v4 =	vmul.f32 v4, v1  }
0x157: {  	v28 =	vshll.u32 v20, $0x10;
	v6 =	vmul.f32 v6, v1;
	v9 =	vmul.f32 v9, v1  }
0x158: {  	v44 =	vld [tilespmem:s1+$0x180];
	v31 =	vand.u32 $0xFFFF0000, v13;
	v11 =	vmul.f32 v11, v1;
	v4 =	vadd.f32 $1.000000000e+00, v4  }
0x159: {  	v34 =	vshll.u32 v29, $0x10;
	v6 =	vadd.f32 $1.000000000e+00, v6;
	v9 =	vadd.f32 $1.000000000e+00, v9  }
0x15a: {  	v47 =	vand.u32 $0xFFFF0000, v25;
	v11 =	vadd.f32 $1.000000000e+00, v11;
	v8 =	vsub.s32 $0x7EF127EA, v4  }
0x15b: {  	v10 =	vsub.s32 $0x7EF127EA, v6;
	v60 =	vsub.s32 $0x7EF127EA, v9;
	v4 =	vmul.f32 v8, v4  }
0x15c: {  	v46 =	vld [tilespmem:s1+$0x200];
	v63 =	vsub.s32 $0x7EF127EA, v11;
	v6 =	vmul.f32 v10, v6;
	v9 =	vmul.f32 v60, v9  }
0x15d: {  	v50 =	vshll.u32 v44, $0x10;
	v11 =	vmul.f32 v63, v11;
	v4 =	vsub.f32 $2.000000000e+00, v4  }
0x15e: {  	v52 =	vld [tilespmem:s1+$0x280];
	v19 =	vmul.f32 v18, v1;
	v6 =	vsub.f32 $2.000000000e+00, v6;
	v62 =	vsub.f32 $2.000000000e+00, v9  }
0x15f: {  	v16 =	vsub.f32 $2.000000000e+00, v11;
	v11 =	vmul.f32 v28, v1;
	v4 =	vmul.f32 v8, v4  }
0x160: {  	v51 =	vand.u32 $0xFFFF0000, v29;
	v61 =	vmul.f32 v10, v6;
	v10 =	vmul.f32 v14, v1;
	v14 =	vld [tilespmem:s1+$0xFFFFFF00]  }
0x161: {  	v53 =	vshll.u32 v46, $0x10;
	v35 =	vmul.f32 v34, v1;
	v15 =	vmul.f32 v60, v62  }
0x162: {  	v11 =	vadd.f32 $1.000000000e+00, v11;
	v2 =	vmul.f32 v2, v4;
	v17 =	vadd.f32 $1.000000000e+00, v10  }
0x163: {  	v59 =	vshll.u32 v52, $0x10;
	v21 =	vmul.f32 v63, v16;
	v3 =	vmul.f32 v3, v61  }
0x164: {  	v33 =	vsub.s32 $0x7EF127EA, v11;
	v2 =	vadd.f32 $0.0e+00, v2;
	v22 =	vsub.s32 $0x7EF127EA, v17  }
0x165: {  	v11 =	vmul.f32 v33, v11;
	v8 =	vmul.f32 v22, v17;
	v23 =	vshll.u32 v14, $0x10  }
0x166: {  	v2 =	vadd.f32 v3, v2;
	v3 =	vand.u32 $0xFFFF0000, v5;
	v5 =	vadd.f32 $1.000000000e+00, v19  }
0x167: {  	v24 =	vmul.f32 v23, v1;
	v3 =	vmul.f32 v3, v15;
	v15 =	vshll.u32 v25, $0x10  }
0x168: {  	v37 =	vsub.f32 $2.000000000e+00, v11;
	v27 =	vsub.s32 $0x7EF127EA, v5;
	v32 =	vmul.f32 v15, v1  }
0x169: {  	v2 =	vadd.f32 v3, v2;
	v3 =	vand.u32 $0xFFFF0000, v7;
	v7 =	vadd.f32 $1.000000000e+00, v24  }
0x16a: {  	v16 =	vld [tilespmem:s1+$0x100];
	v39 =	vand.u32 $0xFFFF0000, v14;
	v26 =	vsub.f32 $2.000000000e+00, v8;
	v5 =	vmul.f32 v27, v5  }
0x16b: {  	v3 =	vmul.f32 v3, v21;
	v13 =	vadd.f32 $1.000000000e+00, v32;
	v30 =	vsub.s32 $0x7EF127EA, v7  }
0x16c: {  	v4 =	vmul.f32 v22, v26;
	v5 =	vsub.f32 $2.000000000e+00, v5;
	v7 =	vmul.f32 v30, v7  }
0x16d: {  	v2 =	vadd.f32 v3, v2;
	v3 =	vand.u32 $0xFFFF0000, v12;
	v38 =	vsub.s32 $0x7EF127EA, v13  }
0x16e: {  	v3 =	vmul.f32 v3, v4;
	v5 =	vmul.f32 v27, v5;
	v7 =	vsub.f32 $2.000000000e+00, v7  }
0x16f: {  	v43 =	vshll.u32 v16, $0x10;
	v13 =	vmul.f32 v38, v13;
	v4 =	vadd.f32 $1.000000000e+00, v35  }
0x170: {  	v57 =	vld [tilespmem:s1+$0x380];
	v2 =	vadd.f32 v3, v2;
	v3 =	vmul.f32 v31, v5;
	v36 =	vmul.f32 v30, v7  }
0x171: {  	v40 =	vmul.f32 v33, v37;
	v41 =	vsub.f32 $2.000000000e+00, v13;
	v42 =	vsub.s32 $0x7EF127EA, v4  }
0x172: {  	v55 =	vld [tilespmem:s1+$0x300];
	v4 =	vmul.f32 v42, v4;
	v2 =	vadd.f32 v3, v2;
	v3 =	vmul.f32 v39, v36  }
0x173: {  	v10 =	vand.u32 $0xFFFF0000, v20;
	v11 =	vmul.f32 v43, v1;
	v45 =	vmul.f32 v38, v41  }
0x174: {  	v4 =	vsub.f32 $2.000000000e+00, v4;
	v2 =	vadd.f32 v3, v2;
	v3 =	vmul.f32 v10, v40  }
0x175: {  	v62 =	vshll.u32 v57, $0x10;
	v48 =	vadd.f32 $1.000000000e+00, v11;
	v7 =	vmul.f32 v50, v1  }
0x176: {  	v4 =	vmul.f32 v42, v4;
	v2 =	vadd.f32 v3, v2;
	v3 =	vmul.f32 v47, v45  }
0x177: {  	v61 =	vshll.u32 v55, $0x10;
	v49 =	vsub.s32 $0x7EF127EA, v48;
	v7 =	vadd.f32 $1.000000000e+00, v7  }
0x178: {  	v2 =	vadd.f32 v3, v2;
	v3 =	vmul.f32 v51, v4;
	v4 =	vmul.f32 v53, v1  }
0x179: {  	v14 =	vmul.f32 v61, v1;
	v9 =	vmul.f32 v49, v48;
	v56 =	vsub.s32 $0x7EF127EA, v7  }
0x17a: {  	v12 =	vmul.f32 v59, v1;
	v7 =	vmul.f32 v56, v7;
	v4 =	vadd.f32 $1.000000000e+00, v4  }
0x17b: {  	v58 =	vand.u32 $0xFFFF0000, v16;
	v14 =	vadd.f32 $1.000000000e+00, v14;
	v54 =	vsub.f32 $2.000000000e+00, v9  }
0x17c: {  	v12 =	vadd.f32 $1.000000000e+00, v12;
	v7 =	vsub.f32 $2.000000000e+00, v7;
	v60 =	vsub.s32 $0x7EF127EA, v4  }
0x17d: {  	v2 =	vadd.f32 v3, v2;
	v3 =	vmul.f32 v49, v54;
	v4 =	vmul.f32 v60, v4  }
0x17e: {  	v18 =	vsub.s32 $0x7EF127EA, v14;
	v63 =	vsub.s32 $0x7EF127EA, v12;
	v1 =	vmul.f32 v62, v1  }
0x17f: {  	v5 =	vmul.f32 v56, v7;
	v3 =	vmul.f32 v58, v3;
	v4 =	vsub.f32 $2.000000000e+00, v4  }
0x180: {  	v13 =	vand.u32 $0xFFFF0000, v44;
	v17 =	vmul.f32 v63, v12;
	v1 =	vadd.f32 $1.000000000e+00, v1  }
0x181: {  	v2 =	vadd.f32 v3, v2;
	v3 =	vmul.f32 v13, v5;
	v4 =	vmul.f32 v60, v4  }
0x182: {  	v6 =	vand.u32 $0xFFFF0000, v46;
	v19 =	vmul.f32 v18, v14;
	v5 =	vsub.f32 $2.000000000e+00, v17  }
0x183: {  	v20 =	vsub.s32 $0x7EF127EA, v1;
	v2 =	vadd.f32 v3, v2;
	v3 =	vmul.f32 v6, v4  }
0x184: {  	v21 =	vsub.f32 $2.000000000e+00, v19;
	v1 =	vmul.f32 v20, v1;
	v5 =	vmul.f32 v63, v5  }
0x185: {  	v2 =	vadd.f32 v3, v2;
	v3 =	vand.u32 $0xFFFF0000, v52  }
0x186: {  	v22 =	vmul.f32 v18, v21;
	v1 =	vsub.f32 $2.000000000e+00, v1;
	v3 =	vmul.f32 v3, v5  }
0x187: {  	v23 =	vand.u32 $0xFFFF0000, v55  }
0x188: {  	v1 =	vmul.f32 v20, v1;
	v2 =	vadd.f32 v3, v2;
	v3 =	vmul.f32 v23, v22  }
0x189: {  	v24 =	vand.u32 $0xFFFF0000, v57  }
0x18a: {  	v1 =	vmul.f32 v24, v1;
	v2 =	vadd.f32 v3, v2;
	_ =	sdelay $0x1  }
0x18b: {  	v1 =	vadd.f32 v1, v2;
	_ =	sdelay $0x1  }
0x18c: {  	[tilespmem:s0+$0x19600] =	vst v1  }
0x18d: {  	v2 =	vld [tilespmem:s1+$0xFFFFFC10]  }
0x18e: {  	v1 =	vld.idx.msk [tilespmem:v0+s0+$0xFFFFFFE0 ss:$0x1], $0xffff  }
0x18f: {  	v3 =	vld [tilespmem:s1+$0xFFFFFC90]  }
0x190: {  	v26 =	vld [tilespmem:s1+$0xFFFFFD10]  }
0x191: {  	v28 =	vld [tilespmem:s1+$0xFFFFFD90]  }
0x192: {  	v33 =	vld [tilespmem:s1+$0xFFFFFE10]  }
0x193: {  	v35 =	vld [tilespmem:s1+$0xFFFFFE90]  }
0x194: {  	v40 =	vld [tilespmem:s1+$0xFFFFFF10]  }
0x195: {  	v46 =	vld [tilespmem:s1+$0xFFFFFF90]  }
0x196: {  	v51 =	vld [tilespmem:s1+$0x10]  }
0x197: {  	v55 =	vld [tilespmem:s1+$0x90]  }
0x198: {  	v25 =	vshll.u32 v2, $0x10;
	v27 =	vshll.u32 v3, $0x10;
	v30 =	vshll.u32 v26, $0x10  }
0x199: {  	v32 =	vshll.u32 v28, $0x10;
	v2 =	vand.u32 $0xFFFF0000, v2;
	v39 =	vshll.u32 v33, $0x10  }
0x19a: {  	v62 =	vld [tilespmem:s1+$0x110];
	v3 =	vand.u32 $0xFFFF0000, v3;
	v44 =	vshll.u32 v35, $0x10;
	v49 =	vshll.u32 v40, $0x10  }
0x19b: {  	v54 =	vshll.u32 v46, $0x10;
	v57 =	vshll.u32 v51, $0x10;
	v58 =	vand.u32 $0xFFFF0000, v35  }
0x19c: {  	v61 =	vshll.u32 v55, $0x10;
	v4 =	vmul.f32 v25, v1;
	v6 =	vmul.f32 v27, v1  }
0x19d: {  	v20 =	vand.u32 $0xFFFF0000, v40;
	v9 =	vmul.f32 v30, v1;
	v11 =	vmul.f32 v32, v1  }
0x19e: {  	v10 =	vmul.f32 v39, v1;
	v45 =	vmul.f32 v44, v1;
	v4 =	vadd.f32 $1.000000000e+00, v4  }
0x19f: {  	v24 =	vshll.u32 v62, $0x10;
	v50 =	vmul.f32 v49, v1;
	v59 =	vmul.f32 v57, v1  }
0x1a0: {  	v63 =	vmul.f32 v61, v1;
	v6 =	vadd.f32 $1.000000000e+00, v6;
	v29 =	vsub.s32 $0x7EF127EA, v4  }
0x1a1: {  	v32 =	vand.u32 $0xFFFF0000, v55;
	v9 =	vadd.f32 $1.000000000e+00, v9;
	v4 =	vmul.f32 v29, v4  }
0x1a2: {  	v11 =	vadd.f32 $1.000000000e+00, v11;
	v43 =	vadd.f32 $1.000000000e+00, v10;
	v31 =	vsub.s32 $0x7EF127EA, v6  }
0x1a3: {  	v5 =	vadd.f32 $1.000000000e+00, v45;
	v6 =	vmul.f32 v31, v6;
	v4 =	vsub.f32 $2.000000000e+00, v4  }
0x1a4: {  	v39 =	vand.u32 $0xFFFF0000, v62;
	v7 =	vadd.f32 $1.000000000e+00, v50;
	v13 =	vadd.f32 $1.000000000e+00, v59  }
0x1a5: {  	v34 =	vsub.s32 $0x7EF127EA, v9;
	v6 =	vsub.f32 $2.000000000e+00, v6;
	v4 =	vmul.f32 v29, v4  }
0x1a6: {  	v10 =	vand.u32 $0xFFFF0000, v46;
	v38 =	vsub.s32 $0x7EF127EA, v11;
	v9 =	vmul.f32 v34, v9  }
0x1a7: {  	v48 =	vsub.s32 $0x7EF127EA, v43;
	v36 =	vmul.f32 v31, v6;
	v2 =	vmul.f32 v2, v4  }
0x1a8: {  	v53 =	vsub.s32 $0x7EF127EA, v5;
	v11 =	vmul.f32 v38, v11;
	v37 =	vsub.f32 $2.000000000e+00, v9  }
0x1a9: {  	v8 =	vmul.f32 v48, v43;
	v3 =	vmul.f32 v3, v36;
	v2 =	vadd.f32 $0.0e+00, v2  }
0x1aa: {  	v56 =	vsub.s32 $0x7EF127EA, v7;
	v5 =	vmul.f32 v53, v5;
	v41 =	vmul.f32 v34, v37  }
0x1ab: {  	v42 =	vsub.f32 $2.000000000e+00, v11;
	v2 =	vadd.f32 v3, v2;
	v3 =	vand.u32 $0xFFFF0000, v26  }
0x1ac: {  	v19 =	vsub.s32 $0x7EF127EA, v13;
	v11 =	vmul.f32 v54, v1;
	v3 =	vmul.f32 v3, v41  }
0x1ad: {  	v7 =	vmul.f32 v56, v7;
	v52 =	vsub.f32 $2.000000000e+00, v8;
	v47 =	vmul.f32 v38, v42  }
0x1ae: {  	v11 =	vadd.f32 $1.000000000e+00, v11;
	v2 =	vadd.f32 v3, v2;
	v3 =	vand.u32 $0xFFFF0000, v28  }
0x1af: {  	v25 =	vld [tilespmem:s1+$0x190];
	v13 =	vmul.f32 v19, v13;
	v5 =	vsub.f32 $2.000000000e+00, v5;
	v3 =	vmul.f32 v3, v47  }
0x1b0: {  	v7 =	vsub.f32 $2.000000000e+00, v7;
	v4 =	vmul.f32 v48, v52;
	v60 =	vsub.s32 $0x7EF127EA, v11  }
0x1b1: {  	v11 =	vmul.f32 v60, v11;
	v2 =	vadd.f32 v3, v2;
	v3 =	vand.u32 $0xFFFF0000, v33  }
0x1b2: {  	v22 =	vsub.f32 $2.000000000e+00, v13;
	v5 =	vmul.f32 v53, v5;
	v3 =	vmul.f32 v3, v4  }
0x1b3: {  	v17 =	vmul.f32 v56, v7;
	v18 =	vsub.f32 $2.000000000e+00, v11;
	v4 =	vadd.f32 $1.000000000e+00, v63  }
0x1b4: {  	v31 =	vshll.u32 v25, $0x10;
	v2 =	vadd.f32 v3, v2;
	v3 =	vmul.f32 v58, v5  }
0x1b5: {  	v7 =	vmul.f32 v31, v1;
	v21 =	vmul.f32 v60, v18;
	v23 =	vsub.s32 $0x7EF127EA, v4  }
0x1b6: {  	v27 =	vld [tilespmem:s1+$0x210];
	v4 =	vmul.f32 v23, v4;
	v2 =	vadd.f32 v3, v2;
	v3 =	vmul.f32 v20, v17  }
0x1b7: {  	v13 =	vand.u32 $0xFFFF0000, v25;
	v11 =	vmul.f32 v24, v1;
	v26 =	vmul.f32 v19, v22  }
0x1b8: {  	v33 =	vld [tilespmem:s1+$0x290];
	v4 =	vsub.f32 $2.000000000e+00, v4;
	v2 =	vadd.f32 v3, v2;
	v3 =	vmul.f32 v10, v21  }
0x1b9: {  	v38 =	vld [tilespmem:s1+$0x390];
	v7 =	vadd.f32 $1.000000000e+00, v7;
	v29 =	vadd.f32 $1.000000000e+00, v11;
	v28 =	vand.u32 $0xFFFF0000, v51  }
0x1ba: {  	v36 =	vld [tilespmem:s1+$0x310];
	v4 =	vmul.f32 v23, v4;
	v2 =	vadd.f32 v3, v2;
	v3 =	vmul.f32 v28, v26  }
0x1bb: {  	v34 =	vshll.u32 v27, $0x10;
	v37 =	vsub.s32 $0x7EF127EA, v7;
	v30 =	vsub.s32 $0x7EF127EA, v29  }
0x1bc: {  	v2 =	vadd.f32 v3, v2;
	v3 =	vmul.f32 v32, v4;
	v4 =	vmul.f32 v34, v1  }
0x1bd: {  	v7 =	vmul.f32 v37, v7;
	v9 =	vmul.f32 v30, v29;
	v40 =	vshll.u32 v33, $0x10  }
0x1be: {  	v43 =	vshll.u32 v38, $0x10;
	v12 =	vmul.f32 v40, v1;
	v4 =	vadd.f32 $1.000000000e+00, v4  }
0x1bf: {  	v42 =	vshll.u32 v36, $0x10;
	v7 =	vsub.f32 $2.000000000e+00, v7;
	v35 =	vsub.f32 $2.000000000e+00, v9  }
0x1c0: {  	v14 =	vmul.f32 v42, v1;
	v12 =	vadd.f32 $1.000000000e+00, v12;
	v41 =	vsub.s32 $0x7EF127EA, v4  }
0x1c1: {  	v2 =	vadd.f32 v3, v2;
	v3 =	vmul.f32 v30, v35;
	v4 =	vmul.f32 v41, v4  }
0x1c2: {  	v14 =	vadd.f32 $1.000000000e+00, v14;
	v5 =	vmul.f32 v37, v7;
	v1 =	vmul.f32 v43, v1  }
0x1c3: {  	v44 =	vsub.s32 $0x7EF127EA, v12;
	v3 =	vmul.f32 v39, v3;
	v4 =	vsub.f32 $2.000000000e+00, v4  }
0x1c4: {  	v46 =	vsub.s32 $0x7EF127EA, v14;
	v45 =	vmul.f32 v44, v12;
	v1 =	vadd.f32 $1.000000000e+00, v1  }
0x1c5: {  	v2 =	vadd.f32 v3, v2;
	v3 =	vmul.f32 v13, v5;
	v4 =	vmul.f32 v41, v4  }
0x1c6: {  	v6 =	vand.u32 $0xFFFF0000, v27;
	v47 =	vmul.f32 v46, v14;
	v5 =	vsub.f32 $2.000000000e+00, v45  }
0x1c7: {  	v48 =	vsub.s32 $0x7EF127EA, v1;
	v2 =	vadd.f32 v3, v2;
	v3 =	vmul.f32 v6, v4  }
0x1c8: {  	v49 =	vsub.f32 $2.000000000e+00, v47;
	v1 =	vmul.f32 v48, v1;
	v5 =	vmul.f32 v44, v5  }
0x1c9: {  	v2 =	vadd.f32 v3, v2;
	v3 =	vand.u32 $0xFFFF0000, v33  }
0x1ca: {  	v50 =	vmul.f32 v46, v49;
	v1 =	vsub.f32 $2.000000000e+00, v1;
	v3 =	vmul.f32 v3, v5  }
0x1cb: {  	v51 =	vand.u32 $0xFFFF0000, v36  }
0x1cc: {  	v1 =	vmul.f32 v48, v1;
	v2 =	vadd.f32 v3, v2;
	v3 =	vmul.f32 v51, v50  }
0x1cd: {  	v52 =	vand.u32 $0xFFFF0000, v38  }
0x1ce: {  	v1 =	vmul.f32 v52, v1;
	v2 =	vadd.f32 v3, v2;
	_ =	sdelay $0x1  }
0x1cf: {  	v1 =	vadd.f32 v1, v2;
	_ =	sdelay $0x1  }
0x1d0: {  	[tilespmem:s0+$0x19610] =	vst v1  }
0x1d1: {  	v2 =	vld [tilespmem:s1+$0xFFFFFC20]  }
0x1d2: {  	v1 =	vld.idx.msk [tilespmem:v0+s0+$0xFFFFFFF0 ss:$0x1], $0xffff  }
0x1d3: {  	v3 =	vld [tilespmem:s1+$0xFFFFFCA0]  }
0x1d4: {  	v54 =	vld [tilespmem:s1+$0xFFFFFD20]  }
0x1d5: {  	v56 =	vld [tilespmem:s1+$0xFFFFFDA0]  }
0x1d6: {  	v61 =	vld [tilespmem:s1+$0xFFFFFE20]  }
0x1d7: {  	v63 =	vld [tilespmem:s1+$0xFFFFFEA0]  }
0x1d8: {  	v20 =	vld [tilespmem:s1+$0xFFFFFF20]  }
0x1d9: {  	v26 =	vld [tilespmem:s1+$0xFFFFFFA0]  }
0x1da: {  	v31 =	vld [tilespmem:s1+$0x20]  }
0x1db: {  	v35 =	vld [tilespmem:s1+$0xA0]  }
0x1dc: {  	v53 =	vshll.u32 v2, $0x10;
	v55 =	vshll.u32 v3, $0x10;
	v58 =	vshll.u32 v54, $0x10  }
0x1dd: {  	v60 =	vshll.u32 v56, $0x10;
	v2 =	vand.u32 $0xFFFF0000, v2;
	v19 =	vshll.u32 v61, $0x10  }
0x1de: {  	v42 =	vld [tilespmem:s1+$0x120];
	v3 =	vand.u32 $0xFFFF0000, v3;
	v24 =	vshll.u32 v63, $0x10;
	v29 =	vshll.u32 v20, $0x10  }
0x1df: {  	v34 =	vshll.u32 v26, $0x10;
	v37 =	vshll.u32 v31, $0x10;
	v38 =	vand.u32 $0xFFFF0000, v63  }
0x1e0: {  	v52 =	vld [tilespmem:s1+$0x1A0];
	v41 =	vshll.u32 v35, $0x10;
	v4 =	vmul.f32 v53, v1;
	v6 =	vmul.f32 v55, v1  }
0x1e1: {  	v47 =	vand.u32 $0xFFFF0000, v20;
	v9 =	vmul.f32 v58, v1;
	v11 =	vmul.f32 v60, v1  }
0x1e2: {  	v10 =	vmul.f32 v19, v1;
	v25 =	vmul.f32 v24, v1;
	v4 =	vadd.f32 $1.000000000e+00, v4  }
0x1e3: {  	v51 =	vshll.u32 v42, $0x10;
	v30 =	vmul.f32 v29, v1;
	v39 =	vmul.f32 v37, v1  }
0x1e4: {  	v43 =	vmul.f32 v41, v1;
	v6 =	vadd.f32 $1.000000000e+00, v6;
	v57 =	vsub.s32 $0x7EF127EA, v4  }
0x1e5: {  	v55 =	vand.u32 $0xFFFF0000, v31;
	v58 =	vshll.u32 v52, $0x10;
	v4 =	vmul.f32 v57, v4  }
0x1e6: {  	v9 =	vadd.f32 $1.000000000e+00, v9;
	v11 =	vadd.f32 $1.000000000e+00, v11;
	v59 =	vsub.s32 $0x7EF127EA, v6  }
0x1e7: {  	v23 =	vadd.f32 $1.000000000e+00, v10;
	v6 =	vmul.f32 v59, v6;
	v4 =	vsub.f32 $2.000000000e+00, v4  }
0x1e8: {  	v19 =	vand.u32 $0xFFFF0000, v42;
	v5 =	vadd.f32 $1.000000000e+00, v25;
	v7 =	vadd.f32 $1.000000000e+00, v30  }
0x1e9: {  	v62 =	vsub.s32 $0x7EF127EA, v9;
	v6 =	vsub.f32 $2.000000000e+00, v6;
	v4 =	vmul.f32 v57, v4  }
0x1ea: {  	v13 =	vadd.f32 $1.000000000e+00, v39;
	v18 =	vsub.s32 $0x7EF127EA, v11;
	v9 =	vmul.f32 v62, v9  }
0x1eb: {  	v28 =	vsub.s32 $0x7EF127EA, v23;
	v16 =	vmul.f32 v59, v6;
	v2 =	vmul.f32 v2, v4  }
0x1ec: {  	v33 =	vsub.s32 $0x7EF127EA, v5;
	v11 =	vmul.f32 v18, v11;
	v17 =	vsub.f32 $2.000000000e+00, v9  }
0x1ed: {  	v8 =	vmul.f32 v28, v23;
	v3 =	vmul.f32 v3, v16;
	v2 =	vadd.f32 $0.0e+00, v2  }
0x1ee: {  	v60 =	vld [tilespmem:s1+$0x2A0];
	v36 =	vsub.s32 $0x7EF127EA, v7;
	v5 =	vmul.f32 v33, v5;
	v21 =	vmul.f32 v62, v17  }
0x1ef: {  	v22 =	vsub.f32 $2.000000000e+00, v11;
	v2 =	vadd.f32 v3, v2;
	v3 =	vand.u32 $0xFFFF0000, v54  }
0x1f0: {  	v46 =	vsub.s32 $0x7EF127EA, v13;
	v11 =	vmul.f32 v34, v1;
	v3 =	vmul.f32 v3, v21  }
0x1f1: {  	v7 =	vmul.f32 v36, v7;
	v32 =	vsub.f32 $2.000000000e+00, v8;
	v27 =	vmul.f32 v18, v22  }
0x1f2: {  	v11 =	vadd.f32 $1.000000000e+00, v11;
	v2 =	vadd.f32 v3, v2;
	v3 =	vand.u32 $0xFFFF0000, v56  }
0x1f3: {  	v13 =	vmul.f32 v46, v13;
	v20 =	vshll.u32 v60, $0x10;
	v3 =	vmul.f32 v3, v27  }
0x1f4: {  	v5 =	vsub.f32 $2.000000000e+00, v5;
	v4 =	vmul.f32 v28, v32;
	v40 =	vsub.s32 $0x7EF127EA, v11  }
0x1f5: {  	v11 =	vmul.f32 v40, v11;
	v2 =	vadd.f32 v3, v2;
	v3 =	vand.u32 $0xFFFF0000, v61  }
0x1f6: {  	v7 =	vsub.f32 $2.000000000e+00, v7;
	v5 =	vmul.f32 v33, v5;
	v3 =	vmul.f32 v3, v4  }
0x1f7: {  	v12 =	vmul.f32 v20, v1;
	v45 =	vsub.f32 $2.000000000e+00, v11;
	v4 =	vadd.f32 $1.000000000e+00, v43  }
0x1f8: {  	v44 =	vmul.f32 v36, v7;
	v2 =	vadd.f32 v3, v2;
	v3 =	vmul.f32 v38, v5  }
0x1f9: {  	v49 =	vsub.f32 $2.000000000e+00, v13;
	v48 =	vmul.f32 v40, v45;
	v50 =	vsub.s32 $0x7EF127EA, v4  }
0x1fa: {  	v54 =	vld [tilespmem:s1+$0x220];
	v4 =	vmul.f32 v50, v4;
	v2 =	vadd.f32 v3, v2;
	v3 =	vmul.f32 v47, v44  }
0x1fb: {  	v10 =	vand.u32 $0xFFFF0000, v26;
	v53 =	vmul.f32 v46, v49;
	v11 =	vmul.f32 v51, v1  }
0x1fc: {  	v4 =	vsub.f32 $2.000000000e+00, v4;
	v2 =	vadd.f32 v3, v2;
	v3 =	vmul.f32 v10, v48  }
0x1fd: {  	v63 =	vld [tilespmem:s1+$0x320];
	v59 =	vand.u32 $0xFFFF0000, v35;
	v7 =	vmul.f32 v58, v1;
	v56 =	vadd.f32 $1.000000000e+00, v11  }
0x1fe: {  	v4 =	vmul.f32 v50, v4;
	v2 =	vadd.f32 v3, v2;
	v3 =	vmul.f32 v55, v53  }
0x1ff: {  	v18 =	vld [tilespmem:s1+$0x3A0];
	v7 =	vadd.f32 $1.000000000e+00, v7;
	v57 =	vsub.s32 $0x7EF127EA, v56;
	v61 =	vshll.u32 v54, $0x10  }
0x200: {  	v2 =	vadd.f32 v3, v2;
	v3 =	vmul.f32 v59, v4;
	v4 =	vmul.f32 v61, v1  }
0x201: {  	v13 =	vand.u32 $0xFFFF0000, v52;
	v17 =	vsub.s32 $0x7EF127EA, v7;
	v9 =	vmul.f32 v57, v56  }
0x202: {  	v22 =	vshll.u32 v63, $0x10;
	v7 =	vmul.f32 v17, v7;
	v4 =	vadd.f32 $1.000000000e+00, v4  }
0x203: {  	v12 =	vadd.f32 $1.000000000e+00, v12;
	v14 =	vmul.f32 v22, v1;
	v62 =	vsub.f32 $2.000000000e+00, v9  }
0x204: {  	v23 =	vshll.u32 v18, $0x10;
	v7 =	vsub.f32 $2.000000000e+00, v7;
	v21 =	vsub.s32 $0x7EF127EA, v4  }
0x205: {  	v2 =	vadd.f32 v3, v2;
	v3 =	vmul.f32 v57, v62;
	v4 =	vmul.f32 v21, v4  }
0x206: {  	v24 =	vsub.s32 $0x7EF127EA, v12;
	v14 =	vadd.f32 $1.000000000e+00, v14;
	v1 =	vmul.f32 v23, v1  }
0x207: {  	v5 =	vmul.f32 v17, v7;
	v3 =	vmul.f32 v19, v3;
	v4 =	vsub.f32 $2.000000000e+00, v4  }
0x208: {  	v25 =	vmul.f32 v24, v12;
	v26 =	vsub.s32 $0x7EF127EA, v14;
	v1 =	vadd.f32 $1.000000000e+00, v1  }
0x209: {  	v2 =	vadd.f32 v3, v2;
	v3 =	vmul.f32 v13, v5;
	v4 =	vmul.f32 v21, v4  }
0x20a: {  	v27 =	vmul.f32 v26, v14;
	v6 =	vand.u32 $0xFFFF0000, v54;
	v5 =	vsub.f32 $2.000000000e+00, v25  }
0x20b: {  	v28 =	vsub.s32 $0x7EF127EA, v1;
	v2 =	vadd.f32 v3, v2;
	v3 =	vmul.f32 v6, v4  }
0x20c: {  	v29 =	vsub.f32 $2.000000000e+00, v27;
	v1 =	vmul.f32 v28, v1;
	v5 =	vmul.f32 v24, v5  }
0x20d: {  	v2 =	vadd.f32 v3, v2;
	v3 =	vand.u32 $0xFFFF0000, v60  }
0x20e: {  	v30 =	vmul.f32 v26, v29;
	v1 =	vsub.f32 $2.000000000e+00, v1;
	v3 =	vmul.f32 v3, v5  }
0x20f: {  	v31 =	vand.u32 $0xFFFF0000, v63  }
0x210: {  	v1 =	vmul.f32 v28, v1;
	v2 =	vadd.f32 v3, v2;
	v3 =	vmul.f32 v31, v30  }
0x211: {  	v32 =	vand.u32 $0xFFFF0000, v18  }
0x212: {  	v1 =	vmul.f32 v32, v1;
	v2 =	vadd.f32 v3, v2;
	_ =	sdelay $0x1  }
0x213: {  	v1 =	vadd.f32 v1, v2;
	_ =	sdelay $0x1  }
0x214: {  	[tilespmem:s0+$0x19620] =	vst v1  }
0x215: {  	v2 =	vld [tilespmem:s1+$0xFFFFFC30]  }
0x216: {  	v1 =	vld.idx.msk [tilespmem:v0+s0+$0x0 ss:$0x1], $0xffff  }
0x217: {  	v3 =	vld [tilespmem:s1+$0xFFFFFCB0]  }
0x218: {  	v34 =	vld [tilespmem:s1+$0xFFFFFD30]  }
0x219: {  	v36 =	vld [tilespmem:s1+$0xFFFFFDB0]  }
0x21a: {  	v41 =	vld [tilespmem:s1+$0xFFFFFE30]  }
0x21b: {  	v43 =	vld [tilespmem:s1+$0xFFFFFEB0]  }
0x21c: {  	v48 =	vld [tilespmem:s1+$0xFFFFFF30]  }
0x21d: {  	v54 =	vld [tilespmem:s1+$0xFFFFFFB0]  }
0x21e: {  	v59 =	vld [tilespmem:s1+$0x30]  }
0x21f: {  	v63 =	vld [tilespmem:s1+$0xB0]  }
0x220: {  	v33 =	vshll.u32 v2, $0x10;
	v35 =	vshll.u32 v3, $0x10;
	v38 =	vshll.u32 v34, $0x10  }
0x221: {  	v40 =	vshll.u32 v36, $0x10;
	v2 =	vand.u32 $0xFFFF0000, v2;
	v47 =	vshll.u32 v41, $0x10  }
0x222: {  	v3 =	vand.u32 $0xFFFF0000, v3;
	v52 =	vshll.u32 v43, $0x10;
	v57 =	vshll.u32 v48, $0x10  }
0x223: {  	v62 =	vshll.u32 v54, $0x10;
	v21 =	vshll.u32 v59, $0x10;
	v22 =	vand.u32 $0xFFFF0000, v43  }
0x224: {  	v26 =	vld [tilespmem:s1+$0x130];
	v25 =	vshll.u32 v63, $0x10;
	v4 =	vmul.f32 v33, v1;
	v6 =	vmul.f32 v35, v1  }
0x225: {  	v31 =	vand.u32 $0xFFFF0000, v48;
	v9 =	vmul.f32 v38, v1;
	v11 =	vmul.f32 v40, v1  }
0x226: {  	v10 =	vmul.f32 v47, v1;
	v53 =	vmul.f32 v52, v1;
	v4 =	vadd.f32 $1.000000000e+00, v4  }
0x227: {  	v43 =	vand.u32 $0xFFFF0000, v63;
	v58 =	vmul.f32 v57, v1;
	v23 =	vmul.f32 v21, v1  }
0x228: {  	v27 =	vmul.f32 v25, v1;
	v6 =	vadd.f32 $1.000000000e+00, v6;
	v37 =	vsub.s32 $0x7EF127EA, v4  }
0x229: {  	v35 =	vshll.u32 v26, $0x10;
	v9 =	vadd.f32 $1.000000000e+00, v9;
	v4 =	vmul.f32 v37, v4  }
0x22a: {  	v11 =	vadd.f32 $1.000000000e+00, v11;
	v51 =	vadd.f32 $1.000000000e+00, v10;
	v39 =	vsub.s32 $0x7EF127EA, v6  }
0x22b: {  	v5 =	vadd.f32 $1.000000000e+00, v53;
	v6 =	vmul.f32 v39, v6;
	v4 =	vsub.f32 $2.000000000e+00, v4  }
0x22c: {  	v7 =	vadd.f32 $1.000000000e+00, v58;
	v13 =	vadd.f32 $1.000000000e+00, v23;
	v42 =	vsub.s32 $0x7EF127EA, v9  }
0x22d: {  	v46 =	vsub.s32 $0x7EF127EA, v11;
	v6 =	vsub.f32 $2.000000000e+00, v6;
	v4 =	vmul.f32 v37, v4  }
0x22e: {  	v56 =	vsub.s32 $0x7EF127EA, v51;
	v61 =	vsub.s32 $0x7EF127EA, v5;
	v9 =	vmul.f32 v42, v9  }
0x22f: {  	v20 =	vsub.s32 $0x7EF127EA, v7;
	v44 =	vmul.f32 v39, v6;
	v2 =	vmul.f32 v2, v4  }
0x230: {  	v11 =	vmul.f32 v46, v11;
	v8 =	vmul.f32 v56, v51;
	v45 =	vsub.f32 $2.000000000e+00, v9  }
0x231: {  	v5 =	vmul.f32 v61, v5;
	v3 =	vmul.f32 v3, v44;
	v2 =	vadd.f32 $0.0e+00, v2  }
0x232: {  	v47 =	vld [tilespmem:s1+$0x330];
	v10 =	vand.u32 $0xFFFF0000, v54;
	v7 =	vmul.f32 v20, v7;
	v49 =	vmul.f32 v42, v45  }
0x233: {  	v50 =	vsub.f32 $2.000000000e+00, v11;
	v2 =	vadd.f32 v3, v2;
	v3 =	vand.u32 $0xFFFF0000, v34  }
0x234: {  	v30 =	vsub.s32 $0x7EF127EA, v13;
	v11 =	vmul.f32 v62, v1;
	v3 =	vmul.f32 v3, v49  }
0x235: {  	v13 =	vmul.f32 v30, v13;
	v60 =	vsub.f32 $2.000000000e+00, v8;
	v55 =	vmul.f32 v46, v50  }
0x236: {  	v11 =	vadd.f32 $1.000000000e+00, v11;
	v2 =	vadd.f32 v3, v2;
	v3 =	vand.u32 $0xFFFF0000, v36  }
0x237: {  	v53 =	vshll.u32 v47, $0x10;
	v5 =	vsub.f32 $2.000000000e+00, v5;
	v3 =	vmul.f32 v3, v55  }
0x238: {  	v7 =	vsub.f32 $2.000000000e+00, v7;
	v4 =	vmul.f32 v56, v60;
	v24 =	vsub.s32 $0x7EF127EA, v11  }
0x239: {  	v11 =	vmul.f32 v24, v11;
	v2 =	vadd.f32 v3, v2;
	v3 =	vand.u32 $0xFFFF0000, v41  }
0x23a: {  	v33 =	vsub.f32 $2.000000000e+00, v13;
	v5 =	vmul.f32 v61, v5;
	v36 =	vld [tilespmem:s1+$0x1B0];
	v3 =	vmul.f32 v3, v4  }
0x23b: {  	v14 =	vmul.f32 v53, v1;
	v29 =	vsub.f32 $2.000000000e+00, v11;
	v4 =	vadd.f32 $1.000000000e+00, v27  }
0x23c: {  	v38 =	vld [tilespmem:s1+$0x230];
	v28 =	vmul.f32 v20, v7;
	v2 =	vadd.f32 v3, v2;
	v3 =	vmul.f32 v22, v5  }
0x23d: {  	v37 =	vmul.f32 v30, v33;
	v32 =	vmul.f32 v24, v29;
	v34 =	vsub.s32 $0x7EF127EA, v4  }
0x23e: {  	v44 =	vld [tilespmem:s1+$0x2B0];
	v4 =	vmul.f32 v34, v4;
	v2 =	vadd.f32 v3, v2;
	v3 =	vmul.f32 v31, v28  }
0x23f: {  	v39 =	vand.u32 $0xFFFF0000, v59;
	v11 =	vmul.f32 v35, v1;
	v42 =	vshll.u32 v36, $0x10  }
0x240: {  	v4 =	vsub.f32 $2.000000000e+00, v4;
	v2 =	vadd.f32 v3, v2;
	v3 =	vmul.f32 v10, v32  }
0x241: {  	v45 =	vshll.u32 v38, $0x10;
	v40 =	vadd.f32 $1.000000000e+00, v11;
	v7 =	vmul.f32 v42, v1  }
0x242: {  	v4 =	vmul.f32 v34, v4;
	v2 =	vadd.f32 v3, v2;
	v3 =	vmul.f32 v39, v37  }
0x243: {  	v49 =	vld [tilespmem:s1+$0x3B0];
	v51 =	vshll.u32 v44, $0x10;
	v41 =	vsub.s32 $0x7EF127EA, v40;
	v7 =	vadd.f32 $1.000000000e+00, v7  }
0x244: {  	v2 =	vadd.f32 v3, v2;
	v3 =	vmul.f32 v43, v4;
	v4 =	vmul.f32 v45, v1  }
0x245: {  	v12 =	vmul.f32 v51, v1;
	v9 =	vmul.f32 v41, v40;
	v48 =	vsub.s32 $0x7EF127EA, v7  }
0x246: {  	v14 =	vadd.f32 $1.000000000e+00, v14;
	v7 =	vmul.f32 v48, v7;
	v4 =	vadd.f32 $1.000000000e+00, v4  }
0x247: {  	v50 =	vand.u32 $0xFFFF0000, v26;
	v12 =	vadd.f32 $1.000000000e+00, v12;
	v46 =	vsub.f32 $2.000000000e+00, v9  }
0x248: {  	v54 =	vshll.u32 v49, $0x10;
	v7 =	vsub.f32 $2.000000000e+00, v7;
	v52 =	vsub.s32 $0x7EF127EA, v4  }
0x249: {  	v2 =	vadd.f32 v3, v2;
	v3 =	vmul.f32 v41, v46;
	v4 =	vmul.f32 v52, v4  }
0x24a: {  	v57 =	vsub.s32 $0x7EF127EA, v14;
	v55 =	vsub.s32 $0x7EF127EA, v12;
	v1 =	vmul.f32 v54, v1  }
0x24b: {  	v5 =	vmul.f32 v48, v7;
	v3 =	vmul.f32 v50, v3;
	v4 =	vsub.f32 $2.000000000e+00, v4  }
0x24c: {  	v56 =	vmul.f32 v55, v12;
	v13 =	vand.u32 $0xFFFF0000, v36;
	v1 =	vadd.f32 $1.000000000e+00, v1  }
0x24d: {  	v2 =	vadd.f32 v3, v2;
	v3 =	vmul.f32 v13, v5;
	v4 =	vmul.f32 v52, v4  }
0x24e: {  	v6 =	vand.u32 $0xFFFF0000, v38;
	v58 =	vmul.f32 v57, v14;
	v5 =	vsub.f32 $2.000000000e+00, v56  }
0x24f: {  	v59 =	vsub.s32 $0x7EF127EA, v1;
	v2 =	vadd.f32 v3, v2;
	v3 =	vmul.f32 v6, v4  }
0x250: {  	v60 =	vsub.f32 $2.000000000e+00, v58;
	v1 =	vmul.f32 v59, v1;
	v5 =	vmul.f32 v55, v5  }
0x251: {  	v2 =	vadd.f32 v3, v2;
	v3 =	vand.u32 $0xFFFF0000, v44  }
0x252: {  	v61 =	vmul.f32 v57, v60;
	v1 =	vsub.f32 $2.000000000e+00, v1;
	v3 =	vmul.f32 v3, v5  }
0x253: {  	v62 =	vand.u32 $0xFFFF0000, v47  }
0x254: {  	v1 =	vmul.f32 v59, v1;
	v2 =	vadd.f32 v3, v2;
	v3 =	vmul.f32 v62, v61  }
0x255: {  	p0 =	sne.s32 s30, $0x600;
	v63 =	vand.u32 $0xFFFF0000, v49  }
.Ltmp4:
0x256: {  	v1 =	vmul.f32 v63, v1;
	v2 =	vadd.f32 v3, v2;
	(pc) =	sbr.rel @p0 .LBB2_9-.Ltmp4, $3  }
0x257: {  	_ = 	snop  }
0x258: {  	v1 =	vadd.f32 v1, v2;
	_ =	sdelay $0x1  }
0x259: {  	s30 =	sadd.s32 $0x200, s30;
	s1 =	sadd.s32 $0x800, s1;
	[tilespmem:s0+$0x19630] =	vst v1  }
0x25a: {  	s0 =	sshll.u32 s29, $0xA;
	s29 =	sadd.s32 $0x1, s29  }
0x25b: {  	p0 =	sne.s32 s29, $0x28  }
.Ltmp5:
0x25c: {  	_ = 	snop;
	(pc) =	sbr.rel @p0 .LBB2_2-.Ltmp5, $4  }
0x25d: {  	s0 =	sadd.s32 s10, s0  }
0x25e: {  	s0 =	sshrl.u32 s0, $0x3  }
0x25f: {  	s26 =	sadd.s32 $0x400, s26;
	s28 =	sadd.s32 $0x400, s28;
	s0 =	sadd.s32 s0, s11  }
0x260: {  	[hbm4b:s0+s3] =	stream.linear.scatter [tilespmem:s23], [sflag:$0x4], $0x200, $0x38;
	[tilespmem:$0x19800] =	vst v63  }
0x261: {  	s25 =	sadd.s32 $0x1, s25  }
0x262: {  	_ =	swait.ge [sflag:s24], $0x200;
	p0 =	sne.s32 s25, s12  }
.Ltmp6:
0x263: {  	[sflag:s24] =	ssyncset.done $0x0;
	(pc) =	sbr.rel @p0 .LBB2_1-.Ltmp6, $4  }
0x264: {  	[sflag:s24] =	ssyncadd.s32 $0xFFFFFE00  }
0x265: {  	_ =	swait.ge [sflag:s22], $0x200  }
0x266: {  	[sflag:s22] =	ssyncset.done $0x0  }
0x267: {  	[sflag:s22] =	ssyncadd.s32 $0xFFFFFE00  }
0x268: {  	_ =	sfence.sel $0x180000  }
0x269: {  	[bflag:$0x0] =	sbarrier.arrive $0xFFFF  }
0x26a: {  	_ =	strace $0x90000047  }
0x26b: {  	s0 =	stileid.u32;
	[bflag:$0x2] =	sbarrier.arrive $0xFFFF  }
0x26c: {  	p0 =	sne.s32 s0, $0x0;
	s0 =	rddreg [dreg:$0x2]  }
0x26d: {  	s0 =	sadd.s32 @!p0 $0x100000, s0  }
0x26e: {  	[sflag:s0] =	ssyncadd.tile.s32 @!p0 $0x1;
	_ =	shalt  }
.Lfunc_end2:
_tile_overlayer_lowered:
.L_overlay_start_2:
0x26f: {  	(tag) =	ssettag $0x2  }
0x270: {  	s0 =	rddreg [dreg:$0x0];
	s2 =	stileid.u32  }
0x271: {  	s1 =	rddreg [dreg:$0x1];
	p0 =	sne.s32 s2, $0x0  }
0x272: {  	s3 =	rddreg [dreg:$0x2];
	[bflag:$0x3] =	sbarrier.arrive $0xFFFF;
	s2 =	simm.s32 @!p0 $0x1C05  }
0x273: {  	[timem:s3], [sflag:s2] =	dma.local @!p0 [hbm:s0], s1  }
0x274: {  	s0 =	simm.s32 @!p0 $0x5  }
0x275: {  	_ =	swait.ge @!p0 [sflag:s0], s1  }
0x276: {  	s1 =	ssub.s32 @!p0 $0x0, s1;
	[sflag:s0] =	ssyncset.done @!p0 $0x0  }
0x277: {  	[sflag:s0] =	ssyncadd.s32 @!p0 s1  }
0x278: {  	[bflag:$0x3] =	sbarrier.arrive $0xFFFF  }
0x279: {  	_ =	shalt  }

</sc_bundles>
